<compile_context>
chip_gen: v7x
topology: tpu7x:2x2x1
jax: 0.10.2.dev20260603
libtpu: 0.0.44.dev20260713+nightly
codegen_flags: <defaults>
</compile_context>

<pallas_src>
import functools

import jax
import jax.numpy as jnp
from jax import lax
from jax.experimental import pallas as pl
from jax.experimental.pallas import tpu as pltpu
from jax.experimental.pallas import tpu_sc as plsc

B, L, F, N = 16, 4096, 128, 512
TC_B = 8
SC_B = B - TC_B
NC, NS = 2, 16
BPC = SC_B // NC
ROWS_PER_TILE = BPC * L // NS
CHUNK = 128
NCHUNK = ROWS_PER_TILE // CHUNK
ACC_ROWS = BPC * N
SHARE = ACC_ROWS // NS
NBUF = 5
LOOKAHEAD = 3

_mesh = plsc.VectorSubcoreMesh(core_axis_name="c", subcore_axis_name="s")


@functools.partial(
    pl.kernel,
    out_type=jax.ShapeDtypeStruct((B * N, F), jnp.float32),
    mesh=_mesh,
    scratch_types=[
        pltpu.VMEM((NCHUNK, 1, CHUNK), jnp.int32),
        [pltpu.VMEM((CHUNK, F), jnp.float32) for _ in range(NBUF)],
        pltpu.VMEM((32, F), jnp.float32),
        pltpu.VMEM_SHARED((ACC_ROWS, F), jnp.float32),
        [pltpu.SemaphoreType.DMA for _ in range(NBUF)],
        [pltpu.SemaphoreType.DMA for _ in range(NBUF)],
        pltpu.SemaphoreType.DMA,
        pltpu.SemaphoreType.DMA,
    ],
)
def _segsum_sc(data_hbm, seg_hbm, out_hbm,
               idx_v, bufs, zbuf, acc_sh, gsems, ssems, isem, segsem):
    cid = lax.axis_index("c")
    sid = lax.axis_index("s")

    tile_row0 = cid * BPC * L + sid * ROWS_PER_TILE

    zero = jnp.zeros((16,), jnp.float32)
    for r in range(32):
        for j in range(F // 16):
            zbuf[r, pl.ds(j * 16, 16)] = zero
    init = [
        pltpu.async_copy(
            zbuf, acc_sh.at[pl.ds(sid * SHARE + k * 32, 32)], isem
        )
        for k in range(SHARE // 32)
    ]

    def gather(i, b):
        return pltpu.async_copy(
            data_hbm.at[pl.ds(tile_row0 + i * CHUNK, CHUNK)], bufs[b], gsems[b]
        )

    gd = [None] * NBUF
    sd = [None] * NBUF
    for i in range(LOOKAHEAD):
        gd[i] = gather(i, i)

    segd = []
    for i in range(NCHUNK):
        r = tile_row0 + i * CHUNK
        bb = r // L
        segd.append(pltpu.async_copy(
            seg_hbm.at[bb, pl.ds(r - bb * L, CHUNK)], idx_v.at[i, 0], segsem
        ))
    for d in segd:
        d.wait()
    for i in range(NCHUNK):
        r = tile_row0 + i * CHUNK
        seg_off = (r // L - cid * BPC) * N
        for j in range(CHUNK // 16):
            sl = pl.ds(j * 16, 16)
            idx_v[i, 0, sl] = idx_v[i, 0, sl] + seg_off

    for d in init:
        d.wait()
    plsc.subcore_barrier()

    for i in range(NCHUNK):
        bc = i % NBUF
        nxt = i + LOOKAHEAD
        if nxt < NCHUNK:
            bn = nxt % NBUF
            if sd[bn] is not None:
                sd[bn].wait()
                sd[bn] = None
            gd[bn] = gather(nxt, bn)
        gd[bc].wait()
        sd[bc] = pltpu.async_copy(
            bufs[bc], acc_sh.at[idx_v.at[i, 0]], ssems[bc], add=True
        )

    for b in range(NBUF):
        if sd[b] is not None:
            sd[b].wait()

    plsc.subcore_barrier()
    pltpu.sync_copy(
        acc_sh.at[pl.ds(sid * SHARE, SHARE)],
        out_hbm.at[pl.ds(cid * ACC_ROWS + sid * SHARE, SHARE)],
    )


@functools.partial(
    pl.pallas_call,
    grid=(TC_B,),
    in_specs=[
        pl.BlockSpec((1, L, F), lambda b: (b + SC_B, 0, 0)),
        pl.BlockSpec((8, L), lambda b: (1, 0)),
    ],
    out_specs=pl.BlockSpec((1, N, F), lambda b: (b, 0, 0)),
    out_shape=jax.ShapeDtypeStruct((TC_B, N, F), jnp.float32),
)
def _segsum_tc(data_ref, seg_ref, out_ref):
    b = pl.program_id(0)
    seg = seg_ref[b + SC_B - 8, :]
    oht = (lax.broadcasted_iota(jnp.int32, (N, L), 0) == seg[None, :])
    out_ref[0] = lax.dot_general(
        oht.astype(jnp.bfloat16),
        data_ref[0].astype(jnp.bfloat16),
        (((1,), (0,)), ((), ())),
        preferred_element_type=jnp.float32,
    )


def kernel(data, segment_ids, target):
    flat_data = data.reshape(B * L, F)
    sc_out = _segsum_sc(flat_data, segment_ids)
    tc_out = _segsum_tc(data, segment_ids)
    full = sc_out.reshape(B, N, F)
    return lax.dynamic_update_slice(full, tc_out, (SC_B, 0, 0))

# --- scband reference (transcript-rebuilt; emitter-appended) ---
"""Pipeline reference for scband-reduce-9783935500521 (READ-ONLY COPY).

The authoritative reference and input builder live on the scoring server;
editing this copy changes nothing except your own understanding.
"""

import jax, jax.numpy as jnp
import numpy as np


def setup_inputs(seed: int = 0) -> dict:
    key = jax.random.key(seed)
    k1, k2 = jax.random.split(key)
    B, L, F, N = 16, 4096, 128, 512
    data = jax.random.normal(k1, (B, L, F), dtype=jnp.float32)
    segment_ids = jax.random.randint(k2, (B, L), 0, N, dtype=jnp.int32)
    target = jnp.zeros((B, N, F), dtype=jnp.float32)
    return {"data": data, "segment_ids": segment_ids, "target": target}


def reference(data, segment_ids, target):
    # Keras Reduce.call with mask=None: batched_segment_op with reduction='sum'
    B, L, F = data.shape
    num_segments = target.shape[1]
    # data_mask is all-ones (no masking), so boolean_mask == flatten
    offsets = jnp.arange(B, dtype=segment_ids.dtype) * num_segments
    ids_offset = segment_ids + offsets[:, None]          # [B, L]
    flat_data = data.reshape(B * L, F)                   # boolean_mask with all-True
    flat_ids = ids_offset.reshape(B * L)
    reduced = jax.ops.segment_sum(flat_data, flat_ids, num_segments=B * num_segments)
    return reduced.reshape(B, num_segments, F)

if __name__ == "__main__":
    import jax
    _d = setup_inputs()
    print(jax.jit(kernel)(*tuple(_d.values())))

</pallas_src>

<mosaic_0001>
#map = affine_map<(d0, d1) -> (0, 0)>
module attributes {stable_mosaic.version = 14 : i64} {
  func.func @_segsum_sc(%arg0: i32, %arg1: i32, %arg2: memref<65536x128xf32, #tpu.memory_space<hbm>>, %arg3: memref<16x4096xi32, #tpu.memory_space<hbm>>, %arg4: memref<8192x128xf32, #tpu.memory_space<hbm>>, %arg5: memref<8x1x128xi32, #tpu.memory_space<vmem>>, %arg6: memref<128x128xf32, #tpu.memory_space<vmem>>, %arg7: memref<128x128xf32, #tpu.memory_space<vmem>>, %arg8: memref<128x128xf32, #tpu.memory_space<vmem>>, %arg9: memref<128x128xf32, #tpu.memory_space<vmem>>, %arg10: memref<128x128xf32, #tpu.memory_space<vmem>>, %arg11: memref<32x128xf32, #tpu.memory_space<vmem>>, %arg12: memref<2048x128xf32, #tpu.memory_space<vmem_shared>>, %arg13: memref<!tpu.dma_semaphore, #tpu.memory_space<semaphore_mem>>, %arg14: memref<!tpu.dma_semaphore, #tpu.memory_space<semaphore_mem>>, %arg15: memref<!tpu.dma_semaphore, #tpu.memory_space<semaphore_mem>>, %arg16: memref<!tpu.dma_semaphore, #tpu.memory_space<semaphore_mem>>, %arg17: memref<!tpu.dma_semaphore, #tpu.memory_space<semaphore_mem>>, %arg18: memref<!tpu.dma_semaphore, #tpu.memory_space<semaphore_mem>>, %arg19: memref<!tpu.dma_semaphore, #tpu.memory_space<semaphore_mem>>, %arg20: memref<!tpu.dma_semaphore, #tpu.memory_space<semaphore_mem>>, %arg21: memref<!tpu.dma_semaphore, #tpu.memory_space<semaphore_mem>>, %arg22: memref<!tpu.dma_semaphore, #tpu.memory_space<semaphore_mem>>, %arg23: memref<!tpu.dma_semaphore, #tpu.memory_space<semaphore_mem>>, %arg24: memref<!tpu.dma_semaphore, #tpu.memory_space<semaphore_mem>>) attributes {dimension_semantics = [#tpu.dimension_semantics<core_parallel>, #tpu.dimension_semantics<subcore_parallel>], iteration_bounds = array<i64: 2, 16>, scalar_prefetch = 0 : i64, scratch_operands = 20 : i64, tpu.core_type = #tpu.core_type<sc_vector_subcore>, window_params = [{transform_indices = #map}, {transform_indices = #map}, {transform_indices = #map}]} {
    %mul3A = arith.constant 4 : i32
    %mul3A_0 = arith.muli %arg0, %mul3A : i32
    %mul3A_1 = arith.constant 4096 : i32
    %mul3A_2 = arith.muli %mul3A_0, %mul3A_1 : i32
    %mul3A_3 = arith.constant 1024 : i32
    %mul3A_4 = arith.muli %arg1, %mul3A_3 : i32
    %add3A = arith.addi %mul3A_2, %mul3A_4 : i32
    %broadcast_in_dim3A = arith.constant 0.000000e+00 : f32
    %broadcast_in_dim3A_5 = vector.broadcast %broadcast_in_dim3A : f32 to vector<16xf32>
    %swap3A = arith.constant 0 : i32
    %swap3A_6 = arith.index_cast %swap3A : i32 to index
    %swap3A_7 = arith.constant 0 : index
    %swap3A_8 = tpu.vector_load %arg11[%swap3A_6, %swap3A_7] {strides = array<i32>} : memref<32x128xf32, #tpu.memory_space<vmem>>, vector<1x16xf32>,
    %swap3A_9 = vector.shape_cast %swap3A_8 : vector<1x16xf32> to vector<16xf32>
    %swap3A_10 = vector.shape_cast %broadcast_in_dim3A_5 : vector<16xf32> to vector<1x16xf32>
    tpu.vector_store %arg11[%swap3A_6, %swap3A_7], %swap3A_10 {strides = array<i32>} : memref<32x128xf32, #tpu.memory_space<vmem>>, vector<1x16xf32>,
    %swap3A_11 = arith.constant 0 : i32
    %swap3A_12 = arith.index_cast %swap3A_11 : i32 to index
    %swap3A_13 = arith.constant 16 : index
    %swap3A_14 = tpu.vector_load %arg11[%swap3A_12, %swap3A_13] {strides = array<i32>} : memref<32x128xf32, #tpu.memory_space<vmem>>, vector<1x16xf32>,
    %swap3A_15 = vector.shape_cast %swap3A_14 : vector<1x16xf32> to vector<16xf32>
    %swap3A_16 = vector.shape_cast %broadcast_in_dim3A_5 : vector<16xf32> to vector<1x16xf32>
    tpu.vector_store %arg11[%swap3A_12, %swap3A_13], %swap3A_16 {strides = array<i32>} : memref<32x128xf32, #tpu.memory_space<vmem>>, vector<1x16xf32>,
    %swap3A_17 = arith.constant 0 : i32
    %swap3A_18 = arith.index_cast %swap3A_17 : i32 to index
    %swap3A_19 = arith.constant 32 : index
    %swap3A_20 = tpu.vector_load %arg11[%swap3A_18, %swap3A_19] {strides = array<i32>} : memref<32x128xf32, #tpu.memory_space<vmem>>, vector<1x16xf32>,
    %swap3A_21 = vector.shape_cast %swap3A_20 : vector<1x16xf32> to vector<16xf32>
    %swap3A_22 = vector.shape_cast %broadcast_in_dim3A_5 : vector<16xf32> to vector<1x16xf32>
    tpu.vector_store %arg11[%swap3A_18, %swap3A_19], %swap3A_22 {strides = array<i32>} : memref<32x128xf32, #tpu.memory_space<vmem>>, vector<1x16xf32>,
    %swap3A_23 = arith.constant 0 : i32
    %swap3A_24 = arith.index_cast %swap3A_23 : i32 to index
    %swap3A_25 = arith.constant 48 : index
    %swap3A_26 = tpu.vector_load %arg11[%swap3A_24, %swap3A_25] {strides = array<i32>} : memref<32x128xf32, #tpu.memory_space<vmem>>, vector<1x16xf32>,
    %swap3A_27 = vector.shape_cast %swap3A_26 : vector<1x16xf32> to vector<16xf32>
    %swap3A_28 = vector.shape_cast %broadcast_in_dim3A_5 : vector<16xf32> to vector<1x16xf32>
    tpu.vector_store %arg11[%swap3A_24, %swap3A_25], %swap3A_28 {strides = array<i32>} : memref<32x128xf32, #tpu.memory_space<vmem>>, vector<1x16xf32>,
    %swap3A_29 = arith.constant 0 : i32
    %swap3A_30 = arith.index_cast %swap3A_29 : i32 to index
    %swap3A_31 = arith.constant 64 : index
    %swap3A_32 = tpu.vector_load %arg11[%swap3A_30, %swap3A_31] {strides = array<i32>} : memref<32x128xf32, #tpu.memory_space<vmem>>, vector<1x16xf32>,
    %swap3A_33 = vector.shape_cast %swap3A_32 : vector<1x16xf32> to vector<16xf32>
    %swap3A_34 = vector.shape_cast %broadcast_in_dim3A_5 : vector<16xf32> to vector<1x16xf32>
    tpu.vector_store %arg11[%swap3A_30, %swap3A_31], %swap3A_34 {strides = array<i32>} : memref<32x128xf32, #tpu.memory_space<vmem>>, vector<1x16xf32>,
    %swap3A_35 = arith.constant 0 : i32
    %swap3A_36 = arith.index_cast %swap3A_35 : i32 to index
    %swap3A_37 = arith.constant 80 : index
    %swap3A_38 = tpu.vector_load %arg11[%swap3A_36, %swap3A_37] {strides = array<i32>} : memref<32x128xf32, #tpu.memory_space<vmem>>, vector<1x16xf32>,
    %swap3A_39 = vector.shape_cast %swap3A_38 : vector<1x16xf32> to vector<16xf32>
    %swap3A_40 = vector.shape_cast %broadcast_in_dim3A_5 : vector<16xf32> to vector<1x16xf32>
    tpu.vector_store %arg11[%swap3A_36, %swap3A_37], %swap3A_40 {strides = array<i32>} : memref<32x128xf32, #tpu.memory_space<vmem>>, vector<1x16xf32>,
    %swap3A_41 = arith.constant 0 : i32
    %swap3A_42 = arith.index_cast %swap3A_41 : i32 to index
    %swap3A_43 = arith.constant 96 : index
    %swap3A_44 = tpu.vector_load %arg11[%swap3A_42, %swap3A_43] {strides = array<i32>} : memref<32x128xf32, #tpu.memory_space<vmem>>, vector<1x16xf32>,
    %swap3A_45 = vector.shape_cast %swap3A_44 : vector<1x16xf32> to vector<16xf32>
    %swap3A_46 = vector.shape_cast %broadcast_in_dim3A_5 : vector<16xf32> to vector<1x16xf32>
    tpu.vector_store %arg11[%swap3A_42, %swap3A_43], %swap3A_46 {strides = array<i32>} : memref<32x128xf32, #tpu.memory_space<vmem>>, vector<1x16xf32>,
    %swap3A_47 = arith.constant 0 : i32
    %swap3A_48 = arith.index_cast %swap3A_47 : i32 to index
    %swap3A_49 = arith.constant 112 : index
    %swap3A_50 = tpu.vector_load %arg11[%swap3A_48, %swap3A_49] {strides = array<i32>} : memref<32x128xf32, #tpu.memory_space<vmem>>, vector<1x16xf32>,
    %swap3A_51 = vector.shape_cast %swap3A_50 : vector<1x16xf32> to vector<16xf32>
    %swap3A_52 = vector.shape_cast %broadcast_in_dim3A_5 : vector<16xf32> to vector<1x16xf32>
    tpu.vector_store %arg11[%swap3A_48, %swap3A_49], %swap3A_52 {strides = array<i32>} : memref<32x128xf32, #tpu.memory_space<vmem>>, vector<1x16xf32>,
    %swap3A_53 = arith.constant 1 : i32
    %swap3A_54 = arith.index_cast %swap3A_53 : i32 to index
    %swap3A_55 = arith.constant 0 : index
    %swap3A_56 = tpu.vector_load %arg11[%swap3A_54, %swap3A_55] {strides = array<i32>} : memref<32x128xf32, #tpu.memory_space<vmem>>, vector<1x16xf32>,
    %swap3A_57 = vector.shape_cast %swap3A_56 : vector<1x16xf32> to vector<16xf32>
    %swap3A_58 = vector.shape_cast %broadcast_in_dim3A_5 : vector<16xf32> to vector<1x16xf32>
    tpu.vector_store %arg11[%swap3A_54, %swap3A_55], %swap3A_58 {strides = array<i32>} : memref<32x128xf32, #tpu.memory_space<vmem>>, vector<1x16xf32>,
    %swap3A_59 = arith.constant 1 : i32
    %swap3A_60 = arith.index_cast %swap3A_59 : i32 to index
    %swap3A_61 = arith.constant 16 : index
    %swap3A_62 = tpu.vector_load %arg11[%swap3A_60, %swap3A_61] {strides = array<i32>} : memref<32x128xf32, #tpu.memory_space<vmem>>, vector<1x16xf32>,
    %swap3A_63 = vector.shape_cast %swap3A_62 : vector<1x16xf32> to vector<16xf32>
    %swap3A_64 = vector.shape_cast %broadcast_in_dim3A_5 : vector<16xf32> to vector<1x16xf32>
    tpu.vector_store %arg11[%swap3A_60, %swap3A_61], %swap3A_64 {strides = array<i32>} : memref<32x128xf32, #tpu.memory_space<vmem>>, vector<1x16xf32>,
    %swap3A_65 = arith.constant 1 : i32
    %swap3A_66 = arith.index_cast %swap3A_65 : i32 to index
    %swap3A_67 = arith.constant 32 : index
    %swap3A_68 = tpu.vector_load %arg11[%swap3A_66, %swap3A_67] {strides = array<i32>} : memref<32x128xf32, #tpu.memory_space<vmem>>, vector<1x16xf32>,
    %swap3A_69 = vector.shape_cast %swap3A_68 : vector<1x16xf32> to vector<16xf32>
    %swap3A_70 = vector.shape_cast %broadcast_in_dim3A_5 : vector<16xf32> to vector<1x16xf32>
    tpu.vector_store %arg11[%swap3A_66, %swap3A_67], %swap3A_70 {strides = array<i32>} : memref<32x128xf32, #tpu.memory_space<vmem>>, vector<1x16xf32>,
    %swap3A_71 = arith.constant 1 : i32
    %swap3A_72 = arith.index_cast %swap3A_71 : i32 to index
    %swap3A_73 = arith.constant 48 : index
    %swap3A_74 = tpu.vector_load %arg11[%swap3A_72, %swap3A_73] {strides = array<i32>} : memref<32x128xf32, #tpu.memory_space<vmem>>, vector<1x16xf32>,
    %swap3A_75 = vector.shape_cast %swap3A_74 : vector<1x16xf32> to vector<16xf32>
    %swap3A_76 = vector.shape_cast %broadcast_in_dim3A_5 : vector<16xf32> to vector<1x16xf32>
    tpu.vector_store %arg11[%swap3A_72, %swap3A_73], %swap3A_76 {strides = array<i32>} : memref<32x128xf32, #tpu.memory_space<vmem>>, vector<1x16xf32>,
    %swap3A_77 = arith.constant 1 : i32
    %swap3A_78 = arith.index_cast %swap3A_77 : i32 to index
    %swap3A_79 = arith.constant 64 : index
    %swap3A_80 = tpu.vector_load %arg11[%swap3A_78, %swap3A_79] {strides = array<i32>} : memref<32x128xf32, #tpu.memory_space<vmem>>, vector<1x16xf32>,
    %swap3A_81 = vector.shape_cast %swap3A_80 : vector<1x16xf32> to vector<16xf32>
    %swap3A_82 = vector.shape_cast %broadcast_in_dim3A_5 : vector<16xf32> to vector<1x16xf32>
    tpu.vector_store %arg11[%swap3A_78, %swap3A_79], %swap3A_82 {strides = array<i32>} : memref<32x128xf32, #tpu.memory_space<vmem>>, vector<1x16xf32>,
    %swap3A_83 = arith.constant 1 : i32
    %swap3A_84 = arith.index_cast %swap3A_83 : i32 to index
    %swap3A_85 = arith.constant 80 : index
    %swap3A_86 = tpu.vector_load %arg11[%swap3A_84, %swap3A_85] {strides = array<i32>} : memref<32x128xf32, #tpu.memory_space<vmem>>, vector<1x16xf32>,
    %swap3A_87 = vector.shape_cast %swap3A_86 : vector<1x16xf32> to vector<16xf32>
    %swap3A_88 = vector.shape_cast %broadcast_in_dim3A_5 : vector<16xf32> to vector<1x16xf32>
    tpu.vector_store %arg11[%swap3A_84, %swap3A_85], %swap3A_88 {strides = array<i32>} : memref<32x128xf32, #tpu.memory_space<vmem>>, vector<1x16xf32>,
    %swap3A_89 = arith.constant 1 : i32
    %swap3A_90 = arith.index_cast %swap3A_89 : i32 to index
    %swap3A_91 = arith.constant 96 : index
    %swap3A_92 = tpu.vector_load %arg11[%swap3A_90, %swap3A_91] {strides = array<i32>} : memref<32x128xf32, #tpu.memory_space<vmem>>, vector<1x16xf32>,
    %swap3A_93 = vector.shape_cast %swap3A_92 : vector<1x16xf32> to vector<16xf32>
    %swap3A_94 = vector.shape_cast %broadcast_in_dim3A_5 : vector<16xf32> to vector<1x16xf32>
    tpu.vector_store %arg11[%swap3A_90, %swap3A_91], %swap3A_94 {strides = array<i32>} : memref<32x128xf32, #tpu.memory_space<vmem>>, vector<1x16xf32>,
    %swap3A_95 = arith.constant 1 : i32
    %swap3A_96 = arith.index_cast %swap3A_95 : i32 to index
    %swap3A_97 = arith.constant 112 : index
    %swap3A_98 = tpu.vector_load %arg11[%swap3A_96, %swap3A_97] {strides = array<i32>} : memref<32x128xf32, #tpu.memory_space<vmem>>, vector<1x16xf32>,
    %swap3A_99 = vector.shape_cast %swap3A_98 : vector<1x16xf32> to vector<16xf32>
    %swap3A_100 = vector.shape_cast %broadcast_in_dim3A_5 : vector<16xf32> to vector<1x16xf32>
    tpu.vector_store %arg11[%swap3A_96, %swap3A_97], %swap3A_100 {strides = array<i32>} : memref<32x128xf32, #tpu.memory_space<vmem>>, vector<1x16xf32>,
    %swap3A_101 = arith.constant 2 : i32
    %swap3A_102 = arith.index_cast %swap3A_101 : i32 to index
    %swap3A_103 = arith.constant 0 : index
    %swap3A_104 = tpu.vector_load %arg11[%swap3A_102, %swap3A_103] {strides = array<i32>} : memref<32x128xf32, #tpu.memory_space<vmem>>, vector<1x16xf32>,
    %swap3A_105 = vector.shape_cast %swap3A_104 : vector<1x16xf32> to vector<16xf32>
    %swap3A_106 = vector.shape_cast %broadcast_in_dim3A_5 : vector<16xf32> to vector<1x16xf32>
    tpu.vector_store %arg11[%swap3A_102, %swap3A_103], %swap3A_106 {strides = array<i32>} : memref<32x128xf32, #tpu.memory_space<vmem>>, vector<1x16xf32>,
    %swap3A_107 = arith.constant 2 : i32
    %swap3A_108 = arith.index_cast %swap3A_107 : i32 to index
    %swap3A_109 = arith.constant 16 : index
    %swap3A_110 = tpu.vector_load %arg11[%swap3A_108, %swap3A_109] {strides = array<i32>} : memref<32x128xf32, #tpu.memory_space<vmem>>, vector<1x16xf32>,
    %swap3A_111 = vector.shape_cast %swap3A_110 : vector<1x16xf32> to vector<16xf32>
    %swap3A_112 = vector.shape_cast %broadcast_in_dim3A_5 : vector<16xf32> to vector<1x16xf32>
    tpu.vector_store %arg11[%swap3A_108, %swap3A_109], %swap3A_112 {strides = array<i32>} : memref<32x128xf32, #tpu.memory_space<vmem>>, vector<1x16xf32>,
    %swap3A_113 = arith.constant 2 : i32
    %swap3A_114 = arith.index_cast %swap3A_113 : i32 to index
    %swap3A_115 = arith.constant 32 : index
    %swap3A_116 = tpu.vector_load %arg11[%swap3A_114, %swap3A_115] {strides = array<i32>} : memref<32x128xf32, #tpu.memory_space<vmem>>, vector<1x16xf32>,
    %swap3A_117 = vector.shape_cast %swap3A_116 : vector<1x16xf32> to vector<16xf32>
    %swap3A_118 = vector.shape_cast %broadcast_in_dim3A_5 : vector<16xf32> to vector<1x16xf32>
    tpu.vector_store %arg11[%swap3A_114, %swap3A_115], %swap3A_118 {strides = array<i32>} : memref<32x128xf32, #tpu.memory_space<vmem>>, vector<1x16xf32>,
    %swap3A_119 = arith.constant 2 : i32
    %swap3A_120 = arith.index_cast %swap3A_119 : i32 to index
    %swap3A_121 = arith.constant 48 : index
    %swap3A_122 = tpu.vector_load %arg11[%swap3A_120, %swap3A_121] {strides = array<i32>} : memref<32x128xf32, #tpu.memory_space<vmem>>, vector<1x16xf32>,
    %swap3A_123 = vector.shape_cast %swap3A_122 : vector<1x16xf32> to vector<16xf32>
    %swap3A_124 = vector.shape_cast %broadcast_in_dim3A_5 : vector<16xf32> to vector<1x16xf32>
    tpu.vector_store %arg11[%swap3A_120, %swap3A_121], %swap3A_124 {strides = array<i32>} : memref<32x128xf32, #tpu.memory_space<vmem>>, vector<1x16xf32>,
    %swap3A_125 = arith.constant 2 : i32
    %swap3A_126 = arith.index_cast %swap3A_125 : i32 to index
    %swap3A_127 = arith.constant 64 : index
    %swap3A_128 = tpu.vector_load %arg11[%swap3A_126, %swap3A_127] {strides = array<i32>} : memref<32x128xf32, #tpu.memory_space<vmem>>, vector<1x16xf32>,
    %swap3A_129 = vector.shape_cast %swap3A_128 : vector<1x16xf32> to vector<16xf32>
    %swap3A_130 = vector.shape_cast %broadcast_in_dim3A_5 : vector<16xf32> to vector<1x16xf32>
    tpu.vector_store %arg11[%swap3A_126, %swap3A_127], %swap3A_130 {strides = array<i32>} : memref<32x128xf32, #tpu.memory_space<vmem>>, vector<1x16xf32>,
    %swap3A_131 = arith.constant 2 : i32
    %swap3A_132 = arith.index_cast %swap3A_131 : i32 to index
    %swap3A_133 = arith.constant 80 : index
    %swap3A_134 = tpu.vector_load %arg11[%swap3A_132, %swap3A_133] {strides = array<i32>} : memref<32x128xf32, #tpu.memory_space<vmem>>, vector<1x16xf32>,
    %swap3A_135 = vector.shape_cast %swap3A_134 : vector<1x16xf32> to vector<16xf32>
    %swap3A_136 = vector.shape_cast %broadcast_in_dim3A_5 : vector<16xf32> to vector<1x16xf32>
    tpu.vector_store %arg11[%swap3A_132, %swap3A_133], %swap3A_136 {strides = array<i32>} : memref<32x128xf32, #tpu.memory_space<vmem>>, vector<1x16xf32>,
    %swap3A_137 = arith.constant 2 : i32
    %swap3A_138 = arith.index_cast %swap3A_137 : i32 to index
    %swap3A_139 = arith.constant 96 : index
    %swap3A_140 = tpu.vector_load %arg11[%swap3A_138, %swap3A_139] {strides = array<i32>} : memref<32x128xf32, #tpu.memory_space<vmem>>, vector<1x16xf32>,
    %swap3A_141 = vector.shape_cast %swap3A_140 : vector<1x16xf32> to vector<16xf32>
    %swap3A_142 = vector.shape_cast %broadcast_in_dim3A_5 : vector<16xf32> to vector<1x16xf32>
    tpu.vector_store %arg11[%swap3A_138, %swap3A_139], %swap3A_142 {strides = array<i32>} : memref<32x128xf32, #tpu.memory_space<vmem>>, vector<1x16xf32>,
    %swap3A_143 = arith.constant 2 : i32
    %swap3A_144 = arith.index_cast %swap3A_143 : i32 to index
    %swap3A_145 = arith.constant 112 : index
    %swap3A_146 = tpu.vector_load %arg11[%swap3A_144, %swap3A_145] {strides = array<i32>} : memref<32x128xf32, #tpu.memory_space<vmem>>, vector<1x16xf32>,
    %swap3A_147 = vector.shape_cast %swap3A_146 : vector<1x16xf32> to vector<16xf32>
    %swap3A_148 = vector.shape_cast %broadcast_in_dim3A_5 : vector<16xf32> to vector<1x16xf32>
    tpu.vector_store %arg11[%swap3A_144, %swap3A_145], %swap3A_148 {strides = array<i32>} : memref<32x128xf32, #tpu.memory_space<vmem>>, vector<1x16xf32>,
    %swap3A_149 = arith.constant 3 : i32
    %swap3A_150 = arith.index_cast %swap3A_149 : i32 to index
    %swap3A_151 = arith.constant 0 : index
    %swap3A_152 = tpu.vector_load %arg11[%swap3A_150, %swap3A_151] {strides = array<i32>} : memref<32x128xf32, #tpu.memory_space<vmem>>, vector<1x16xf32>,
    %swap3A_153 = vector.shape_cast %swap3A_152 : vector<1x16xf32> to vector<16xf32>
    %swap3A_154 = vector.shape_cast %broadcast_in_dim3A_5 : vector<16xf32> to vector<1x16xf32>
    tpu.vector_store %arg11[%swap3A_150, %swap3A_151], %swap3A_154 {strides = array<i32>} : memref<32x128xf32, #tpu.memory_space<vmem>>, vector<1x16xf32>,
    %swap3A_155 = arith.constant 3 : i32
    %swap3A_156 = arith.index_cast %swap3A_155 : i32 to index
    %swap3A_157 = arith.constant 16 : index
    %swap3A_158 = tpu.vector_load %arg11[%swap3A_156, %swap3A_157] {strides = array<i32>} : memref<32x128xf32, #tpu.memory_space<vmem>>, vector<1x16xf32>,
    %swap3A_159 = vector.shape_cast %swap3A_158 : vector<1x16xf32> to vector<16xf32>
    %swap3A_160 = vector.shape_cast %broadcast_in_dim3A_5 : vector<16xf32> to vector<1x16xf32>
    tpu.vector_store %arg11[%swap3A_156, %swap3A_157], %swap3A_160 {strides = array<i32>} : memref<32x128xf32, #tpu.memory_space<vmem>>, vector<1x16xf32>,
    %swap3A_161 = arith.constant 3 : i32
    %swap3A_162 = arith.index_cast %swap3A_161 : i32 to index
    %swap3A_163 = arith.constant 32 : index
    %swap3A_164 = tpu.vector_load %arg11[%swap3A_162, %swap3A_163] {strides = array<i32>} : memref<32x128xf32, #tpu.memory_space<vmem>>, vector<1x16xf32>,
    %swap3A_165 = vector.shape_cast %swap3A_164 : vector<1x16xf32> to vector<16xf32>
    %swap3A_166 = vector.shape_cast %broadcast_in_dim3A_5 : vector<16xf32> to vector<1x16xf32>
    tpu.vector_store %arg11[%swap3A_162, %swap3A_163], %swap3A_166 {strides = array<i32>} : memref<32x128xf32, #tpu.memory_space<vmem>>, vector<1x16xf32>,
    %swap3A_167 = arith.constant 3 : i32
    %swap3A_168 = arith.index_cast %swap3A_167 : i32 to index
    %swap3A_169 = arith.constant 48 : index
    %swap3A_170 = tpu.vector_load %arg11[%swap3A_168, %swap3A_169] {strides = array<i32>} : memref<32x128xf32, #tpu.memory_space<vmem>>, vector<1x16xf32>,
    %swap3A_171 = vector.shape_cast %swap3A_170 : vector<1x16xf32> to vector<16xf32>
    %swap3A_172 = vector.shape_cast %broadcast_in_dim3A_5 : vector<16xf32> to vector<1x16xf32>
    tpu.vector_store %arg11[%swap3A_168, %swap3A_169], %swap3A_172 {strides = array<i32>} : memref<32x128xf32, #tpu.memory_space<vmem>>, vector<1x16xf32>,
    %swap3A_173 = arith.constant 3 : i32
    %swap3A_174 = arith.index_cast %swap3A_173 : i32 to index
    %swap3A_175 = arith.constant 64 : index
    %swap3A_176 = tpu.vector_load %arg11[%swap3A_174, %swap3A_175] {strides = array<i32>} : memref<32x128xf32, #tpu.memory_space<vmem>>, vector<1x16xf32>,
    %swap3A_177 = vector.shape_cast %swap3A_176 : vector<1x16xf32> to vector<16xf32>
    %swap3A_178 = vector.shape_cast %broadcast_in_dim3A_5 : vector<16xf32> to vector<1x16xf32>
    tpu.vector_store %arg11[%swap3A_174, %swap3A_175], %swap3A_178 {strides = array<i32>} : memref<32x128xf32, #tpu.memory_space<vmem>>, vector<1x16xf32>,
    %swap3A_179 = arith.constant 3 : i32
    %swap3A_180 = arith.index_cast %swap3A_179 : i32 to index
    %swap3A_181 = arith.constant 80 : index
    %swap3A_182 = tpu.vector_load %arg11[%swap3A_180, %swap3A_181] {strides = array<i32>} : memref<32x128xf32, #tpu.memory_space<vmem>>, vector<1x16xf32>,
    %swap3A_183 = vector.shape_cast %swap3A_182 : vector<1x16xf32> to vector<16xf32>
    %swap3A_184 = vector.shape_cast %broadcast_in_dim3A_5 : vector<16xf32> to vector<1x16xf32>
    tpu.vector_store %arg11[%swap3A_180, %swap3A_181], %swap3A_184 {strides = array<i32>} : memref<32x128xf32, #tpu.memory_space<vmem>>, vector<1x16xf32>,
    %swap3A_185 = arith.constant 3 : i32
    %swap3A_186 = arith.index_cast %swap3A_185 : i32 to index
    %swap3A_187 = arith.constant 96 : index
    %swap3A_188 = tpu.vector_load %arg11[%swap3A_186, %swap3A_187] {strides = array<i32>} : memref<32x128xf32, #tpu.memory_space<vmem>>, vector<1x16xf32>,
    %swap3A_189 = vector.shape_cast %swap3A_188 : vector<1x16xf32> to vector<16xf32>
    %swap3A_190 = vector.shape_cast %broadcast_in_dim3A_5 : vector<16xf32> to vector<1x16xf32>
    tpu.vector_store %arg11[%swap3A_186, %swap3A_187], %swap3A_190 {strides = array<i32>} : memref<32x128xf32, #tpu.memory_space<vmem>>, vector<1x16xf32>,
    %swap3A_191 = arith.constant 3 : i32
    %swap3A_192 = arith.index_cast %swap3A_191 : i32 to index
    %swap3A_193 = arith.constant 112 : index
    %swap3A_194 = tpu.vector_load %arg11[%swap3A_192, %swap3A_193] {strides = array<i32>} : memref<32x128xf32, #tpu.memory_space<vmem>>, vector<1x16xf32>,
    %swap3A_195 = vector.shape_cast %swap3A_194 : vector<1x16xf32> to vector<16xf32>
    %swap3A_196 = vector.shape_cast %broadcast_in_dim3A_5 : vector<16xf32> to vector<1x16xf32>
    tpu.vector_store %arg11[%swap3A_192, %swap3A_193], %swap3A_196 {strides = array<i32>} : memref<32x128xf32, #tpu.memory_space<vmem>>, vector<1x16xf32>,
    %swap3A_197 = arith.constant 4 : i32
    %swap3A_198 = arith.index_cast %swap3A_197 : i32 to index
    %swap3A_199 = arith.constant 0 : index
    %swap3A_200 = tpu.vector_load %arg11[%swap3A_198, %swap3A_199] {strides = array<i32>} : memref<32x128xf32, #tpu.memory_space<vmem>>, vector<1x16xf32>,
    %swap3A_201 = vector.shape_cast %swap3A_200 : vector<1x16xf32> to vector<16xf32>
    %swap3A_202 = vector.shape_cast %broadcast_in_dim3A_5 : vector<16xf32> to vector<1x16xf32>
    tpu.vector_store %arg11[%swap3A_198, %swap3A_199], %swap3A_202 {strides = array<i32>} : memref<32x128xf32, #tpu.memory_space<vmem>>, vector<1x16xf32>,
    %swap3A_203 = arith.constant 4 : i32
    %swap3A_204 = arith.index_cast %swap3A_203 : i32 to index
    %swap3A_205 = arith.constant 16 : index
    %swap3A_206 = tpu.vector_load %arg11[%swap3A_204, %swap3A_205] {strides = array<i32>} : memref<32x128xf32, #tpu.memory_space<vmem>>, vector<1x16xf32>,
    %swap3A_207 = vector.shape_cast %swap3A_206 : vector<1x16xf32> to vector<16xf32>
    %swap3A_208 = vector.shape_cast %broadcast_in_dim3A_5 : vector<16xf32> to vector<1x16xf32>
    tpu.vector_store %arg11[%swap3A_204, %swap3A_205], %swap3A_208 {strides = array<i32>} : memref<32x128xf32, #tpu.memory_space<vmem>>, vector<1x16xf32>,
    %swap3A_209 = arith.constant 4 : i32
    %swap3A_210 = arith.index_cast %swap3A_209 : i32 to index
    %swap3A_211 = arith.constant 32 : index
    %swap3A_212 = tpu.vector_load %arg11[%swap3A_210, %swap3A_211] {strides = array<i32>} : memref<32x128xf32, #tpu.memory_space<vmem>>, vector<1x16xf32>,
    %swap3A_213 = vector.shape_cast %swap3A_212 : vector<1x16xf32> to vector<16xf32>
    %swap3A_214 = vector.shape_cast %broadcast_in_dim3A_5 : vector<16xf32> to vector<1x16xf32>
    tpu.vector_store %arg11[%swap3A_210, %swap3A_211], %swap3A_214 {strides = array<i32>} : memref<32x128xf32, #tpu.memory_space<vmem>>, vector<1x16xf32>,
    %swap3A_215 = arith.constant 4 : i32
    %swap3A_216 = arith.index_cast %swap3A_215 : i32 to index
    %swap3A_217 = arith.constant 48 : index
    %swap3A_218 = tpu.vector_load %arg11[%swap3A_216, %swap3A_217] {strides = array<i32>} : memref<32x128xf32, #tpu.memory_space<vmem>>, vector<1x16xf32>,
    %swap3A_219 = vector.shape_cast %swap3A_218 : vector<1x16xf32> to vector<16xf32>
    %swap3A_220 = vector.shape_cast %broadcast_in_dim3A_5 : vector<16xf32> to vector<1x16xf32>
    tpu.vector_store %arg11[%swap3A_216, %swap3A_217], %swap3A_220 {strides = array<i32>} : memref<32x128xf32, #tpu.memory_space<vmem>>, vector<1x16xf32>,
    %swap3A_221 = arith.constant 4 : i32
    %swap3A_222 = arith.index_cast %swap3A_221 : i32 to index
    %swap3A_223 = arith.constant 64 : index
    %swap3A_224 = tpu.vector_load %arg11[%swap3A_222, %swap3A_223] {strides = array<i32>} : memref<32x128xf32, #tpu.memory_space<vmem>>, vector<1x16xf32>,
    %swap3A_225 = vector.shape_cast %swap3A_224 : vector<1x16xf32> to vector<16xf32>
    %swap3A_226 = vector.shape_cast %broadcast_in_dim3A_5 : vector<16xf32> to vector<1x16xf32>
    tpu.vector_store %arg11[%swap3A_222, %swap3A_223], %swap3A_226 {strides = array<i32>} : memref<32x128xf32, #tpu.memory_space<vmem>>, vector<1x16xf32>,
    %swap3A_227 = arith.constant 4 : i32
    %swap3A_228 = arith.index_cast %swap3A_227 : i32 to index
    %swap3A_229 = arith.constant 80 : index
    %swap3A_230 = tpu.vector_load %arg11[%swap3A_228, %swap3A_229] {strides = array<i32>} : memref<32x128xf32, #tpu.memory_space<vmem>>, vector<1x16xf32>,
    %swap3A_231 = vector.shape_cast %swap3A_230 : vector<1x16xf32> to vector<16xf32>
    %swap3A_232 = vector.shape_cast %broadcast_in_dim3A_5 : vector<16xf32> to vector<1x16xf32>
    tpu.vector_store %arg11[%swap3A_228, %swap3A_229], %swap3A_232 {strides = array<i32>} : memref<32x128xf32, #tpu.memory_space<vmem>>, vector<1x16xf32>,
    %swap3A_233 = arith.constant 4 : i32
    %swap3A_234 = arith.index_cast %swap3A_233 : i32 to index
    %swap3A_235 = arith.constant 96 : index
    %swap3A_236 = tpu.vector_load %arg11[%swap3A_234, %swap3A_235] {strides = array<i32>} : memref<32x128xf32, #tpu.memory_space<vmem>>, vector<1x16xf32>,
    %swap3A_237 = vector.shape_cast %swap3A_236 : vector<1x16xf32> to vector<16xf32>
    %swap3A_238 = vector.shape_cast %broadcast_in_dim3A_5 : vector<16xf32> to vector<1x16xf32>
    tpu.vector_store %arg11[%swap3A_234, %swap3A_235], %swap3A_238 {strides = array<i32>} : memref<32x128xf32, #tpu.memory_space<vmem>>, vector<1x16xf32>,
    %swap3A_239 = arith.constant 4 : i32
    %swap3A_240 = arith.index_cast %swap3A_239 : i32 to index
    %swap3A_241 = arith.constant 112 : index
    %swap3A_242 = tpu.vector_load %arg11[%swap3A_240, %swap3A_241] {strides = array<i32>} : memref<32x128xf32, #tpu.memory_space<vmem>>, vector<1x16xf32>,
    %swap3A_243 = vector.shape_cast %swap3A_242 : vector<1x16xf32> to vector<16xf32>
    %swap3A_244 = vector.shape_cast %broadcast_in_dim3A_5 : vector<16xf32> to vector<1x16xf32>
    tpu.vector_store %arg11[%swap3A_240, %swap3A_241], %swap3A_244 {strides = array<i32>} : memref<32x128xf32, #tpu.memory_space<vmem>>, vector<1x16xf32>,
    %swap3A_245 = arith.constant 5 : i32
    %swap3A_246 = arith.index_cast %swap3A_245 : i32 to index
    %swap3A_247 = arith.constant 0 : index
    %swap3A_248 = tpu.vector_load %arg11[%swap3A_246, %swap3A_247] {strides = array<i32>} : memref<32x128xf32, #tpu.memory_space<vmem>>, vector<1x16xf32>,
    %swap3A_249 = vector.shape_cast %swap3A_248 : vector<1x16xf32> to vector<16xf32>
    %swap3A_250 = vector.shape_cast %broadcast_in_dim3A_5 : vector<16xf32> to vector<1x16xf32>
    tpu.vector_store %arg11[%swap3A_246, %swap3A_247], %swap3A_250 {strides = array<i32>} : memref<32x128xf32, #tpu.memory_space<vmem>>, vector<1x16xf32>,
    %swap3A_251 = arith.constant 5 : i32
    %swap3A_252 = arith.index_cast %swap3A_251 : i32 to index
    %swap3A_253 = arith.constant 16 : index
    %swap3A_254 = tpu.vector_load %arg11[%swap3A_252, %swap3A_253] {strides = array<i32>} : memref<32x128xf32, #tpu.memory_space<vmem>>, vector<1x16xf32>,
    %swap3A_255 = vector.shape_cast %swap3A_254 : vector<1x16xf32> to vector<16xf32>
    %swap3A_256 = vector.shape_cast %broadcast_in_dim3A_5 : vector<16xf32> to vector<1x16xf32>
    tpu.vector_store %arg11[%swap3A_252, %swap3A_253], %swap3A_256 {strides = array<i32>} : memref<32x128xf32, #tpu.memory_space<vmem>>, vector<1x16xf32>,
    %swap3A_257 = arith.constant 5 : i32
    %swap3A_258 = arith.index_cast %swap3A_257 : i32 to index
    %swap3A_259 = arith.constant 32 : index
    %swap3A_260 = tpu.vector_load %arg11[%swap3A_258, %swap3A_259] {strides = array<i32>} : memref<32x128xf32, #tpu.memory_space<vmem>>, vector<1x16xf32>,
    %swap3A_261 = vector.shape_cast %swap3A_260 : vector<1x16xf32> to vector<16xf32>
    %swap3A_262 = vector.shape_cast %broadcast_in_dim3A_5 : vector<16xf32> to vector<1x16xf32>
    tpu.vector_store %arg11[%swap3A_258, %swap3A_259], %swap3A_262 {strides = array<i32>} : memref<32x128xf32, #tpu.memory_space<vmem>>, vector<1x16xf32>,
    %swap3A_263 = arith.constant 5 : i32
    %swap3A_264 = arith.index_cast %swap3A_263 : i32 to index
    %swap3A_265 = arith.constant 48 : index
    %swap3A_266 = tpu.vector_load %arg11[%swap3A_264, %swap3A_265] {strides = array<i32>} : memref<32x128xf32, #tpu.memory_space<vmem>>, vector<1x16xf32>,
    %swap3A_267 = vector.shape_cast %swap3A_266 : vector<1x16xf32> to vector<16xf32>
    %swap3A_268 = vector.shape_cast %broadcast_in_dim3A_5 : vector<16xf32> to vector<1x16xf32>
    tpu.vector_store %arg11[%swap3A_264, %swap3A_265], %swap3A_268 {strides = array<i32>} : memref<32x128xf32, #tpu.memory_space<vmem>>, vector<1x16xf32>,
    %swap3A_269 = arith.constant 5 : i32
    %swap3A_270 = arith.index_cast %swap3A_269 : i32 to index
    %swap3A_271 = arith.constant 64 : index
    %swap3A_272 = tpu.vector_load %arg11[%swap3A_270, %swap3A_271] {strides = array<i32>} : memref<32x128xf32, #tpu.memory_space<vmem>>, vector<1x16xf32>,
    %swap3A_273 = vector.shape_cast %swap3A_272 : vector<1x16xf32> to vector<16xf32>
    %swap3A_274 = vector.shape_cast %broadcast_in_dim3A_5 : vector<16xf32> to vector<1x16xf32>
    tpu.vector_store %arg11[%swap3A_270, %swap3A_271], %swap3A_274 {strides = array<i32>} : memref<32x128xf32, #tpu.memory_space<vmem>>, vector<1x16xf32>,
    %swap3A_275 = arith.constant 5 : i32
    %swap3A_276 = arith.index_cast %swap3A_275 : i32 to index
    %swap3A_277 = arith.constant 80 : index
    %swap3A_278 = tpu.vector_load %arg11[%swap3A_276, %swap3A_277] {strides = array<i32>} : memref<32x128xf32, #tpu.memory_space<vmem>>, vector<1x16xf32>,
    %swap3A_279 = vector.shape_cast %swap3A_278 : vector<1x16xf32> to vector<16xf32>
    %swap3A_280 = vector.shape_cast %broadcast_in_dim3A_5 : vector<16xf32> to vector<1x16xf32>
    tpu.vector_store %arg11[%swap3A_276, %swap3A_277], %swap3A_280 {strides = array<i32>} : memref<32x128xf32, #tpu.memory_space<vmem>>, vector<1x16xf32>,
    %swap3A_281 = arith.constant 5 : i32
    %swap3A_282 = arith.index_cast %swap3A_281 : i32 to index
    %swap3A_283 = arith.constant 96 : index
    %swap3A_284 = tpu.vector_load %arg11[%swap3A_282, %swap3A_283] {strides = array<i32>} : memref<32x128xf32, #tpu.memory_space<vmem>>, vector<1x16xf32>,
    %swap3A_285 = vector.shape_cast %swap3A_284 : vector<1x16xf32> to vector<16xf32>
    %swap3A_286 = vector.shape_cast %broadcast_in_dim3A_5 : vector<16xf32> to vector<1x16xf32>
    tpu.vector_store %arg11[%swap3A_282, %swap3A_283], %swap3A_286 {strides = array<i32>} : memref<32x128xf32, #tpu.memory_space<vmem>>, vector<1x16xf32>,
    %swap3A_287 = arith.constant 5 : i32
    %swap3A_288 = arith.index_cast %swap3A_287 : i32 to index
    %swap3A_289 = arith.constant 112 : index
    %swap3A_290 = tpu.vector_load %arg11[%swap3A_288, %swap3A_289] {strides = array<i32>} : memref<32x128xf32, #tpu.memory_space<vmem>>, vector<1x16xf32>,
    %swap3A_291 = vector.shape_cast %swap3A_290 : vector<1x16xf32> to vector<16xf32>
    %swap3A_292 = vector.shape_cast %broadcast_in_dim3A_5 : vector<16xf32> to vector<1x16xf32>
    tpu.vector_store %arg11[%swap3A_288, %swap3A_289], %swap3A_292 {strides = array<i32>} : memref<32x128xf32, #tpu.memory_space<vmem>>, vector<1x16xf32>,
    %swap3A_293 = arith.constant 6 : i32
    %swap3A_294 = arith.index_cast %swap3A_293 : i32 to index
    %swap3A_295 = arith.constant 0 : index
    %swap3A_296 = tpu.vector_load %arg11[%swap3A_294, %swap3A_295] {strides = array<i32>} : memref<32x128xf32, #tpu.memory_space<vmem>>, vector<1x16xf32>,
    %swap3A_297 = vector.shape_cast %swap3A_296 : vector<1x16xf32> to vector<16xf32>
    %swap3A_298 = vector.shape_cast %broadcast_in_dim3A_5 : vector<16xf32> to vector<1x16xf32>
    tpu.vector_store %arg11[%swap3A_294, %swap3A_295], %swap3A_298 {strides = array<i32>} : memref<32x128xf32, #tpu.memory_space<vmem>>, vector<1x16xf32>,
    %swap3A_299 = arith.constant 6 : i32
    %swap3A_300 = arith.index_cast %swap3A_299 : i32 to index
    %swap3A_301 = arith.constant 16 : index
    %swap3A_302 = tpu.vector_load %arg11[%swap3A_300, %swap3A_301] {strides = array<i32>} : memref<32x128xf32, #tpu.memory_space<vmem>>, vector<1x16xf32>,
    %swap3A_303 = vector.shape_cast %swap3A_302 : vector<1x16xf32> to vector<16xf32>
    %swap3A_304 = vector.shape_cast %broadcast_in_dim3A_5 : vector<16xf32> to vector<1x16xf32>
    tpu.vector_store %arg11[%swap3A_300, %swap3A_301], %swap3A_304 {strides = array<i32>} : memref<32x128xf32, #tpu.memory_space<vmem>>, vector<1x16xf32>,
    %swap3A_305 = arith.constant 6 : i32
    %swap3A_306 = arith.index_cast %swap3A_305 : i32 to index
    %swap3A_307 = arith.constant 32 : index
    %swap3A_308 = tpu.vector_load %arg11[%swap3A_306, %swap3A_307] {strides = array<i32>} : memref<32x128xf32, #tpu.memory_space<vmem>>, vector<1x16xf32>,
    %swap3A_309 = vector.shape_cast %swap3A_308 : vector<1x16xf32> to vector<16xf32>
    %swap3A_310 = vector.shape_cast %broadcast_in_dim3A_5 : vector<16xf32> to vector<1x16xf32>
    tpu.vector_store %arg11[%swap3A_306, %swap3A_307], %swap3A_310 {strides = array<i32>} : memref<32x128xf32, #tpu.memory_space<vmem>>, vector<1x16xf32>,
    %swap3A_311 = arith.constant 6 : i32
    %swap3A_312 = arith.index_cast %swap3A_311 : i32 to index
    %swap3A_313 = arith.constant 48 : index
    %swap3A_314 = tpu.vector_load %arg11[%swap3A_312, %swap3A_313] {strides = array<i32>} : memref<32x128xf32, #tpu.memory_space<vmem>>, vector<1x16xf32>,
    %swap3A_315 = vector.shape_cast %swap3A_314 : vector<1x16xf32> to vector<16xf32>
    %swap3A_316 = vector.shape_cast %broadcast_in_dim3A_5 : vector<16xf32> to vector<1x16xf32>
    tpu.vector_store %arg11[%swap3A_312, %swap3A_313], %swap3A_316 {strides = array<i32>} : memref<32x128xf32, #tpu.memory_space<vmem>>, vector<1x16xf32>,
    %swap3A_317 = arith.constant 6 : i32
    %swap3A_318 = arith.index_cast %swap3A_317 : i32 to index
    %swap3A_319 = arith.constant 64 : index
    %swap3A_320 = tpu.vector_load %arg11[%swap3A_318, %swap3A_319] {strides = array<i32>} : memref<32x128xf32, #tpu.memory_space<vmem>>, vector<1x16xf32>,
    %swap3A_321 = vector.shape_cast %swap3A_320 : vector<1x16xf32> to vector<16xf32>
    %swap3A_322 = vector.shape_cast %broadcast_in_dim3A_5 : vector<16xf32> to vector<1x16xf32>
    tpu.vector_store %arg11[%swap3A_318, %swap3A_319], %swap3A_322 {strides = array<i32>} : memref<32x128xf32, #tpu.memory_space<vmem>>, vector<1x16xf32>,
    %swap3A_323 = arith.constant 6 : i32
    %swap3A_324 = arith.index_cast %swap3A_323 : i32 to index
    %swap3A_325 = arith.constant 80 : index
    %swap3A_326 = tpu.vector_load %arg11[%swap3A_324, %swap3A_325] {strides = array<i32>} : memref<32x128xf32, #tpu.memory_space<vmem>>, vector<1x16xf32>,
    %swap3A_327 = vector.shape_cast %swap3A_326 : vector<1x16xf32> to vector<16xf32>
    %swap3A_328 = vector.shape_cast %broadcast_in_dim3A_5 : vector<16xf32> to vector<1x16xf32>
    tpu.vector_store %arg11[%swap3A_324, %swap3A_325], %swap3A_328 {strides = array<i32>} : memref<32x128xf32, #tpu.memory_space<vmem>>, vector<1x16xf32>,
    %swap3A_329 = arith.constant 6 : i32
    %swap3A_330 = arith.index_cast %swap3A_329 : i32 to index
    %swap3A_331 = arith.constant 96 : index
    %swap3A_332 = tpu.vector_load %arg11[%swap3A_330, %swap3A_331] {strides = array<i32>} : memref<32x128xf32, #tpu.memory_space<vmem>>, vector<1x16xf32>,
    %swap3A_333 = vector.shape_cast %swap3A_332 : vector<1x16xf32> to vector<16xf32>
    %swap3A_334 = vector.shape_cast %broadcast_in_dim3A_5 : vector<16xf32> to vector<1x16xf32>
    tpu.vector_store %arg11[%swap3A_330, %swap3A_331], %swap3A_334 {strides = array<i32>} : memref<32x128xf32, #tpu.memory_space<vmem>>, vector<1x16xf32>,
    %swap3A_335 = arith.constant 6 : i32
    %swap3A_336 = arith.index_cast %swap3A_335 : i32 to index
    %swap3A_337 = arith.constant 112 : index
    %swap3A_338 = tpu.vector_load %arg11[%swap3A_336, %swap3A_337] {strides = array<i32>} : memref<32x128xf32, #tpu.memory_space<vmem>>, vector<1x16xf32>,
    %swap3A_339 = vector.shape_cast %swap3A_338 : vector<1x16xf32> to vector<16xf32>
    %swap3A_340 = vector.shape_cast %broadcast_in_dim3A_5 : vector<16xf32> to vector<1x16xf32>
    tpu.vector_store %arg11[%swap3A_336, %swap3A_337], %swap3A_340 {strides = array<i32>} : memref<32x128xf32, #tpu.memory_space<vmem>>, vector<1x16xf32>,
    %swap3A_341 = arith.constant 7 : i32
    %swap3A_342 = arith.index_cast %swap3A_341 : i32 to index
    %swap3A_343 = arith.constant 0 : index
    %swap3A_344 = tpu.vector_load %arg11[%swap3A_342, %swap3A_343] {strides = array<i32>} : memref<32x128xf32, #tpu.memory_space<vmem>>, vector<1x16xf32>,
    %swap3A_345 = vector.shape_cast %swap3A_344 : vector<1x16xf32> to vector<16xf32>
    %swap3A_346 = vector.shape_cast %broadcast_in_dim3A_5 : vector<16xf32> to vector<1x16xf32>
    tpu.vector_store %arg11[%swap3A_342, %swap3A_343], %swap3A_346 {strides = array<i32>} : memref<32x128xf32, #tpu.memory_space<vmem>>, vector<1x16xf32>,
    %swap3A_347 = arith.constant 7 : i32
    %swap3A_348 = arith.index_cast %swap3A_347 : i32 to index
    %swap3A_349 = arith.constant 16 : index
    %swap3A_350 = tpu.vector_load %arg11[%swap3A_348, %swap3A_349] {strides = array<i32>} : memref<32x128xf32, #tpu.memory_space<vmem>>, vector<1x16xf32>,
    %swap3A_351 = vector.shape_cast %swap3A_350 : vector<1x16xf32> to vector<16xf32>
    %swap3A_352 = vector.shape_cast %broadcast_in_dim3A_5 : vector<16xf32> to vector<1x16xf32>
    tpu.vector_store %arg11[%swap3A_348, %swap3A_349], %swap3A_352 {strides = array<i32>} : memref<32x128xf32, #tpu.memory_space<vmem>>, vector<1x16xf32>,
    %swap3A_353 = arith.constant 7 : i32
    %swap3A_354 = arith.index_cast %swap3A_353 : i32 to index
    %swap3A_355 = arith.constant 32 : index
    %swap3A_356 = tpu.vector_load %arg11[%swap3A_354, %swap3A_355] {strides = array<i32>} : memref<32x128xf32, #tpu.memory_space<vmem>>, vector<1x16xf32>,
    %swap3A_357 = vector.shape_cast %swap3A_356 : vector<1x16xf32> to vector<16xf32>
    %swap3A_358 = vector.shape_cast %broadcast_in_dim3A_5 : vector<16xf32> to vector<1x16xf32>
    tpu.vector_store %arg11[%swap3A_354, %swap3A_355], %swap3A_358 {strides = array<i32>} : memref<32x128xf32, #tpu.memory_space<vmem>>, vector<1x16xf32>,
    %swap3A_359 = arith.constant 7 : i32
    %swap3A_360 = arith.index_cast %swap3A_359 : i32 to index
    %swap3A_361 = arith.constant 48 : index
    %swap3A_362 = tpu.vector_load %arg11[%swap3A_360, %swap3A_361] {strides = array<i32>} : memref<32x128xf32, #tpu.memory_space<vmem>>, vector<1x16xf32>,
    %swap3A_363 = vector.shape_cast %swap3A_362 : vector<1x16xf32> to vector<16xf32>
    %swap3A_364 = vector.shape_cast %broadcast_in_dim3A_5 : vector<16xf32> to vector<1x16xf32>
    tpu.vector_store %arg11[%swap3A_360, %swap3A_361], %swap3A_364 {strides = array<i32>} : memref<32x128xf32, #tpu.memory_space<vmem>>, vector<1x16xf32>,
    %swap3A_365 = arith.constant 7 : i32
    %swap3A_366 = arith.index_cast %swap3A_365 : i32 to index
    %swap3A_367 = arith.constant 64 : index
    %swap3A_368 = tpu.vector_load %arg11[%swap3A_366, %swap3A_367] {strides = array<i32>} : memref<32x128xf32, #tpu.memory_space<vmem>>, vector<1x16xf32>,
    %swap3A_369 = vector.shape_cast %swap3A_368 : vector<1x16xf32> to vector<16xf32>
    %swap3A_370 = vector.shape_cast %broadcast_in_dim3A_5 : vector<16xf32> to vector<1x16xf32>
    tpu.vector_store %arg11[%swap3A_366, %swap3A_367], %swap3A_370 {strides = array<i32>} : memref<32x128xf32, #tpu.memory_space<vmem>>, vector<1x16xf32>,
    %swap3A_371 = arith.constant 7 : i32
    %swap3A_372 = arith.index_cast %swap3A_371 : i32 to index
    %swap3A_373 = arith.constant 80 : index
    %swap3A_374 = tpu.vector_load %arg11[%swap3A_372, %swap3A_373] {strides = array<i32>} : memref<32x128xf32, #tpu.memory_space<vmem>>, vector<1x16xf32>,
    %swap3A_375 = vector.shape_cast %swap3A_374 : vector<1x16xf32> to vector<16xf32>
    %swap3A_376 = vector.shape_cast %broadcast_in_dim3A_5 : vector<16xf32> to vector<1x16xf32>
    tpu.vector_store %arg11[%swap3A_372, %swap3A_373], %swap3A_376 {strides = array<i32>} : memref<32x128xf32, #tpu.memory_space<vmem>>, vector<1x16xf32>,
    %swap3A_377 = arith.constant 7 : i32
    %swap3A_378 = arith.index_cast %swap3A_377 : i32 to index
    %swap3A_379 = arith.constant 96 : index
    %swap3A_380 = tpu.vector_load %arg11[%swap3A_378, %swap3A_379] {strides = array<i32>} : memref<32x128xf32, #tpu.memory_space<vmem>>, vector<1x16xf32>,
    %swap3A_381 = vector.shape_cast %swap3A_380 : vector<1x16xf32> to vector<16xf32>
    %swap3A_382 = vector.shape_cast %broadcast_in_dim3A_5 : vector<16xf32> to vector<1x16xf32>
    tpu.vector_store %arg11[%swap3A_378, %swap3A_379], %swap3A_382 {strides = array<i32>} : memref<32x128xf32, #tpu.memory_space<vmem>>, vector<1x16xf32>,
    %swap3A_383 = arith.constant 7 : i32
    %swap3A_384 = arith.index_cast %swap3A_383 : i32 to index
    %swap3A_385 = arith.constant 112 : index
    %swap3A_386 = tpu.vector_load %arg11[%swap3A_384, %swap3A_385] {strides = array<i32>} : memref<32x128xf32, #tpu.memory_space<vmem>>, vector<1x16xf32>,
    %swap3A_387 = vector.shape_cast %swap3A_386 : vector<1x16xf32> to vector<16xf32>
    %swap3A_388 = vector.shape_cast %broadcast_in_dim3A_5 : vector<16xf32> to vector<1x16xf32>
    tpu.vector_store %arg11[%swap3A_384, %swap3A_385], %swap3A_388 {strides = array<i32>} : memref<32x128xf32, #tpu.memory_space<vmem>>, vector<1x16xf32>,
    %swap3A_389 = arith.constant 8 : i32
    %swap3A_390 = arith.index_cast %swap3A_389 : i32 to index
    %swap3A_391 = arith.constant 0 : index
    %swap3A_392 = tpu.vector_load %arg11[%swap3A_390, %swap3A_391] {strides = array<i32>} : memref<32x128xf32, #tpu.memory_space<vmem>>, vector<1x16xf32>,
    %swap3A_393 = vector.shape_cast %swap3A_392 : vector<1x16xf32> to vector<16xf32>
    %swap3A_394 = vector.shape_cast %broadcast_in_dim3A_5 : vector<16xf32> to vector<1x16xf32>
    tpu.vector_store %arg11[%swap3A_390, %swap3A_391], %swap3A_394 {strides = array<i32>} : memref<32x128xf32, #tpu.memory_space<vmem>>, vector<1x16xf32>,
    %swap3A_395 = arith.constant 8 : i32
    %swap3A_396 = arith.index_cast %swap3A_395 : i32 to index
    %swap3A_397 = arith.constant 16 : index
    %swap3A_398 = tpu.vector_load %arg11[%swap3A_396, %swap3A_397] {strides = array<i32>} : memref<32x128xf32, #tpu.memory_space<vmem>>, vector<1x16xf32>,
    %swap3A_399 = vector.shape_cast %swap3A_398 : vector<1x16xf32> to vector<16xf32>
    %swap3A_400 = vector.shape_cast %broadcast_in_dim3A_5 : vector<16xf32> to vector<1x16xf32>
    tpu.vector_store %arg11[%swap3A_396, %swap3A_397], %swap3A_400 {strides = array<i32>} : memref<32x128xf32, #tpu.memory_space<vmem>>, vector<1x16xf32>,
    %swap3A_401 = arith.constant 8 : i32
    %swap3A_402 = arith.index_cast %swap3A_401 : i32 to index
    %swap3A_403 = arith.constant 32 : index
    %swap3A_404 = tpu.vector_load %arg11[%swap3A_402, %swap3A_403] {strides = array<i32>} : memref<32x128xf32, #tpu.memory_space<vmem>>, vector<1x16xf32>,
    %swap3A_405 = vector.shape_cast %swap3A_404 : vector<1x16xf32> to vector<16xf32>
    %swap3A_406 = vector.shape_cast %broadcast_in_dim3A_5 : vector<16xf32> to vector<1x16xf32>
    tpu.vector_store %arg11[%swap3A_402, %swap3A_403], %swap3A_406 {strides = array<i32>} : memref<32x128xf32, #tpu.memory_space<vmem>>, vector<1x16xf32>,
    %swap3A_407 = arith.constant 8 : i32
    %swap3A_408 = arith.index_cast %swap3A_407 : i32 to index
    %swap3A_409 = arith.constant 48 : index
    %swap3A_410 = tpu.vector_load %arg11[%swap3A_408, %swap3A_409] {strides = array<i32>} : memref<32x128xf32, #tpu.memory_space<vmem>>, vector<1x16xf32>,
    %swap3A_411 = vector.shape_cast %swap3A_410 : vector<1x16xf32> to vector<16xf32>
    %swap3A_412 = vector.shape_cast %broadcast_in_dim3A_5 : vector<16xf32> to vector<1x16xf32>
    tpu.vector_store %arg11[%swap3A_408, %swap3A_409], %swap3A_412 {strides = array<i32>} : memref<32x128xf32, #tpu.memory_space<vmem>>, vector<1x16xf32>,
    %swap3A_413 = arith.constant 8 : i32
    %swap3A_414 = arith.index_cast %swap3A_413 : i32 to index
    %swap3A_415 = arith.constant 64 : index
    %swap3A_416 = tpu.vector_load %arg11[%swap3A_414, %swap3A_415] {strides = array<i32>} : memref<32x128xf32, #tpu.memory_space<vmem>>, vector<1x16xf32>,
    %swap3A_417 = vector.shape_cast %swap3A_416 : vector<1x16xf32> to vector<16xf32>
    %swap3A_418 = vector.shape_cast %broadcast_in_dim3A_5 : vector<16xf32> to vector<1x16xf32>
    tpu.vector_store %arg11[%swap3A_414, %swap3A_415], %swap3A_418 {strides = array<i32>} : memref<32x128xf32, #tpu.memory_space<vmem>>, vector<1x16xf32>,
    %swap3A_419 = arith.constant 8 : i32
    %swap3A_420 = arith.index_cast %swap3A_419 : i32 to index
    %swap3A_421 = arith.constant 80 : index
    %swap3A_422 = tpu.vector_load %arg11[%swap3A_420, %swap3A_421] {strides = array<i32>} : memref<32x128xf32, #tpu.memory_space<vmem>>, vector<1x16xf32>,
    %swap3A_423 = vector.shape_cast %swap3A_422 : vector<1x16xf32> to vector<16xf32>
    %swap3A_424 = vector.shape_cast %broadcast_in_dim3A_5 : vector<16xf32> to vector<1x16xf32>
    tpu.vector_store %arg11[%swap3A_420, %swap3A_421], %swap3A_424 {strides = array<i32>} : memref<32x128xf32, #tpu.memory_space<vmem>>, vector<1x16xf32>,
    %swap3A_425 = arith.constant 8 : i32
    %swap3A_426 = arith.index_cast %swap3A_425 : i32 to index
    %swap3A_427 = arith.constant 96 : index
    %swap3A_428 = tpu.vector_load %arg11[%swap3A_426, %swap3A_427] {strides = array<i32>} : memref<32x128xf32, #tpu.memory_space<vmem>>, vector<1x16xf32>,
    %swap3A_429 = vector.shape_cast %swap3A_428 : vector<1x16xf32> to vector<16xf32>
    %swap3A_430 = vector.shape_cast %broadcast_in_dim3A_5 : vector<16xf32> to vector<1x16xf32>
    tpu.vector_store %arg11[%swap3A_426, %swap3A_427], %swap3A_430 {strides = array<i32>} : memref<32x128xf32, #tpu.memory_space<vmem>>, vector<1x16xf32>,
    %swap3A_431 = arith.constant 8 : i32
    %swap3A_432 = arith.index_cast %swap3A_431 : i32 to index
    %swap3A_433 = arith.constant 112 : index
    %swap3A_434 = tpu.vector_load %arg11[%swap3A_432, %swap3A_433] {strides = array<i32>} : memref<32x128xf32, #tpu.memory_space<vmem>>, vector<1x16xf32>,
    %swap3A_435 = vector.shape_cast %swap3A_434 : vector<1x16xf32> to vector<16xf32>
    %swap3A_436 = vector.shape_cast %broadcast_in_dim3A_5 : vector<16xf32> to vector<1x16xf32>
    tpu.vector_store %arg11[%swap3A_432, %swap3A_433], %swap3A_436 {strides = array<i32>} : memref<32x128xf32, #tpu.memory_space<vmem>>, vector<1x16xf32>,
    %swap3A_437 = arith.constant 9 : i32
    %swap3A_438 = arith.index_cast %swap3A_437 : i32 to index
    %swap3A_439 = arith.constant 0 : index
    %swap3A_440 = tpu.vector_load %arg11[%swap3A_438, %swap3A_439] {strides = array<i32>} : memref<32x128xf32, #tpu.memory_space<vmem>>, vector<1x16xf32>,
    %swap3A_441 = vector.shape_cast %swap3A_440 : vector<1x16xf32> to vector<16xf32>
    %swap3A_442 = vector.shape_cast %broadcast_in_dim3A_5 : vector<16xf32> to vector<1x16xf32>
    tpu.vector_store %arg11[%swap3A_438, %swap3A_439], %swap3A_442 {strides = array<i32>} : memref<32x128xf32, #tpu.memory_space<vmem>>, vector<1x16xf32>,
    %swap3A_443 = arith.constant 9 : i32
    %swap3A_444 = arith.index_cast %swap3A_443 : i32 to index
    %swap3A_445 = arith.constant 16 : index
    %swap3A_446 = tpu.vector_load %arg11[%swap3A_444, %swap3A_445] {strides = array<i32>} : memref<32x128xf32, #tpu.memory_space<vmem>>, vector<1x16xf32>,
    %swap3A_447 = vector.shape_cast %swap3A_446 : vector<1x16xf32> to vector<16xf32>
    %swap3A_448 = vector.shape_cast %broadcast_in_dim3A_5 : vector<16xf32> to vector<1x16xf32>
    tpu.vector_store %arg11[%swap3A_444, %swap3A_445], %swap3A_448 {strides = array<i32>} : memref<32x128xf32, #tpu.memory_space<vmem>>, vector<1x16xf32>,
    %swap3A_449 = arith.constant 9 : i32
    %swap3A_450 = arith.index_cast %swap3A_449 : i32 to index
    %swap3A_451 = arith.constant 32 : index
    %swap3A_452 = tpu.vector_load %arg11[%swap3A_450, %swap3A_451] {strides = array<i32>} : memref<32x128xf32, #tpu.memory_space<vmem>>, vector<1x16xf32>,
    %swap3A_453 = vector.shape_cast %swap3A_452 : vector<1x16xf32> to vector<16xf32>
    %swap3A_454 = vector.shape_cast %broadcast_in_dim3A_5 : vector<16xf32> to vector<1x16xf32>
    tpu.vector_store %arg11[%swap3A_450, %swap3A_451], %swap3A_454 {strides = array<i32>} : memref<32x128xf32, #tpu.memory_space<vmem>>, vector<1x16xf32>,
    %swap3A_455 = arith.constant 9 : i32
    %swap3A_456 = arith.index_cast %swap3A_455 : i32 to index
    %swap3A_457 = arith.constant 48 : index
    %swap3A_458 = tpu.vector_load %arg11[%swap3A_456, %swap3A_457] {strides = array<i32>} : memref<32x128xf32, #tpu.memory_space<vmem>>, vector<1x16xf32>,
    %swap3A_459 = vector.shape_cast %swap3A_458 : vector<1x16xf32> to vector<16xf32>
    %swap3A_460 = vector.shape_cast %broadcast_in_dim3A_5 : vector<16xf32> to vector<1x16xf32>
    tpu.vector_store %arg11[%swap3A_456, %swap3A_457], %swap3A_460 {strides = array<i32>} : memref<32x128xf32, #tpu.memory_space<vmem>>, vector<1x16xf32>,
    %swap3A_461 = arith.constant 9 : i32
    %swap3A_462 = arith.index_cast %swap3A_461 : i32 to index
    %swap3A_463 = arith.constant 64 : index
    %swap3A_464 = tpu.vector_load %arg11[%swap3A_462, %swap3A_463] {strides = array<i32>} : memref<32x128xf32, #tpu.memory_space<vmem>>, vector<1x16xf32>,
    %swap3A_465 = vector.shape_cast %swap3A_464 : vector<1x16xf32> to vector<16xf32>
    %swap3A_466 = vector.shape_cast %broadcast_in_dim3A_5 : vector<16xf32> to vector<1x16xf32>
    tpu.vector_store %arg11[%swap3A_462, %swap3A_463], %swap3A_466 {strides = array<i32>} : memref<32x128xf32, #tpu.memory_space<vmem>>, vector<1x16xf32>,
    %swap3A_467 = arith.constant 9 : i32
    %swap3A_468 = arith.index_cast %swap3A_467 : i32 to index
    %swap3A_469 = arith.constant 80 : index
    %swap3A_470 = tpu.vector_load %arg11[%swap3A_468, %swap3A_469] {strides = array<i32>} : memref<32x128xf32, #tpu.memory_space<vmem>>, vector<1x16xf32>,
    %swap3A_471 = vector.shape_cast %swap3A_470 : vector<1x16xf32> to vector<16xf32>
    %swap3A_472 = vector.shape_cast %broadcast_in_dim3A_5 : vector<16xf32> to vector<1x16xf32>
    tpu.vector_store %arg11[%swap3A_468, %swap3A_469], %swap3A_472 {strides = array<i32>} : memref<32x128xf32, #tpu.memory_space<vmem>>, vector<1x16xf32>,
    %swap3A_473 = arith.constant 9 : i32
    %swap3A_474 = arith.index_cast %swap3A_473 : i32 to index
    %swap3A_475 = arith.constant 96 : index
    %swap3A_476 = tpu.vector_load %arg11[%swap3A_474, %swap3A_475] {strides = array<i32>} : memref<32x128xf32, #tpu.memory_space<vmem>>, vector<1x16xf32>,
    %swap3A_477 = vector.shape_cast %swap3A_476 : vector<1x16xf32> to vector<16xf32>
    %swap3A_478 = vector.shape_cast %broadcast_in_dim3A_5 : vector<16xf32> to vector<1x16xf32>
    tpu.vector_store %arg11[%swap3A_474, %swap3A_475], %swap3A_478 {strides = array<i32>} : memref<32x128xf32, #tpu.memory_space<vmem>>, vector<1x16xf32>,
    %swap3A_479 = arith.constant 9 : i32
    %swap3A_480 = arith.index_cast %swap3A_479 : i32 to index
    %swap3A_481 = arith.constant 112 : index
    %swap3A_482 = tpu.vector_load %arg11[%swap3A_480, %swap3A_481] {strides = array<i32>} : memref<32x128xf32, #tpu.memory_space<vmem>>, vector<1x16xf32>,
    %swap3A_483 = vector.shape_cast %swap3A_482 : vector<1x16xf32> to vector<16xf32>
    %swap3A_484 = vector.shape_cast %broadcast_in_dim3A_5 : vector<16xf32> to vector<1x16xf32>
    tpu.vector_store %arg11[%swap3A_480, %swap3A_481], %swap3A_484 {strides = array<i32>} : memref<32x128xf32, #tpu.memory_space<vmem>>, vector<1x16xf32>,
    %swap3A_485 = arith.constant 10 : i32
    %swap3A_486 = arith.index_cast %swap3A_485 : i32 to index
    %swap3A_487 = arith.constant 0 : index
    %swap3A_488 = tpu.vector_load %arg11[%swap3A_486, %swap3A_487] {strides = array<i32>} : memref<32x128xf32, #tpu.memory_space<vmem>>, vector<1x16xf32>,
    %swap3A_489 = vector.shape_cast %swap3A_488 : vector<1x16xf32> to vector<16xf32>
    %swap3A_490 = vector.shape_cast %broadcast_in_dim3A_5 : vector<16xf32> to vector<1x16xf32>
    tpu.vector_store %arg11[%swap3A_486, %swap3A_487], %swap3A_490 {strides = array<i32>} : memref<32x128xf32, #tpu.memory_space<vmem>>, vector<1x16xf32>,
    %swap3A_491 = arith.constant 10 : i32
    %swap3A_492 = arith.index_cast %swap3A_491 : i32 to index
    %swap3A_493 = arith.constant 16 : index
    %swap3A_494 = tpu.vector_load %arg11[%swap3A_492, %swap3A_493] {strides = array<i32>} : memref<32x128xf32, #tpu.memory_space<vmem>>, vector<1x16xf32>,
    %swap3A_495 = vector.shape_cast %swap3A_494 : vector<1x16xf32> to vector<16xf32>
    %swap3A_496 = vector.shape_cast %broadcast_in_dim3A_5 : vector<16xf32> to vector<1x16xf32>
    tpu.vector_store %arg11[%swap3A_492, %swap3A_493], %swap3A_496 {strides = array<i32>} : memref<32x128xf32, #tpu.memory_space<vmem>>, vector<1x16xf32>,
    %swap3A_497 = arith.constant 10 : i32
    %swap3A_498 = arith.index_cast %swap3A_497 : i32 to index
    %swap3A_499 = arith.constant 32 : index
    %swap3A_500 = tpu.vector_load %arg11[%swap3A_498, %swap3A_499] {strides = array<i32>} : memref<32x128xf32, #tpu.memory_space<vmem>>, vector<1x16xf32>,
    %swap3A_501 = vector.shape_cast %swap3A_500 : vector<1x16xf32> to vector<16xf32>
    %swap3A_502 = vector.shape_cast %broadcast_in_dim3A_5 : vector<16xf32> to vector<1x16xf32>
    tpu.vector_store %arg11[%swap3A_498, %swap3A_499], %swap3A_502 {strides = array<i32>} : memref<32x128xf32, #tpu.memory_space<vmem>>, vector<1x16xf32>,
    %swap3A_503 = arith.constant 10 : i32
    %swap3A_504 = arith.index_cast %swap3A_503 : i32 to index
    %swap3A_505 = arith.constant 48 : index
    %swap3A_506 = tpu.vector_load %arg11[%swap3A_504, %swap3A_505] {strides = array<i32>} : memref<32x128xf32, #tpu.memory_space<vmem>>, vector<1x16xf32>,
    %swap3A_507 = vector.shape_cast %swap3A_506 : vector<1x16xf32> to vector<16xf32>
    %swap3A_508 = vector.shape_cast %broadcast_in_dim3A_5 : vector<16xf32> to vector<1x16xf32>
    tpu.vector_store %arg11[%swap3A_504, %swap3A_505], %swap3A_508 {strides = array<i32>} : memref<32x128xf32, #tpu.memory_space<vmem>>, vector<1x16xf32>,
    %swap3A_509 = arith.constant 10 : i32
    %swap3A_510 = arith.index_cast %swap3A_509 : i32 to index
    %swap3A_511 = arith.constant 64 : index
    %swap3A_512 = tpu.vector_load %arg11[%swap3A_510, %swap3A_511] {strides = array<i32>} : memref<32x128xf32, #tpu.memory_space<vmem>>, vector<1x16xf32>,
    %swap3A_513 = vector.shape_cast %swap3A_512 : vector<1x16xf32> to vector<16xf32>
    %swap3A_514 = vector.shape_cast %broadcast_in_dim3A_5 : vector<16xf32> to vector<1x16xf32>
    tpu.vector_store %arg11[%swap3A_510, %swap3A_511], %swap3A_514 {strides = array<i32>} : memref<32x128xf32, #tpu.memory_space<vmem>>, vector<1x16xf32>,
    %swap3A_515 = arith.constant 10 : i32
    %swap3A_516 = arith.index_cast %swap3A_515 : i32 to index
    %swap3A_517 = arith.constant 80 : index
    %swap3A_518 = tpu.vector_load %arg11[%swap3A_516, %swap3A_517] {strides = array<i32>} : memref<32x128xf32, #tpu.memory_space<vmem>>, vector<1x16xf32>,
    %swap3A_519 = vector.shape_cast %swap3A_518 : vector<1x16xf32> to vector<16xf32>
    %swap3A_520 = vector.shape_cast %broadcast_in_dim3A_5 : vector<16xf32> to vector<1x16xf32>
    tpu.vector_store %arg11[%swap3A_516, %swap3A_517], %swap3A_520 {strides = array<i32>} : memref<32x128xf32, #tpu.memory_space<vmem>>, vector<1x16xf32>,
    %swap3A_521 = arith.constant 10 : i32
    %swap3A_522 = arith.index_cast %swap3A_521 : i32 to index
    %swap3A_523 = arith.constant 96 : index
    %swap3A_524 = tpu.vector_load %arg11[%swap3A_522, %swap3A_523] {strides = array<i32>} : memref<32x128xf32, #tpu.memory_space<vmem>>, vector<1x16xf32>,
    %swap3A_525 = vector.shape_cast %swap3A_524 : vector<1x16xf32> to vector<16xf32>
    %swap3A_526 = vector.shape_cast %broadcast_in_dim3A_5 : vector<16xf32> to vector<1x16xf32>
    tpu.vector_store %arg11[%swap3A_522, %swap3A_523], %swap3A_526 {strides = array<i32>} : memref<32x128xf32, #tpu.memory_space<vmem>>, vector<1x16xf32>,
    %swap3A_527 = arith.constant 10 : i32
    %swap3A_528 = arith.index_cast %swap3A_527 : i32 to index
    %swap3A_529 = arith.constant 112 : index
    %swap3A_530 = tpu.vector_load %arg11[%swap3A_528, %swap3A_529] {strides = array<i32>} : memref<32x128xf32, #tpu.memory_space<vmem>>, vector<1x16xf32>,
    %swap3A_531 = vector.shape_cast %swap3A_530 : vector<1x16xf32> to vector<16xf32>
    %swap3A_532 = vector.shape_cast %broadcast_in_dim3A_5 : vector<16xf32> to vector<1x16xf32>
    tpu.vector_store %arg11[%swap3A_528, %swap3A_529], %swap3A_532 {strides = array<i32>} : memref<32x128xf32, #tpu.memory_space<vmem>>, vector<1x16xf32>,
    %swap3A_533 = arith.constant 11 : i32
    %swap3A_534 = arith.index_cast %swap3A_533 : i32 to index
    %swap3A_535 = arith.constant 0 : index
    %swap3A_536 = tpu.vector_load %arg11[%swap3A_534, %swap3A_535] {strides = array<i32>} : memref<32x128xf32, #tpu.memory_space<vmem>>, vector<1x16xf32>,
    %swap3A_537 = vector.shape_cast %swap3A_536 : vector<1x16xf32> to vector<16xf32>
    %swap3A_538 = vector.shape_cast %broadcast_in_dim3A_5 : vector<16xf32> to vector<1x16xf32>
    tpu.vector_store %arg11[%swap3A_534, %swap3A_535], %swap3A_538 {strides = array<i32>} : memref<32x128xf32, #tpu.memory_space<vmem>>, vector<1x16xf32>,
    %swap3A_539 = arith.constant 11 : i32
    %swap3A_540 = arith.index_cast %swap3A_539 : i32 to index
    %swap3A_541 = arith.constant 16 : index
    %swap3A_542 = tpu.vector_load %arg11[%swap3A_540, %swap3A_541] {strides = array<i32>} : memref<32x128xf32, #tpu.memory_space<vmem>>, vector<1x16xf32>,
    %swap3A_543 = vector.shape_cast %swap3A_542 : vector<1x16xf32> to vector<16xf32>
    %swap3A_544 = vector.shape_cast %broadcast_in_dim3A_5 : vector<16xf32> to vector<1x16xf32>
    tpu.vector_store %arg11[%swap3A_540, %swap3A_541], %swap3A_544 {strides = array<i32>} : memref<32x128xf32, #tpu.memory_space<vmem>>, vector<1x16xf32>,
    %swap3A_545 = arith.constant 11 : i32
    %swap3A_546 = arith.index_cast %swap3A_545 : i32 to index
    %swap3A_547 = arith.constant 32 : index
    %swap3A_548 = tpu.vector_load %arg11[%swap3A_546, %swap3A_547] {strides = array<i32>} : memref<32x128xf32, #tpu.memory_space<vmem>>, vector<1x16xf32>,
    %swap3A_549 = vector.shape_cast %swap3A_548 : vector<1x16xf32> to vector<16xf32>
    %swap3A_550 = vector.shape_cast %broadcast_in_dim3A_5 : vector<16xf32> to vector<1x16xf32>
    tpu.vector_store %arg11[%swap3A_546, %swap3A_547], %swap3A_550 {strides = array<i32>} : memref<32x128xf32, #tpu.memory_space<vmem>>, vector<1x16xf32>,
    %swap3A_551 = arith.constant 11 : i32
    %swap3A_552 = arith.index_cast %swap3A_551 : i32 to index
    %swap3A_553 = arith.constant 48 : index
    %swap3A_554 = tpu.vector_load %arg11[%swap3A_552, %swap3A_553] {strides = array<i32>} : memref<32x128xf32, #tpu.memory_space<vmem>>, vector<1x16xf32>,
    %swap3A_555 = vector.shape_cast %swap3A_554 : vector<1x16xf32> to vector<16xf32>
    %swap3A_556 = vector.shape_cast %broadcast_in_dim3A_5 : vector<16xf32> to vector<1x16xf32>
    tpu.vector_store %arg11[%swap3A_552, %swap3A_553], %swap3A_556 {strides = array<i32>} : memref<32x128xf32, #tpu.memory_space<vmem>>, vector<1x16xf32>,
    %swap3A_557 = arith.constant 11 : i32
    %swap3A_558 = arith.index_cast %swap3A_557 : i32 to index
    %swap3A_559 = arith.constant 64 : index
    %swap3A_560 = tpu.vector_load %arg11[%swap3A_558, %swap3A_559] {strides = array<i32>} : memref<32x128xf32, #tpu.memory_space<vmem>>, vector<1x16xf32>,
    %swap3A_561 = vector.shape_cast %swap3A_560 : vector<1x16xf32> to vector<16xf32>
    %swap3A_562 = vector.shape_cast %broadcast_in_dim3A_5 : vector<16xf32> to vector<1x16xf32>
    tpu.vector_store %arg11[%swap3A_558, %swap3A_559], %swap3A_562 {strides = array<i32>} : memref<32x128xf32, #tpu.memory_space<vmem>>, vector<1x16xf32>,
    %swap3A_563 = arith.constant 11 : i32
    %swap3A_564 = arith.index_cast %swap3A_563 : i32 to index
    %swap3A_565 = arith.constant 80 : index
    %swap3A_566 = tpu.vector_load %arg11[%swap3A_564, %swap3A_565] {strides = array<i32>} : memref<32x128xf32, #tpu.memory_space<vmem>>, vector<1x16xf32>,
    %swap3A_567 = vector.shape_cast %swap3A_566 : vector<1x16xf32> to vector<16xf32>
    %swap3A_568 = vector.shape_cast %broadcast_in_dim3A_5 : vector<16xf32> to vector<1x16xf32>
    tpu.vector_store %arg11[%swap3A_564, %swap3A_565], %swap3A_568 {strides = array<i32>} : memref<32x128xf32, #tpu.memory_space<vmem>>, vector<1x16xf32>,
    %swap3A_569 = arith.constant 11 : i32
    %swap3A_570 = arith.index_cast %swap3A_569 : i32 to index
    %swap3A_571 = arith.constant 96 : index
    %swap3A_572 = tpu.vector_load %arg11[%swap3A_570, %swap3A_571] {strides = array<i32>} : memref<32x128xf32, #tpu.memory_space<vmem>>, vector<1x16xf32>,
    %swap3A_573 = vector.shape_cast %swap3A_572 : vector<1x16xf32> to vector<16xf32>
    %swap3A_574 = vector.shape_cast %broadcast_in_dim3A_5 : vector<16xf32> to vector<1x16xf32>
    tpu.vector_store %arg11[%swap3A_570, %swap3A_571], %swap3A_574 {strides = array<i32>} : memref<32x128xf32, #tpu.memory_space<vmem>>, vector<1x16xf32>,
    %swap3A_575 = arith.constant 11 : i32
    %swap3A_576 = arith.index_cast %swap3A_575 : i32 to index
    %swap3A_577 = arith.constant 112 : index
    %swap3A_578 = tpu.vector_load %arg11[%swap3A_576, %swap3A_577] {strides = array<i32>} : memref<32x128xf32, #tpu.memory_space<vmem>>, vector<1x16xf32>,
    %swap3A_579 = vector.shape_cast %swap3A_578 : vector<1x16xf32> to vector<16xf32>
    %swap3A_580 = vector.shape_cast %broadcast_in_dim3A_5 : vector<16xf32> to vector<1x16xf32>
    tpu.vector_store %arg11[%swap3A_576, %swap3A_577], %swap3A_580 {strides = array<i32>} : memref<32x128xf32, #tpu.memory_space<vmem>>, vector<1x16xf32>,
    %swap3A_581 = arith.constant 12 : i32
    %swap3A_582 = arith.index_cast %swap3A_581 : i32 to index
    %swap3A_583 = arith.constant 0 : index
    %swap3A_584 = tpu.vector_load %arg11[%swap3A_582, %swap3A_583] {strides = array<i32>} : memref<32x128xf32, #tpu.memory_space<vmem>>, vector<1x16xf32>,
    %swap3A_585 = vector.shape_cast %swap3A_584 : vector<1x16xf32> to vector<16xf32>
    %swap3A_586 = vector.shape_cast %broadcast_in_dim3A_5 : vector<16xf32> to vector<1x16xf32>
    tpu.vector_store %arg11[%swap3A_582, %swap3A_583], %swap3A_586 {strides = array<i32>} : memref<32x128xf32, #tpu.memory_space<vmem>>, vector<1x16xf32>,
    %swap3A_587 = arith.constant 12 : i32
    %swap3A_588 = arith.index_cast %swap3A_587 : i32 to index
    %swap3A_589 = arith.constant 16 : index
    %swap3A_590 = tpu.vector_load %arg11[%swap3A_588, %swap3A_589] {strides = array<i32>} : memref<32x128xf32, #tpu.memory_space<vmem>>, vector<1x16xf32>,
    %swap3A_591 = vector.shape_cast %swap3A_590 : vector<1x16xf32> to vector<16xf32>
    %swap3A_592 = vector.shape_cast %broadcast_in_dim3A_5 : vector<16xf32> to vector<1x16xf32>
    tpu.vector_store %arg11[%swap3A_588, %swap3A_589], %swap3A_592 {strides = array<i32>} : memref<32x128xf32, #tpu.memory_space<vmem>>, vector<1x16xf32>,
    %swap3A_593 = arith.constant 12 : i32
    %swap3A_594 = arith.index_cast %swap3A_593 : i32 to index
    %swap3A_595 = arith.constant 32 : index
    %swap3A_596 = tpu.vector_load %arg11[%swap3A_594, %swap3A_595] {strides = array<i32>} : memref<32x128xf32, #tpu.memory_space<vmem>>, vector<1x16xf32>,
    %swap3A_597 = vector.shape_cast %swap3A_596 : vector<1x16xf32> to vector<16xf32>
    %swap3A_598 = vector.shape_cast %broadcast_in_dim3A_5 : vector<16xf32> to vector<1x16xf32>
    tpu.vector_store %arg11[%swap3A_594, %swap3A_595], %swap3A_598 {strides = array<i32>} : memref<32x128xf32, #tpu.memory_space<vmem>>, vector<1x16xf32>,
    %swap3A_599 = arith.constant 12 : i32
    %swap3A_600 = arith.index_cast %swap3A_599 : i32 to index
    %swap3A_601 = arith.constant 48 : index
    %swap3A_602 = tpu.vector_load %arg11[%swap3A_600, %swap3A_601] {strides = array<i32>} : memref<32x128xf32, #tpu.memory_space<vmem>>, vector<1x16xf32>,
    %swap3A_603 = vector.shape_cast %swap3A_602 : vector<1x16xf32> to vector<16xf32>
    %swap3A_604 = vector.shape_cast %broadcast_in_dim3A_5 : vector<16xf32> to vector<1x16xf32>
    tpu.vector_store %arg11[%swap3A_600, %swap3A_601], %swap3A_604 {strides = array<i32>} : memref<32x128xf32, #tpu.memory_space<vmem>>, vector<1x16xf32>,
    %swap3A_605 = arith.constant 12 : i32
    %swap3A_606 = arith.index_cast %swap3A_605 : i32 to index
    %swap3A_607 = arith.constant 64 : index
    %swap3A_608 = tpu.vector_load %arg11[%swap3A_606, %swap3A_607] {strides = array<i32>} : memref<32x128xf32, #tpu.memory_space<vmem>>, vector<1x16xf32>,
    %swap3A_609 = vector.shape_cast %swap3A_608 : vector<1x16xf32> to vector<16xf32>
    %swap3A_610 = vector.shape_cast %broadcast_in_dim3A_5 : vector<16xf32> to vector<1x16xf32>
    tpu.vector_store %arg11[%swap3A_606, %swap3A_607], %swap3A_610 {strides = array<i32>} : memref<32x128xf32, #tpu.memory_space<vmem>>, vector<1x16xf32>,
    %swap3A_611 = arith.constant 12 : i32
    %swap3A_612 = arith.index_cast %swap3A_611 : i32 to index
    %swap3A_613 = arith.constant 80 : index
    %swap3A_614 = tpu.vector_load %arg11[%swap3A_612, %swap3A_613] {strides = array<i32>} : memref<32x128xf32, #tpu.memory_space<vmem>>, vector<1x16xf32>,
    %swap3A_615 = vector.shape_cast %swap3A_614 : vector<1x16xf32> to vector<16xf32>
    %swap3A_616 = vector.shape_cast %broadcast_in_dim3A_5 : vector<16xf32> to vector<1x16xf32>
    tpu.vector_store %arg11[%swap3A_612, %swap3A_613], %swap3A_616 {strides = array<i32>} : memref<32x128xf32, #tpu.memory_space<vmem>>, vector<1x16xf32>,
    %swap3A_617 = arith.constant 12 : i32
    %swap3A_618 = arith.index_cast %swap3A_617 : i32 to index
    %swap3A_619 = arith.constant 96 : index
    %swap3A_620 = tpu.vector_load %arg11[%swap3A_618, %swap3A_619] {strides = array<i32>} : memref<32x128xf32, #tpu.memory_space<vmem>>, vector<1x16xf32>,
    %swap3A_621 = vector.shape_cast %swap3A_620 : vector<1x16xf32> to vector<16xf32>
    %swap3A_622 = vector.shape_cast %broadcast_in_dim3A_5 : vector<16xf32> to vector<1x16xf32>
    tpu.vector_store %arg11[%swap3A_618, %swap3A_619], %swap3A_622 {strides = array<i32>} : memref<32x128xf32, #tpu.memory_space<vmem>>, vector<1x16xf32>,
    %swap3A_623 = arith.constant 12 : i32
    %swap3A_624 = arith.index_cast %swap3A_623 : i32 to index
    %swap3A_625 = arith.constant 112 : index
    %swap3A_626 = tpu.vector_load %arg11[%swap3A_624, %swap3A_625] {strides = array<i32>} : memref<32x128xf32, #tpu.memory_space<vmem>>, vector<1x16xf32>,
    %swap3A_627 = vector.shape_cast %swap3A_626 : vector<1x16xf32> to vector<16xf32>
    %swap3A_628 = vector.shape_cast %broadcast_in_dim3A_5 : vector<16xf32> to vector<1x16xf32>
    tpu.vector_store %arg11[%swap3A_624, %swap3A_625], %swap3A_628 {strides = array<i32>} : memref<32x128xf32, #tpu.memory_space<vmem>>, vector<1x16xf32>,
    %swap3A_629 = arith.constant 13 : i32
    %swap3A_630 = arith.index_cast %swap3A_629 : i32 to index
    %swap3A_631 = arith.constant 0 : index
    %swap3A_632 = tpu.vector_load %arg11[%swap3A_630, %swap3A_631] {strides = array<i32>} : memref<32x128xf32, #tpu.memory_space<vmem>>, vector<1x16xf32>,
    %swap3A_633 = vector.shape_cast %swap3A_632 : vector<1x16xf32> to vector<16xf32>
    %swap3A_634 = vector.shape_cast %broadcast_in_dim3A_5 : vector<16xf32> to vector<1x16xf32>
    tpu.vector_store %arg11[%swap3A_630, %swap3A_631], %swap3A_634 {strides = array<i32>} : memref<32x128xf32, #tpu.memory_space<vmem>>, vector<1x16xf32>,
    %swap3A_635 = arith.constant 13 : i32
    %swap3A_636 = arith.index_cast %swap3A_635 : i32 to index
    %swap3A_637 = arith.constant 16 : index
    %swap3A_638 = tpu.vector_load %arg11[%swap3A_636, %swap3A_637] {strides = array<i32>} : memref<32x128xf32, #tpu.memory_space<vmem>>, vector<1x16xf32>,
    %swap3A_639 = vector.shape_cast %swap3A_638 : vector<1x16xf32> to vector<16xf32>
    %swap3A_640 = vector.shape_cast %broadcast_in_dim3A_5 : vector<16xf32> to vector<1x16xf32>
    tpu.vector_store %arg11[%swap3A_636, %swap3A_637], %swap3A_640 {strides = array<i32>} : memref<32x128xf32, #tpu.memory_space<vmem>>, vector<1x16xf32>,
    %swap3A_641 = arith.constant 13 : i32
    %swap3A_642 = arith.index_cast %swap3A_641 : i32 to index
    %swap3A_643 = arith.constant 32 : index
    %swap3A_644 = tpu.vector_load %arg11[%swap3A_642, %swap3A_643] {strides = array<i32>} : memref<32x128xf32, #tpu.memory_space<vmem>>, vector<1x16xf32>,
    %swap3A_645 = vector.shape_cast %swap3A_644 : vector<1x16xf32> to vector<16xf32>
    %swap3A_646 = vector.shape_cast %broadcast_in_dim3A_5 : vector<16xf32> to vector<1x16xf32>
    tpu.vector_store %arg11[%swap3A_642, %swap3A_643], %swap3A_646 {strides = array<i32>} : memref<32x128xf32, #tpu.memory_space<vmem>>, vector<1x16xf32>,
    %swap3A_647 = arith.constant 13 : i32
    %swap3A_648 = arith.index_cast %swap3A_647 : i32 to index
    %swap3A_649 = arith.constant 48 : index
    %swap3A_650 = tpu.vector_load %arg11[%swap3A_648, %swap3A_649] {strides = array<i32>} : memref<32x128xf32, #tpu.memory_space<vmem>>, vector<1x16xf32>,
    %swap3A_651 = vector.shape_cast %swap3A_650 : vector<1x16xf32> to vector<16xf32>
    %swap3A_652 = vector.shape_cast %broadcast_in_dim3A_5 : vector<16xf32> to vector<1x16xf32>
    tpu.vector_store %arg11[%swap3A_648, %swap3A_649], %swap3A_652 {strides = array<i32>} : memref<32x128xf32, #tpu.memory_space<vmem>>, vector<1x16xf32>,
    %swap3A_653 = arith.constant 13 : i32
    %swap3A_654 = arith.index_cast %swap3A_653 : i32 to index
    %swap3A_655 = arith.constant 64 : index
    %swap3A_656 = tpu.vector_load %arg11[%swap3A_654, %swap3A_655] {strides = array<i32>} : memref<32x128xf32, #tpu.memory_space<vmem>>, vector<1x16xf32>,
    %swap3A_657 = vector.shape_cast %swap3A_656 : vector<1x16xf32> to vector<16xf32>
    %swap3A_658 = vector.shape_cast %broadcast_in_dim3A_5 : vector<16xf32> to vector<1x16xf32>
    tpu.vector_store %arg11[%swap3A_654, %swap3A_655], %swap3A_658 {strides = array<i32>} : memref<32x128xf32, #tpu.memory_space<vmem>>, vector<1x16xf32>,
    %swap3A_659 = arith.constant 13 : i32
    %swap3A_660 = arith.index_cast %swap3A_659 : i32 to index
    %swap3A_661 = arith.constant 80 : index
    %swap3A_662 = tpu.vector_load %arg11[%swap3A_660, %swap3A_661] {strides = array<i32>} : memref<32x128xf32, #tpu.memory_space<vmem>>, vector<1x16xf32>,
    %swap3A_663 = vector.shape_cast %swap3A_662 : vector<1x16xf32> to vector<16xf32>
    %swap3A_664 = vector.shape_cast %broadcast_in_dim3A_5 : vector<16xf32> to vector<1x16xf32>
    tpu.vector_store %arg11[%swap3A_660, %swap3A_661], %swap3A_664 {strides = array<i32>} : memref<32x128xf32, #tpu.memory_space<vmem>>, vector<1x16xf32>,
    %swap3A_665 = arith.constant 13 : i32
    %swap3A_666 = arith.index_cast %swap3A_665 : i32 to index
    %swap3A_667 = arith.constant 96 : index
    %swap3A_668 = tpu.vector_load %arg11[%swap3A_666, %swap3A_667] {strides = array<i32>} : memref<32x128xf32, #tpu.memory_space<vmem>>, vector<1x16xf32>,
    %swap3A_669 = vector.shape_cast %swap3A_668 : vector<1x16xf32> to vector<16xf32>
    %swap3A_670 = vector.shape_cast %broadcast_in_dim3A_5 : vector<16xf32> to vector<1x16xf32>
    tpu.vector_store %arg11[%swap3A_666, %swap3A_667], %swap3A_670 {strides = array<i32>} : memref<32x128xf32, #tpu.memory_space<vmem>>, vector<1x16xf32>,
    %swap3A_671 = arith.constant 13 : i32
    %swap3A_672 = arith.index_cast %swap3A_671 : i32 to index
    %swap3A_673 = arith.constant 112 : index
    %swap3A_674 = tpu.vector_load %arg11[%swap3A_672, %swap3A_673] {strides = array<i32>} : memref<32x128xf32, #tpu.memory_space<vmem>>, vector<1x16xf32>,
    %swap3A_675 = vector.shape_cast %swap3A_674 : vector<1x16xf32> to vector<16xf32>
    %swap3A_676 = vector.shape_cast %broadcast_in_dim3A_5 : vector<16xf32> to vector<1x16xf32>
    tpu.vector_store %arg11[%swap3A_672, %swap3A_673], %swap3A_676 {strides = array<i32>} : memref<32x128xf32, #tpu.memory_space<vmem>>, vector<1x16xf32>,
    %swap3A_677 = arith.constant 14 : i32
    %swap3A_678 = arith.index_cast %swap3A_677 : i32 to index
    %swap3A_679 = arith.constant 0 : index
    %swap3A_680 = tpu.vector_load %arg11[%swap3A_678, %swap3A_679] {strides = array<i32>} : memref<32x128xf32, #tpu.memory_space<vmem>>, vector<1x16xf32>,
    %swap3A_681 = vector.shape_cast %swap3A_680 : vector<1x16xf32> to vector<16xf32>
    %swap3A_682 = vector.shape_cast %broadcast_in_dim3A_5 : vector<16xf32> to vector<1x16xf32>
    tpu.vector_store %arg11[%swap3A_678, %swap3A_679], %swap3A_682 {strides = array<i32>} : memref<32x128xf32, #tpu.memory_space<vmem>>, vector<1x16xf32>,
    %swap3A_683 = arith.constant 14 : i32
    %swap3A_684 = arith.index_cast %swap3A_683 : i32 to index
    %swap3A_685 = arith.constant 16 : index
    %swap3A_686 = tpu.vector_load %arg11[%swap3A_684, %swap3A_685] {strides = array<i32>} : memref<32x128xf32, #tpu.memory_space<vmem>>, vector<1x16xf32>,
    %swap3A_687 = vector.shape_cast %swap3A_686 : vector<1x16xf32> to vector<16xf32>
    %swap3A_688 = vector.shape_cast %broadcast_in_dim3A_5 : vector<16xf32> to vector<1x16xf32>
    tpu.vector_store %arg11[%swap3A_684, %swap3A_685], %swap3A_688 {strides = array<i32>} : memref<32x128xf32, #tpu.memory_space<vmem>>, vector<1x16xf32>,
    %swap3A_689 = arith.constant 14 : i32
    %swap3A_690 = arith.index_cast %swap3A_689 : i32 to index
    %swap3A_691 = arith.constant 32 : index
    %swap3A_692 = tpu.vector_load %arg11[%swap3A_690, %swap3A_691] {strides = array<i32>} : memref<32x128xf32, #tpu.memory_space<vmem>>, vector<1x16xf32>,
    %swap3A_693 = vector.shape_cast %swap3A_692 : vector<1x16xf32> to vector<16xf32>
    %swap3A_694 = vector.shape_cast %broadcast_in_dim3A_5 : vector<16xf32> to vector<1x16xf32>
    tpu.vector_store %arg11[%swap3A_690, %swap3A_691], %swap3A_694 {strides = array<i32>} : memref<32x128xf32, #tpu.memory_space<vmem>>, vector<1x16xf32>,
    %swap3A_695 = arith.constant 14 : i32
    %swap3A_696 = arith.index_cast %swap3A_695 : i32 to index
    %swap3A_697 = arith.constant 48 : index
    %swap3A_698 = tpu.vector_load %arg11[%swap3A_696, %swap3A_697] {strides = array<i32>} : memref<32x128xf32, #tpu.memory_space<vmem>>, vector<1x16xf32>,
    %swap3A_699 = vector.shape_cast %swap3A_698 : vector<1x16xf32> to vector<16xf32>
    %swap3A_700 = vector.shape_cast %broadcast_in_dim3A_5 : vector<16xf32> to vector<1x16xf32>
    tpu.vector_store %arg11[%swap3A_696, %swap3A_697], %swap3A_700 {strides = array<i32>} : memref<32x128xf32, #tpu.memory_space<vmem>>, vector<1x16xf32>,
    %swap3A_701 = arith.constant 14 : i32
    %swap3A_702 = arith.index_cast %swap3A_701 : i32 to index
    %swap3A_703 = arith.constant 64 : index
    %swap3A_704 = tpu.vector_load %arg11[%swap3A_702, %swap3A_703] {strides = array<i32>} : memref<32x128xf32, #tpu.memory_space<vmem>>, vector<1x16xf32>,
    %swap3A_705 = vector.shape_cast %swap3A_704 : vector<1x16xf32> to vector<16xf32>
    %swap3A_706 = vector.shape_cast %broadcast_in_dim3A_5 : vector<16xf32> to vector<1x16xf32>
    tpu.vector_store %arg11[%swap3A_702, %swap3A_703], %swap3A_706 {strides = array<i32>} : memref<32x128xf32, #tpu.memory_space<vmem>>, vector<1x16xf32>,
    %swap3A_707 = arith.constant 14 : i32
    %swap3A_708 = arith.index_cast %swap3A_707 : i32 to index
    %swap3A_709 = arith.constant 80 : index
    %swap3A_710 = tpu.vector_load %arg11[%swap3A_708, %swap3A_709] {strides = array<i32>} : memref<32x128xf32, #tpu.memory_space<vmem>>, vector<1x16xf32>,
    %swap3A_711 = vector.shape_cast %swap3A_710 : vector<1x16xf32> to vector<16xf32>
    %swap3A_712 = vector.shape_cast %broadcast_in_dim3A_5 : vector<16xf32> to vector<1x16xf32>
    tpu.vector_store %arg11[%swap3A_708, %swap3A_709], %swap3A_712 {strides = array<i32>} : memref<32x128xf32, #tpu.memory_space<vmem>>, vector<1x16xf32>,
    %swap3A_713 = arith.constant 14 : i32
    %swap3A_714 = arith.index_cast %swap3A_713 : i32 to index
    %swap3A_715 = arith.constant 96 : index
    %swap3A_716 = tpu.vector_load %arg11[%swap3A_714, %swap3A_715] {strides = array<i32>} : memref<32x128xf32, #tpu.memory_space<vmem>>, vector<1x16xf32>,
    %swap3A_717 = vector.shape_cast %swap3A_716 : vector<1x16xf32> to vector<16xf32>
    %swap3A_718 = vector.shape_cast %broadcast_in_dim3A_5 : vector<16xf32> to vector<1x16xf32>
    tpu.vector_store %arg11[%swap3A_714, %swap3A_715], %swap3A_718 {strides = array<i32>} : memref<32x128xf32, #tpu.memory_space<vmem>>, vector<1x16xf32>,
    %swap3A_719 = arith.constant 14 : i32
    %swap3A_720 = arith.index_cast %swap3A_719 : i32 to index
    %swap3A_721 = arith.constant 112 : index
    %swap3A_722 = tpu.vector_load %arg11[%swap3A_720, %swap3A_721] {strides = array<i32>} : memref<32x128xf32, #tpu.memory_space<vmem>>, vector<1x16xf32>,
    %swap3A_723 = vector.shape_cast %swap3A_722 : vector<1x16xf32> to vector<16xf32>
    %swap3A_724 = vector.shape_cast %broadcast_in_dim3A_5 : vector<16xf32> to vector<1x16xf32>
    tpu.vector_store %arg11[%swap3A_720, %swap3A_721], %swap3A_724 {strides = array<i32>} : memref<32x128xf32, #tpu.memory_space<vmem>>, vector<1x16xf32>,
    %swap3A_725 = arith.constant 15 : i32
    %swap3A_726 = arith.index_cast %swap3A_725 : i32 to index
    %swap3A_727 = arith.constant 0 : index
    %swap3A_728 = tpu.vector_load %arg11[%swap3A_726, %swap3A_727] {strides = array<i32>} : memref<32x128xf32, #tpu.memory_space<vmem>>, vector<1x16xf32>,
    %swap3A_729 = vector.shape_cast %swap3A_728 : vector<1x16xf32> to vector<16xf32>
    %swap3A_730 = vector.shape_cast %broadcast_in_dim3A_5 : vector<16xf32> to vector<1x16xf32>
    tpu.vector_store %arg11[%swap3A_726, %swap3A_727], %swap3A_730 {strides = array<i32>} : memref<32x128xf32, #tpu.memory_space<vmem>>, vector<1x16xf32>,
    %swap3A_731 = arith.constant 15 : i32
    %swap3A_732 = arith.index_cast %swap3A_731 : i32 to index
    %swap3A_733 = arith.constant 16 : index
    %swap3A_734 = tpu.vector_load %arg11[%swap3A_732, %swap3A_733] {strides = array<i32>} : memref<32x128xf32, #tpu.memory_space<vmem>>, vector<1x16xf32>,
    %swap3A_735 = vector.shape_cast %swap3A_734 : vector<1x16xf32> to vector<16xf32>
    %swap3A_736 = vector.shape_cast %broadcast_in_dim3A_5 : vector<16xf32> to vector<1x16xf32>
    tpu.vector_store %arg11[%swap3A_732, %swap3A_733], %swap3A_736 {strides = array<i32>} : memref<32x128xf32, #tpu.memory_space<vmem>>, vector<1x16xf32>,
    %swap3A_737 = arith.constant 15 : i32
    %swap3A_738 = arith.index_cast %swap3A_737 : i32 to index
    %swap3A_739 = arith.constant 32 : index
    %swap3A_740 = tpu.vector_load %arg11[%swap3A_738, %swap3A_739] {strides = array<i32>} : memref<32x128xf32, #tpu.memory_space<vmem>>, vector<1x16xf32>,
    %swap3A_741 = vector.shape_cast %swap3A_740 : vector<1x16xf32> to vector<16xf32>
    %swap3A_742 = vector.shape_cast %broadcast_in_dim3A_5 : vector<16xf32> to vector<1x16xf32>
    tpu.vector_store %arg11[%swap3A_738, %swap3A_739], %swap3A_742 {strides = array<i32>} : memref<32x128xf32, #tpu.memory_space<vmem>>, vector<1x16xf32>,
    %swap3A_743 = arith.constant 15 : i32
    %swap3A_744 = arith.index_cast %swap3A_743 : i32 to index
    %swap3A_745 = arith.constant 48 : index
    %swap3A_746 = tpu.vector_load %arg11[%swap3A_744, %swap3A_745] {strides = array<i32>} : memref<32x128xf32, #tpu.memory_space<vmem>>, vector<1x16xf32>,
    %swap3A_747 = vector.shape_cast %swap3A_746 : vector<1x16xf32> to vector<16xf32>
    %swap3A_748 = vector.shape_cast %broadcast_in_dim3A_5 : vector<16xf32> to vector<1x16xf32>
    tpu.vector_store %arg11[%swap3A_744, %swap3A_745], %swap3A_748 {strides = array<i32>} : memref<32x128xf32, #tpu.memory_space<vmem>>, vector<1x16xf32>,
    %swap3A_749 = arith.constant 15 : i32
    %swap3A_750 = arith.index_cast %swap3A_749 : i32 to index
    %swap3A_751 = arith.constant 64 : index
    %swap3A_752 = tpu.vector_load %arg11[%swap3A_750, %swap3A_751] {strides = array<i32>} : memref<32x128xf32, #tpu.memory_space<vmem>>, vector<1x16xf32>,
    %swap3A_753 = vector.shape_cast %swap3A_752 : vector<1x16xf32> to vector<16xf32>
    %swap3A_754 = vector.shape_cast %broadcast_in_dim3A_5 : vector<16xf32> to vector<1x16xf32>
    tpu.vector_store %arg11[%swap3A_750, %swap3A_751], %swap3A_754 {strides = array<i32>} : memref<32x128xf32, #tpu.memory_space<vmem>>, vector<1x16xf32>,
    %swap3A_755 = arith.constant 15 : i32
    %swap3A_756 = arith.index_cast %swap3A_755 : i32 to index
    %swap3A_757 = arith.constant 80 : index
    %swap3A_758 = tpu.vector_load %arg11[%swap3A_756, %swap3A_757] {strides = array<i32>} : memref<32x128xf32, #tpu.memory_space<vmem>>, vector<1x16xf32>,
    %swap3A_759 = vector.shape_cast %swap3A_758 : vector<1x16xf32> to vector<16xf32>
    %swap3A_760 = vector.shape_cast %broadcast_in_dim3A_5 : vector<16xf32> to vector<1x16xf32>
    tpu.vector_store %arg11[%swap3A_756, %swap3A_757], %swap3A_760 {strides = array<i32>} : memref<32x128xf32, #tpu.memory_space<vmem>>, vector<1x16xf32>,
    %swap3A_761 = arith.constant 15 : i32
    %swap3A_762 = arith.index_cast %swap3A_761 : i32 to index
    %swap3A_763 = arith.constant 96 : index
    %swap3A_764 = tpu.vector_load %arg11[%swap3A_762, %swap3A_763] {strides = array<i32>} : memref<32x128xf32, #tpu.memory_space<vmem>>, vector<1x16xf32>,
    %swap3A_765 = vector.shape_cast %swap3A_764 : vector<1x16xf32> to vector<16xf32>
    %swap3A_766 = vector.shape_cast %broadcast_in_dim3A_5 : vector<16xf32> to vector<1x16xf32>
    tpu.vector_store %arg11[%swap3A_762, %swap3A_763], %swap3A_766 {strides = array<i32>} : memref<32x128xf32, #tpu.memory_space<vmem>>, vector<1x16xf32>,
    %swap3A_767 = arith.constant 15 : i32
    %swap3A_768 = arith.index_cast %swap3A_767 : i32 to index
    %swap3A_769 = arith.constant 112 : index
    %swap3A_770 = tpu.vector_load %arg11[%swap3A_768, %swap3A_769] {strides = array<i32>} : memref<32x128xf32, #tpu.memory_space<vmem>>, vector<1x16xf32>,
    %swap3A_771 = vector.shape_cast %swap3A_770 : vector<1x16xf32> to vector<16xf32>
    %swap3A_772 = vector.shape_cast %broadcast_in_dim3A_5 : vector<16xf32> to vector<1x16xf32>
    tpu.vector_store %arg11[%swap3A_768, %swap3A_769], %swap3A_772 {strides = array<i32>} : memref<32x128xf32, #tpu.memory_space<vmem>>, vector<1x16xf32>,
    %swap3A_773 = arith.constant 16 : i32
    %swap3A_774 = arith.index_cast %swap3A_773 : i32 to index
    %swap3A_775 = arith.constant 0 : index
    %swap3A_776 = tpu.vector_load %arg11[%swap3A_774, %swap3A_775] {strides = array<i32>} : memref<32x128xf32, #tpu.memory_space<vmem>>, vector<1x16xf32>,
    %swap3A_777 = vector.shape_cast %swap3A_776 : vector<1x16xf32> to vector<16xf32>
    %swap3A_778 = vector.shape_cast %broadcast_in_dim3A_5 : vector<16xf32> to vector<1x16xf32>
    tpu.vector_store %arg11[%swap3A_774, %swap3A_775], %swap3A_778 {strides = array<i32>} : memref<32x128xf32, #tpu.memory_space<vmem>>, vector<1x16xf32>,
    %swap3A_779 = arith.constant 16 : i32
    %swap3A_780 = arith.index_cast %swap3A_779 : i32 to index
    %swap3A_781 = arith.constant 16 : index
    %swap3A_782 = tpu.vector_load %arg11[%swap3A_780, %swap3A_781] {strides = array<i32>} : memref<32x128xf32, #tpu.memory_space<vmem>>, vector<1x16xf32>,
    %swap3A_783 = vector.shape_cast %swap3A_782 : vector<1x16xf32> to vector<16xf32>
    %swap3A_784 = vector.shape_cast %broadcast_in_dim3A_5 : vector<16xf32> to vector<1x16xf32>
    tpu.vector_store %arg11[%swap3A_780, %swap3A_781], %swap3A_784 {strides = array<i32>} : memref<32x128xf32, #tpu.memory_space<vmem>>, vector<1x16xf32>,
    %swap3A_785 = arith.constant 16 : i32
    %swap3A_786 = arith.index_cast %swap3A_785 : i32 to index
    %swap3A_787 = arith.constant 32 : index
    %swap3A_788 = tpu.vector_load %arg11[%swap3A_786, %swap3A_787] {strides = array<i32>} : memref<32x128xf32, #tpu.memory_space<vmem>>, vector<1x16xf32>,
    %swap3A_789 = vector.shape_cast %swap3A_788 : vector<1x16xf32> to vector<16xf32>
    %swap3A_790 = vector.shape_cast %broadcast_in_dim3A_5 : vector<16xf32> to vector<1x16xf32>
    tpu.vector_store %arg11[%swap3A_786, %swap3A_787], %swap3A_790 {strides = array<i32>} : memref<32x128xf32, #tpu.memory_space<vmem>>, vector<1x16xf32>,
    %swap3A_791 = arith.constant 16 : i32
    %swap3A_792 = arith.index_cast %swap3A_791 : i32 to index
    %swap3A_793 = arith.constant 48 : index
    %swap3A_794 = tpu.vector_load %arg11[%swap3A_792, %swap3A_793] {strides = array<i32>} : memref<32x128xf32, #tpu.memory_space<vmem>>, vector<1x16xf32>,
    %swap3A_795 = vector.shape_cast %swap3A_794 : vector<1x16xf32> to vector<16xf32>
    %swap3A_796 = vector.shape_cast %broadcast_in_dim3A_5 : vector<16xf32> to vector<1x16xf32>
    tpu.vector_store %arg11[%swap3A_792, %swap3A_793], %swap3A_796 {strides = array<i32>} : memref<32x128xf32, #tpu.memory_space<vmem>>, vector<1x16xf32>,
    %swap3A_797 = arith.constant 16 : i32
    %swap3A_798 = arith.index_cast %swap3A_797 : i32 to index
    %swap3A_799 = arith.constant 64 : index
    %swap3A_800 = tpu.vector_load %arg11[%swap3A_798, %swap3A_799] {strides = array<i32>} : memref<32x128xf32, #tpu.memory_space<vmem>>, vector<1x16xf32>,
    %swap3A_801 = vector.shape_cast %swap3A_800 : vector<1x16xf32> to vector<16xf32>
    %swap3A_802 = vector.shape_cast %broadcast_in_dim3A_5 : vector<16xf32> to vector<1x16xf32>
    tpu.vector_store %arg11[%swap3A_798, %swap3A_799], %swap3A_802 {strides = array<i32>} : memref<32x128xf32, #tpu.memory_space<vmem>>, vector<1x16xf32>,
    %swap3A_803 = arith.constant 16 : i32
    %swap3A_804 = arith.index_cast %swap3A_803 : i32 to index
    %swap3A_805 = arith.constant 80 : index
    %swap3A_806 = tpu.vector_load %arg11[%swap3A_804, %swap3A_805] {strides = array<i32>} : memref<32x128xf32, #tpu.memory_space<vmem>>, vector<1x16xf32>,
    %swap3A_807 = vector.shape_cast %swap3A_806 : vector<1x16xf32> to vector<16xf32>
    %swap3A_808 = vector.shape_cast %broadcast_in_dim3A_5 : vector<16xf32> to vector<1x16xf32>
    tpu.vector_store %arg11[%swap3A_804, %swap3A_805], %swap3A_808 {strides = array<i32>} : memref<32x128xf32, #tpu.memory_space<vmem>>, vector<1x16xf32>,
    %swap3A_809 = arith.constant 16 : i32
    %swap3A_810 = arith.index_cast %swap3A_809 : i32 to index
    %swap3A_811 = arith.constant 96 : index
    %swap3A_812 = tpu.vector_load %arg11[%swap3A_810, %swap3A_811] {strides = array<i32>} : memref<32x128xf32, #tpu.memory_space<vmem>>, vector<1x16xf32>,
    %swap3A_813 = vector.shape_cast %swap3A_812 : vector<1x16xf32> to vector<16xf32>
    %swap3A_814 = vector.shape_cast %broadcast_in_dim3A_5 : vector<16xf32> to vector<1x16xf32>
    tpu.vector_store %arg11[%swap3A_810, %swap3A_811], %swap3A_814 {strides = array<i32>} : memref<32x128xf32, #tpu.memory_space<vmem>>, vector<1x16xf32>,
    %swap3A_815 = arith.constant 16 : i32
    %swap3A_816 = arith.index_cast %swap3A_815 : i32 to index
    %swap3A_817 = arith.constant 112 : index
    %swap3A_818 = tpu.vector_load %arg11[%swap3A_816, %swap3A_817] {strides = array<i32>} : memref<32x128xf32, #tpu.memory_space<vmem>>, vector<1x16xf32>,
    %swap3A_819 = vector.shape_cast %swap3A_818 : vector<1x16xf32> to vector<16xf32>
    %swap3A_820 = vector.shape_cast %broadcast_in_dim3A_5 : vector<16xf32> to vector<1x16xf32>
    tpu.vector_store %arg11[%swap3A_816, %swap3A_817], %swap3A_820 {strides = array<i32>} : memref<32x128xf32, #tpu.memory_space<vmem>>, vector<1x16xf32>,
    %swap3A_821 = arith.constant 17 : i32
    %swap3A_822 = arith.index_cast %swap3A_821 : i32 to index
    %swap3A_823 = arith.constant 0 : index
    %swap3A_824 = tpu.vector_load %arg11[%swap3A_822, %swap3A_823] {strides = array<i32>} : memref<32x128xf32, #tpu.memory_space<vmem>>, vector<1x16xf32>,
    %swap3A_825 = vector.shape_cast %swap3A_824 : vector<1x16xf32> to vector<16xf32>
    %swap3A_826 = vector.shape_cast %broadcast_in_dim3A_5 : vector<16xf32> to vector<1x16xf32>
    tpu.vector_store %arg11[%swap3A_822, %swap3A_823], %swap3A_826 {strides = array<i32>} : memref<32x128xf32, #tpu.memory_space<vmem>>, vector<1x16xf32>,
    %swap3A_827 = arith.constant 17 : i32
    %swap3A_828 = arith.index_cast %swap3A_827 : i32 to index
    %swap3A_829 = arith.constant 16 : index
    %swap3A_830 = tpu.vector_load %arg11[%swap3A_828, %swap3A_829] {strides = array<i32>} : memref<32x128xf32, #tpu.memory_space<vmem>>, vector<1x16xf32>,
    %swap3A_831 = vector.shape_cast %swap3A_830 : vector<1x16xf32> to vector<16xf32>
    %swap3A_832 = vector.shape_cast %broadcast_in_dim3A_5 : vector<16xf32> to vector<1x16xf32>
    tpu.vector_store %arg11[%swap3A_828, %swap3A_829], %swap3A_832 {strides = array<i32>} : memref<32x128xf32, #tpu.memory_space<vmem>>, vector<1x16xf32>,
    %swap3A_833 = arith.constant 17 : i32
    %swap3A_834 = arith.index_cast %swap3A_833 : i32 to index
    %swap3A_835 = arith.constant 32 : index
    %swap3A_836 = tpu.vector_load %arg11[%swap3A_834, %swap3A_835] {strides = array<i32>} : memref<32x128xf32, #tpu.memory_space<vmem>>, vector<1x16xf32>,
    %swap3A_837 = vector.shape_cast %swap3A_836 : vector<1x16xf32> to vector<16xf32>
    %swap3A_838 = vector.shape_cast %broadcast_in_dim3A_5 : vector<16xf32> to vector<1x16xf32>
    tpu.vector_store %arg11[%swap3A_834, %swap3A_835], %swap3A_838 {strides = array<i32>} : memref<32x128xf32, #tpu.memory_space<vmem>>, vector<1x16xf32>,
    %swap3A_839 = arith.constant 17 : i32
    %swap3A_840 = arith.index_cast %swap3A_839 : i32 to index
    %swap3A_841 = arith.constant 48 : index
    %swap3A_842 = tpu.vector_load %arg11[%swap3A_840, %swap3A_841] {strides = array<i32>} : memref<32x128xf32, #tpu.memory_space<vmem>>, vector<1x16xf32>,
    %swap3A_843 = vector.shape_cast %swap3A_842 : vector<1x16xf32> to vector<16xf32>
    %swap3A_844 = vector.shape_cast %broadcast_in_dim3A_5 : vector<16xf32> to vector<1x16xf32>
    tpu.vector_store %arg11[%swap3A_840, %swap3A_841], %swap3A_844 {strides = array<i32>} : memref<32x128xf32, #tpu.memory_space<vmem>>, vector<1x16xf32>,
    %swap3A_845 = arith.constant 17 : i32
    %swap3A_846 = arith.index_cast %swap3A_845 : i32 to index
    %swap3A_847 = arith.constant 64 : index
    %swap3A_848 = tpu.vector_load %arg11[%swap3A_846, %swap3A_847] {strides = array<i32>} : memref<32x128xf32, #tpu.memory_space<vmem>>, vector<1x16xf32>,
    %swap3A_849 = vector.shape_cast %swap3A_848 : vector<1x16xf32> to vector<16xf32>
    %swap3A_850 = vector.shape_cast %broadcast_in_dim3A_5 : vector<16xf32> to vector<1x16xf32>
    tpu.vector_store %arg11[%swap3A_846, %swap3A_847], %swap3A_850 {strides = array<i32>} : memref<32x128xf32, #tpu.memory_space<vmem>>, vector<1x16xf32>,
    %swap3A_851 = arith.constant 17 : i32
    %swap3A_852 = arith.index_cast %swap3A_851 : i32 to index
    %swap3A_853 = arith.constant 80 : index
    %swap3A_854 = tpu.vector_load %arg11[%swap3A_852, %swap3A_853] {strides = array<i32>} : memref<32x128xf32, #tpu.memory_space<vmem>>, vector<1x16xf32>,
    %swap3A_855 = vector.shape_cast %swap3A_854 : vector<1x16xf32> to vector<16xf32>
    %swap3A_856 = vector.shape_cast %broadcast_in_dim3A_5 : vector<16xf32> to vector<1x16xf32>
    tpu.vector_store %arg11[%swap3A_852, %swap3A_853], %swap3A_856 {strides = array<i32>} : memref<32x128xf32, #tpu.memory_space<vmem>>, vector<1x16xf32>,
    %swap3A_857 = arith.constant 17 : i32
    %swap3A_858 = arith.index_cast %swap3A_857 : i32 to index
    %swap3A_859 = arith.constant 96 : index
    %swap3A_860 = tpu.vector_load %arg11[%swap3A_858, %swap3A_859] {strides = array<i32>} : memref<32x128xf32, #tpu.memory_space<vmem>>, vector<1x16xf32>,
    %swap3A_861 = vector.shape_cast %swap3A_860 : vector<1x16xf32> to vector<16xf32>
    %swap3A_862 = vector.shape_cast %broadcast_in_dim3A_5 : vector<16xf32> to vector<1x16xf32>
    tpu.vector_store %arg11[%swap3A_858, %swap3A_859], %swap3A_862 {strides = array<i32>} : memref<32x128xf32, #tpu.memory_space<vmem>>, vector<1x16xf32>,
    %swap3A_863 = arith.constant 17 : i32
    %swap3A_864 = arith.index_cast %swap3A_863 : i32 to index
    %swap3A_865 = arith.constant 112 : index
    %swap3A_866 = tpu.vector_load %arg11[%swap3A_864, %swap3A_865] {strides = array<i32>} : memref<32x128xf32, #tpu.memory_space<vmem>>, vector<1x16xf32>,
    %swap3A_867 = vector.shape_cast %swap3A_866 : vector<1x16xf32> to vector<16xf32>
    %swap3A_868 = vector.shape_cast %broadcast_in_dim3A_5 : vector<16xf32> to vector<1x16xf32>
    tpu.vector_store %arg11[%swap3A_864, %swap3A_865], %swap3A_868 {strides = array<i32>} : memref<32x128xf32, #tpu.memory_space<vmem>>, vector<1x16xf32>,
    %swap3A_869 = arith.constant 18 : i32
    %swap3A_870 = arith.index_cast %swap3A_869 : i32 to index
    %swap3A_871 = arith.constant 0 : index
    %swap3A_872 = tpu.vector_load %arg11[%swap3A_870, %swap3A_871] {strides = array<i32>} : memref<32x128xf32, #tpu.memory_space<vmem>>, vector<1x16xf32>,
    %swap3A_873 = vector.shape_cast %swap3A_872 : vector<1x16xf32> to vector<16xf32>
    %swap3A_874 = vector.shape_cast %broadcast_in_dim3A_5 : vector<16xf32> to vector<1x16xf32>
    tpu.vector_store %arg11[%swap3A_870, %swap3A_871], %swap3A_874 {strides = array<i32>} : memref<32x128xf32, #tpu.memory_space<vmem>>, vector<1x16xf32>,
    %swap3A_875 = arith.constant 18 : i32
    %swap3A_876 = arith.index_cast %swap3A_875 : i32 to index
    %swap3A_877 = arith.constant 16 : index
    %swap3A_878 = tpu.vector_load %arg11[%swap3A_876, %swap3A_877] {strides = array<i32>} : memref<32x128xf32, #tpu.memory_space<vmem>>, vector<1x16xf32>,
    %swap3A_879 = vector.shape_cast %swap3A_878 : vector<1x16xf32> to vector<16xf32>
    %swap3A_880 = vector.shape_cast %broadcast_in_dim3A_5 : vector<16xf32> to vector<1x16xf32>
    tpu.vector_store %arg11[%swap3A_876, %swap3A_877], %swap3A_880 {strides = array<i32>} : memref<32x128xf32, #tpu.memory_space<vmem>>, vector<1x16xf32>,
    %swap3A_881 = arith.constant 18 : i32
    %swap3A_882 = arith.index_cast %swap3A_881 : i32 to index
    %swap3A_883 = arith.constant 32 : index
    %swap3A_884 = tpu.vector_load %arg11[%swap3A_882, %swap3A_883] {strides = array<i32>} : memref<32x128xf32, #tpu.memory_space<vmem>>, vector<1x16xf32>,
    %swap3A_885 = vector.shape_cast %swap3A_884 : vector<1x16xf32> to vector<16xf32>
    %swap3A_886 = vector.shape_cast %broadcast_in_dim3A_5 : vector<16xf32> to vector<1x16xf32>
    tpu.vector_store %arg11[%swap3A_882, %swap3A_883], %swap3A_886 {strides = array<i32>} : memref<32x128xf32, #tpu.memory_space<vmem>>, vector<1x16xf32>,
    %swap3A_887 = arith.constant 18 : i32
    %swap3A_888 = arith.index_cast %swap3A_887 : i32 to index
    %swap3A_889 = arith.constant 48 : index
    %swap3A_890 = tpu.vector_load %arg11[%swap3A_888, %swap3A_889] {strides = array<i32>} : memref<32x128xf32, #tpu.memory_space<vmem>>, vector<1x16xf32>,
    %swap3A_891 = vector.shape_cast %swap3A_890 : vector<1x16xf32> to vector<16xf32>
    %swap3A_892 = vector.shape_cast %broadcast_in_dim3A_5 : vector<16xf32> to vector<1x16xf32>
    tpu.vector_store %arg11[%swap3A_888, %swap3A_889], %swap3A_892 {strides = array<i32>} : memref<32x128xf32, #tpu.memory_space<vmem>>, vector<1x16xf32>,
    %swap3A_893 = arith.constant 18 : i32
    %swap3A_894 = arith.index_cast %swap3A_893 : i32 to index
    %swap3A_895 = arith.constant 64 : index
    %swap3A_896 = tpu.vector_load %arg11[%swap3A_894, %swap3A_895] {strides = array<i32>} : memref<32x128xf32, #tpu.memory_space<vmem>>, vector<1x16xf32>,
    %swap3A_897 = vector.shape_cast %swap3A_896 : vector<1x16xf32> to vector<16xf32>
    %swap3A_898 = vector.shape_cast %broadcast_in_dim3A_5 : vector<16xf32> to vector<1x16xf32>
    tpu.vector_store %arg11[%swap3A_894, %swap3A_895], %swap3A_898 {strides = array<i32>} : memref<32x128xf32, #tpu.memory_space<vmem>>, vector<1x16xf32>,
    %swap3A_899 = arith.constant 18 : i32
    %swap3A_900 = arith.index_cast %swap3A_899 : i32 to index
    %swap3A_901 = arith.constant 80 : index
    %swap3A_902 = tpu.vector_load %arg11[%swap3A_900, %swap3A_901] {strides = array<i32>} : memref<32x128xf32, #tpu.memory_space<vmem>>, vector<1x16xf32>,
    %swap3A_903 = vector.shape_cast %swap3A_902 : vector<1x16xf32> to vector<16xf32>
    %swap3A_904 = vector.shape_cast %broadcast_in_dim3A_5 : vector<16xf32> to vector<1x16xf32>
    tpu.vector_store %arg11[%swap3A_900, %swap3A_901], %swap3A_904 {strides = array<i32>} : memref<32x128xf32, #tpu.memory_space<vmem>>, vector<1x16xf32>,
    %swap3A_905 = arith.constant 18 : i32
    %swap3A_906 = arith.index_cast %swap3A_905 : i32 to index
    %swap3A_907 = arith.constant 96 : index
    %swap3A_908 = tpu.vector_load %arg11[%swap3A_906, %swap3A_907] {strides = array<i32>} : memref<32x128xf32, #tpu.memory_space<vmem>>, vector<1x16xf32>,
    %swap3A_909 = vector.shape_cast %swap3A_908 : vector<1x16xf32> to vector<16xf32>
    %swap3A_910 = vector.shape_cast %broadcast_in_dim3A_5 : vector<16xf32> to vector<1x16xf32>
    tpu.vector_store %arg11[%swap3A_906, %swap3A_907], %swap3A_910 {strides = array<i32>} : memref<32x128xf32, #tpu.memory_space<vmem>>, vector<1x16xf32>,
    %swap3A_911 = arith.constant 18 : i32
    %swap3A_912 = arith.index_cast %swap3A_911 : i32 to index
    %swap3A_913 = arith.constant 112 : index
    %swap3A_914 = tpu.vector_load %arg11[%swap3A_912, %swap3A_913] {strides = array<i32>} : memref<32x128xf32, #tpu.memory_space<vmem>>, vector<1x16xf32>,
    %swap3A_915 = vector.shape_cast %swap3A_914 : vector<1x16xf32> to vector<16xf32>
    %swap3A_916 = vector.shape_cast %broadcast_in_dim3A_5 : vector<16xf32> to vector<1x16xf32>
    tpu.vector_store %arg11[%swap3A_912, %swap3A_913], %swap3A_916 {strides = array<i32>} : memref<32x128xf32, #tpu.memory_space<vmem>>, vector<1x16xf32>,
    %swap3A_917 = arith.constant 19 : i32
    %swap3A_918 = arith.index_cast %swap3A_917 : i32 to index
    %swap3A_919 = arith.constant 0 : index
    %swap3A_920 = tpu.vector_load %arg11[%swap3A_918, %swap3A_919] {strides = array<i32>} : memref<32x128xf32, #tpu.memory_space<vmem>>, vector<1x16xf32>,
    %swap3A_921 = vector.shape_cast %swap3A_920 : vector<1x16xf32> to vector<16xf32>
    %swap3A_922 = vector.shape_cast %broadcast_in_dim3A_5 : vector<16xf32> to vector<1x16xf32>
    tpu.vector_store %arg11[%swap3A_918, %swap3A_919], %swap3A_922 {strides = array<i32>} : memref<32x128xf32, #tpu.memory_space<vmem>>, vector<1x16xf32>,
    %swap3A_923 = arith.constant 19 : i32
    %swap3A_924 = arith.index_cast %swap3A_923 : i32 to index
    %swap3A_925 = arith.constant 16 : index
    %swap3A_926 = tpu.vector_load %arg11[%swap3A_924, %swap3A_925] {strides = array<i32>} : memref<32x128xf32, #tpu.memory_space<vmem>>, vector<1x16xf32>,
    %swap3A_927 = vector.shape_cast %swap3A_926 : vector<1x16xf32> to vector<16xf32>
    %swap3A_928 = vector.shape_cast %broadcast_in_dim3A_5 : vector<16xf32> to vector<1x16xf32>
    tpu.vector_store %arg11[%swap3A_924, %swap3A_925], %swap3A_928 {strides = array<i32>} : memref<32x128xf32, #tpu.memory_space<vmem>>, vector<1x16xf32>,
    %swap3A_929 = arith.constant 19 : i32
    %swap3A_930 = arith.index_cast %swap3A_929 : i32 to index
    %swap3A_931 = arith.constant 32 : index
    %swap3A_932 = tpu.vector_load %arg11[%swap3A_930, %swap3A_931] {strides = array<i32>} : memref<32x128xf32, #tpu.memory_space<vmem>>, vector<1x16xf32>,
    %swap3A_933 = vector.shape_cast %swap3A_932 : vector<1x16xf32> to vector<16xf32>
    %swap3A_934 = vector.shape_cast %broadcast_in_dim3A_5 : vector<16xf32> to vector<1x16xf32>
    tpu.vector_store %arg11[%swap3A_930, %swap3A_931], %swap3A_934 {strides = array<i32>} : memref<32x128xf32, #tpu.memory_space<vmem>>, vector<1x16xf32>,
    %swap3A_935 = arith.constant 19 : i32
    %swap3A_936 = arith.index_cast %swap3A_935 : i32 to index
    %swap3A_937 = arith.constant 48 : index
    %swap3A_938 = tpu.vector_load %arg11[%swap3A_936, %swap3A_937] {strides = array<i32>} : memref<32x128xf32, #tpu.memory_space<vmem>>, vector<1x16xf32>,
    %swap3A_939 = vector.shape_cast %swap3A_938 : vector<1x16xf32> to vector<16xf32>
    %swap3A_940 = vector.shape_cast %broadcast_in_dim3A_5 : vector<16xf32> to vector<1x16xf32>
    tpu.vector_store %arg11[%swap3A_936, %swap3A_937], %swap3A_940 {strides = array<i32>} : memref<32x128xf32, #tpu.memory_space<vmem>>, vector<1x16xf32>,
    %swap3A_941 = arith.constant 19 : i32
    %swap3A_942 = arith.index_cast %swap3A_941 : i32 to index
    %swap3A_943 = arith.constant 64 : index
    %swap3A_944 = tpu.vector_load %arg11[%swap3A_942, %swap3A_943] {strides = array<i32>} : memref<32x128xf32, #tpu.memory_space<vmem>>, vector<1x16xf32>,
    %swap3A_945 = vector.shape_cast %swap3A_944 : vector<1x16xf32> to vector<16xf32>
    %swap3A_946 = vector.shape_cast %broadcast_in_dim3A_5 : vector<16xf32> to vector<1x16xf32>
    tpu.vector_store %arg11[%swap3A_942, %swap3A_943], %swap3A_946 {strides = array<i32>} : memref<32x128xf32, #tpu.memory_space<vmem>>, vector<1x16xf32>,
    %swap3A_947 = arith.constant 19 : i32
    %swap3A_948 = arith.index_cast %swap3A_947 : i32 to index
    %swap3A_949 = arith.constant 80 : index
    %swap3A_950 = tpu.vector_load %arg11[%swap3A_948, %swap3A_949] {strides = array<i32>} : memref<32x128xf32, #tpu.memory_space<vmem>>, vector<1x16xf32>,
    %swap3A_951 = vector.shape_cast %swap3A_950 : vector<1x16xf32> to vector<16xf32>
    %swap3A_952 = vector.shape_cast %broadcast_in_dim3A_5 : vector<16xf32> to vector<1x16xf32>
    tpu.vector_store %arg11[%swap3A_948, %swap3A_949], %swap3A_952 {strides = array<i32>} : memref<32x128xf32, #tpu.memory_space<vmem>>, vector<1x16xf32>,
    %swap3A_953 = arith.constant 19 : i32
    %swap3A_954 = arith.index_cast %swap3A_953 : i32 to index
    %swap3A_955 = arith.constant 96 : index
    %swap3A_956 = tpu.vector_load %arg11[%swap3A_954, %swap3A_955] {strides = array<i32>} : memref<32x128xf32, #tpu.memory_space<vmem>>, vector<1x16xf32>,
    %swap3A_957 = vector.shape_cast %swap3A_956 : vector<1x16xf32> to vector<16xf32>
    %swap3A_958 = vector.shape_cast %broadcast_in_dim3A_5 : vector<16xf32> to vector<1x16xf32>
    tpu.vector_store %arg11[%swap3A_954, %swap3A_955], %swap3A_958 {strides = array<i32>} : memref<32x128xf32, #tpu.memory_space<vmem>>, vector<1x16xf32>,
    %swap3A_959 = arith.constant 19 : i32
    %swap3A_960 = arith.index_cast %swap3A_959 : i32 to index
    %swap3A_961 = arith.constant 112 : index
    %swap3A_962 = tpu.vector_load %arg11[%swap3A_960, %swap3A_961] {strides = array<i32>} : memref<32x128xf32, #tpu.memory_space<vmem>>, vector<1x16xf32>,
    %swap3A_963 = vector.shape_cast %swap3A_962 : vector<1x16xf32> to vector<16xf32>
    %swap3A_964 = vector.shape_cast %broadcast_in_dim3A_5 : vector<16xf32> to vector<1x16xf32>
    tpu.vector_store %arg11[%swap3A_960, %swap3A_961], %swap3A_964 {strides = array<i32>} : memref<32x128xf32, #tpu.memory_space<vmem>>, vector<1x16xf32>,
    %swap3A_965 = arith.constant 20 : i32
    %swap3A_966 = arith.index_cast %swap3A_965 : i32 to index
    %swap3A_967 = arith.constant 0 : index
    %swap3A_968 = tpu.vector_load %arg11[%swap3A_966, %swap3A_967] {strides = array<i32>} : memref<32x128xf32, #tpu.memory_space<vmem>>, vector<1x16xf32>,
    %swap3A_969 = vector.shape_cast %swap3A_968 : vector<1x16xf32> to vector<16xf32>
    %swap3A_970 = vector.shape_cast %broadcast_in_dim3A_5 : vector<16xf32> to vector<1x16xf32>
    tpu.vector_store %arg11[%swap3A_966, %swap3A_967], %swap3A_970 {strides = array<i32>} : memref<32x128xf32, #tpu.memory_space<vmem>>, vector<1x16xf32>,
    %swap3A_971 = arith.constant 20 : i32
    %swap3A_972 = arith.index_cast %swap3A_971 : i32 to index
    %swap3A_973 = arith.constant 16 : index
    %swap3A_974 = tpu.vector_load %arg11[%swap3A_972, %swap3A_973] {strides = array<i32>} : memref<32x128xf32, #tpu.memory_space<vmem>>, vector<1x16xf32>,
    %swap3A_975 = vector.shape_cast %swap3A_974 : vector<1x16xf32> to vector<16xf32>
    %swap3A_976 = vector.shape_cast %broadcast_in_dim3A_5 : vector<16xf32> to vector<1x16xf32>
    tpu.vector_store %arg11[%swap3A_972, %swap3A_973], %swap3A_976 {strides = array<i32>} : memref<32x128xf32, #tpu.memory_space<vmem>>, vector<1x16xf32>,
    %swap3A_977 = arith.constant 20 : i32
    %swap3A_978 = arith.index_cast %swap3A_977 : i32 to index
    %swap3A_979 = arith.constant 32 : index
    %swap3A_980 = tpu.vector_load %arg11[%swap3A_978, %swap3A_979] {strides = array<i32>} : memref<32x128xf32, #tpu.memory_space<vmem>>, vector<1x16xf32>,
    %swap3A_981 = vector.shape_cast %swap3A_980 : vector<1x16xf32> to vector<16xf32>
    %swap3A_982 = vector.shape_cast %broadcast_in_dim3A_5 : vector<16xf32> to vector<1x16xf32>
    tpu.vector_store %arg11[%swap3A_978, %swap3A_979], %swap3A_982 {strides = array<i32>} : memref<32x128xf32, #tpu.memory_space<vmem>>, vector<1x16xf32>,
    %swap3A_983 = arith.constant 20 : i32
    %swap3A_984 = arith.index_cast %swap3A_983 : i32 to index
    %swap3A_985 = arith.constant 48 : index
    %swap3A_986 = tpu.vector_load %arg11[%swap3A_984, %swap3A_985] {strides = array<i32>} : memref<32x128xf32, #tpu.memory_space<vmem>>, vector<1x16xf32>,
    %swap3A_987 = vector.shape_cast %swap3A_986 : vector<1x16xf32> to vector<16xf32>
    %swap3A_988 = vector.shape_cast %broadcast_in_dim3A_5 : vector<16xf32> to vector<1x16xf32>
    tpu.vector_store %arg11[%swap3A_984, %swap3A_985], %swap3A_988 {strides = array<i32>} : memref<32x128xf32, #tpu.memory_space<vmem>>, vector<1x16xf32>,
    %swap3A_989 = arith.constant 20 : i32
    %swap3A_990 = arith.index_cast %swap3A_989 : i32 to index
    %swap3A_991 = arith.constant 64 : index
    %swap3A_992 = tpu.vector_load %arg11[%swap3A_990, %swap3A_991] {strides = array<i32>} : memref<32x128xf32, #tpu.memory_space<vmem>>, vector<1x16xf32>,
    %swap3A_993 = vector.shape_cast %swap3A_992 : vector<1x16xf32> to vector<16xf32>
    %swap3A_994 = vector.shape_cast %broadcast_in_dim3A_5 : vector<16xf32> to vector<1x16xf32>
    tpu.vector_store %arg11[%swap3A_990, %swap3A_991], %swap3A_994 {strides = array<i32>} : memref<32x128xf32, #tpu.memory_space<vmem>>, vector<1x16xf32>,
    %swap3A_995 = arith.constant 20 : i32
    %swap3A_996 = arith.index_cast %swap3A_995 : i32 to index
    %swap3A_997 = arith.constant 80 : index
    %swap3A_998 = tpu.vector_load %arg11[%swap3A_996, %swap3A_997] {strides = array<i32>} : memref<32x128xf32, #tpu.memory_space<vmem>>, vector<1x16xf32>,
    %swap3A_999 = vector.shape_cast %swap3A_998 : vector<1x16xf32> to vector<16xf32>
    %swap3A_1000 = vector.shape_cast %broadcast_in_dim3A_5 : vector<16xf32> to vector<1x16xf32>
    tpu.vector_store %arg11[%swap3A_996, %swap3A_997], %swap3A_1000 {strides = array<i32>} : memref<32x128xf32, #tpu.memory_space<vmem>>, vector<1x16xf32>,
    %swap3A_1001 = arith.constant 20 : i32
    %swap3A_1002 = arith.index_cast %swap3A_1001 : i32 to index
    %swap3A_1003 = arith.constant 96 : index
    %swap3A_1004 = tpu.vector_load %arg11[%swap3A_1002, %swap3A_1003] {strides = array<i32>} : memref<32x128xf32, #tpu.memory_space<vmem>>, vector<1x16xf32>,
    %swap3A_1005 = vector.shape_cast %swap3A_1004 : vector<1x16xf32> to vector<16xf32>
    %swap3A_1006 = vector.shape_cast %broadcast_in_dim3A_5 : vector<16xf32> to vector<1x16xf32>
    tpu.vector_store %arg11[%swap3A_1002, %swap3A_1003], %swap3A_1006 {strides = array<i32>} : memref<32x128xf32, #tpu.memory_space<vmem>>, vector<1x16xf32>,
    %swap3A_1007 = arith.constant 20 : i32
    %swap3A_1008 = arith.index_cast %swap3A_1007 : i32 to index
    %swap3A_1009 = arith.constant 112 : index
    %swap3A_1010 = tpu.vector_load %arg11[%swap3A_1008, %swap3A_1009] {strides = array<i32>} : memref<32x128xf32, #tpu.memory_space<vmem>>, vector<1x16xf32>,
    %swap3A_1011 = vector.shape_cast %swap3A_1010 : vector<1x16xf32> to vector<16xf32>
    %swap3A_1012 = vector.shape_cast %broadcast_in_dim3A_5 : vector<16xf32> to vector<1x16xf32>
    tpu.vector_store %arg11[%swap3A_1008, %swap3A_1009], %swap3A_1012 {strides = array<i32>} : memref<32x128xf32, #tpu.memory_space<vmem>>, vector<1x16xf32>,
    %swap3A_1013 = arith.constant 21 : i32
    %swap3A_1014 = arith.index_cast %swap3A_1013 : i32 to index
    %swap3A_1015 = arith.constant 0 : index
    %swap3A_1016 = tpu.vector_load %arg11[%swap3A_1014, %swap3A_1015] {strides = array<i32>} : memref<32x128xf32, #tpu.memory_space<vmem>>, vector<1x16xf32>,
    %swap3A_1017 = vector.shape_cast %swap3A_1016 : vector<1x16xf32> to vector<16xf32>
    %swap3A_1018 = vector.shape_cast %broadcast_in_dim3A_5 : vector<16xf32> to vector<1x16xf32>
    tpu.vector_store %arg11[%swap3A_1014, %swap3A_1015], %swap3A_1018 {strides = array<i32>} : memref<32x128xf32, #tpu.memory_space<vmem>>, vector<1x16xf32>,
    %swap3A_1019 = arith.constant 21 : i32
    %swap3A_1020 = arith.index_cast %swap3A_1019 : i32 to index
    %swap3A_1021 = arith.constant 16 : index
    %swap3A_1022 = tpu.vector_load %arg11[%swap3A_1020, %swap3A_1021] {strides = array<i32>} : memref<32x128xf32, #tpu.memory_space<vmem>>, vector<1x16xf32>,
    %swap3A_1023 = vector.shape_cast %swap3A_1022 : vector<1x16xf32> to vector<16xf32>
    %swap3A_1024 = vector.shape_cast %broadcast_in_dim3A_5 : vector<16xf32> to vector<1x16xf32>
    tpu.vector_store %arg11[%swap3A_1020, %swap3A_1021], %swap3A_1024 {strides = array<i32>} : memref<32x128xf32, #tpu.memory_space<vmem>>, vector<1x16xf32>,
    %swap3A_1025 = arith.constant 21 : i32
    %swap3A_1026 = arith.index_cast %swap3A_1025 : i32 to index
    %swap3A_1027 = arith.constant 32 : index
    %swap3A_1028 = tpu.vector_load %arg11[%swap3A_1026, %swap3A_1027] {strides = array<i32>} : memref<32x128xf32, #tpu.memory_space<vmem>>, vector<1x16xf32>,
    %swap3A_1029 = vector.shape_cast %swap3A_1028 : vector<1x16xf32> to vector<16xf32>
    %swap3A_1030 = vector.shape_cast %broadcast_in_dim3A_5 : vector<16xf32> to vector<1x16xf32>
    tpu.vector_store %arg11[%swap3A_1026, %swap3A_1027], %swap3A_1030 {strides = array<i32>} : memref<32x128xf32, #tpu.memory_space<vmem>>, vector<1x16xf32>,
    %swap3A_1031 = arith.constant 21 : i32
    %swap3A_1032 = arith.index_cast %swap3A_1031 : i32 to index
    %swap3A_1033 = arith.constant 48 : index
    %swap3A_1034 = tpu.vector_load %arg11[%swap3A_1032, %swap3A_1033] {strides = array<i32>} : memref<32x128xf32, #tpu.memory_space<vmem>>, vector<1x16xf32>,
    %swap3A_1035 = vector.shape_cast %swap3A_1034 : vector<1x16xf32> to vector<16xf32>
    %swap3A_1036 = vector.shape_cast %broadcast_in_dim3A_5 : vector<16xf32> to vector<1x16xf32>
    tpu.vector_store %arg11[%swap3A_1032, %swap3A_1033], %swap3A_1036 {strides = array<i32>} : memref<32x128xf32, #tpu.memory_space<vmem>>, vector<1x16xf32>,
    %swap3A_1037 = arith.constant 21 : i32
    %swap3A_1038 = arith.index_cast %swap3A_1037 : i32 to index
    %swap3A_1039 = arith.constant 64 : index
    %swap3A_1040 = tpu.vector_load %arg11[%swap3A_1038, %swap3A_1039] {strides = array<i32>} : memref<32x128xf32, #tpu.memory_space<vmem>>, vector<1x16xf32>,
    %swap3A_1041 = vector.shape_cast %swap3A_1040 : vector<1x16xf32> to vector<16xf32>
    %swap3A_1042 = vector.shape_cast %broadcast_in_dim3A_5 : vector<16xf32> to vector<1x16xf32>
    tpu.vector_store %arg11[%swap3A_1038, %swap3A_1039], %swap3A_1042 {strides = array<i32>} : memref<32x128xf32, #tpu.memory_space<vmem>>, vector<1x16xf32>,
    %swap3A_1043 = arith.constant 21 : i32
    %swap3A_1044 = arith.index_cast %swap3A_1043 : i32 to index
    %swap3A_1045 = arith.constant 80 : index
    %swap3A_1046 = tpu.vector_load %arg11[%swap3A_1044, %swap3A_1045] {strides = array<i32>} : memref<32x128xf32, #tpu.memory_space<vmem>>, vector<1x16xf32>,
    %swap3A_1047 = vector.shape_cast %swap3A_1046 : vector<1x16xf32> to vector<16xf32>
    %swap3A_1048 = vector.shape_cast %broadcast_in_dim3A_5 : vector<16xf32> to vector<1x16xf32>
    tpu.vector_store %arg11[%swap3A_1044, %swap3A_1045], %swap3A_1048 {strides = array<i32>} : memref<32x128xf32, #tpu.memory_space<vmem>>, vector<1x16xf32>,
    %swap3A_1049 = arith.constant 21 : i32
    %swap3A_1050 = arith.index_cast %swap3A_1049 : i32 to index
    %swap3A_1051 = arith.constant 96 : index
    %swap3A_1052 = tpu.vector_load %arg11[%swap3A_1050, %swap3A_1051] {strides = array<i32>} : memref<32x128xf32, #tpu.memory_space<vmem>>, vector<1x16xf32>,
    %swap3A_1053 = vector.shape_cast %swap3A_1052 : vector<1x16xf32> to vector<16xf32>
    %swap3A_1054 = vector.shape_cast %broadcast_in_dim3A_5 : vector<16xf32> to vector<1x16xf32>
    tpu.vector_store %arg11[%swap3A_1050, %swap3A_1051], %swap3A_1054 {strides = array<i32>} : memref<32x128xf32, #tpu.memory_space<vmem>>, vector<1x16xf32>,
    %swap3A_1055 = arith.constant 21 : i32
    %swap3A_1056 = arith.index_cast %swap3A_1055 : i32 to index
    %swap3A_1057 = arith.constant 112 : index
    %swap3A_1058 = tpu.vector_load %arg11[%swap3A_1056, %swap3A_1057] {strides = array<i32>} : memref<32x128xf32, #tpu.memory_space<vmem>>, vector<1x16xf32>,
    %swap3A_1059 = vector.shape_cast %swap3A_1058 : vector<1x16xf32> to vector<16xf32>
    %swap3A_1060 = vector.shape_cast %broadcast_in_dim3A_5 : vector<16xf32> to vector<1x16xf32>
    tpu.vector_store %arg11[%swap3A_1056, %swap3A_1057], %swap3A_1060 {strides = array<i32>} : memref<32x128xf32, #tpu.memory_space<vmem>>, vector<1x16xf32>,
    %swap3A_1061 = arith.constant 22 : i32
    %swap3A_1062 = arith.index_cast %swap3A_1061 : i32 to index
    %swap3A_1063 = arith.constant 0 : index
    %swap3A_1064 = tpu.vector_load %arg11[%swap3A_1062, %swap3A_1063] {strides = array<i32>} : memref<32x128xf32, #tpu.memory_space<vmem>>, vector<1x16xf32>,
    %swap3A_1065 = vector.shape_cast %swap3A_1064 : vector<1x16xf32> to vector<16xf32>
    %swap3A_1066 = vector.shape_cast %broadcast_in_dim3A_5 : vector<16xf32> to vector<1x16xf32>
    tpu.vector_store %arg11[%swap3A_1062, %swap3A_1063], %swap3A_1066 {strides = array<i32>} : memref<32x128xf32, #tpu.memory_space<vmem>>, vector<1x16xf32>,
    %swap3A_1067 = arith.constant 22 : i32
    %swap3A_1068 = arith.index_cast %swap3A_1067 : i32 to index
    %swap3A_1069 = arith.constant 16 : index
    %swap3A_1070 = tpu.vector_load %arg11[%swap3A_1068, %swap3A_1069] {strides = array<i32>} : memref<32x128xf32, #tpu.memory_space<vmem>>, vector<1x16xf32>,
    %swap3A_1071 = vector.shape_cast %swap3A_1070 : vector<1x16xf32> to vector<16xf32>
    %swap3A_1072 = vector.shape_cast %broadcast_in_dim3A_5 : vector<16xf32> to vector<1x16xf32>
    tpu.vector_store %arg11[%swap3A_1068, %swap3A_1069], %swap3A_1072 {strides = array<i32>} : memref<32x128xf32, #tpu.memory_space<vmem>>, vector<1x16xf32>,
    %swap3A_1073 = arith.constant 22 : i32
    %swap3A_1074 = arith.index_cast %swap3A_1073 : i32 to index
    %swap3A_1075 = arith.constant 32 : index
    %swap3A_1076 = tpu.vector_load %arg11[%swap3A_1074, %swap3A_1075] {strides = array<i32>} : memref<32x128xf32, #tpu.memory_space<vmem>>, vector<1x16xf32>,
    %swap3A_1077 = vector.shape_cast %swap3A_1076 : vector<1x16xf32> to vector<16xf32>
    %swap3A_1078 = vector.shape_cast %broadcast_in_dim3A_5 : vector<16xf32> to vector<1x16xf32>
    tpu.vector_store %arg11[%swap3A_1074, %swap3A_1075], %swap3A_1078 {strides = array<i32>} : memref<32x128xf32, #tpu.memory_space<vmem>>, vector<1x16xf32>,
    %swap3A_1079 = arith.constant 22 : i32
    %swap3A_1080 = arith.index_cast %swap3A_1079 : i32 to index
    %swap3A_1081 = arith.constant 48 : index
    %swap3A_1082 = tpu.vector_load %arg11[%swap3A_1080, %swap3A_1081] {strides = array<i32>} : memref<32x128xf32, #tpu.memory_space<vmem>>, vector<1x16xf32>,
    %swap3A_1083 = vector.shape_cast %swap3A_1082 : vector<1x16xf32> to vector<16xf32>
    %swap3A_1084 = vector.shape_cast %broadcast_in_dim3A_5 : vector<16xf32> to vector<1x16xf32>
    tpu.vector_store %arg11[%swap3A_1080, %swap3A_1081], %swap3A_1084 {strides = array<i32>} : memref<32x128xf32, #tpu.memory_space<vmem>>, vector<1x16xf32>,
    %swap3A_1085 = arith.constant 22 : i32
    %swap3A_1086 = arith.index_cast %swap3A_1085 : i32 to index
    %swap3A_1087 = arith.constant 64 : index
    %swap3A_1088 = tpu.vector_load %arg11[%swap3A_1086, %swap3A_1087] {strides = array<i32>} : memref<32x128xf32, #tpu.memory_space<vmem>>, vector<1x16xf32>,
    %swap3A_1089 = vector.shape_cast %swap3A_1088 : vector<1x16xf32> to vector<16xf32>
    %swap3A_1090 = vector.shape_cast %broadcast_in_dim3A_5 : vector<16xf32> to vector<1x16xf32>
    tpu.vector_store %arg11[%swap3A_1086, %swap3A_1087], %swap3A_1090 {strides = array<i32>} : memref<32x128xf32, #tpu.memory_space<vmem>>, vector<1x16xf32>,
    %swap3A_1091 = arith.constant 22 : i32
    %swap3A_1092 = arith.index_cast %swap3A_1091 : i32 to index
    %swap3A_1093 = arith.constant 80 : index
    %swap3A_1094 = tpu.vector_load %arg11[%swap3A_1092, %swap3A_1093] {strides = array<i32>} : memref<32x128xf32, #tpu.memory_space<vmem>>, vector<1x16xf32>,
    %swap3A_1095 = vector.shape_cast %swap3A_1094 : vector<1x16xf32> to vector<16xf32>
    %swap3A_1096 = vector.shape_cast %broadcast_in_dim3A_5 : vector<16xf32> to vector<1x16xf32>
    tpu.vector_store %arg11[%swap3A_1092, %swap3A_1093], %swap3A_1096 {strides = array<i32>} : memref<32x128xf32, #tpu.memory_space<vmem>>, vector<1x16xf32>,
    %swap3A_1097 = arith.constant 22 : i32
    %swap3A_1098 = arith.index_cast %swap3A_1097 : i32 to index
    %swap3A_1099 = arith.constant 96 : index
    %swap3A_1100 = tpu.vector_load %arg11[%swap3A_1098, %swap3A_1099] {strides = array<i32>} : memref<32x128xf32, #tpu.memory_space<vmem>>, vector<1x16xf32>,
    %swap3A_1101 = vector.shape_cast %swap3A_1100 : vector<1x16xf32> to vector<16xf32>
    %swap3A_1102 = vector.shape_cast %broadcast_in_dim3A_5 : vector<16xf32> to vector<1x16xf32>
    tpu.vector_store %arg11[%swap3A_1098, %swap3A_1099], %swap3A_1102 {strides = array<i32>} : memref<32x128xf32, #tpu.memory_space<vmem>>, vector<1x16xf32>,
    %swap3A_1103 = arith.constant 22 : i32
    %swap3A_1104 = arith.index_cast %swap3A_1103 : i32 to index
    %swap3A_1105 = arith.constant 112 : index
    %swap3A_1106 = tpu.vector_load %arg11[%swap3A_1104, %swap3A_1105] {strides = array<i32>} : memref<32x128xf32, #tpu.memory_space<vmem>>, vector<1x16xf32>,
    %swap3A_1107 = vector.shape_cast %swap3A_1106 : vector<1x16xf32> to vector<16xf32>
    %swap3A_1108 = vector.shape_cast %broadcast_in_dim3A_5 : vector<16xf32> to vector<1x16xf32>
    tpu.vector_store %arg11[%swap3A_1104, %swap3A_1105], %swap3A_1108 {strides = array<i32>} : memref<32x128xf32, #tpu.memory_space<vmem>>, vector<1x16xf32>,
    %swap3A_1109 = arith.constant 23 : i32
    %swap3A_1110 = arith.index_cast %swap3A_1109 : i32 to index
    %swap3A_1111 = arith.constant 0 : index
    %swap3A_1112 = tpu.vector_load %arg11[%swap3A_1110, %swap3A_1111] {strides = array<i32>} : memref<32x128xf32, #tpu.memory_space<vmem>>, vector<1x16xf32>,
    %swap3A_1113 = vector.shape_cast %swap3A_1112 : vector<1x16xf32> to vector<16xf32>
    %swap3A_1114 = vector.shape_cast %broadcast_in_dim3A_5 : vector<16xf32> to vector<1x16xf32>
    tpu.vector_store %arg11[%swap3A_1110, %swap3A_1111], %swap3A_1114 {strides = array<i32>} : memref<32x128xf32, #tpu.memory_space<vmem>>, vector<1x16xf32>,
    %swap3A_1115 = arith.constant 23 : i32
    %swap3A_1116 = arith.index_cast %swap3A_1115 : i32 to index
    %swap3A_1117 = arith.constant 16 : index
    %swap3A_1118 = tpu.vector_load %arg11[%swap3A_1116, %swap3A_1117] {strides = array<i32>} : memref<32x128xf32, #tpu.memory_space<vmem>>, vector<1x16xf32>,
    %swap3A_1119 = vector.shape_cast %swap3A_1118 : vector<1x16xf32> to vector<16xf32>
    %swap3A_1120 = vector.shape_cast %broadcast_in_dim3A_5 : vector<16xf32> to vector<1x16xf32>
    tpu.vector_store %arg11[%swap3A_1116, %swap3A_1117], %swap3A_1120 {strides = array<i32>} : memref<32x128xf32, #tpu.memory_space<vmem>>, vector<1x16xf32>,
    %swap3A_1121 = arith.constant 23 : i32
    %swap3A_1122 = arith.index_cast %swap3A_1121 : i32 to index
    %swap3A_1123 = arith.constant 32 : index
    %swap3A_1124 = tpu.vector_load %arg11[%swap3A_1122, %swap3A_1123] {strides = array<i32>} : memref<32x128xf32, #tpu.memory_space<vmem>>, vector<1x16xf32>,
    %swap3A_1125 = vector.shape_cast %swap3A_1124 : vector<1x16xf32> to vector<16xf32>
    %swap3A_1126 = vector.shape_cast %broadcast_in_dim3A_5 : vector<16xf32> to vector<1x16xf32>
    tpu.vector_store %arg11[%swap3A_1122, %swap3A_1123], %swap3A_1126 {strides = array<i32>} : memref<32x128xf32, #tpu.memory_space<vmem>>, vector<1x16xf32>,
    %swap3A_1127 = arith.constant 23 : i32
    %swap3A_1128 = arith.index_cast %swap3A_1127 : i32 to index
    %swap3A_1129 = arith.constant 48 : index
    %swap3A_1130 = tpu.vector_load %arg11[%swap3A_1128, %swap3A_1129] {strides = array<i32>} : memref<32x128xf32, #tpu.memory_space<vmem>>, vector<1x16xf32>,
    %swap3A_1131 = vector.shape_cast %swap3A_1130 : vector<1x16xf32> to vector<16xf32>
    %swap3A_1132 = vector.shape_cast %broadcast_in_dim3A_5 : vector<16xf32> to vector<1x16xf32>
    tpu.vector_store %arg11[%swap3A_1128, %swap3A_1129], %swap3A_1132 {strides = array<i32>} : memref<32x128xf32, #tpu.memory_space<vmem>>, vector<1x16xf32>,
    %swap3A_1133 = arith.constant 23 : i32
    %swap3A_1134 = arith.index_cast %swap3A_1133 : i32 to index
    %swap3A_1135 = arith.constant 64 : index
    %swap3A_1136 = tpu.vector_load %arg11[%swap3A_1134, %swap3A_1135] {strides = array<i32>} : memref<32x128xf32, #tpu.memory_space<vmem>>, vector<1x16xf32>,
    %swap3A_1137 = vector.shape_cast %swap3A_1136 : vector<1x16xf32> to vector<16xf32>
    %swap3A_1138 = vector.shape_cast %broadcast_in_dim3A_5 : vector<16xf32> to vector<1x16xf32>
    tpu.vector_store %arg11[%swap3A_1134, %swap3A_1135], %swap3A_1138 {strides = array<i32>} : memref<32x128xf32, #tpu.memory_space<vmem>>, vector<1x16xf32>,
    %swap3A_1139 = arith.constant 23 : i32
    %swap3A_1140 = arith.index_cast %swap3A_1139 : i32 to index
    %swap3A_1141 = arith.constant 80 : index
    %swap3A_1142 = tpu.vector_load %arg11[%swap3A_1140, %swap3A_1141] {strides = array<i32>} : memref<32x128xf32, #tpu.memory_space<vmem>>, vector<1x16xf32>,
    %swap3A_1143 = vector.shape_cast %swap3A_1142 : vector<1x16xf32> to vector<16xf32>
    %swap3A_1144 = vector.shape_cast %broadcast_in_dim3A_5 : vector<16xf32> to vector<1x16xf32>
    tpu.vector_store %arg11[%swap3A_1140, %swap3A_1141], %swap3A_1144 {strides = array<i32>} : memref<32x128xf32, #tpu.memory_space<vmem>>, vector<1x16xf32>,
    %swap3A_1145 = arith.constant 23 : i32
    %swap3A_1146 = arith.index_cast %swap3A_1145 : i32 to index
    %swap3A_1147 = arith.constant 96 : index
    %swap3A_1148 = tpu.vector_load %arg11[%swap3A_1146, %swap3A_1147] {strides = array<i32>} : memref<32x128xf32, #tpu.memory_space<vmem>>, vector<1x16xf32>,
    %swap3A_1149 = vector.shape_cast %swap3A_1148 : vector<1x16xf32> to vector<16xf32>
    %swap3A_1150 = vector.shape_cast %broadcast_in_dim3A_5 : vector<16xf32> to vector<1x16xf32>
    tpu.vector_store %arg11[%swap3A_1146, %swap3A_1147], %swap3A_1150 {strides = array<i32>} : memref<32x128xf32, #tpu.memory_space<vmem>>, vector<1x16xf32>,
    %swap3A_1151 = arith.constant 23 : i32
    %swap3A_1152 = arith.index_cast %swap3A_1151 : i32 to index
    %swap3A_1153 = arith.constant 112 : index
    %swap3A_1154 = tpu.vector_load %arg11[%swap3A_1152, %swap3A_1153] {strides = array<i32>} : memref<32x128xf32, #tpu.memory_space<vmem>>, vector<1x16xf32>,
    %swap3A_1155 = vector.shape_cast %swap3A_1154 : vector<1x16xf32> to vector<16xf32>
    %swap3A_1156 = vector.shape_cast %broadcast_in_dim3A_5 : vector<16xf32> to vector<1x16xf32>
    tpu.vector_store %arg11[%swap3A_1152, %swap3A_1153], %swap3A_1156 {strides = array<i32>} : memref<32x128xf32, #tpu.memory_space<vmem>>, vector<1x16xf32>,
    %swap3A_1157 = arith.constant 24 : i32
    %swap3A_1158 = arith.index_cast %swap3A_1157 : i32 to index
    %swap3A_1159 = arith.constant 0 : index
    %swap3A_1160 = tpu.vector_load %arg11[%swap3A_1158, %swap3A_1159] {strides = array<i32>} : memref<32x128xf32, #tpu.memory_space<vmem>>, vector<1x16xf32>,
    %swap3A_1161 = vector.shape_cast %swap3A_1160 : vector<1x16xf32> to vector<16xf32>
    %swap3A_1162 = vector.shape_cast %broadcast_in_dim3A_5 : vector<16xf32> to vector<1x16xf32>
    tpu.vector_store %arg11[%swap3A_1158, %swap3A_1159], %swap3A_1162 {strides = array<i32>} : memref<32x128xf32, #tpu.memory_space<vmem>>, vector<1x16xf32>,
    %swap3A_1163 = arith.constant 24 : i32
    %swap3A_1164 = arith.index_cast %swap3A_1163 : i32 to index
    %swap3A_1165 = arith.constant 16 : index
    %swap3A_1166 = tpu.vector_load %arg11[%swap3A_1164, %swap3A_1165] {strides = array<i32>} : memref<32x128xf32, #tpu.memory_space<vmem>>, vector<1x16xf32>,
    %swap3A_1167 = vector.shape_cast %swap3A_1166 : vector<1x16xf32> to vector<16xf32>
    %swap3A_1168 = vector.shape_cast %broadcast_in_dim3A_5 : vector<16xf32> to vector<1x16xf32>
    tpu.vector_store %arg11[%swap3A_1164, %swap3A_1165], %swap3A_1168 {strides = array<i32>} : memref<32x128xf32, #tpu.memory_space<vmem>>, vector<1x16xf32>,
    %swap3A_1169 = arith.constant 24 : i32
    %swap3A_1170 = arith.index_cast %swap3A_1169 : i32 to index
    %swap3A_1171 = arith.constant 32 : index
    %swap3A_1172 = tpu.vector_load %arg11[%swap3A_1170, %swap3A_1171] {strides = array<i32>} : memref<32x128xf32, #tpu.memory_space<vmem>>, vector<1x16xf32>,
    %swap3A_1173 = vector.shape_cast %swap3A_1172 : vector<1x16xf32> to vector<16xf32>
    %swap3A_1174 = vector.shape_cast %broadcast_in_dim3A_5 : vector<16xf32> to vector<1x16xf32>
    tpu.vector_store %arg11[%swap3A_1170, %swap3A_1171], %swap3A_1174 {strides = array<i32>} : memref<32x128xf32, #tpu.memory_space<vmem>>, vector<1x16xf32>,
    %swap3A_1175 = arith.constant 24 : i32
    %swap3A_1176 = arith.index_cast %swap3A_1175 : i32 to index
    %swap3A_1177 = arith.constant 48 : index
    %swap3A_1178 = tpu.vector_load %arg11[%swap3A_1176, %swap3A_1177] {strides = array<i32>} : memref<32x128xf32, #tpu.memory_space<vmem>>, vector<1x16xf32>,
    %swap3A_1179 = vector.shape_cast %swap3A_1178 : vector<1x16xf32> to vector<16xf32>
    %swap3A_1180 = vector.shape_cast %broadcast_in_dim3A_5 : vector<16xf32> to vector<1x16xf32>
    tpu.vector_store %arg11[%swap3A_1176, %swap3A_1177], %swap3A_1180 {strides = array<i32>} : memref<32x128xf32, #tpu.memory_space<vmem>>, vector<1x16xf32>,
    %swap3A_1181 = arith.constant 24 : i32
    %swap3A_1182 = arith.index_cast %swap3A_1181 : i32 to index
    %swap3A_1183 = arith.constant 64 : index
    %swap3A_1184 = tpu.vector_load %arg11[%swap3A_1182, %swap3A_1183] {strides = array<i32>} : memref<32x128xf32, #tpu.memory_space<vmem>>, vector<1x16xf32>,
    %swap3A_1185 = vector.shape_cast %swap3A_1184 : vector<1x16xf32> to vector<16xf32>
    %swap3A_1186 = vector.shape_cast %broadcast_in_dim3A_5 : vector<16xf32> to vector<1x16xf32>
    tpu.vector_store %arg11[%swap3A_1182, %swap3A_1183], %swap3A_1186 {strides = array<i32>} : memref<32x128xf32, #tpu.memory_space<vmem>>, vector<1x16xf32>,
    %swap3A_1187 = arith.constant 24 : i32
    %swap3A_1188 = arith.index_cast %swap3A_1187 : i32 to index
    %swap3A_1189 = arith.constant 80 : index
    %swap3A_1190 = tpu.vector_load %arg11[%swap3A_1188, %swap3A_1189] {strides = array<i32>} : memref<32x128xf32, #tpu.memory_space<vmem>>, vector<1x16xf32>,
    %swap3A_1191 = vector.shape_cast %swap3A_1190 : vector<1x16xf32> to vector<16xf32>
    %swap3A_1192 = vector.shape_cast %broadcast_in_dim3A_5 : vector<16xf32> to vector<1x16xf32>
    tpu.vector_store %arg11[%swap3A_1188, %swap3A_1189], %swap3A_1192 {strides = array<i32>} : memref<32x128xf32, #tpu.memory_space<vmem>>, vector<1x16xf32>,
    %swap3A_1193 = arith.constant 24 : i32
    %swap3A_1194 = arith.index_cast %swap3A_1193 : i32 to index
    %swap3A_1195 = arith.constant 96 : index
    %swap3A_1196 = tpu.vector_load %arg11[%swap3A_1194, %swap3A_1195] {strides = array<i32>} : memref<32x128xf32, #tpu.memory_space<vmem>>, vector<1x16xf32>,
    %swap3A_1197 = vector.shape_cast %swap3A_1196 : vector<1x16xf32> to vector<16xf32>
    %swap3A_1198 = vector.shape_cast %broadcast_in_dim3A_5 : vector<16xf32> to vector<1x16xf32>
    tpu.vector_store %arg11[%swap3A_1194, %swap3A_1195], %swap3A_1198 {strides = array<i32>} : memref<32x128xf32, #tpu.memory_space<vmem>>, vector<1x16xf32>,
    %swap3A_1199 = arith.constant 24 : i32
    %swap3A_1200 = arith.index_cast %swap3A_1199 : i32 to index
    %swap3A_1201 = arith.constant 112 : index
    %swap3A_1202 = tpu.vector_load %arg11[%swap3A_1200, %swap3A_1201] {strides = array<i32>} : memref<32x128xf32, #tpu.memory_space<vmem>>, vector<1x16xf32>,
    %swap3A_1203 = vector.shape_cast %swap3A_1202 : vector<1x16xf32> to vector<16xf32>
    %swap3A_1204 = vector.shape_cast %broadcast_in_dim3A_5 : vector<16xf32> to vector<1x16xf32>
    tpu.vector_store %arg11[%swap3A_1200, %swap3A_1201], %swap3A_1204 {strides = array<i32>} : memref<32x128xf32, #tpu.memory_space<vmem>>, vector<1x16xf32>,
    %swap3A_1205 = arith.constant 25 : i32
    %swap3A_1206 = arith.index_cast %swap3A_1205 : i32 to index
    %swap3A_1207 = arith.constant 0 : index
    %swap3A_1208 = tpu.vector_load %arg11[%swap3A_1206, %swap3A_1207] {strides = array<i32>} : memref<32x128xf32, #tpu.memory_space<vmem>>, vector<1x16xf32>,
    %swap3A_1209 = vector.shape_cast %swap3A_1208 : vector<1x16xf32> to vector<16xf32>
    %swap3A_1210 = vector.shape_cast %broadcast_in_dim3A_5 : vector<16xf32> to vector<1x16xf32>
    tpu.vector_store %arg11[%swap3A_1206, %swap3A_1207], %swap3A_1210 {strides = array<i32>} : memref<32x128xf32, #tpu.memory_space<vmem>>, vector<1x16xf32>,
    %swap3A_1211 = arith.constant 25 : i32
    %swap3A_1212 = arith.index_cast %swap3A_1211 : i32 to index
    %swap3A_1213 = arith.constant 16 : index
    %swap3A_1214 = tpu.vector_load %arg11[%swap3A_1212, %swap3A_1213] {strides = array<i32>} : memref<32x128xf32, #tpu.memory_space<vmem>>, vector<1x16xf32>,
    %swap3A_1215 = vector.shape_cast %swap3A_1214 : vector<1x16xf32> to vector<16xf32>
    %swap3A_1216 = vector.shape_cast %broadcast_in_dim3A_5 : vector<16xf32> to vector<1x16xf32>
    tpu.vector_store %arg11[%swap3A_1212, %swap3A_1213], %swap3A_1216 {strides = array<i32>} : memref<32x128xf32, #tpu.memory_space<vmem>>, vector<1x16xf32>,
    %swap3A_1217 = arith.constant 25 : i32
    %swap3A_1218 = arith.index_cast %swap3A_1217 : i32 to index
    %swap3A_1219 = arith.constant 32 : index
    %swap3A_1220 = tpu.vector_load %arg11[%swap3A_1218, %swap3A_1219] {strides = array<i32>} : memref<32x128xf32, #tpu.memory_space<vmem>>, vector<1x16xf32>,
    %swap3A_1221 = vector.shape_cast %swap3A_1220 : vector<1x16xf32> to vector<16xf32>
    %swap3A_1222 = vector.shape_cast %broadcast_in_dim3A_5 : vector<16xf32> to vector<1x16xf32>
    tpu.vector_store %arg11[%swap3A_1218, %swap3A_1219], %swap3A_1222 {strides = array<i32>} : memref<32x128xf32, #tpu.memory_space<vmem>>, vector<1x16xf32>,
    %swap3A_1223 = arith.constant 25 : i32
    %swap3A_1224 = arith.index_cast %swap3A_1223 : i32 to index
    %swap3A_1225 = arith.constant 48 : index
    %swap3A_1226 = tpu.vector_load %arg11[%swap3A_1224, %swap3A_1225] {strides = array<i32>} : memref<32x128xf32, #tpu.memory_space<vmem>>, vector<1x16xf32>,
    %swap3A_1227 = vector.shape_cast %swap3A_1226 : vector<1x16xf32> to vector<16xf32>
    %swap3A_1228 = vector.shape_cast %broadcast_in_dim3A_5 : vector<16xf32> to vector<1x16xf32>
    tpu.vector_store %arg11[%swap3A_1224, %swap3A_1225], %swap3A_1228 {strides = array<i32>} : memref<32x128xf32, #tpu.memory_space<vmem>>, vector<1x16xf32>,
    %swap3A_1229 = arith.constant 25 : i32
    %swap3A_1230 = arith.index_cast %swap3A_1229 : i32 to index
    %swap3A_1231 = arith.constant 64 : index
    %swap3A_1232 = tpu.vector_load %arg11[%swap3A_1230, %swap3A_1231] {strides = array<i32>} : memref<32x128xf32, #tpu.memory_space<vmem>>, vector<1x16xf32>,
    %swap3A_1233 = vector.shape_cast %swap3A_1232 : vector<1x16xf32> to vector<16xf32>
    %swap3A_1234 = vector.shape_cast %broadcast_in_dim3A_5 : vector<16xf32> to vector<1x16xf32>
    tpu.vector_store %arg11[%swap3A_1230, %swap3A_1231], %swap3A_1234 {strides = array<i32>} : memref<32x128xf32, #tpu.memory_space<vmem>>, vector<1x16xf32>,
    %swap3A_1235 = arith.constant 25 : i32
    %swap3A_1236 = arith.index_cast %swap3A_1235 : i32 to index
    %swap3A_1237 = arith.constant 80 : index
    %swap3A_1238 = tpu.vector_load %arg11[%swap3A_1236, %swap3A_1237] {strides = array<i32>} : memref<32x128xf32, #tpu.memory_space<vmem>>, vector<1x16xf32>,
    %swap3A_1239 = vector.shape_cast %swap3A_1238 : vector<1x16xf32> to vector<16xf32>
    %swap3A_1240 = vector.shape_cast %broadcast_in_dim3A_5 : vector<16xf32> to vector<1x16xf32>
    tpu.vector_store %arg11[%swap3A_1236, %swap3A_1237], %swap3A_1240 {strides = array<i32>} : memref<32x128xf32, #tpu.memory_space<vmem>>, vector<1x16xf32>,
    %swap3A_1241 = arith.constant 25 : i32
    %swap3A_1242 = arith.index_cast %swap3A_1241 : i32 to index
    %swap3A_1243 = arith.constant 96 : index
    %swap3A_1244 = tpu.vector_load %arg11[%swap3A_1242, %swap3A_1243] {strides = array<i32>} : memref<32x128xf32, #tpu.memory_space<vmem>>, vector<1x16xf32>,
    %swap3A_1245 = vector.shape_cast %swap3A_1244 : vector<1x16xf32> to vector<16xf32>
    %swap3A_1246 = vector.shape_cast %broadcast_in_dim3A_5 : vector<16xf32> to vector<1x16xf32>
    tpu.vector_store %arg11[%swap3A_1242, %swap3A_1243], %swap3A_1246 {strides = array<i32>} : memref<32x128xf32, #tpu.memory_space<vmem>>, vector<1x16xf32>,
    %swap3A_1247 = arith.constant 25 : i32
    %swap3A_1248 = arith.index_cast %swap3A_1247 : i32 to index
    %swap3A_1249 = arith.constant 112 : index
    %swap3A_1250 = tpu.vector_load %arg11[%swap3A_1248, %swap3A_1249] {strides = array<i32>} : memref<32x128xf32, #tpu.memory_space<vmem>>, vector<1x16xf32>,
    %swap3A_1251 = vector.shape_cast %swap3A_1250 : vector<1x16xf32> to vector<16xf32>
    %swap3A_1252 = vector.shape_cast %broadcast_in_dim3A_5 : vector<16xf32> to vector<1x16xf32>
    tpu.vector_store %arg11[%swap3A_1248, %swap3A_1249], %swap3A_1252 {strides = array<i32>} : memref<32x128xf32, #tpu.memory_space<vmem>>, vector<1x16xf32>,
    %swap3A_1253 = arith.constant 26 : i32
    %swap3A_1254 = arith.index_cast %swap3A_1253 : i32 to index
    %swap3A_1255 = arith.constant 0 : index
    %swap3A_1256 = tpu.vector_load %arg11[%swap3A_1254, %swap3A_1255] {strides = array<i32>} : memref<32x128xf32, #tpu.memory_space<vmem>>, vector<1x16xf32>,
    %swap3A_1257 = vector.shape_cast %swap3A_1256 : vector<1x16xf32> to vector<16xf32>
    %swap3A_1258 = vector.shape_cast %broadcast_in_dim3A_5 : vector<16xf32> to vector<1x16xf32>
    tpu.vector_store %arg11[%swap3A_1254, %swap3A_1255], %swap3A_1258 {strides = array<i32>} : memref<32x128xf32, #tpu.memory_space<vmem>>, vector<1x16xf32>,
    %swap3A_1259 = arith.constant 26 : i32
    %swap3A_1260 = arith.index_cast %swap3A_1259 : i32 to index
    %swap3A_1261 = arith.constant 16 : index
    %swap3A_1262 = tpu.vector_load %arg11[%swap3A_1260, %swap3A_1261] {strides = array<i32>} : memref<32x128xf32, #tpu.memory_space<vmem>>, vector<1x16xf32>,
    %swap3A_1263 = vector.shape_cast %swap3A_1262 : vector<1x16xf32> to vector<16xf32>
    %swap3A_1264 = vector.shape_cast %broadcast_in_dim3A_5 : vector<16xf32> to vector<1x16xf32>
    tpu.vector_store %arg11[%swap3A_1260, %swap3A_1261], %swap3A_1264 {strides = array<i32>} : memref<32x128xf32, #tpu.memory_space<vmem>>, vector<1x16xf32>,
    %swap3A_1265 = arith.constant 26 : i32
    %swap3A_1266 = arith.index_cast %swap3A_1265 : i32 to index
    %swap3A_1267 = arith.constant 32 : index
    %swap3A_1268 = tpu.vector_load %arg11[%swap3A_1266, %swap3A_1267] {strides = array<i32>} : memref<32x128xf32, #tpu.memory_space<vmem>>, vector<1x16xf32>,
    %swap3A_1269 = vector.shape_cast %swap3A_1268 : vector<1x16xf32> to vector<16xf32>
    %swap3A_1270 = vector.shape_cast %broadcast_in_dim3A_5 : vector<16xf32> to vector<1x16xf32>
    tpu.vector_store %arg11[%swap3A_1266, %swap3A_1267], %swap3A_1270 {strides = array<i32>} : memref<32x128xf32, #tpu.memory_space<vmem>>, vector<1x16xf32>,
    %swap3A_1271 = arith.constant 26 : i32
    %swap3A_1272 = arith.index_cast %swap3A_1271 : i32 to index
    %swap3A_1273 = arith.constant 48 : index
    %swap3A_1274 = tpu.vector_load %arg11[%swap3A_1272, %swap3A_1273] {strides = array<i32>} : memref<32x128xf32, #tpu.memory_space<vmem>>, vector<1x16xf32>,
    %swap3A_1275 = vector.shape_cast %swap3A_1274 : vector<1x16xf32> to vector<16xf32>
    %swap3A_1276 = vector.shape_cast %broadcast_in_dim3A_5 : vector<16xf32> to vector<1x16xf32>
    tpu.vector_store %arg11[%swap3A_1272, %swap3A_1273], %swap3A_1276 {strides = array<i32>} : memref<32x128xf32, #tpu.memory_space<vmem>>, vector<1x16xf32>,
    %swap3A_1277 = arith.constant 26 : i32
    %swap3A_1278 = arith.index_cast %swap3A_1277 : i32 to index
    %swap3A_1279 = arith.constant 64 : index
    %swap3A_1280 = tpu.vector_load %arg11[%swap3A_1278, %swap3A_1279] {strides = array<i32>} : memref<32x128xf32, #tpu.memory_space<vmem>>, vector<1x16xf32>,
    %swap3A_1281 = vector.shape_cast %swap3A_1280 : vector<1x16xf32> to vector<16xf32>
    %swap3A_1282 = vector.shape_cast %broadcast_in_dim3A_5 : vector<16xf32> to vector<1x16xf32>
    tpu.vector_store %arg11[%swap3A_1278, %swap3A_1279], %swap3A_1282 {strides = array<i32>} : memref<32x128xf32, #tpu.memory_space<vmem>>, vector<1x16xf32>,
    %swap3A_1283 = arith.constant 26 : i32
    %swap3A_1284 = arith.index_cast %swap3A_1283 : i32 to index
    %swap3A_1285 = arith.constant 80 : index
    %swap3A_1286 = tpu.vector_load %arg11[%swap3A_1284, %swap3A_1285] {strides = array<i32>} : memref<32x128xf32, #tpu.memory_space<vmem>>, vector<1x16xf32>,
    %swap3A_1287 = vector.shape_cast %swap3A_1286 : vector<1x16xf32> to vector<16xf32>
    %swap3A_1288 = vector.shape_cast %broadcast_in_dim3A_5 : vector<16xf32> to vector<1x16xf32>
    tpu.vector_store %arg11[%swap3A_1284, %swap3A_1285], %swap3A_1288 {strides = array<i32>} : memref<32x128xf32, #tpu.memory_space<vmem>>, vector<1x16xf32>,
    %swap3A_1289 = arith.constant 26 : i32
    %swap3A_1290 = arith.index_cast %swap3A_1289 : i32 to index
    %swap3A_1291 = arith.constant 96 : index
    %swap3A_1292 = tpu.vector_load %arg11[%swap3A_1290, %swap3A_1291] {strides = array<i32>} : memref<32x128xf32, #tpu.memory_space<vmem>>, vector<1x16xf32>,
    %swap3A_1293 = vector.shape_cast %swap3A_1292 : vector<1x16xf32> to vector<16xf32>
    %swap3A_1294 = vector.shape_cast %broadcast_in_dim3A_5 : vector<16xf32> to vector<1x16xf32>
    tpu.vector_store %arg11[%swap3A_1290, %swap3A_1291], %swap3A_1294 {strides = array<i32>} : memref<32x128xf32, #tpu.memory_space<vmem>>, vector<1x16xf32>,
    %swap3A_1295 = arith.constant 26 : i32
    %swap3A_1296 = arith.index_cast %swap3A_1295 : i32 to index
    %swap3A_1297 = arith.constant 112 : index
    %swap3A_1298 = tpu.vector_load %arg11[%swap3A_1296, %swap3A_1297] {strides = array<i32>} : memref<32x128xf32, #tpu.memory_space<vmem>>, vector<1x16xf32>,
    %swap3A_1299 = vector.shape_cast %swap3A_1298 : vector<1x16xf32> to vector<16xf32>
    %swap3A_1300 = vector.shape_cast %broadcast_in_dim3A_5 : vector<16xf32> to vector<1x16xf32>
    tpu.vector_store %arg11[%swap3A_1296, %swap3A_1297], %swap3A_1300 {strides = array<i32>} : memref<32x128xf32, #tpu.memory_space<vmem>>, vector<1x16xf32>,
    %swap3A_1301 = arith.constant 27 : i32
    %swap3A_1302 = arith.index_cast %swap3A_1301 : i32 to index
    %swap3A_1303 = arith.constant 0 : index
    %swap3A_1304 = tpu.vector_load %arg11[%swap3A_1302, %swap3A_1303] {strides = array<i32>} : memref<32x128xf32, #tpu.memory_space<vmem>>, vector<1x16xf32>,
    %swap3A_1305 = vector.shape_cast %swap3A_1304 : vector<1x16xf32> to vector<16xf32>
    %swap3A_1306 = vector.shape_cast %broadcast_in_dim3A_5 : vector<16xf32> to vector<1x16xf32>
    tpu.vector_store %arg11[%swap3A_1302, %swap3A_1303], %swap3A_1306 {strides = array<i32>} : memref<32x128xf32, #tpu.memory_space<vmem>>, vector<1x16xf32>,
    %swap3A_1307 = arith.constant 27 : i32
    %swap3A_1308 = arith.index_cast %swap3A_1307 : i32 to index
    %swap3A_1309 = arith.constant 16 : index
    %swap3A_1310 = tpu.vector_load %arg11[%swap3A_1308, %swap3A_1309] {strides = array<i32>} : memref<32x128xf32, #tpu.memory_space<vmem>>, vector<1x16xf32>,
    %swap3A_1311 = vector.shape_cast %swap3A_1310 : vector<1x16xf32> to vector<16xf32>
    %swap3A_1312 = vector.shape_cast %broadcast_in_dim3A_5 : vector<16xf32> to vector<1x16xf32>
    tpu.vector_store %arg11[%swap3A_1308, %swap3A_1309], %swap3A_1312 {strides = array<i32>} : memref<32x128xf32, #tpu.memory_space<vmem>>, vector<1x16xf32>,
    %swap3A_1313 = arith.constant 27 : i32
    %swap3A_1314 = arith.index_cast %swap3A_1313 : i32 to index
    %swap3A_1315 = arith.constant 32 : index
    %swap3A_1316 = tpu.vector_load %arg11[%swap3A_1314, %swap3A_1315] {strides = array<i32>} : memref<32x128xf32, #tpu.memory_space<vmem>>, vector<1x16xf32>,
    %swap3A_1317 = vector.shape_cast %swap3A_1316 : vector<1x16xf32> to vector<16xf32>
    %swap3A_1318 = vector.shape_cast %broadcast_in_dim3A_5 : vector<16xf32> to vector<1x16xf32>
    tpu.vector_store %arg11[%swap3A_1314, %swap3A_1315], %swap3A_1318 {strides = array<i32>} : memref<32x128xf32, #tpu.memory_space<vmem>>, vector<1x16xf32>,
    %swap3A_1319 = arith.constant 27 : i32
    %swap3A_1320 = arith.index_cast %swap3A_1319 : i32 to index
    %swap3A_1321 = arith.constant 48 : index
    %swap3A_1322 = tpu.vector_load %arg11[%swap3A_1320, %swap3A_1321] {strides = array<i32>} : memref<32x128xf32, #tpu.memory_space<vmem>>, vector<1x16xf32>,
    %swap3A_1323 = vector.shape_cast %swap3A_1322 : vector<1x16xf32> to vector<16xf32>
    %swap3A_1324 = vector.shape_cast %broadcast_in_dim3A_5 : vector<16xf32> to vector<1x16xf32>
    tpu.vector_store %arg11[%swap3A_1320, %swap3A_1321], %swap3A_1324 {strides = array<i32>} : memref<32x128xf32, #tpu.memory_space<vmem>>, vector<1x16xf32>,
    %swap3A_1325 = arith.constant 27 : i32
    %swap3A_1326 = arith.index_cast %swap3A_1325 : i32 to index
    %swap3A_1327 = arith.constant 64 : index
    %swap3A_1328 = tpu.vector_load %arg11[%swap3A_1326, %swap3A_1327] {strides = array<i32>} : memref<32x128xf32, #tpu.memory_space<vmem>>, vector<1x16xf32>,
    %swap3A_1329 = vector.shape_cast %swap3A_1328 : vector<1x16xf32> to vector<16xf32>
    %swap3A_1330 = vector.shape_cast %broadcast_in_dim3A_5 : vector<16xf32> to vector<1x16xf32>
    tpu.vector_store %arg11[%swap3A_1326, %swap3A_1327], %swap3A_1330 {strides = array<i32>} : memref<32x128xf32, #tpu.memory_space<vmem>>, vector<1x16xf32>,
    %swap3A_1331 = arith.constant 27 : i32
    %swap3A_1332 = arith.index_cast %swap3A_1331 : i32 to index
    %swap3A_1333 = arith.constant 80 : index
    %swap3A_1334 = tpu.vector_load %arg11[%swap3A_1332, %swap3A_1333] {strides = array<i32>} : memref<32x128xf32, #tpu.memory_space<vmem>>, vector<1x16xf32>,
    %swap3A_1335 = vector.shape_cast %swap3A_1334 : vector<1x16xf32> to vector<16xf32>
    %swap3A_1336 = vector.shape_cast %broadcast_in_dim3A_5 : vector<16xf32> to vector<1x16xf32>
    tpu.vector_store %arg11[%swap3A_1332, %swap3A_1333], %swap3A_1336 {strides = array<i32>} : memref<32x128xf32, #tpu.memory_space<vmem>>, vector<1x16xf32>,
    %swap3A_1337 = arith.constant 27 : i32
    %swap3A_1338 = arith.index_cast %swap3A_1337 : i32 to index
    %swap3A_1339 = arith.constant 96 : index
    %swap3A_1340 = tpu.vector_load %arg11[%swap3A_1338, %swap3A_1339] {strides = array<i32>} : memref<32x128xf32, #tpu.memory_space<vmem>>, vector<1x16xf32>,
    %swap3A_1341 = vector.shape_cast %swap3A_1340 : vector<1x16xf32> to vector<16xf32>
    %swap3A_1342 = vector.shape_cast %broadcast_in_dim3A_5 : vector<16xf32> to vector<1x16xf32>
    tpu.vector_store %arg11[%swap3A_1338, %swap3A_1339], %swap3A_1342 {strides = array<i32>} : memref<32x128xf32, #tpu.memory_space<vmem>>, vector<1x16xf32>,
    %swap3A_1343 = arith.constant 27 : i32
    %swap3A_1344 = arith.index_cast %swap3A_1343 : i32 to index
    %swap3A_1345 = arith.constant 112 : index
    %swap3A_1346 = tpu.vector_load %arg11[%swap3A_1344, %swap3A_1345] {strides = array<i32>} : memref<32x128xf32, #tpu.memory_space<vmem>>, vector<1x16xf32>,
    %swap3A_1347 = vector.shape_cast %swap3A_1346 : vector<1x16xf32> to vector<16xf32>
    %swap3A_1348 = vector.shape_cast %broadcast_in_dim3A_5 : vector<16xf32> to vector<1x16xf32>
    tpu.vector_store %arg11[%swap3A_1344, %swap3A_1345], %swap3A_1348 {strides = array<i32>} : memref<32x128xf32, #tpu.memory_space<vmem>>, vector<1x16xf32>,
    %swap3A_1349 = arith.constant 28 : i32
    %swap3A_1350 = arith.index_cast %swap3A_1349 : i32 to index
    %swap3A_1351 = arith.constant 0 : index
    %swap3A_1352 = tpu.vector_load %arg11[%swap3A_1350, %swap3A_1351] {strides = array<i32>} : memref<32x128xf32, #tpu.memory_space<vmem>>, vector<1x16xf32>,
    %swap3A_1353 = vector.shape_cast %swap3A_1352 : vector<1x16xf32> to vector<16xf32>
    %swap3A_1354 = vector.shape_cast %broadcast_in_dim3A_5 : vector<16xf32> to vector<1x16xf32>
    tpu.vector_store %arg11[%swap3A_1350, %swap3A_1351], %swap3A_1354 {strides = array<i32>} : memref<32x128xf32, #tpu.memory_space<vmem>>, vector<1x16xf32>,
    %swap3A_1355 = arith.constant 28 : i32
    %swap3A_1356 = arith.index_cast %swap3A_1355 : i32 to index
    %swap3A_1357 = arith.constant 16 : index
    %swap3A_1358 = tpu.vector_load %arg11[%swap3A_1356, %swap3A_1357] {strides = array<i32>} : memref<32x128xf32, #tpu.memory_space<vmem>>, vector<1x16xf32>,
    %swap3A_1359 = vector.shape_cast %swap3A_1358 : vector<1x16xf32> to vector<16xf32>
    %swap3A_1360 = vector.shape_cast %broadcast_in_dim3A_5 : vector<16xf32> to vector<1x16xf32>
    tpu.vector_store %arg11[%swap3A_1356, %swap3A_1357], %swap3A_1360 {strides = array<i32>} : memref<32x128xf32, #tpu.memory_space<vmem>>, vector<1x16xf32>,
    %swap3A_1361 = arith.constant 28 : i32
    %swap3A_1362 = arith.index_cast %swap3A_1361 : i32 to index
    %swap3A_1363 = arith.constant 32 : index
    %swap3A_1364 = tpu.vector_load %arg11[%swap3A_1362, %swap3A_1363] {strides = array<i32>} : memref<32x128xf32, #tpu.memory_space<vmem>>, vector<1x16xf32>,
    %swap3A_1365 = vector.shape_cast %swap3A_1364 : vector<1x16xf32> to vector<16xf32>
    %swap3A_1366 = vector.shape_cast %broadcast_in_dim3A_5 : vector<16xf32> to vector<1x16xf32>
    tpu.vector_store %arg11[%swap3A_1362, %swap3A_1363], %swap3A_1366 {strides = array<i32>} : memref<32x128xf32, #tpu.memory_space<vmem>>, vector<1x16xf32>,
    %swap3A_1367 = arith.constant 28 : i32
    %swap3A_1368 = arith.index_cast %swap3A_1367 : i32 to index
    %swap3A_1369 = arith.constant 48 : index
    %swap3A_1370 = tpu.vector_load %arg11[%swap3A_1368, %swap3A_1369] {strides = array<i32>} : memref<32x128xf32, #tpu.memory_space<vmem>>, vector<1x16xf32>,
    %swap3A_1371 = vector.shape_cast %swap3A_1370 : vector<1x16xf32> to vector<16xf32>
    %swap3A_1372 = vector.shape_cast %broadcast_in_dim3A_5 : vector<16xf32> to vector<1x16xf32>
    tpu.vector_store %arg11[%swap3A_1368, %swap3A_1369], %swap3A_1372 {strides = array<i32>} : memref<32x128xf32, #tpu.memory_space<vmem>>, vector<1x16xf32>,
    %swap3A_1373 = arith.constant 28 : i32
    %swap3A_1374 = arith.index_cast %swap3A_1373 : i32 to index
    %swap3A_1375 = arith.constant 64 : index
    %swap3A_1376 = tpu.vector_load %arg11[%swap3A_1374, %swap3A_1375] {strides = array<i32>} : memref<32x128xf32, #tpu.memory_space<vmem>>, vector<1x16xf32>,
    %swap3A_1377 = vector.shape_cast %swap3A_1376 : vector<1x16xf32> to vector<16xf32>
    %swap3A_1378 = vector.shape_cast %broadcast_in_dim3A_5 : vector<16xf32> to vector<1x16xf32>
    tpu.vector_store %arg11[%swap3A_1374, %swap3A_1375], %swap3A_1378 {strides = array<i32>} : memref<32x128xf32, #tpu.memory_space<vmem>>, vector<1x16xf32>,
    %swap3A_1379 = arith.constant 28 : i32
    %swap3A_1380 = arith.index_cast %swap3A_1379 : i32 to index
    %swap3A_1381 = arith.constant 80 : index
    %swap3A_1382 = tpu.vector_load %arg11[%swap3A_1380, %swap3A_1381] {strides = array<i32>} : memref<32x128xf32, #tpu.memory_space<vmem>>, vector<1x16xf32>,
    %swap3A_1383 = vector.shape_cast %swap3A_1382 : vector<1x16xf32> to vector<16xf32>
    %swap3A_1384 = vector.shape_cast %broadcast_in_dim3A_5 : vector<16xf32> to vector<1x16xf32>
    tpu.vector_store %arg11[%swap3A_1380, %swap3A_1381], %swap3A_1384 {strides = array<i32>} : memref<32x128xf32, #tpu.memory_space<vmem>>, vector<1x16xf32>,
    %swap3A_1385 = arith.constant 28 : i32
    %swap3A_1386 = arith.index_cast %swap3A_1385 : i32 to index
    %swap3A_1387 = arith.constant 96 : index
    %swap3A_1388 = tpu.vector_load %arg11[%swap3A_1386, %swap3A_1387] {strides = array<i32>} : memref<32x128xf32, #tpu.memory_space<vmem>>, vector<1x16xf32>,
    %swap3A_1389 = vector.shape_cast %swap3A_1388 : vector<1x16xf32> to vector<16xf32>
    %swap3A_1390 = vector.shape_cast %broadcast_in_dim3A_5 : vector<16xf32> to vector<1x16xf32>
    tpu.vector_store %arg11[%swap3A_1386, %swap3A_1387], %swap3A_1390 {strides = array<i32>} : memref<32x128xf32, #tpu.memory_space<vmem>>, vector<1x16xf32>,
    %swap3A_1391 = arith.constant 28 : i32
    %swap3A_1392 = arith.index_cast %swap3A_1391 : i32 to index
    %swap3A_1393 = arith.constant 112 : index
    %swap3A_1394 = tpu.vector_load %arg11[%swap3A_1392, %swap3A_1393] {strides = array<i32>} : memref<32x128xf32, #tpu.memory_space<vmem>>, vector<1x16xf32>,
    %swap3A_1395 = vector.shape_cast %swap3A_1394 : vector<1x16xf32> to vector<16xf32>
    %swap3A_1396 = vector.shape_cast %broadcast_in_dim3A_5 : vector<16xf32> to vector<1x16xf32>
    tpu.vector_store %arg11[%swap3A_1392, %swap3A_1393], %swap3A_1396 {strides = array<i32>} : memref<32x128xf32, #tpu.memory_space<vmem>>, vector<1x16xf32>,
    %swap3A_1397 = arith.constant 29 : i32
    %swap3A_1398 = arith.index_cast %swap3A_1397 : i32 to index
    %swap3A_1399 = arith.constant 0 : index
    %swap3A_1400 = tpu.vector_load %arg11[%swap3A_1398, %swap3A_1399] {strides = array<i32>} : memref<32x128xf32, #tpu.memory_space<vmem>>, vector<1x16xf32>,
    %swap3A_1401 = vector.shape_cast %swap3A_1400 : vector<1x16xf32> to vector<16xf32>
    %swap3A_1402 = vector.shape_cast %broadcast_in_dim3A_5 : vector<16xf32> to vector<1x16xf32>
    tpu.vector_store %arg11[%swap3A_1398, %swap3A_1399], %swap3A_1402 {strides = array<i32>} : memref<32x128xf32, #tpu.memory_space<vmem>>, vector<1x16xf32>,
    %swap3A_1403 = arith.constant 29 : i32
    %swap3A_1404 = arith.index_cast %swap3A_1403 : i32 to index
    %swap3A_1405 = arith.constant 16 : index
    %swap3A_1406 = tpu.vector_load %arg11[%swap3A_1404, %swap3A_1405] {strides = array<i32>} : memref<32x128xf32, #tpu.memory_space<vmem>>, vector<1x16xf32>,
    %swap3A_1407 = vector.shape_cast %swap3A_1406 : vector<1x16xf32> to vector<16xf32>
    %swap3A_1408 = vector.shape_cast %broadcast_in_dim3A_5 : vector<16xf32> to vector<1x16xf32>
    tpu.vector_store %arg11[%swap3A_1404, %swap3A_1405], %swap3A_1408 {strides = array<i32>} : memref<32x128xf32, #tpu.memory_space<vmem>>, vector<1x16xf32>,
    %swap3A_1409 = arith.constant 29 : i32
    %swap3A_1410 = arith.index_cast %swap3A_1409 : i32 to index
    %swap3A_1411 = arith.constant 32 : index
    %swap3A_1412 = tpu.vector_load %arg11[%swap3A_1410, %swap3A_1411] {strides = array<i32>} : memref<32x128xf32, #tpu.memory_space<vmem>>, vector<1x16xf32>,
    %swap3A_1413 = vector.shape_cast %swap3A_1412 : vector<1x16xf32> to vector<16xf32>
    %swap3A_1414 = vector.shape_cast %broadcast_in_dim3A_5 : vector<16xf32> to vector<1x16xf32>
    tpu.vector_store %arg11[%swap3A_1410, %swap3A_1411], %swap3A_1414 {strides = array<i32>} : memref<32x128xf32, #tpu.memory_space<vmem>>, vector<1x16xf32>,
    %swap3A_1415 = arith.constant 29 : i32
    %swap3A_1416 = arith.index_cast %swap3A_1415 : i32 to index
    %swap3A_1417 = arith.constant 48 : index
    %swap3A_1418 = tpu.vector_load %arg11[%swap3A_1416, %swap3A_1417] {strides = array<i32>} : memref<32x128xf32, #tpu.memory_space<vmem>>, vector<1x16xf32>,
    %swap3A_1419 = vector.shape_cast %swap3A_1418 : vector<1x16xf32> to vector<16xf32>
    %swap3A_1420 = vector.shape_cast %broadcast_in_dim3A_5 : vector<16xf32> to vector<1x16xf32>
    tpu.vector_store %arg11[%swap3A_1416, %swap3A_1417], %swap3A_1420 {strides = array<i32>} : memref<32x128xf32, #tpu.memory_space<vmem>>, vector<1x16xf32>,
    %swap3A_1421 = arith.constant 29 : i32
    %swap3A_1422 = arith.index_cast %swap3A_1421 : i32 to index
    %swap3A_1423 = arith.constant 64 : index
    %swap3A_1424 = tpu.vector_load %arg11[%swap3A_1422, %swap3A_1423] {strides = array<i32>} : memref<32x128xf32, #tpu.memory_space<vmem>>, vector<1x16xf32>,
    %swap3A_1425 = vector.shape_cast %swap3A_1424 : vector<1x16xf32> to vector<16xf32>
    %swap3A_1426 = vector.shape_cast %broadcast_in_dim3A_5 : vector<16xf32> to vector<1x16xf32>
    tpu.vector_store %arg11[%swap3A_1422, %swap3A_1423], %swap3A_1426 {strides = array<i32>} : memref<32x128xf32, #tpu.memory_space<vmem>>, vector<1x16xf32>,
    %swap3A_1427 = arith.constant 29 : i32
    %swap3A_1428 = arith.index_cast %swap3A_1427 : i32 to index
    %swap3A_1429 = arith.constant 80 : index
    %swap3A_1430 = tpu.vector_load %arg11[%swap3A_1428, %swap3A_1429] {strides = array<i32>} : memref<32x128xf32, #tpu.memory_space<vmem>>, vector<1x16xf32>,
    %swap3A_1431 = vector.shape_cast %swap3A_1430 : vector<1x16xf32> to vector<16xf32>
    %swap3A_1432 = vector.shape_cast %broadcast_in_dim3A_5 : vector<16xf32> to vector<1x16xf32>
    tpu.vector_store %arg11[%swap3A_1428, %swap3A_1429], %swap3A_1432 {strides = array<i32>} : memref<32x128xf32, #tpu.memory_space<vmem>>, vector<1x16xf32>,
    %swap3A_1433 = arith.constant 29 : i32
    %swap3A_1434 = arith.index_cast %swap3A_1433 : i32 to index
    %swap3A_1435 = arith.constant 96 : index
    %swap3A_1436 = tpu.vector_load %arg11[%swap3A_1434, %swap3A_1435] {strides = array<i32>} : memref<32x128xf32, #tpu.memory_space<vmem>>, vector<1x16xf32>,
    %swap3A_1437 = vector.shape_cast %swap3A_1436 : vector<1x16xf32> to vector<16xf32>
    %swap3A_1438 = vector.shape_cast %broadcast_in_dim3A_5 : vector<16xf32> to vector<1x16xf32>
    tpu.vector_store %arg11[%swap3A_1434, %swap3A_1435], %swap3A_1438 {strides = array<i32>} : memref<32x128xf32, #tpu.memory_space<vmem>>, vector<1x16xf32>,
    %swap3A_1439 = arith.constant 29 : i32
    %swap3A_1440 = arith.index_cast %swap3A_1439 : i32 to index
    %swap3A_1441 = arith.constant 112 : index
    %swap3A_1442 = tpu.vector_load %arg11[%swap3A_1440, %swap3A_1441] {strides = array<i32>} : memref<32x128xf32, #tpu.memory_space<vmem>>, vector<1x16xf32>,
    %swap3A_1443 = vector.shape_cast %swap3A_1442 : vector<1x16xf32> to vector<16xf32>
    %swap3A_1444 = vector.shape_cast %broadcast_in_dim3A_5 : vector<16xf32> to vector<1x16xf32>
    tpu.vector_store %arg11[%swap3A_1440, %swap3A_1441], %swap3A_1444 {strides = array<i32>} : memref<32x128xf32, #tpu.memory_space<vmem>>, vector<1x16xf32>,
    %swap3A_1445 = arith.constant 30 : i32
    %swap3A_1446 = arith.index_cast %swap3A_1445 : i32 to index
    %swap3A_1447 = arith.constant 0 : index
    %swap3A_1448 = tpu.vector_load %arg11[%swap3A_1446, %swap3A_1447] {strides = array<i32>} : memref<32x128xf32, #tpu.memory_space<vmem>>, vector<1x16xf32>,
    %swap3A_1449 = vector.shape_cast %swap3A_1448 : vector<1x16xf32> to vector<16xf32>
    %swap3A_1450 = vector.shape_cast %broadcast_in_dim3A_5 : vector<16xf32> to vector<1x16xf32>
    tpu.vector_store %arg11[%swap3A_1446, %swap3A_1447], %swap3A_1450 {strides = array<i32>} : memref<32x128xf32, #tpu.memory_space<vmem>>, vector<1x16xf32>,
    %swap3A_1451 = arith.constant 30 : i32
    %swap3A_1452 = arith.index_cast %swap3A_1451 : i32 to index
    %swap3A_1453 = arith.constant 16 : index
    %swap3A_1454 = tpu.vector_load %arg11[%swap3A_1452, %swap3A_1453] {strides = array<i32>} : memref<32x128xf32, #tpu.memory_space<vmem>>, vector<1x16xf32>,
    %swap3A_1455 = vector.shape_cast %swap3A_1454 : vector<1x16xf32> to vector<16xf32>
    %swap3A_1456 = vector.shape_cast %broadcast_in_dim3A_5 : vector<16xf32> to vector<1x16xf32>
    tpu.vector_store %arg11[%swap3A_1452, %swap3A_1453], %swap3A_1456 {strides = array<i32>} : memref<32x128xf32, #tpu.memory_space<vmem>>, vector<1x16xf32>,
    %swap3A_1457 = arith.constant 30 : i32
    %swap3A_1458 = arith.index_cast %swap3A_1457 : i32 to index
    %swap3A_1459 = arith.constant 32 : index
    %swap3A_1460 = tpu.vector_load %arg11[%swap3A_1458, %swap3A_1459] {strides = array<i32>} : memref<32x128xf32, #tpu.memory_space<vmem>>, vector<1x16xf32>,
    %swap3A_1461 = vector.shape_cast %swap3A_1460 : vector<1x16xf32> to vector<16xf32>
    %swap3A_1462 = vector.shape_cast %broadcast_in_dim3A_5 : vector<16xf32> to vector<1x16xf32>
    tpu.vector_store %arg11[%swap3A_1458, %swap3A_1459], %swap3A_1462 {strides = array<i32>} : memref<32x128xf32, #tpu.memory_space<vmem>>, vector<1x16xf32>,
    %swap3A_1463 = arith.constant 30 : i32
    %swap3A_1464 = arith.index_cast %swap3A_1463 : i32 to index
    %swap3A_1465 = arith.constant 48 : index
    %swap3A_1466 = tpu.vector_load %arg11[%swap3A_1464, %swap3A_1465] {strides = array<i32>} : memref<32x128xf32, #tpu.memory_space<vmem>>, vector<1x16xf32>,
    %swap3A_1467 = vector.shape_cast %swap3A_1466 : vector<1x16xf32> to vector<16xf32>
    %swap3A_1468 = vector.shape_cast %broadcast_in_dim3A_5 : vector<16xf32> to vector<1x16xf32>
    tpu.vector_store %arg11[%swap3A_1464, %swap3A_1465], %swap3A_1468 {strides = array<i32>} : memref<32x128xf32, #tpu.memory_space<vmem>>, vector<1x16xf32>,
    %swap3A_1469 = arith.constant 30 : i32
    %swap3A_1470 = arith.index_cast %swap3A_1469 : i32 to index
    %swap3A_1471 = arith.constant 64 : index
    %swap3A_1472 = tpu.vector_load %arg11[%swap3A_1470, %swap3A_1471] {strides = array<i32>} : memref<32x128xf32, #tpu.memory_space<vmem>>, vector<1x16xf32>,
    %swap3A_1473 = vector.shape_cast %swap3A_1472 : vector<1x16xf32> to vector<16xf32>
    %swap3A_1474 = vector.shape_cast %broadcast_in_dim3A_5 : vector<16xf32> to vector<1x16xf32>
    tpu.vector_store %arg11[%swap3A_1470, %swap3A_1471], %swap3A_1474 {strides = array<i32>} : memref<32x128xf32, #tpu.memory_space<vmem>>, vector<1x16xf32>,
    %swap3A_1475 = arith.constant 30 : i32
    %swap3A_1476 = arith.index_cast %swap3A_1475 : i32 to index
    %swap3A_1477 = arith.constant 80 : index
    %swap3A_1478 = tpu.vector_load %arg11[%swap3A_1476, %swap3A_1477] {strides = array<i32>} : memref<32x128xf32, #tpu.memory_space<vmem>>, vector<1x16xf32>,
    %swap3A_1479 = vector.shape_cast %swap3A_1478 : vector<1x16xf32> to vector<16xf32>
    %swap3A_1480 = vector.shape_cast %broadcast_in_dim3A_5 : vector<16xf32> to vector<1x16xf32>
    tpu.vector_store %arg11[%swap3A_1476, %swap3A_1477], %swap3A_1480 {strides = array<i32>} : memref<32x128xf32, #tpu.memory_space<vmem>>, vector<1x16xf32>,
    %swap3A_1481 = arith.constant 30 : i32
    %swap3A_1482 = arith.index_cast %swap3A_1481 : i32 to index
    %swap3A_1483 = arith.constant 96 : index
    %swap3A_1484 = tpu.vector_load %arg11[%swap3A_1482, %swap3A_1483] {strides = array<i32>} : memref<32x128xf32, #tpu.memory_space<vmem>>, vector<1x16xf32>,
    %swap3A_1485 = vector.shape_cast %swap3A_1484 : vector<1x16xf32> to vector<16xf32>
    %swap3A_1486 = vector.shape_cast %broadcast_in_dim3A_5 : vector<16xf32> to vector<1x16xf32>
    tpu.vector_store %arg11[%swap3A_1482, %swap3A_1483], %swap3A_1486 {strides = array<i32>} : memref<32x128xf32, #tpu.memory_space<vmem>>, vector<1x16xf32>,
    %swap3A_1487 = arith.constant 30 : i32
    %swap3A_1488 = arith.index_cast %swap3A_1487 : i32 to index
    %swap3A_1489 = arith.constant 112 : index
    %swap3A_1490 = tpu.vector_load %arg11[%swap3A_1488, %swap3A_1489] {strides = array<i32>} : memref<32x128xf32, #tpu.memory_space<vmem>>, vector<1x16xf32>,
    %swap3A_1491 = vector.shape_cast %swap3A_1490 : vector<1x16xf32> to vector<16xf32>
    %swap3A_1492 = vector.shape_cast %broadcast_in_dim3A_5 : vector<16xf32> to vector<1x16xf32>
    tpu.vector_store %arg11[%swap3A_1488, %swap3A_1489], %swap3A_1492 {strides = array<i32>} : memref<32x128xf32, #tpu.memory_space<vmem>>, vector<1x16xf32>,
    %swap3A_1493 = arith.constant 31 : i32
    %swap3A_1494 = arith.index_cast %swap3A_1493 : i32 to index
    %swap3A_1495 = arith.constant 0 : index
    %swap3A_1496 = tpu.vector_load %arg11[%swap3A_1494, %swap3A_1495] {strides = array<i32>} : memref<32x128xf32, #tpu.memory_space<vmem>>, vector<1x16xf32>,
    %swap3A_1497 = vector.shape_cast %swap3A_1496 : vector<1x16xf32> to vector<16xf32>
    %swap3A_1498 = vector.shape_cast %broadcast_in_dim3A_5 : vector<16xf32> to vector<1x16xf32>
    tpu.vector_store %arg11[%swap3A_1494, %swap3A_1495], %swap3A_1498 {strides = array<i32>} : memref<32x128xf32, #tpu.memory_space<vmem>>, vector<1x16xf32>,
    %swap3A_1499 = arith.constant 31 : i32
    %swap3A_1500 = arith.index_cast %swap3A_1499 : i32 to index
    %swap3A_1501 = arith.constant 16 : index
    %swap3A_1502 = tpu.vector_load %arg11[%swap3A_1500, %swap3A_1501] {strides = array<i32>} : memref<32x128xf32, #tpu.memory_space<vmem>>, vector<1x16xf32>,
    %swap3A_1503 = vector.shape_cast %swap3A_1502 : vector<1x16xf32> to vector<16xf32>
    %swap3A_1504 = vector.shape_cast %broadcast_in_dim3A_5 : vector<16xf32> to vector<1x16xf32>
    tpu.vector_store %arg11[%swap3A_1500, %swap3A_1501], %swap3A_1504 {strides = array<i32>} : memref<32x128xf32, #tpu.memory_space<vmem>>, vector<1x16xf32>,
    %swap3A_1505 = arith.constant 31 : i32
    %swap3A_1506 = arith.index_cast %swap3A_1505 : i32 to index
    %swap3A_1507 = arith.constant 32 : index
    %swap3A_1508 = tpu.vector_load %arg11[%swap3A_1506, %swap3A_1507] {strides = array<i32>} : memref<32x128xf32, #tpu.memory_space<vmem>>, vector<1x16xf32>,
    %swap3A_1509 = vector.shape_cast %swap3A_1508 : vector<1x16xf32> to vector<16xf32>
    %swap3A_1510 = vector.shape_cast %broadcast_in_dim3A_5 : vector<16xf32> to vector<1x16xf32>
    tpu.vector_store %arg11[%swap3A_1506, %swap3A_1507], %swap3A_1510 {strides = array<i32>} : memref<32x128xf32, #tpu.memory_space<vmem>>, vector<1x16xf32>,
    %swap3A_1511 = arith.constant 31 : i32
    %swap3A_1512 = arith.index_cast %swap3A_1511 : i32 to index
    %swap3A_1513 = arith.constant 48 : index
    %swap3A_1514 = tpu.vector_load %arg11[%swap3A_1512, %swap3A_1513] {strides = array<i32>} : memref<32x128xf32, #tpu.memory_space<vmem>>, vector<1x16xf32>,
    %swap3A_1515 = vector.shape_cast %swap3A_1514 : vector<1x16xf32> to vector<16xf32>
    %swap3A_1516 = vector.shape_cast %broadcast_in_dim3A_5 : vector<16xf32> to vector<1x16xf32>
    tpu.vector_store %arg11[%swap3A_1512, %swap3A_1513], %swap3A_1516 {strides = array<i32>} : memref<32x128xf32, #tpu.memory_space<vmem>>, vector<1x16xf32>,
    %swap3A_1517 = arith.constant 31 : i32
    %swap3A_1518 = arith.index_cast %swap3A_1517 : i32 to index
    %swap3A_1519 = arith.constant 64 : index
    %swap3A_1520 = tpu.vector_load %arg11[%swap3A_1518, %swap3A_1519] {strides = array<i32>} : memref<32x128xf32, #tpu.memory_space<vmem>>, vector<1x16xf32>,
    %swap3A_1521 = vector.shape_cast %swap3A_1520 : vector<1x16xf32> to vector<16xf32>
    %swap3A_1522 = vector.shape_cast %broadcast_in_dim3A_5 : vector<16xf32> to vector<1x16xf32>
    tpu.vector_store %arg11[%swap3A_1518, %swap3A_1519], %swap3A_1522 {strides = array<i32>} : memref<32x128xf32, #tpu.memory_space<vmem>>, vector<1x16xf32>,
    %swap3A_1523 = arith.constant 31 : i32
    %swap3A_1524 = arith.index_cast %swap3A_1523 : i32 to index
    %swap3A_1525 = arith.constant 80 : index
    %swap3A_1526 = tpu.vector_load %arg11[%swap3A_1524, %swap3A_1525] {strides = array<i32>} : memref<32x128xf32, #tpu.memory_space<vmem>>, vector<1x16xf32>,
    %swap3A_1527 = vector.shape_cast %swap3A_1526 : vector<1x16xf32> to vector<16xf32>
    %swap3A_1528 = vector.shape_cast %broadcast_in_dim3A_5 : vector<16xf32> to vector<1x16xf32>
    tpu.vector_store %arg11[%swap3A_1524, %swap3A_1525], %swap3A_1528 {strides = array<i32>} : memref<32x128xf32, #tpu.memory_space<vmem>>, vector<1x16xf32>,
    %swap3A_1529 = arith.constant 31 : i32
    %swap3A_1530 = arith.index_cast %swap3A_1529 : i32 to index
    %swap3A_1531 = arith.constant 96 : index
    %swap3A_1532 = tpu.vector_load %arg11[%swap3A_1530, %swap3A_1531] {strides = array<i32>} : memref<32x128xf32, #tpu.memory_space<vmem>>, vector<1x16xf32>,
    %swap3A_1533 = vector.shape_cast %swap3A_1532 : vector<1x16xf32> to vector<16xf32>
    %swap3A_1534 = vector.shape_cast %broadcast_in_dim3A_5 : vector<16xf32> to vector<1x16xf32>
    tpu.vector_store %arg11[%swap3A_1530, %swap3A_1531], %swap3A_1534 {strides = array<i32>} : memref<32x128xf32, #tpu.memory_space<vmem>>, vector<1x16xf32>,
    %swap3A_1535 = arith.constant 31 : i32
    %swap3A_1536 = arith.index_cast %swap3A_1535 : i32 to index
    %swap3A_1537 = arith.constant 112 : index
    %swap3A_1538 = tpu.vector_load %arg11[%swap3A_1536, %swap3A_1537] {strides = array<i32>} : memref<32x128xf32, #tpu.memory_space<vmem>>, vector<1x16xf32>,
    %swap3A_1539 = vector.shape_cast %swap3A_1538 : vector<1x16xf32> to vector<16xf32>
    %swap3A_1540 = vector.shape_cast %broadcast_in_dim3A_5 : vector<16xf32> to vector<1x16xf32>
    tpu.vector_store %arg11[%swap3A_1536, %swap3A_1537], %swap3A_1540 {strides = array<i32>} : memref<32x128xf32, #tpu.memory_space<vmem>>, vector<1x16xf32>,
    %mul3A_1541 = arith.constant 128 : i32
    %mul3A_1542 = arith.muli %arg1, %mul3A_1541 : i32
    %add3A_1543 = arith.constant 0 : i32
    %add3A_1544 = arith.addi %mul3A_1542, %add3A_1543 : i32
    %dma_start3A = arith.constant 0 : i32
    %dma_start3A_1545 = tpu.memref_slice %arg12[%add3A_1544, %dma_start3A] : memref<2048x128xf32, #tpu.memory_space<vmem_shared>> -> memref<32x128xf32, #tpu.memory_space<vmem_shared>>
    %dma_start3A_1546 = arith.constant 0 : i32
    %dma_start3A_1547 = tpu.memref_slice %arg12[%add3A_1544, %dma_start3A_1546] : memref<2048x128xf32, #tpu.memory_space<vmem_shared>> -> memref<32x128xf32, #tpu.memory_space<vmem_shared>>
    tpu.enqueue_dma source(%arg11 : memref<32x128xf32, #tpu.memory_space<vmem>>) target(%dma_start3A_1547 : memref<32x128xf32, #tpu.memory_space<vmem_shared>>) target_semaphore(%arg23 : memref<!tpu.dma_semaphore, #tpu.memory_space<semaphore_mem>>)
    %mul3A_1548 = arith.constant 128 : i32
    %mul3A_1549 = arith.muli %arg1, %mul3A_1548 : i32
    %add3A_1550 = arith.constant 32 : i32
    %add3A_1551 = arith.addi %mul3A_1549, %add3A_1550 : i32
    %dma_start3A_1552 = arith.constant 0 : i32
    %dma_start3A_1553 = tpu.memref_slice %arg12[%add3A_1551, %dma_start3A_1552] : memref<2048x128xf32, #tpu.memory_space<vmem_shared>> -> memref<32x128xf32, #tpu.memory_space<vmem_shared>>
    %dma_start3A_1554 = arith.constant 0 : i32
    %dma_start3A_1555 = tpu.memref_slice %arg12[%add3A_1551, %dma_start3A_1554] : memref<2048x128xf32, #tpu.memory_space<vmem_shared>> -> memref<32x128xf32, #tpu.memory_space<vmem_shared>>
    tpu.enqueue_dma source(%arg11 : memref<32x128xf32, #tpu.memory_space<vmem>>) target(%dma_start3A_1555 : memref<32x128xf32, #tpu.memory_space<vmem_shared>>) target_semaphore(%arg23 : memref<!tpu.dma_semaphore, #tpu.memory_space<semaphore_mem>>)
    %mul3A_1556 = arith.constant 128 : i32
    %mul3A_1557 = arith.muli %arg1, %mul3A_1556 : i32
    %add3A_1558 = arith.constant 64 : i32
    %add3A_1559 = arith.addi %mul3A_1557, %add3A_1558 : i32
    %dma_start3A_1560 = arith.constant 0 : i32
    %dma_start3A_1561 = tpu.memref_slice %arg12[%add3A_1559, %dma_start3A_1560] : memref<2048x128xf32, #tpu.memory_space<vmem_shared>> -> memref<32x128xf32, #tpu.memory_space<vmem_shared>>
    %dma_start3A_1562 = arith.constant 0 : i32
    %dma_start3A_1563 = tpu.memref_slice %arg12[%add3A_1559, %dma_start3A_1562] : memref<2048x128xf32, #tpu.memory_space<vmem_shared>> -> memref<32x128xf32, #tpu.memory_space<vmem_shared>>
    tpu.enqueue_dma source(%arg11 : memref<32x128xf32, #tpu.memory_space<vmem>>) target(%dma_start3A_1563 : memref<32x128xf32, #tpu.memory_space<vmem_shared>>) target_semaphore(%arg23 : memref<!tpu.dma_semaphore, #tpu.memory_space<semaphore_mem>>)
    %mul3A_1564 = arith.constant 128 : i32
    %mul3A_1565 = arith.muli %arg1, %mul3A_1564 : i32
    %add3A_1566 = arith.constant 96 : i32
    %add3A_1567 = arith.addi %mul3A_1565, %add3A_1566 : i32
    %dma_start3A_1568 = arith.constant 0 : i32
    %dma_start3A_1569 = tpu.memref_slice %arg12[%add3A_1567, %dma_start3A_1568] : memref<2048x128xf32, #tpu.memory_space<vmem_shared>> -> memref<32x128xf32, #tpu.memory_space<vmem_shared>>
    %dma_start3A_1570 = arith.constant 0 : i32
    %dma_start3A_1571 = tpu.memref_slice %arg12[%add3A_1567, %dma_start3A_1570] : memref<2048x128xf32, #tpu.memory_space<vmem_shared>> -> memref<32x128xf32, #tpu.memory_space<vmem_shared>>
    tpu.enqueue_dma source(%arg11 : memref<32x128xf32, #tpu.memory_space<vmem>>) target(%dma_start3A_1571 : memref<32x128xf32, #tpu.memory_space<vmem_shared>>) target_semaphore(%arg23 : memref<!tpu.dma_semaphore, #tpu.memory_space<semaphore_mem>>)
    %add3A_1572 = arith.constant 0 : i32
    %add3A_1573 = arith.addi %add3A, %add3A_1572 : i32
    %dma_start3A_1574 = arith.constant 0 : i32
    %dma_start3A_1575 = tpu.memref_slice %arg2[%add3A_1573, %dma_start3A_1574] : memref<65536x128xf32, #tpu.memory_space<hbm>> -> memref<128x128xf32, #tpu.memory_space<hbm>>
    %dma_start3A_1576 = arith.constant 0 : i32
    %dma_start3A_1577 = tpu.memref_slice %arg2[%add3A_1573, %dma_start3A_1576] : memref<65536x128xf32, #tpu.memory_space<hbm>> -> memref<128x128xf32, #tpu.memory_space<hbm>>
    tpu.enqueue_dma source(%dma_start3A_1577 : memref<128x128xf32, #tpu.memory_space<hbm>>) target(%arg6 : memref<128x128xf32, #tpu.memory_space<vmem>>) target_semaphore(%arg13 : memref<!tpu.dma_semaphore, #tpu.memory_space<semaphore_mem>>)
    %add3A_1578 = arith.constant 128 : i32
    %add3A_1579 = arith.addi %add3A, %add3A_1578 : i32
    %dma_start3A_1580 = arith.constant 0 : i32
    %dma_start3A_1581 = tpu.memref_slice %arg2[%add3A_1579, %dma_start3A_1580] : memref<65536x128xf32, #tpu.memory_space<hbm>> -> memref<128x128xf32, #tpu.memory_space<hbm>>
    %dma_start3A_1582 = arith.constant 0 : i32
    %dma_start3A_1583 = tpu.memref_slice %arg2[%add3A_1579, %dma_start3A_1582] : memref<65536x128xf32, #tpu.memory_space<hbm>> -> memref<128x128xf32, #tpu.memory_space<hbm>>
    tpu.enqueue_dma source(%dma_start3A_1583 : memref<128x128xf32, #tpu.memory_space<hbm>>) target(%arg7 : memref<128x128xf32, #tpu.memory_space<vmem>>) target_semaphore(%arg14 : memref<!tpu.dma_semaphore, #tpu.memory_space<semaphore_mem>>)
    %add3A_1584 = arith.constant 256 : i32
    %add3A_1585 = arith.addi %add3A, %add3A_1584 : i32
    %dma_start3A_1586 = arith.constant 0 : i32
    %dma_start3A_1587 = tpu.memref_slice %arg2[%add3A_1585, %dma_start3A_1586] : memref<65536x128xf32, #tpu.memory_space<hbm>> -> memref<128x128xf32, #tpu.memory_space<hbm>>
    %dma_start3A_1588 = arith.constant 0 : i32
    %dma_start3A_1589 = tpu.memref_slice %arg2[%add3A_1585, %dma_start3A_1588] : memref<65536x128xf32, #tpu.memory_space<hbm>> -> memref<128x128xf32, #tpu.memory_space<hbm>>
    tpu.enqueue_dma source(%dma_start3A_1589 : memref<128x128xf32, #tpu.memory_space<hbm>>) target(%arg8 : memref<128x128xf32, #tpu.memory_space<vmem>>) target_semaphore(%arg15 : memref<!tpu.dma_semaphore, #tpu.memory_space<semaphore_mem>>)
    %add3A_1590 = arith.constant 0 : i32
    %add3A_1591 = arith.addi %add3A, %add3A_1590 : i32
    %jit3A = arith.constant 4096 : i32
    %div3A = arith.divsi %add3A_1591, %jit3A : i32
    %sign3A = arith.constant 0 : i32
    %sign3A_1592 = arith.cmpi sgt, %add3A_1591, %sign3A : i32
    %sign3A_1593 = arith.extui %sign3A_1592 : i1 to i32
    %sign3A_1594 = arith.constant 0 : i32
    %sign3A_1595 = arith.cmpi slt, %add3A_1591, %sign3A_1594 : i32
    %sign3A_1596 = arith.extui %sign3A_1595 : i1 to i32
    %sign3A_1597 = arith.subi %sign3A_1593, %sign3A_1596 : i32
    %sign3A_1598 = arith.constant 0 : i32
    %sign3A_1599 = arith.cmpi sgt, %jit3A, %sign3A_1598 : i32
    %sign3A_1600 = arith.extui %sign3A_1599 : i1 to i32
    %sign3A_1601 = arith.constant 0 : i32
    %sign3A_1602 = arith.cmpi slt, %jit3A, %sign3A_1601 : i32
    %sign3A_1603 = arith.extui %sign3A_1602 : i1 to i32
    %sign3A_1604 = arith.subi %sign3A_1600, %sign3A_1603 : i32
    %ne3A = arith.cmpi ne, %sign3A_1597, %sign3A_1604 : i32
    %rem3A = arith.remsi %add3A_1591, %jit3A : i32
    %ne3A_1605 = arith.constant 0 : i32
    %ne3A_1606 = arith.cmpi ne, %rem3A, %ne3A_1605 : i32
    %and3A = arith.andi %ne3A, %ne3A_1606 : i1
    %sub3A = arith.constant 1 : i32
    %sub3A_1607 = arith.subi %div3A, %sub3A : i32
    %select_n3A = arith.select %and3A, %sub3A_1607, %div3A : i32
    %mul3A_1608 = arith.constant 4096 : i32
    %mul3A_1609 = arith.muli %select_n3A, %mul3A_1608 : i32
    %sub3A_1610 = arith.subi %add3A_1591, %mul3A_1609 : i32
    %dma_start3A_1611 = arith.constant 0 : i32
    %dma_start3A_1612 = arith.constant 0 : i32
    %dma_start3A_1613 = arith.constant 0 : i32
    %dma_start3A_1614 = tpu.memref_slice %arg5[%dma_start3A_1611, %dma_start3A_1612, %dma_start3A_1613] : memref<8x1x128xi32, #tpu.memory_space<vmem>> -> memref<1x1x128xi32, #tpu.memory_space<vmem>>
    %dma_start3A_1615 = tpu.memref_squeeze %dma_start3A_1614 : memref<1x1x128xi32, #tpu.memory_space<vmem>> -> memref<128xi32, #tpu.memory_space<vmem>>
    %dma_start3A_1616 = tpu.memref_slice %arg3[%select_n3A, %sub3A_1610] : memref<16x4096xi32, #tpu.memory_space<hbm>> -> memref<1x128xi32, #tpu.memory_space<hbm>>
    %dma_start3A_1617 = tpu.memref_squeeze %dma_start3A_1616 : memref<1x128xi32, #tpu.memory_space<hbm>> -> memref<128xi32, #tpu.memory_space<hbm>>
    %dma_start3A_1618 = arith.constant 0 : i32
    %dma_start3A_1619 = tpu.memref_slice %arg5[%dma_start3A_1611, %dma_start3A_1612, %dma_start3A_1618] : memref<8x1x128xi32, #tpu.memory_space<vmem>> -> memref<1x1x128xi32, #tpu.memory_space<vmem>>
    %dma_start3A_1620 = tpu.memref_squeeze %dma_start3A_1619 : memref<1x1x128xi32, #tpu.memory_space<vmem>> -> memref<128xi32, #tpu.memory_space<vmem>>
    %dma_start3A_1621 = tpu.memref_slice %arg3[%select_n3A, %sub3A_1610] : memref<16x4096xi32, #tpu.memory_space<hbm>> -> memref<1x128xi32, #tpu.memory_space<hbm>>
    %dma_start3A_1622 = tpu.memref_squeeze %dma_start3A_1621 : memref<1x128xi32, #tpu.memory_space<hbm>> -> memref<128xi32, #tpu.memory_space<hbm>>
    tpu.enqueue_dma source(%dma_start3A_1622 : memref<128xi32, #tpu.memory_space<hbm>>) target(%dma_start3A_1620 : memref<128xi32, #tpu.memory_space<vmem>>) target_semaphore(%arg24 : memref<!tpu.dma_semaphore, #tpu.memory_space<semaphore_mem>>)
    %add3A_1623 = arith.constant 128 : i32
    %add3A_1624 = arith.addi %add3A, %add3A_1623 : i32
    %jit3A_1625 = arith.constant 4096 : i32
    %div3A_1626 = arith.divsi %add3A_1624, %jit3A_1625 : i32
    %sign3A_1627 = arith.constant 0 : i32
    %sign3A_1628 = arith.cmpi sgt, %add3A_1624, %sign3A_1627 : i32
    %sign3A_1629 = arith.extui %sign3A_1628 : i1 to i32
    %sign3A_1630 = arith.constant 0 : i32
    %sign3A_1631 = arith.cmpi slt, %add3A_1624, %sign3A_1630 : i32
    %sign3A_1632 = arith.extui %sign3A_1631 : i1 to i32
    %sign3A_1633 = arith.subi %sign3A_1629, %sign3A_1632 : i32
    %sign3A_1634 = arith.constant 0 : i32
    %sign3A_1635 = arith.cmpi sgt, %jit3A_1625, %sign3A_1634 : i32
    %sign3A_1636 = arith.extui %sign3A_1635 : i1 to i32
    %sign3A_1637 = arith.constant 0 : i32
    %sign3A_1638 = arith.cmpi slt, %jit3A_1625, %sign3A_1637 : i32
    %sign3A_1639 = arith.extui %sign3A_1638 : i1 to i32
    %sign3A_1640 = arith.subi %sign3A_1636, %sign3A_1639 : i32
    %ne3A_1641 = arith.cmpi ne, %sign3A_1633, %sign3A_1640 : i32
    %rem3A_1642 = arith.remsi %add3A_1624, %jit3A_1625 : i32
    %ne3A_1643 = arith.constant 0 : i32
    %ne3A_1644 = arith.cmpi ne, %rem3A_1642, %ne3A_1643 : i32
    %and3A_1645 = arith.andi %ne3A_1641, %ne3A_1644 : i1
    %sub3A_1646 = arith.constant 1 : i32
    %sub3A_1647 = arith.subi %div3A_1626, %sub3A_1646 : i32
    %select_n3A_1648 = arith.select %and3A_1645, %sub3A_1647, %div3A_1626 : i32
    %mul3A_1649 = arith.constant 4096 : i32
    %mul3A_1650 = arith.muli %select_n3A_1648, %mul3A_1649 : i32
    %sub3A_1651 = arith.subi %add3A_1624, %mul3A_1650 : i32
    %dma_start3A_1652 = arith.constant 1 : i32
    %dma_start3A_1653 = arith.constant 0 : i32
    %dma_start3A_1654 = arith.constant 0 : i32
    %dma_start3A_1655 = tpu.memref_slice %arg5[%dma_start3A_1652, %dma_start3A_1653, %dma_start3A_1654] : memref<8x1x128xi32, #tpu.memory_space<vmem>> -> memref<1x1x128xi32, #tpu.memory_space<vmem>>
    %dma_start3A_1656 = tpu.memref_squeeze %dma_start3A_1655 : memref<1x1x128xi32, #tpu.memory_space<vmem>> -> memref<128xi32, #tpu.memory_space<vmem>>
    %dma_start3A_1657 = tpu.memref_slice %arg3[%select_n3A_1648, %sub3A_1651] : memref<16x4096xi32, #tpu.memory_space<hbm>> -> memref<1x128xi32, #tpu.memory_space<hbm>>
    %dma_start3A_1658 = tpu.memref_squeeze %dma_start3A_1657 : memref<1x128xi32, #tpu.memory_space<hbm>> -> memref<128xi32, #tpu.memory_space<hbm>>
    %dma_start3A_1659 = arith.constant 0 : i32
    %dma_start3A_1660 = tpu.memref_slice %arg5[%dma_start3A_1652, %dma_start3A_1653, %dma_start3A_1659] : memref<8x1x128xi32, #tpu.memory_space<vmem>> -> memref<1x1x128xi32, #tpu.memory_space<vmem>>
    %dma_start3A_1661 = tpu.memref_squeeze %dma_start3A_1660 : memref<1x1x128xi32, #tpu.memory_space<vmem>> -> memref<128xi32, #tpu.memory_space<vmem>>
    %dma_start3A_1662 = tpu.memref_slice %arg3[%select_n3A_1648, %sub3A_1651] : memref<16x4096xi32, #tpu.memory_space<hbm>> -> memref<1x128xi32, #tpu.memory_space<hbm>>
    %dma_start3A_1663 = tpu.memref_squeeze %dma_start3A_1662 : memref<1x128xi32, #tpu.memory_space<hbm>> -> memref<128xi32, #tpu.memory_space<hbm>>
    tpu.enqueue_dma source(%dma_start3A_1663 : memref<128xi32, #tpu.memory_space<hbm>>) target(%dma_start3A_1661 : memref<128xi32, #tpu.memory_space<vmem>>) target_semaphore(%arg24 : memref<!tpu.dma_semaphore, #tpu.memory_space<semaphore_mem>>)
    %add3A_1664 = arith.constant 256 : i32
    %add3A_1665 = arith.addi %add3A, %add3A_1664 : i32
    %jit3A_1666 = arith.constant 4096 : i32
    %div3A_1667 = arith.divsi %add3A_1665, %jit3A_1666 : i32
    %sign3A_1668 = arith.constant 0 : i32
    %sign3A_1669 = arith.cmpi sgt, %add3A_1665, %sign3A_1668 : i32
    %sign3A_1670 = arith.extui %sign3A_1669 : i1 to i32
    %sign3A_1671 = arith.constant 0 : i32
    %sign3A_1672 = arith.cmpi slt, %add3A_1665, %sign3A_1671 : i32
    %sign3A_1673 = arith.extui %sign3A_1672 : i1 to i32
    %sign3A_1674 = arith.subi %sign3A_1670, %sign3A_1673 : i32
    %sign3A_1675 = arith.constant 0 : i32
    %sign3A_1676 = arith.cmpi sgt, %jit3A_1666, %sign3A_1675 : i32
    %sign3A_1677 = arith.extui %sign3A_1676 : i1 to i32
    %sign3A_1678 = arith.constant 0 : i32
    %sign3A_1679 = arith.cmpi slt, %jit3A_1666, %sign3A_1678 : i32
    %sign3A_1680 = arith.extui %sign3A_1679 : i1 to i32
    %sign3A_1681 = arith.subi %sign3A_1677, %sign3A_1680 : i32
    %ne3A_1682 = arith.cmpi ne, %sign3A_1674, %sign3A_1681 : i32
    %rem3A_1683 = arith.remsi %add3A_1665, %jit3A_1666 : i32
    %ne3A_1684 = arith.constant 0 : i32
    %ne3A_1685 = arith.cmpi ne, %rem3A_1683, %ne3A_1684 : i32
    %and3A_1686 = arith.andi %ne3A_1682, %ne3A_1685 : i1
    %sub3A_1687 = arith.constant 1 : i32
    %sub3A_1688 = arith.subi %div3A_1667, %sub3A_1687 : i32
    %select_n3A_1689 = arith.select %and3A_1686, %sub3A_1688, %div3A_1667 : i32
    %mul3A_1690 = arith.constant 4096 : i32
    %mul3A_1691 = arith.muli %select_n3A_1689, %mul3A_1690 : i32
    %sub3A_1692 = arith.subi %add3A_1665, %mul3A_1691 : i32
    %dma_start3A_1693 = arith.constant 2 : i32
    %dma_start3A_1694 = arith.constant 0 : i32
    %dma_start3A_1695 = arith.constant 0 : i32
    %dma_start3A_1696 = tpu.memref_slice %arg5[%dma_start3A_1693, %dma_start3A_1694, %dma_start3A_1695] : memref<8x1x128xi32, #tpu.memory_space<vmem>> -> memref<1x1x128xi32, #tpu.memory_space<vmem>>
    %dma_start3A_1697 = tpu.memref_squeeze %dma_start3A_1696 : memref<1x1x128xi32, #tpu.memory_space<vmem>> -> memref<128xi32, #tpu.memory_space<vmem>>
    %dma_start3A_1698 = tpu.memref_slice %arg3[%select_n3A_1689, %sub3A_1692] : memref<16x4096xi32, #tpu.memory_space<hbm>> -> memref<1x128xi32, #tpu.memory_space<hbm>>
    %dma_start3A_1699 = tpu.memref_squeeze %dma_start3A_1698 : memref<1x128xi32, #tpu.memory_space<hbm>> -> memref<128xi32, #tpu.memory_space<hbm>>
    %dma_start3A_1700 = arith.constant 0 : i32
    %dma_start3A_1701 = tpu.memref_slice %arg5[%dma_start3A_1693, %dma_start3A_1694, %dma_start3A_1700] : memref<8x1x128xi32, #tpu.memory_space<vmem>> -> memref<1x1x128xi32, #tpu.memory_space<vmem>>
    %dma_start3A_1702 = tpu.memref_squeeze %dma_start3A_1701 : memref<1x1x128xi32, #tpu.memory_space<vmem>> -> memref<128xi32, #tpu.memory_space<vmem>>
    %dma_start3A_1703 = tpu.memref_slice %arg3[%select_n3A_1689, %sub3A_1692] : memref<16x4096xi32, #tpu.memory_space<hbm>> -> memref<1x128xi32, #tpu.memory_space<hbm>>
    %dma_start3A_1704 = tpu.memref_squeeze %dma_start3A_1703 : memref<1x128xi32, #tpu.memory_space<hbm>> -> memref<128xi32, #tpu.memory_space<hbm>>
    tpu.enqueue_dma source(%dma_start3A_1704 : memref<128xi32, #tpu.memory_space<hbm>>) target(%dma_start3A_1702 : memref<128xi32, #tpu.memory_space<vmem>>) target_semaphore(%arg24 : memref<!tpu.dma_semaphore, #tpu.memory_space<semaphore_mem>>)
    %add3A_1705 = arith.constant 384 : i32
    %add3A_1706 = arith.addi %add3A, %add3A_1705 : i32
    %jit3A_1707 = arith.constant 4096 : i32
    %div3A_1708 = arith.divsi %add3A_1706, %jit3A_1707 : i32
    %sign3A_1709 = arith.constant 0 : i32
    %sign3A_1710 = arith.cmpi sgt, %add3A_1706, %sign3A_1709 : i32
    %sign3A_1711 = arith.extui %sign3A_1710 : i1 to i32
    %sign3A_1712 = arith.constant 0 : i32
    %sign3A_1713 = arith.cmpi slt, %add3A_1706, %sign3A_1712 : i32
    %sign3A_1714 = arith.extui %sign3A_1713 : i1 to i32
    %sign3A_1715 = arith.subi %sign3A_1711, %sign3A_1714 : i32
    %sign3A_1716 = arith.constant 0 : i32
    %sign3A_1717 = arith.cmpi sgt, %jit3A_1707, %sign3A_1716 : i32
    %sign3A_1718 = arith.extui %sign3A_1717 : i1 to i32
    %sign3A_1719 = arith.constant 0 : i32
    %sign3A_1720 = arith.cmpi slt, %jit3A_1707, %sign3A_1719 : i32
    %sign3A_1721 = arith.extui %sign3A_1720 : i1 to i32
    %sign3A_1722 = arith.subi %sign3A_1718, %sign3A_1721 : i32
    %ne3A_1723 = arith.cmpi ne, %sign3A_1715, %sign3A_1722 : i32
    %rem3A_1724 = arith.remsi %add3A_1706, %jit3A_1707 : i32
    %ne3A_1725 = arith.constant 0 : i32
    %ne3A_1726 = arith.cmpi ne, %rem3A_1724, %ne3A_1725 : i32
    %and3A_1727 = arith.andi %ne3A_1723, %ne3A_1726 : i1
    %sub3A_1728 = arith.constant 1 : i32
    %sub3A_1729 = arith.subi %div3A_1708, %sub3A_1728 : i32
    %select_n3A_1730 = arith.select %and3A_1727, %sub3A_1729, %div3A_1708 : i32
    %mul3A_1731 = arith.constant 4096 : i32
    %mul3A_1732 = arith.muli %select_n3A_1730, %mul3A_1731 : i32
    %sub3A_1733 = arith.subi %add3A_1706, %mul3A_1732 : i32
    %dma_start3A_1734 = arith.constant 3 : i32
    %dma_start3A_1735 = arith.constant 0 : i32
    %dma_start3A_1736 = arith.constant 0 : i32
    %dma_start3A_1737 = tpu.memref_slice %arg5[%dma_start3A_1734, %dma_start3A_1735, %dma_start3A_1736] : memref<8x1x128xi32, #tpu.memory_space<vmem>> -> memref<1x1x128xi32, #tpu.memory_space<vmem>>
    %dma_start3A_1738 = tpu.memref_squeeze %dma_start3A_1737 : memref<1x1x128xi32, #tpu.memory_space<vmem>> -> memref<128xi32, #tpu.memory_space<vmem>>
    %dma_start3A_1739 = tpu.memref_slice %arg3[%select_n3A_1730, %sub3A_1733] : memref<16x4096xi32, #tpu.memory_space<hbm>> -> memref<1x128xi32, #tpu.memory_space<hbm>>
    %dma_start3A_1740 = tpu.memref_squeeze %dma_start3A_1739 : memref<1x128xi32, #tpu.memory_space<hbm>> -> memref<128xi32, #tpu.memory_space<hbm>>
    %dma_start3A_1741 = arith.constant 0 : i32
    %dma_start3A_1742 = tpu.memref_slice %arg5[%dma_start3A_1734, %dma_start3A_1735, %dma_start3A_1741] : memref<8x1x128xi32, #tpu.memory_space<vmem>> -> memref<1x1x128xi32, #tpu.memory_space<vmem>>
    %dma_start3A_1743 = tpu.memref_squeeze %dma_start3A_1742 : memref<1x1x128xi32, #tpu.memory_space<vmem>> -> memref<128xi32, #tpu.memory_space<vmem>>
    %dma_start3A_1744 = tpu.memref_slice %arg3[%select_n3A_1730, %sub3A_1733] : memref<16x4096xi32, #tpu.memory_space<hbm>> -> memref<1x128xi32, #tpu.memory_space<hbm>>
    %dma_start3A_1745 = tpu.memref_squeeze %dma_start3A_1744 : memref<1x128xi32, #tpu.memory_space<hbm>> -> memref<128xi32, #tpu.memory_space<hbm>>
    tpu.enqueue_dma source(%dma_start3A_1745 : memref<128xi32, #tpu.memory_space<hbm>>) target(%dma_start3A_1743 : memref<128xi32, #tpu.memory_space<vmem>>) target_semaphore(%arg24 : memref<!tpu.dma_semaphore, #tpu.memory_space<semaphore_mem>>)
    %add3A_1746 = arith.constant 512 : i32
    %add3A_1747 = arith.addi %add3A, %add3A_1746 : i32
    %jit3A_1748 = arith.constant 4096 : i32
    %div3A_1749 = arith.divsi %add3A_1747, %jit3A_1748 : i32
    %sign3A_1750 = arith.constant 0 : i32
    %sign3A_1751 = arith.cmpi sgt, %add3A_1747, %sign3A_1750 : i32
    %sign3A_1752 = arith.extui %sign3A_1751 : i1 to i32
    %sign3A_1753 = arith.constant 0 : i32
    %sign3A_1754 = arith.cmpi slt, %add3A_1747, %sign3A_1753 : i32
    %sign3A_1755 = arith.extui %sign3A_1754 : i1 to i32
    %sign3A_1756 = arith.subi %sign3A_1752, %sign3A_1755 : i32
    %sign3A_1757 = arith.constant 0 : i32
    %sign3A_1758 = arith.cmpi sgt, %jit3A_1748, %sign3A_1757 : i32
    %sign3A_1759 = arith.extui %sign3A_1758 : i1 to i32
    %sign3A_1760 = arith.constant 0 : i32
    %sign3A_1761 = arith.cmpi slt, %jit3A_1748, %sign3A_1760 : i32
    %sign3A_1762 = arith.extui %sign3A_1761 : i1 to i32
    %sign3A_1763 = arith.subi %sign3A_1759, %sign3A_1762 : i32
    %ne3A_1764 = arith.cmpi ne, %sign3A_1756, %sign3A_1763 : i32
    %rem3A_1765 = arith.remsi %add3A_1747, %jit3A_1748 : i32
    %ne3A_1766 = arith.constant 0 : i32
    %ne3A_1767 = arith.cmpi ne, %rem3A_1765, %ne3A_1766 : i32
    %and3A_1768 = arith.andi %ne3A_1764, %ne3A_1767 : i1
    %sub3A_1769 = arith.constant 1 : i32
    %sub3A_1770 = arith.subi %div3A_1749, %sub3A_1769 : i32
    %select_n3A_1771 = arith.select %and3A_1768, %sub3A_1770, %div3A_1749 : i32
    %mul3A_1772 = arith.constant 4096 : i32
    %mul3A_1773 = arith.muli %select_n3A_1771, %mul3A_1772 : i32
    %sub3A_1774 = arith.subi %add3A_1747, %mul3A_1773 : i32
    %dma_start3A_1775 = arith.constant 4 : i32
    %dma_start3A_1776 = arith.constant 0 : i32
    %dma_start3A_1777 = arith.constant 0 : i32
    %dma_start3A_1778 = tpu.memref_slice %arg5[%dma_start3A_1775, %dma_start3A_1776, %dma_start3A_1777] : memref<8x1x128xi32, #tpu.memory_space<vmem>> -> memref<1x1x128xi32, #tpu.memory_space<vmem>>
    %dma_start3A_1779 = tpu.memref_squeeze %dma_start3A_1778 : memref<1x1x128xi32, #tpu.memory_space<vmem>> -> memref<128xi32, #tpu.memory_space<vmem>>
    %dma_start3A_1780 = tpu.memref_slice %arg3[%select_n3A_1771, %sub3A_1774] : memref<16x4096xi32, #tpu.memory_space<hbm>> -> memref<1x128xi32, #tpu.memory_space<hbm>>
    %dma_start3A_1781 = tpu.memref_squeeze %dma_start3A_1780 : memref<1x128xi32, #tpu.memory_space<hbm>> -> memref<128xi32, #tpu.memory_space<hbm>>
    %dma_start3A_1782 = arith.constant 0 : i32
    %dma_start3A_1783 = tpu.memref_slice %arg5[%dma_start3A_1775, %dma_start3A_1776, %dma_start3A_1782] : memref<8x1x128xi32, #tpu.memory_space<vmem>> -> memref<1x1x128xi32, #tpu.memory_space<vmem>>
    %dma_start3A_1784 = tpu.memref_squeeze %dma_start3A_1783 : memref<1x1x128xi32, #tpu.memory_space<vmem>> -> memref<128xi32, #tpu.memory_space<vmem>>
    %dma_start3A_1785 = tpu.memref_slice %arg3[%select_n3A_1771, %sub3A_1774] : memref<16x4096xi32, #tpu.memory_space<hbm>> -> memref<1x128xi32, #tpu.memory_space<hbm>>
    %dma_start3A_1786 = tpu.memref_squeeze %dma_start3A_1785 : memref<1x128xi32, #tpu.memory_space<hbm>> -> memref<128xi32, #tpu.memory_space<hbm>>
    tpu.enqueue_dma source(%dma_start3A_1786 : memref<128xi32, #tpu.memory_space<hbm>>) target(%dma_start3A_1784 : memref<128xi32, #tpu.memory_space<vmem>>) target_semaphore(%arg24 : memref<!tpu.dma_semaphore, #tpu.memory_space<semaphore_mem>>)
    %add3A_1787 = arith.constant 640 : i32
    %add3A_1788 = arith.addi %add3A, %add3A_1787 : i32
    %jit3A_1789 = arith.constant 4096 : i32
    %div3A_1790 = arith.divsi %add3A_1788, %jit3A_1789 : i32
    %sign3A_1791 = arith.constant 0 : i32
    %sign3A_1792 = arith.cmpi sgt, %add3A_1788, %sign3A_1791 : i32
    %sign3A_1793 = arith.extui %sign3A_1792 : i1 to i32
    %sign3A_1794 = arith.constant 0 : i32
    %sign3A_1795 = arith.cmpi slt, %add3A_1788, %sign3A_1794 : i32
    %sign3A_1796 = arith.extui %sign3A_1795 : i1 to i32
    %sign3A_1797 = arith.subi %sign3A_1793, %sign3A_1796 : i32
    %sign3A_1798 = arith.constant 0 : i32
    %sign3A_1799 = arith.cmpi sgt, %jit3A_1789, %sign3A_1798 : i32
    %sign3A_1800 = arith.extui %sign3A_1799 : i1 to i32
    %sign3A_1801 = arith.constant 0 : i32
    %sign3A_1802 = arith.cmpi slt, %jit3A_1789, %sign3A_1801 : i32
    %sign3A_1803 = arith.extui %sign3A_1802 : i1 to i32
    %sign3A_1804 = arith.subi %sign3A_1800, %sign3A_1803 : i32
    %ne3A_1805 = arith.cmpi ne, %sign3A_1797, %sign3A_1804 : i32
    %rem3A_1806 = arith.remsi %add3A_1788, %jit3A_1789 : i32
    %ne3A_1807 = arith.constant 0 : i32
    %ne3A_1808 = arith.cmpi ne, %rem3A_1806, %ne3A_1807 : i32
    %and3A_1809 = arith.andi %ne3A_1805, %ne3A_1808 : i1
    %sub3A_1810 = arith.constant 1 : i32
    %sub3A_1811 = arith.subi %div3A_1790, %sub3A_1810 : i32
    %select_n3A_1812 = arith.select %and3A_1809, %sub3A_1811, %div3A_1790 : i32
    %mul3A_1813 = arith.constant 4096 : i32
    %mul3A_1814 = arith.muli %select_n3A_1812, %mul3A_1813 : i32
    %sub3A_1815 = arith.subi %add3A_1788, %mul3A_1814 : i32
    %dma_start3A_1816 = arith.constant 5 : i32
    %dma_start3A_1817 = arith.constant 0 : i32
    %dma_start3A_1818 = arith.constant 0 : i32
    %dma_start3A_1819 = tpu.memref_slice %arg5[%dma_start3A_1816, %dma_start3A_1817, %dma_start3A_1818] : memref<8x1x128xi32, #tpu.memory_space<vmem>> -> memref<1x1x128xi32, #tpu.memory_space<vmem>>
    %dma_start3A_1820 = tpu.memref_squeeze %dma_start3A_1819 : memref<1x1x128xi32, #tpu.memory_space<vmem>> -> memref<128xi32, #tpu.memory_space<vmem>>
    %dma_start3A_1821 = tpu.memref_slice %arg3[%select_n3A_1812, %sub3A_1815] : memref<16x4096xi32, #tpu.memory_space<hbm>> -> memref<1x128xi32, #tpu.memory_space<hbm>>
    %dma_start3A_1822 = tpu.memref_squeeze %dma_start3A_1821 : memref<1x128xi32, #tpu.memory_space<hbm>> -> memref<128xi32, #tpu.memory_space<hbm>>
    %dma_start3A_1823 = arith.constant 0 : i32
    %dma_start3A_1824 = tpu.memref_slice %arg5[%dma_start3A_1816, %dma_start3A_1817, %dma_start3A_1823] : memref<8x1x128xi32, #tpu.memory_space<vmem>> -> memref<1x1x128xi32, #tpu.memory_space<vmem>>
    %dma_start3A_1825 = tpu.memref_squeeze %dma_start3A_1824 : memref<1x1x128xi32, #tpu.memory_space<vmem>> -> memref<128xi32, #tpu.memory_space<vmem>>
    %dma_start3A_1826 = tpu.memref_slice %arg3[%select_n3A_1812, %sub3A_1815] : memref<16x4096xi32, #tpu.memory_space<hbm>> -> memref<1x128xi32, #tpu.memory_space<hbm>>
    %dma_start3A_1827 = tpu.memref_squeeze %dma_start3A_1826 : memref<1x128xi32, #tpu.memory_space<hbm>> -> memref<128xi32, #tpu.memory_space<hbm>>
    tpu.enqueue_dma source(%dma_start3A_1827 : memref<128xi32, #tpu.memory_space<hbm>>) target(%dma_start3A_1825 : memref<128xi32, #tpu.memory_space<vmem>>) target_semaphore(%arg24 : memref<!tpu.dma_semaphore, #tpu.memory_space<semaphore_mem>>)
    %add3A_1828 = arith.constant 768 : i32
    %add3A_1829 = arith.addi %add3A, %add3A_1828 : i32
    %jit3A_1830 = arith.constant 4096 : i32
    %div3A_1831 = arith.divsi %add3A_1829, %jit3A_1830 : i32
    %sign3A_1832 = arith.constant 0 : i32
    %sign3A_1833 = arith.cmpi sgt, %add3A_1829, %sign3A_1832 : i32
    %sign3A_1834 = arith.extui %sign3A_1833 : i1 to i32
    %sign3A_1835 = arith.constant 0 : i32
    %sign3A_1836 = arith.cmpi slt, %add3A_1829, %sign3A_1835 : i32
    %sign3A_1837 = arith.extui %sign3A_1836 : i1 to i32
    %sign3A_1838 = arith.subi %sign3A_1834, %sign3A_1837 : i32
    %sign3A_1839 = arith.constant 0 : i32
    %sign3A_1840 = arith.cmpi sgt, %jit3A_1830, %sign3A_1839 : i32
    %sign3A_1841 = arith.extui %sign3A_1840 : i1 to i32
    %sign3A_1842 = arith.constant 0 : i32
    %sign3A_1843 = arith.cmpi slt, %jit3A_1830, %sign3A_1842 : i32
    %sign3A_1844 = arith.extui %sign3A_1843 : i1 to i32
    %sign3A_1845 = arith.subi %sign3A_1841, %sign3A_1844 : i32
    %ne3A_1846 = arith.cmpi ne, %sign3A_1838, %sign3A_1845 : i32
    %rem3A_1847 = arith.remsi %add3A_1829, %jit3A_1830 : i32
    %ne3A_1848 = arith.constant 0 : i32
    %ne3A_1849 = arith.cmpi ne, %rem3A_1847, %ne3A_1848 : i32
    %and3A_1850 = arith.andi %ne3A_1846, %ne3A_1849 : i1
    %sub3A_1851 = arith.constant 1 : i32
    %sub3A_1852 = arith.subi %div3A_1831, %sub3A_1851 : i32
    %select_n3A_1853 = arith.select %and3A_1850, %sub3A_1852, %div3A_1831 : i32
    %mul3A_1854 = arith.constant 4096 : i32
    %mul3A_1855 = arith.muli %select_n3A_1853, %mul3A_1854 : i32
    %sub3A_1856 = arith.subi %add3A_1829, %mul3A_1855 : i32
    %dma_start3A_1857 = arith.constant 6 : i32
    %dma_start3A_1858 = arith.constant 0 : i32
    %dma_start3A_1859 = arith.constant 0 : i32
    %dma_start3A_1860 = tpu.memref_slice %arg5[%dma_start3A_1857, %dma_start3A_1858, %dma_start3A_1859] : memref<8x1x128xi32, #tpu.memory_space<vmem>> -> memref<1x1x128xi32, #tpu.memory_space<vmem>>
    %dma_start3A_1861 = tpu.memref_squeeze %dma_start3A_1860 : memref<1x1x128xi32, #tpu.memory_space<vmem>> -> memref<128xi32, #tpu.memory_space<vmem>>
    %dma_start3A_1862 = tpu.memref_slice %arg3[%select_n3A_1853, %sub3A_1856] : memref<16x4096xi32, #tpu.memory_space<hbm>> -> memref<1x128xi32, #tpu.memory_space<hbm>>
    %dma_start3A_1863 = tpu.memref_squeeze %dma_start3A_1862 : memref<1x128xi32, #tpu.memory_space<hbm>> -> memref<128xi32, #tpu.memory_space<hbm>>
    %dma_start3A_1864 = arith.constant 0 : i32
    %dma_start3A_1865 = tpu.memref_slice %arg5[%dma_start3A_1857, %dma_start3A_1858, %dma_start3A_1864] : memref<8x1x128xi32, #tpu.memory_space<vmem>> -> memref<1x1x128xi32, #tpu.memory_space<vmem>>
    %dma_start3A_1866 = tpu.memref_squeeze %dma_start3A_1865 : memref<1x1x128xi32, #tpu.memory_space<vmem>> -> memref<128xi32, #tpu.memory_space<vmem>>
    %dma_start3A_1867 = tpu.memref_slice %arg3[%select_n3A_1853, %sub3A_1856] : memref<16x4096xi32, #tpu.memory_space<hbm>> -> memref<1x128xi32, #tpu.memory_space<hbm>>
    %dma_start3A_1868 = tpu.memref_squeeze %dma_start3A_1867 : memref<1x128xi32, #tpu.memory_space<hbm>> -> memref<128xi32, #tpu.memory_space<hbm>>
    tpu.enqueue_dma source(%dma_start3A_1868 : memref<128xi32, #tpu.memory_space<hbm>>) target(%dma_start3A_1866 : memref<128xi32, #tpu.memory_space<vmem>>) target_semaphore(%arg24 : memref<!tpu.dma_semaphore, #tpu.memory_space<semaphore_mem>>)
    %add3A_1869 = arith.constant 896 : i32
    %add3A_1870 = arith.addi %add3A, %add3A_1869 : i32
    %jit3A_1871 = arith.constant 4096 : i32
    %div3A_1872 = arith.divsi %add3A_1870, %jit3A_1871 : i32
    %sign3A_1873 = arith.constant 0 : i32
    %sign3A_1874 = arith.cmpi sgt, %add3A_1870, %sign3A_1873 : i32
    %sign3A_1875 = arith.extui %sign3A_1874 : i1 to i32
    %sign3A_1876 = arith.constant 0 : i32
    %sign3A_1877 = arith.cmpi slt, %add3A_1870, %sign3A_1876 : i32
    %sign3A_1878 = arith.extui %sign3A_1877 : i1 to i32
    %sign3A_1879 = arith.subi %sign3A_1875, %sign3A_1878 : i32
    %sign3A_1880 = arith.constant 0 : i32
    %sign3A_1881 = arith.cmpi sgt, %jit3A_1871, %sign3A_1880 : i32
    %sign3A_1882 = arith.extui %sign3A_1881 : i1 to i32
    %sign3A_1883 = arith.constant 0 : i32
    %sign3A_1884 = arith.cmpi slt, %jit3A_1871, %sign3A_1883 : i32
    %sign3A_1885 = arith.extui %sign3A_1884 : i1 to i32
    %sign3A_1886 = arith.subi %sign3A_1882, %sign3A_1885 : i32
    %ne3A_1887 = arith.cmpi ne, %sign3A_1879, %sign3A_1886 : i32
    %rem3A_1888 = arith.remsi %add3A_1870, %jit3A_1871 : i32
    %ne3A_1889 = arith.constant 0 : i32
    %ne3A_1890 = arith.cmpi ne, %rem3A_1888, %ne3A_1889 : i32
    %and3A_1891 = arith.andi %ne3A_1887, %ne3A_1890 : i1
    %sub3A_1892 = arith.constant 1 : i32
    %sub3A_1893 = arith.subi %div3A_1872, %sub3A_1892 : i32
    %select_n3A_1894 = arith.select %and3A_1891, %sub3A_1893, %div3A_1872 : i32
    %mul3A_1895 = arith.constant 4096 : i32
    %mul3A_1896 = arith.muli %select_n3A_1894, %mul3A_1895 : i32
    %sub3A_1897 = arith.subi %add3A_1870, %mul3A_1896 : i32
    %dma_start3A_1898 = arith.constant 7 : i32
    %dma_start3A_1899 = arith.constant 0 : i32
    %dma_start3A_1900 = arith.constant 0 : i32
    %dma_start3A_1901 = tpu.memref_slice %arg5[%dma_start3A_1898, %dma_start3A_1899, %dma_start3A_1900] : memref<8x1x128xi32, #tpu.memory_space<vmem>> -> memref<1x1x128xi32, #tpu.memory_space<vmem>>
    %dma_start3A_1902 = tpu.memref_squeeze %dma_start3A_1901 : memref<1x1x128xi32, #tpu.memory_space<vmem>> -> memref<128xi32, #tpu.memory_space<vmem>>
    %dma_start3A_1903 = tpu.memref_slice %arg3[%select_n3A_1894, %sub3A_1897] : memref<16x4096xi32, #tpu.memory_space<hbm>> -> memref<1x128xi32, #tpu.memory_space<hbm>>
    %dma_start3A_1904 = tpu.memref_squeeze %dma_start3A_1903 : memref<1x128xi32, #tpu.memory_space<hbm>> -> memref<128xi32, #tpu.memory_space<hbm>>
    %dma_start3A_1905 = arith.constant 0 : i32
    %dma_start3A_1906 = tpu.memref_slice %arg5[%dma_start3A_1898, %dma_start3A_1899, %dma_start3A_1905] : memref<8x1x128xi32, #tpu.memory_space<vmem>> -> memref<1x1x128xi32, #tpu.memory_space<vmem>>
    %dma_start3A_1907 = tpu.memref_squeeze %dma_start3A_1906 : memref<1x1x128xi32, #tpu.memory_space<vmem>> -> memref<128xi32, #tpu.memory_space<vmem>>
    %dma_start3A_1908 = tpu.memref_slice %arg3[%select_n3A_1894, %sub3A_1897] : memref<16x4096xi32, #tpu.memory_space<hbm>> -> memref<1x128xi32, #tpu.memory_space<hbm>>
    %dma_start3A_1909 = tpu.memref_squeeze %dma_start3A_1908 : memref<1x128xi32, #tpu.memory_space<hbm>> -> memref<128xi32, #tpu.memory_space<hbm>>
    tpu.enqueue_dma source(%dma_start3A_1909 : memref<128xi32, #tpu.memory_space<hbm>>) target(%dma_start3A_1907 : memref<128xi32, #tpu.memory_space<vmem>>) target_semaphore(%arg24 : memref<!tpu.dma_semaphore, #tpu.memory_space<semaphore_mem>>)
    %dma_wait3A = arith.constant 0 : i32
    %dma_wait3A_1910 = arith.constant 0 : i32
    %dma_wait3A_1911 = arith.constant 0 : i32
    %dma_wait3A_1912 = tpu.memref_slice %arg5[%dma_wait3A, %dma_wait3A_1910, %dma_wait3A_1911] : memref<8x1x128xi32, #tpu.memory_space<vmem>> -> memref<1x1x128xi32, #tpu.memory_space<vmem>>
    %dma_wait3A_1913 = tpu.memref_squeeze %dma_wait3A_1912 : memref<1x1x128xi32, #tpu.memory_space<vmem>> -> memref<128xi32, #tpu.memory_space<vmem>>
    %dma_wait3A_1914 = tpu.memref_slice %arg3[%select_n3A, %sub3A_1610] : memref<16x4096xi32, #tpu.memory_space<hbm>> -> memref<1x128xi32, #tpu.memory_space<hbm>>
    %dma_wait3A_1915 = tpu.memref_squeeze %dma_wait3A_1914 : memref<1x128xi32, #tpu.memory_space<hbm>> -> memref<128xi32, #tpu.memory_space<hbm>>
    %dma_wait3A_1916 = arith.constant 0 : i32
    %dma_wait3A_1917 = tpu.memref_slice %arg5[%dma_wait3A, %dma_wait3A_1910, %dma_wait3A_1916] : memref<8x1x128xi32, #tpu.memory_space<vmem>> -> memref<1x1x128xi32, #tpu.memory_space<vmem>>
    %dma_wait3A_1918 = tpu.memref_squeeze %dma_wait3A_1917 : memref<1x1x128xi32, #tpu.memory_space<vmem>> -> memref<128xi32, #tpu.memory_space<vmem>>
    %dma_wait3A_1919 = tpu.memref_slice %arg3[%select_n3A, %sub3A_1610] : memref<16x4096xi32, #tpu.memory_space<hbm>> -> memref<1x128xi32, #tpu.memory_space<hbm>>
    %dma_wait3A_1920 = tpu.memref_squeeze %dma_wait3A_1919 : memref<1x128xi32, #tpu.memory_space<hbm>> -> memref<128xi32, #tpu.memory_space<hbm>>
    tpu.wait_dma2 semaphore(%arg24 : memref<!tpu.dma_semaphore, #tpu.memory_space<semaphore_mem>>) src(%dma_wait3A_1920 : memref<128xi32, #tpu.memory_space<hbm>>) dst(%dma_wait3A_1918 : memref<128xi32, #tpu.memory_space<vmem>>)
    %dma_wait3A_1921 = arith.constant 1 : i32
    %dma_wait3A_1922 = arith.constant 0 : i32
    %dma_wait3A_1923 = arith.constant 0 : i32
    %dma_wait3A_1924 = tpu.memref_slice %arg5[%dma_wait3A_1921, %dma_wait3A_1922, %dma_wait3A_1923] : memref<8x1x128xi32, #tpu.memory_space<vmem>> -> memref<1x1x128xi32, #tpu.memory_space<vmem>>
    %dma_wait3A_1925 = tpu.memref_squeeze %dma_wait3A_1924 : memref<1x1x128xi32, #tpu.memory_space<vmem>> -> memref<128xi32, #tpu.memory_space<vmem>>
    %dma_wait3A_1926 = tpu.memref_slice %arg3[%select_n3A_1648, %sub3A_1651] : memref<16x4096xi32, #tpu.memory_space<hbm>> -> memref<1x128xi32, #tpu.memory_space<hbm>>
    %dma_wait3A_1927 = tpu.memref_squeeze %dma_wait3A_1926 : memref<1x128xi32, #tpu.memory_space<hbm>> -> memref<128xi32, #tpu.memory_space<hbm>>
    %dma_wait3A_1928 = arith.constant 0 : i32
    %dma_wait3A_1929 = tpu.memref_slice %arg5[%dma_wait3A_1921, %dma_wait3A_1922, %dma_wait3A_1928] : memref<8x1x128xi32, #tpu.memory_space<vmem>> -> memref<1x1x128xi32, #tpu.memory_space<vmem>>
    %dma_wait3A_1930 = tpu.memref_squeeze %dma_wait3A_1929 : memref<1x1x128xi32, #tpu.memory_space<vmem>> -> memref<128xi32, #tpu.memory_space<vmem>>
    %dma_wait3A_1931 = tpu.memref_slice %arg3[%select_n3A_1648, %sub3A_1651] : memref<16x4096xi32, #tpu.memory_space<hbm>> -> memref<1x128xi32, #tpu.memory_space<hbm>>
    %dma_wait3A_1932 = tpu.memref_squeeze %dma_wait3A_1931 : memref<1x128xi32, #tpu.memory_space<hbm>> -> memref<128xi32, #tpu.memory_space<hbm>>
    tpu.wait_dma2 semaphore(%arg24 : memref<!tpu.dma_semaphore, #tpu.memory_space<semaphore_mem>>) src(%dma_wait3A_1932 : memref<128xi32, #tpu.memory_space<hbm>>) dst(%dma_wait3A_1930 : memref<128xi32, #tpu.memory_space<vmem>>)
    %dma_wait3A_1933 = arith.constant 2 : i32
    %dma_wait3A_1934 = arith.constant 0 : i32
    %dma_wait3A_1935 = arith.constant 0 : i32
    %dma_wait3A_1936 = tpu.memref_slice %arg5[%dma_wait3A_1933, %dma_wait3A_1934, %dma_wait3A_1935] : memref<8x1x128xi32, #tpu.memory_space<vmem>> -> memref<1x1x128xi32, #tpu.memory_space<vmem>>
    %dma_wait3A_1937 = tpu.memref_squeeze %dma_wait3A_1936 : memref<1x1x128xi32, #tpu.memory_space<vmem>> -> memref<128xi32, #tpu.memory_space<vmem>>
    %dma_wait3A_1938 = tpu.memref_slice %arg3[%select_n3A_1689, %sub3A_1692] : memref<16x4096xi32, #tpu.memory_space<hbm>> -> memref<1x128xi32, #tpu.memory_space<hbm>>
    %dma_wait3A_1939 = tpu.memref_squeeze %dma_wait3A_1938 : memref<1x128xi32, #tpu.memory_space<hbm>> -> memref<128xi32, #tpu.memory_space<hbm>>
    %dma_wait3A_1940 = arith.constant 0 : i32
    %dma_wait3A_1941 = tpu.memref_slice %arg5[%dma_wait3A_1933, %dma_wait3A_1934, %dma_wait3A_1940] : memref<8x1x128xi32, #tpu.memory_space<vmem>> -> memref<1x1x128xi32, #tpu.memory_space<vmem>>
    %dma_wait3A_1942 = tpu.memref_squeeze %dma_wait3A_1941 : memref<1x1x128xi32, #tpu.memory_space<vmem>> -> memref<128xi32, #tpu.memory_space<vmem>>
    %dma_wait3A_1943 = tpu.memref_slice %arg3[%select_n3A_1689, %sub3A_1692] : memref<16x4096xi32, #tpu.memory_space<hbm>> -> memref<1x128xi32, #tpu.memory_space<hbm>>
    %dma_wait3A_1944 = tpu.memref_squeeze %dma_wait3A_1943 : memref<1x128xi32, #tpu.memory_space<hbm>> -> memref<128xi32, #tpu.memory_space<hbm>>
    tpu.wait_dma2 semaphore(%arg24 : memref<!tpu.dma_semaphore, #tpu.memory_space<semaphore_mem>>) src(%dma_wait3A_1944 : memref<128xi32, #tpu.memory_space<hbm>>) dst(%dma_wait3A_1942 : memref<128xi32, #tpu.memory_space<vmem>>)
    %dma_wait3A_1945 = arith.constant 3 : i32
    %dma_wait3A_1946 = arith.constant 0 : i32
    %dma_wait3A_1947 = arith.constant 0 : i32
    %dma_wait3A_1948 = tpu.memref_slice %arg5[%dma_wait3A_1945, %dma_wait3A_1946, %dma_wait3A_1947] : memref<8x1x128xi32, #tpu.memory_space<vmem>> -> memref<1x1x128xi32, #tpu.memory_space<vmem>>
    %dma_wait3A_1949 = tpu.memref_squeeze %dma_wait3A_1948 : memref<1x1x128xi32, #tpu.memory_space<vmem>> -> memref<128xi32, #tpu.memory_space<vmem>>
    %dma_wait3A_1950 = tpu.memref_slice %arg3[%select_n3A_1730, %sub3A_1733] : memref<16x4096xi32, #tpu.memory_space<hbm>> -> memref<1x128xi32, #tpu.memory_space<hbm>>
    %dma_wait3A_1951 = tpu.memref_squeeze %dma_wait3A_1950 : memref<1x128xi32, #tpu.memory_space<hbm>> -> memref<128xi32, #tpu.memory_space<hbm>>
    %dma_wait3A_1952 = arith.constant 0 : i32
    %dma_wait3A_1953 = tpu.memref_slice %arg5[%dma_wait3A_1945, %dma_wait3A_1946, %dma_wait3A_1952] : memref<8x1x128xi32, #tpu.memory_space<vmem>> -> memref<1x1x128xi32, #tpu.memory_space<vmem>>
    %dma_wait3A_1954 = tpu.memref_squeeze %dma_wait3A_1953 : memref<1x1x128xi32, #tpu.memory_space<vmem>> -> memref<128xi32, #tpu.memory_space<vmem>>
    %dma_wait3A_1955 = tpu.memref_slice %arg3[%select_n3A_1730, %sub3A_1733] : memref<16x4096xi32, #tpu.memory_space<hbm>> -> memref<1x128xi32, #tpu.memory_space<hbm>>
    %dma_wait3A_1956 = tpu.memref_squeeze %dma_wait3A_1955 : memref<1x128xi32, #tpu.memory_space<hbm>> -> memref<128xi32, #tpu.memory_space<hbm>>
    tpu.wait_dma2 semaphore(%arg24 : memref<!tpu.dma_semaphore, #tpu.memory_space<semaphore_mem>>) src(%dma_wait3A_1956 : memref<128xi32, #tpu.memory_space<hbm>>) dst(%dma_wait3A_1954 : memref<128xi32, #tpu.memory_space<vmem>>)
    %dma_wait3A_1957 = arith.constant 4 : i32
    %dma_wait3A_1958 = arith.constant 0 : i32
    %dma_wait3A_1959 = arith.constant 0 : i32
    %dma_wait3A_1960 = tpu.memref_slice %arg5[%dma_wait3A_1957, %dma_wait3A_1958, %dma_wait3A_1959] : memref<8x1x128xi32, #tpu.memory_space<vmem>> -> memref<1x1x128xi32, #tpu.memory_space<vmem>>
    %dma_wait3A_1961 = tpu.memref_squeeze %dma_wait3A_1960 : memref<1x1x128xi32, #tpu.memory_space<vmem>> -> memref<128xi32, #tpu.memory_space<vmem>>
    %dma_wait3A_1962 = tpu.memref_slice %arg3[%select_n3A_1771, %sub3A_1774] : memref<16x4096xi32, #tpu.memory_space<hbm>> -> memref<1x128xi32, #tpu.memory_space<hbm>>
    %dma_wait3A_1963 = tpu.memref_squeeze %dma_wait3A_1962 : memref<1x128xi32, #tpu.memory_space<hbm>> -> memref<128xi32, #tpu.memory_space<hbm>>
    %dma_wait3A_1964 = arith.constant 0 : i32
    %dma_wait3A_1965 = tpu.memref_slice %arg5[%dma_wait3A_1957, %dma_wait3A_1958, %dma_wait3A_1964] : memref<8x1x128xi32, #tpu.memory_space<vmem>> -> memref<1x1x128xi32, #tpu.memory_space<vmem>>
    %dma_wait3A_1966 = tpu.memref_squeeze %dma_wait3A_1965 : memref<1x1x128xi32, #tpu.memory_space<vmem>> -> memref<128xi32, #tpu.memory_space<vmem>>
    %dma_wait3A_1967 = tpu.memref_slice %arg3[%select_n3A_1771, %sub3A_1774] : memref<16x4096xi32, #tpu.memory_space<hbm>> -> memref<1x128xi32, #tpu.memory_space<hbm>>
    %dma_wait3A_1968 = tpu.memref_squeeze %dma_wait3A_1967 : memref<1x128xi32, #tpu.memory_space<hbm>> -> memref<128xi32, #tpu.memory_space<hbm>>
    tpu.wait_dma2 semaphore(%arg24 : memref<!tpu.dma_semaphore, #tpu.memory_space<semaphore_mem>>) src(%dma_wait3A_1968 : memref<128xi32, #tpu.memory_space<hbm>>) dst(%dma_wait3A_1966 : memref<128xi32, #tpu.memory_space<vmem>>)
    %dma_wait3A_1969 = arith.constant 5 : i32
    %dma_wait3A_1970 = arith.constant 0 : i32
    %dma_wait3A_1971 = arith.constant 0 : i32
    %dma_wait3A_1972 = tpu.memref_slice %arg5[%dma_wait3A_1969, %dma_wait3A_1970, %dma_wait3A_1971] : memref<8x1x128xi32, #tpu.memory_space<vmem>> -> memref<1x1x128xi32, #tpu.memory_space<vmem>>
    %dma_wait3A_1973 = tpu.memref_squeeze %dma_wait3A_1972 : memref<1x1x128xi32, #tpu.memory_space<vmem>> -> memref<128xi32, #tpu.memory_space<vmem>>
    %dma_wait3A_1974 = tpu.memref_slice %arg3[%select_n3A_1812, %sub3A_1815] : memref<16x4096xi32, #tpu.memory_space<hbm>> -> memref<1x128xi32, #tpu.memory_space<hbm>>
    %dma_wait3A_1975 = tpu.memref_squeeze %dma_wait3A_1974 : memref<1x128xi32, #tpu.memory_space<hbm>> -> memref<128xi32, #tpu.memory_space<hbm>>
    %dma_wait3A_1976 = arith.constant 0 : i32
    %dma_wait3A_1977 = tpu.memref_slice %arg5[%dma_wait3A_1969, %dma_wait3A_1970, %dma_wait3A_1976] : memref<8x1x128xi32, #tpu.memory_space<vmem>> -> memref<1x1x128xi32, #tpu.memory_space<vmem>>
    %dma_wait3A_1978 = tpu.memref_squeeze %dma_wait3A_1977 : memref<1x1x128xi32, #tpu.memory_space<vmem>> -> memref<128xi32, #tpu.memory_space<vmem>>
    %dma_wait3A_1979 = tpu.memref_slice %arg3[%select_n3A_1812, %sub3A_1815] : memref<16x4096xi32, #tpu.memory_space<hbm>> -> memref<1x128xi32, #tpu.memory_space<hbm>>
    %dma_wait3A_1980 = tpu.memref_squeeze %dma_wait3A_1979 : memref<1x128xi32, #tpu.memory_space<hbm>> -> memref<128xi32, #tpu.memory_space<hbm>>
    tpu.wait_dma2 semaphore(%arg24 : memref<!tpu.dma_semaphore, #tpu.memory_space<semaphore_mem>>) src(%dma_wait3A_1980 : memref<128xi32, #tpu.memory_space<hbm>>) dst(%dma_wait3A_1978 : memref<128xi32, #tpu.memory_space<vmem>>)
    %dma_wait3A_1981 = arith.constant 6 : i32
    %dma_wait3A_1982 = arith.constant 0 : i32
    %dma_wait3A_1983 = arith.constant 0 : i32
    %dma_wait3A_1984 = tpu.memref_slice %arg5[%dma_wait3A_1981, %dma_wait3A_1982, %dma_wait3A_1983] : memref<8x1x128xi32, #tpu.memory_space<vmem>> -> memref<1x1x128xi32, #tpu.memory_space<vmem>>
    %dma_wait3A_1985 = tpu.memref_squeeze %dma_wait3A_1984 : memref<1x1x128xi32, #tpu.memory_space<vmem>> -> memref<128xi32, #tpu.memory_space<vmem>>
    %dma_wait3A_1986 = tpu.memref_slice %arg3[%select_n3A_1853, %sub3A_1856] : memref<16x4096xi32, #tpu.memory_space<hbm>> -> memref<1x128xi32, #tpu.memory_space<hbm>>
    %dma_wait3A_1987 = tpu.memref_squeeze %dma_wait3A_1986 : memref<1x128xi32, #tpu.memory_space<hbm>> -> memref<128xi32, #tpu.memory_space<hbm>>
    %dma_wait3A_1988 = arith.constant 0 : i32
    %dma_wait3A_1989 = tpu.memref_slice %arg5[%dma_wait3A_1981, %dma_wait3A_1982, %dma_wait3A_1988] : memref<8x1x128xi32, #tpu.memory_space<vmem>> -> memref<1x1x128xi32, #tpu.memory_space<vmem>>
    %dma_wait3A_1990 = tpu.memref_squeeze %dma_wait3A_1989 : memref<1x1x128xi32, #tpu.memory_space<vmem>> -> memref<128xi32, #tpu.memory_space<vmem>>
    %dma_wait3A_1991 = tpu.memref_slice %arg3[%select_n3A_1853, %sub3A_1856] : memref<16x4096xi32, #tpu.memory_space<hbm>> -> memref<1x128xi32, #tpu.memory_space<hbm>>
    %dma_wait3A_1992 = tpu.memref_squeeze %dma_wait3A_1991 : memref<1x128xi32, #tpu.memory_space<hbm>> -> memref<128xi32, #tpu.memory_space<hbm>>
    tpu.wait_dma2 semaphore(%arg24 : memref<!tpu.dma_semaphore, #tpu.memory_space<semaphore_mem>>) src(%dma_wait3A_1992 : memref<128xi32, #tpu.memory_space<hbm>>) dst(%dma_wait3A_1990 : memref<128xi32, #tpu.memory_space<vmem>>)
    %dma_wait3A_1993 = arith.constant 7 : i32
    %dma_wait3A_1994 = arith.constant 0 : i32
    %dma_wait3A_1995 = arith.constant 0 : i32
    %dma_wait3A_1996 = tpu.memref_slice %arg5[%dma_wait3A_1993, %dma_wait3A_1994, %dma_wait3A_1995] : memref<8x1x128xi32, #tpu.memory_space<vmem>> -> memref<1x1x128xi32, #tpu.memory_space<vmem>>
    %dma_wait3A_1997 = tpu.memref_squeeze %dma_wait3A_1996 : memref<1x1x128xi32, #tpu.memory_space<vmem>> -> memref<128xi32, #tpu.memory_space<vmem>>
    %dma_wait3A_1998 = tpu.memref_slice %arg3[%select_n3A_1894, %sub3A_1897] : memref<16x4096xi32, #tpu.memory_space<hbm>> -> memref<1x128xi32, #tpu.memory_space<hbm>>
    %dma_wait3A_1999 = tpu.memref_squeeze %dma_wait3A_1998 : memref<1x128xi32, #tpu.memory_space<hbm>> -> memref<128xi32, #tpu.memory_space<hbm>>
    %dma_wait3A_2000 = arith.constant 0 : i32
    %dma_wait3A_2001 = tpu.memref_slice %arg5[%dma_wait3A_1993, %dma_wait3A_1994, %dma_wait3A_2000] : memref<8x1x128xi32, #tpu.memory_space<vmem>> -> memref<1x1x128xi32, #tpu.memory_space<vmem>>
    %dma_wait3A_2002 = tpu.memref_squeeze %dma_wait3A_2001 : memref<1x1x128xi32, #tpu.memory_space<vmem>> -> memref<128xi32, #tpu.memory_space<vmem>>
    %dma_wait3A_2003 = tpu.memref_slice %arg3[%select_n3A_1894, %sub3A_1897] : memref<16x4096xi32, #tpu.memory_space<hbm>> -> memref<1x128xi32, #tpu.memory_space<hbm>>
    %dma_wait3A_2004 = tpu.memref_squeeze %dma_wait3A_2003 : memref<1x128xi32, #tpu.memory_space<hbm>> -> memref<128xi32, #tpu.memory_space<hbm>>
    tpu.wait_dma2 semaphore(%arg24 : memref<!tpu.dma_semaphore, #tpu.memory_space<semaphore_mem>>) src(%dma_wait3A_2004 : memref<128xi32, #tpu.memory_space<hbm>>) dst(%dma_wait3A_2002 : memref<128xi32, #tpu.memory_space<vmem>>)
    %add3A_2005 = arith.constant 0 : i32
    %add3A_2006 = arith.addi %add3A, %add3A_2005 : i32
    %jit3A_2007 = arith.constant 4096 : i32
    %div3A_2008 = arith.divsi %add3A_2006, %jit3A_2007 : i32
    %sign3A_2009 = arith.constant 0 : i32
    %sign3A_2010 = arith.cmpi sgt, %add3A_2006, %sign3A_2009 : i32
    %sign3A_2011 = arith.extui %sign3A_2010 : i1 to i32
    %sign3A_2012 = arith.constant 0 : i32
    %sign3A_2013 = arith.cmpi slt, %add3A_2006, %sign3A_2012 : i32
    %sign3A_2014 = arith.extui %sign3A_2013 : i1 to i32
    %sign3A_2015 = arith.subi %sign3A_2011, %sign3A_2014 : i32
    %sign3A_2016 = arith.constant 0 : i32
    %sign3A_2017 = arith.cmpi sgt, %jit3A_2007, %sign3A_2016 : i32
    %sign3A_2018 = arith.extui %sign3A_2017 : i1 to i32
    %sign3A_2019 = arith.constant 0 : i32
    %sign3A_2020 = arith.cmpi slt, %jit3A_2007, %sign3A_2019 : i32
    %sign3A_2021 = arith.extui %sign3A_2020 : i1 to i32
    %sign3A_2022 = arith.subi %sign3A_2018, %sign3A_2021 : i32
    %ne3A_2023 = arith.cmpi ne, %sign3A_2015, %sign3A_2022 : i32
    %rem3A_2024 = arith.remsi %add3A_2006, %jit3A_2007 : i32
    %ne3A_2025 = arith.constant 0 : i32
    %ne3A_2026 = arith.cmpi ne, %rem3A_2024, %ne3A_2025 : i32
    %and3A_2027 = arith.andi %ne3A_2023, %ne3A_2026 : i1
    %sub3A_2028 = arith.constant 1 : i32
    %sub3A_2029 = arith.subi %div3A_2008, %sub3A_2028 : i32
    %select_n3A_2030 = arith.select %and3A_2027, %sub3A_2029, %div3A_2008 : i32
    %mul3A_2031 = arith.constant 4 : i32
    %mul3A_2032 = arith.muli %arg0, %mul3A_2031 : i32
    %sub3A_2033 = arith.subi %select_n3A_2030, %mul3A_2032 : i32
    %mul3A_2034 = arith.constant 512 : i32
    %mul3A_2035 = arith.muli %sub3A_2033, %mul3A_2034 : i32
    %get3A = arith.constant 0 : i32
    %get3A_2036 = arith.constant 0 : i32
    %get3A_2037 = arith.index_cast %get3A : i32 to index
    %get3A_2038 = arith.index_cast %get3A_2036 : i32 to index
    %get3A_2039 = arith.constant 0 : index
    %get3A_2040 = tpu.vector_load %arg5[%get3A_2037, %get3A_2038, %get3A_2039] {strides = array<i32>} : memref<8x1x128xi32, #tpu.memory_space<vmem>>, vector<1x1x16xi32>,
    %get3A_2041 = vector.shape_cast %get3A_2040 : vector<1x1x16xi32> to vector<16xi32>
    %add3A_2042 = vector.broadcast %mul3A_2035 : i32 to vector<16xi32>
    %add3A_2043 = arith.addi %get3A_2041, %add3A_2042 : vector<16xi32>
    %swap3A_2044 = arith.constant 0 : i32
    %swap3A_2045 = arith.constant 0 : i32
    %swap3A_2046 = arith.index_cast %swap3A_2044 : i32 to index
    %swap3A_2047 = arith.index_cast %swap3A_2045 : i32 to index
    %swap3A_2048 = arith.constant 0 : index
    %swap3A_2049 = tpu.vector_load %arg5[%swap3A_2046, %swap3A_2047, %swap3A_2048] {strides = array<i32>} : memref<8x1x128xi32, #tpu.memory_space<vmem>>, vector<1x1x16xi32>,
    %swap3A_2050 = vector.shape_cast %swap3A_2049 : vector<1x1x16xi32> to vector<16xi32>
    %swap3A_2051 = vector.shape_cast %add3A_2043 : vector<16xi32> to vector<1x1x16xi32>
    tpu.vector_store %arg5[%swap3A_2046, %swap3A_2047, %swap3A_2048], %swap3A_2051 {strides = array<i32>} : memref<8x1x128xi32, #tpu.memory_space<vmem>>, vector<1x1x16xi32>,
    %get3A_2052 = arith.constant 0 : i32
    %get3A_2053 = arith.constant 0 : i32
    %get3A_2054 = arith.index_cast %get3A_2052 : i32 to index
    %get3A_2055 = arith.index_cast %get3A_2053 : i32 to index
    %get3A_2056 = arith.constant 16 : index
    %get3A_2057 = tpu.vector_load %arg5[%get3A_2054, %get3A_2055, %get3A_2056] {strides = array<i32>} : memref<8x1x128xi32, #tpu.memory_space<vmem>>, vector<1x1x16xi32>,
    %get3A_2058 = vector.shape_cast %get3A_2057 : vector<1x1x16xi32> to vector<16xi32>
    %add3A_2059 = vector.broadcast %mul3A_2035 : i32 to vector<16xi32>
    %add3A_2060 = arith.addi %get3A_2058, %add3A_2059 : vector<16xi32>
    %swap3A_2061 = arith.constant 0 : i32
    %swap3A_2062 = arith.constant 0 : i32
    %swap3A_2063 = arith.index_cast %swap3A_2061 : i32 to index
    %swap3A_2064 = arith.index_cast %swap3A_2062 : i32 to index
    %swap3A_2065 = arith.constant 16 : index
    %swap3A_2066 = tpu.vector_load %arg5[%swap3A_2063, %swap3A_2064, %swap3A_2065] {strides = array<i32>} : memref<8x1x128xi32, #tpu.memory_space<vmem>>, vector<1x1x16xi32>,
    %swap3A_2067 = vector.shape_cast %swap3A_2066 : vector<1x1x16xi32> to vector<16xi32>
    %swap3A_2068 = vector.shape_cast %add3A_2060 : vector<16xi32> to vector<1x1x16xi32>
    tpu.vector_store %arg5[%swap3A_2063, %swap3A_2064, %swap3A_2065], %swap3A_2068 {strides = array<i32>} : memref<8x1x128xi32, #tpu.memory_space<vmem>>, vector<1x1x16xi32>,
    %get3A_2069 = arith.constant 0 : i32
    %get3A_2070 = arith.constant 0 : i32
    %get3A_2071 = arith.index_cast %get3A_2069 : i32 to index
    %get3A_2072 = arith.index_cast %get3A_2070 : i32 to index
    %get3A_2073 = arith.constant 32 : index
    %get3A_2074 = tpu.vector_load %arg5[%get3A_2071, %get3A_2072, %get3A_2073] {strides = array<i32>} : memref<8x1x128xi32, #tpu.memory_space<vmem>>, vector<1x1x16xi32>,
    %get3A_2075 = vector.shape_cast %get3A_2074 : vector<1x1x16xi32> to vector<16xi32>
    %add3A_2076 = vector.broadcast %mul3A_2035 : i32 to vector<16xi32>
    %add3A_2077 = arith.addi %get3A_2075, %add3A_2076 : vector<16xi32>
    %swap3A_2078 = arith.constant 0 : i32
    %swap3A_2079 = arith.constant 0 : i32
    %swap3A_2080 = arith.index_cast %swap3A_2078 : i32 to index
    %swap3A_2081 = arith.index_cast %swap3A_2079 : i32 to index
    %swap3A_2082 = arith.constant 32 : index
    %swap3A_2083 = tpu.vector_load %arg5[%swap3A_2080, %swap3A_2081, %swap3A_2082] {strides = array<i32>} : memref<8x1x128xi32, #tpu.memory_space<vmem>>, vector<1x1x16xi32>,
    %swap3A_2084 = vector.shape_cast %swap3A_2083 : vector<1x1x16xi32> to vector<16xi32>
    %swap3A_2085 = vector.shape_cast %add3A_2077 : vector<16xi32> to vector<1x1x16xi32>
    tpu.vector_store %arg5[%swap3A_2080, %swap3A_2081, %swap3A_2082], %swap3A_2085 {strides = array<i32>} : memref<8x1x128xi32, #tpu.memory_space<vmem>>, vector<1x1x16xi32>,
    %get3A_2086 = arith.constant 0 : i32
    %get3A_2087 = arith.constant 0 : i32
    %get3A_2088 = arith.index_cast %get3A_2086 : i32 to index
    %get3A_2089 = arith.index_cast %get3A_2087 : i32 to index
    %get3A_2090 = arith.constant 48 : index
    %get3A_2091 = tpu.vector_load %arg5[%get3A_2088, %get3A_2089, %get3A_2090] {strides = array<i32>} : memref<8x1x128xi32, #tpu.memory_space<vmem>>, vector<1x1x16xi32>,
    %get3A_2092 = vector.shape_cast %get3A_2091 : vector<1x1x16xi32> to vector<16xi32>
    %add3A_2093 = vector.broadcast %mul3A_2035 : i32 to vector<16xi32>
    %add3A_2094 = arith.addi %get3A_2092, %add3A_2093 : vector<16xi32>
    %swap3A_2095 = arith.constant 0 : i32
    %swap3A_2096 = arith.constant 0 : i32
    %swap3A_2097 = arith.index_cast %swap3A_2095 : i32 to index
    %swap3A_2098 = arith.index_cast %swap3A_2096 : i32 to index
    %swap3A_2099 = arith.constant 48 : index
    %swap3A_2100 = tpu.vector_load %arg5[%swap3A_2097, %swap3A_2098, %swap3A_2099] {strides = array<i32>} : memref<8x1x128xi32, #tpu.memory_space<vmem>>, vector<1x1x16xi32>,
    %swap3A_2101 = vector.shape_cast %swap3A_2100 : vector<1x1x16xi32> to vector<16xi32>
    %swap3A_2102 = vector.shape_cast %add3A_2094 : vector<16xi32> to vector<1x1x16xi32>
    tpu.vector_store %arg5[%swap3A_2097, %swap3A_2098, %swap3A_2099], %swap3A_2102 {strides = array<i32>} : memref<8x1x128xi32, #tpu.memory_space<vmem>>, vector<1x1x16xi32>,
    %get3A_2103 = arith.constant 0 : i32
    %get3A_2104 = arith.constant 0 : i32
    %get3A_2105 = arith.index_cast %get3A_2103 : i32 to index
    %get3A_2106 = arith.index_cast %get3A_2104 : i32 to index
    %get3A_2107 = arith.constant 64 : index
    %get3A_2108 = tpu.vector_load %arg5[%get3A_2105, %get3A_2106, %get3A_2107] {strides = array<i32>} : memref<8x1x128xi32, #tpu.memory_space<vmem>>, vector<1x1x16xi32>,
    %get3A_2109 = vector.shape_cast %get3A_2108 : vector<1x1x16xi32> to vector<16xi32>
    %add3A_2110 = vector.broadcast %mul3A_2035 : i32 to vector<16xi32>
    %add3A_2111 = arith.addi %get3A_2109, %add3A_2110 : vector<16xi32>
    %swap3A_2112 = arith.constant 0 : i32
    %swap3A_2113 = arith.constant 0 : i32
    %swap3A_2114 = arith.index_cast %swap3A_2112 : i32 to index
    %swap3A_2115 = arith.index_cast %swap3A_2113 : i32 to index
    %swap3A_2116 = arith.constant 64 : index
    %swap3A_2117 = tpu.vector_load %arg5[%swap3A_2114, %swap3A_2115, %swap3A_2116] {strides = array<i32>} : memref<8x1x128xi32, #tpu.memory_space<vmem>>, vector<1x1x16xi32>,
    %swap3A_2118 = vector.shape_cast %swap3A_2117 : vector<1x1x16xi32> to vector<16xi32>
    %swap3A_2119 = vector.shape_cast %add3A_2111 : vector<16xi32> to vector<1x1x16xi32>
    tpu.vector_store %arg5[%swap3A_2114, %swap3A_2115, %swap3A_2116], %swap3A_2119 {strides = array<i32>} : memref<8x1x128xi32, #tpu.memory_space<vmem>>, vector<1x1x16xi32>,
    %get3A_2120 = arith.constant 0 : i32
    %get3A_2121 = arith.constant 0 : i32
    %get3A_2122 = arith.index_cast %get3A_2120 : i32 to index
    %get3A_2123 = arith.index_cast %get3A_2121 : i32 to index
    %get3A_2124 = arith.constant 80 : index
    %get3A_2125 = tpu.vector_load %arg5[%get3A_2122, %get3A_2123, %get3A_2124] {strides = array<i32>} : memref<8x1x128xi32, #tpu.memory_space<vmem>>, vector<1x1x16xi32>,
    %get3A_2126 = vector.shape_cast %get3A_2125 : vector<1x1x16xi32> to vector<16xi32>
    %add3A_2127 = vector.broadcast %mul3A_2035 : i32 to vector<16xi32>
    %add3A_2128 = arith.addi %get3A_2126, %add3A_2127 : vector<16xi32>
    %swap3A_2129 = arith.constant 0 : i32
    %swap3A_2130 = arith.constant 0 : i32
    %swap3A_2131 = arith.index_cast %swap3A_2129 : i32 to index
    %swap3A_2132 = arith.index_cast %swap3A_2130 : i32 to index
    %swap3A_2133 = arith.constant 80 : index
    %swap3A_2134 = tpu.vector_load %arg5[%swap3A_2131, %swap3A_2132, %swap3A_2133] {strides = array<i32>} : memref<8x1x128xi32, #tpu.memory_space<vmem>>, vector<1x1x16xi32>,
    %swap3A_2135 = vector.shape_cast %swap3A_2134 : vector<1x1x16xi32> to vector<16xi32>
    %swap3A_2136 = vector.shape_cast %add3A_2128 : vector<16xi32> to vector<1x1x16xi32>
    tpu.vector_store %arg5[%swap3A_2131, %swap3A_2132, %swap3A_2133], %swap3A_2136 {strides = array<i32>} : memref<8x1x128xi32, #tpu.memory_space<vmem>>, vector<1x1x16xi32>,
    %get3A_2137 = arith.constant 0 : i32
    %get3A_2138 = arith.constant 0 : i32
    %get3A_2139 = arith.index_cast %get3A_2137 : i32 to index
    %get3A_2140 = arith.index_cast %get3A_2138 : i32 to index
    %get3A_2141 = arith.constant 96 : index
    %get3A_2142 = tpu.vector_load %arg5[%get3A_2139, %get3A_2140, %get3A_2141] {strides = array<i32>} : memref<8x1x128xi32, #tpu.memory_space<vmem>>, vector<1x1x16xi32>,
    %get3A_2143 = vector.shape_cast %get3A_2142 : vector<1x1x16xi32> to vector<16xi32>
    %add3A_2144 = vector.broadcast %mul3A_2035 : i32 to vector<16xi32>
    %add3A_2145 = arith.addi %get3A_2143, %add3A_2144 : vector<16xi32>
    %swap3A_2146 = arith.constant 0 : i32
    %swap3A_2147 = arith.constant 0 : i32
    %swap3A_2148 = arith.index_cast %swap3A_2146 : i32 to index
    %swap3A_2149 = arith.index_cast %swap3A_2147 : i32 to index
    %swap3A_2150 = arith.constant 96 : index
    %swap3A_2151 = tpu.vector_load %arg5[%swap3A_2148, %swap3A_2149, %swap3A_2150] {strides = array<i32>} : memref<8x1x128xi32, #tpu.memory_space<vmem>>, vector<1x1x16xi32>,
    %swap3A_2152 = vector.shape_cast %swap3A_2151 : vector<1x1x16xi32> to vector<16xi32>
    %swap3A_2153 = vector.shape_cast %add3A_2145 : vector<16xi32> to vector<1x1x16xi32>
    tpu.vector_store %arg5[%swap3A_2148, %swap3A_2149, %swap3A_2150], %swap3A_2153 {strides = array<i32>} : memref<8x1x128xi32, #tpu.memory_space<vmem>>, vector<1x1x16xi32>,
    %get3A_2154 = arith.constant 0 : i32
    %get3A_2155 = arith.constant 0 : i32
    %get3A_2156 = arith.index_cast %get3A_2154 : i32 to index
    %get3A_2157 = arith.index_cast %get3A_2155 : i32 to index
    %get3A_2158 = arith.constant 112 : index
    %get3A_2159 = tpu.vector_load %arg5[%get3A_2156, %get3A_2157, %get3A_2158] {strides = array<i32>} : memref<8x1x128xi32, #tpu.memory_space<vmem>>, vector<1x1x16xi32>,
    %get3A_2160 = vector.shape_cast %get3A_2159 : vector<1x1x16xi32> to vector<16xi32>
    %add3A_2161 = vector.broadcast %mul3A_2035 : i32 to vector<16xi32>
    %add3A_2162 = arith.addi %get3A_2160, %add3A_2161 : vector<16xi32>
    %swap3A_2163 = arith.constant 0 : i32
    %swap3A_2164 = arith.constant 0 : i32
    %swap3A_2165 = arith.index_cast %swap3A_2163 : i32 to index
    %swap3A_2166 = arith.index_cast %swap3A_2164 : i32 to index
    %swap3A_2167 = arith.constant 112 : index
    %swap3A_2168 = tpu.vector_load %arg5[%swap3A_2165, %swap3A_2166, %swap3A_2167] {strides = array<i32>} : memref<8x1x128xi32, #tpu.memory_space<vmem>>, vector<1x1x16xi32>,
    %swap3A_2169 = vector.shape_cast %swap3A_2168 : vector<1x1x16xi32> to vector<16xi32>
    %swap3A_2170 = vector.shape_cast %add3A_2162 : vector<16xi32> to vector<1x1x16xi32>
    tpu.vector_store %arg5[%swap3A_2165, %swap3A_2166, %swap3A_2167], %swap3A_2170 {strides = array<i32>} : memref<8x1x128xi32, #tpu.memory_space<vmem>>, vector<1x1x16xi32>,
    %add3A_2171 = arith.constant 128 : i32
    %add3A_2172 = arith.addi %add3A, %add3A_2171 : i32
    %jit3A_2173 = arith.constant 4096 : i32
    %div3A_2174 = arith.divsi %add3A_2172, %jit3A_2173 : i32
    %sign3A_2175 = arith.constant 0 : i32
    %sign3A_2176 = arith.cmpi sgt, %add3A_2172, %sign3A_2175 : i32
    %sign3A_2177 = arith.extui %sign3A_2176 : i1 to i32
    %sign3A_2178 = arith.constant 0 : i32
    %sign3A_2179 = arith.cmpi slt, %add3A_2172, %sign3A_2178 : i32
    %sign3A_2180 = arith.extui %sign3A_2179 : i1 to i32
    %sign3A_2181 = arith.subi %sign3A_2177, %sign3A_2180 : i32
    %sign3A_2182 = arith.constant 0 : i32
    %sign3A_2183 = arith.cmpi sgt, %jit3A_2173, %sign3A_2182 : i32
    %sign3A_2184 = arith.extui %sign3A_2183 : i1 to i32
    %sign3A_2185 = arith.constant 0 : i32
    %sign3A_2186 = arith.cmpi slt, %jit3A_2173, %sign3A_2185 : i32
    %sign3A_2187 = arith.extui %sign3A_2186 : i1 to i32
    %sign3A_2188 = arith.subi %sign3A_2184, %sign3A_2187 : i32
    %ne3A_2189 = arith.cmpi ne, %sign3A_2181, %sign3A_2188 : i32
    %rem3A_2190 = arith.remsi %add3A_2172, %jit3A_2173 : i32
    %ne3A_2191 = arith.constant 0 : i32
    %ne3A_2192 = arith.cmpi ne, %rem3A_2190, %ne3A_2191 : i32
    %and3A_2193 = arith.andi %ne3A_2189, %ne3A_2192 : i1
    %sub3A_2194 = arith.constant 1 : i32
    %sub3A_2195 = arith.subi %div3A_2174, %sub3A_2194 : i32
    %select_n3A_2196 = arith.select %and3A_2193, %sub3A_2195, %div3A_2174 : i32
    %mul3A_2197 = arith.constant 4 : i32
    %mul3A_2198 = arith.muli %arg0, %mul3A_2197 : i32
    %sub3A_2199 = arith.subi %select_n3A_2196, %mul3A_2198 : i32
    %mul3A_2200 = arith.constant 512 : i32
    %mul3A_2201 = arith.muli %sub3A_2199, %mul3A_2200 : i32
    %get3A_2202 = arith.constant 1 : i32
    %get3A_2203 = arith.constant 0 : i32
    %get3A_2204 = arith.index_cast %get3A_2202 : i32 to index
    %get3A_2205 = arith.index_cast %get3A_2203 : i32 to index
    %get3A_2206 = arith.constant 0 : index
    %get3A_2207 = tpu.vector_load %arg5[%get3A_2204, %get3A_2205, %get3A_2206] {strides = array<i32>} : memref<8x1x128xi32, #tpu.memory_space<vmem>>, vector<1x1x16xi32>,
    %get3A_2208 = vector.shape_cast %get3A_2207 : vector<1x1x16xi32> to vector<16xi32>
    %add3A_2209 = vector.broadcast %mul3A_2201 : i32 to vector<16xi32>
    %add3A_2210 = arith.addi %get3A_2208, %add3A_2209 : vector<16xi32>
    %swap3A_2211 = arith.constant 1 : i32
    %swap3A_2212 = arith.constant 0 : i32
    %swap3A_2213 = arith.index_cast %swap3A_2211 : i32 to index
    %swap3A_2214 = arith.index_cast %swap3A_2212 : i32 to index
    %swap3A_2215 = arith.constant 0 : index
    %swap3A_2216 = tpu.vector_load %arg5[%swap3A_2213, %swap3A_2214, %swap3A_2215] {strides = array<i32>} : memref<8x1x128xi32, #tpu.memory_space<vmem>>, vector<1x1x16xi32>,
    %swap3A_2217 = vector.shape_cast %swap3A_2216 : vector<1x1x16xi32> to vector<16xi32>
    %swap3A_2218 = vector.shape_cast %add3A_2210 : vector<16xi32> to vector<1x1x16xi32>
    tpu.vector_store %arg5[%swap3A_2213, %swap3A_2214, %swap3A_2215], %swap3A_2218 {strides = array<i32>} : memref<8x1x128xi32, #tpu.memory_space<vmem>>, vector<1x1x16xi32>,
    %get3A_2219 = arith.constant 1 : i32
    %get3A_2220 = arith.constant 0 : i32
    %get3A_2221 = arith.index_cast %get3A_2219 : i32 to index
    %get3A_2222 = arith.index_cast %get3A_2220 : i32 to index
    %get3A_2223 = arith.constant 16 : index
    %get3A_2224 = tpu.vector_load %arg5[%get3A_2221, %get3A_2222, %get3A_2223] {strides = array<i32>} : memref<8x1x128xi32, #tpu.memory_space<vmem>>, vector<1x1x16xi32>,
    %get3A_2225 = vector.shape_cast %get3A_2224 : vector<1x1x16xi32> to vector<16xi32>
    %add3A_2226 = vector.broadcast %mul3A_2201 : i32 to vector<16xi32>
    %add3A_2227 = arith.addi %get3A_2225, %add3A_2226 : vector<16xi32>
    %swap3A_2228 = arith.constant 1 : i32
    %swap3A_2229 = arith.constant 0 : i32
    %swap3A_2230 = arith.index_cast %swap3A_2228 : i32 to index
    %swap3A_2231 = arith.index_cast %swap3A_2229 : i32 to index
    %swap3A_2232 = arith.constant 16 : index
    %swap3A_2233 = tpu.vector_load %arg5[%swap3A_2230, %swap3A_2231, %swap3A_2232] {strides = array<i32>} : memref<8x1x128xi32, #tpu.memory_space<vmem>>, vector<1x1x16xi32>,
    %swap3A_2234 = vector.shape_cast %swap3A_2233 : vector<1x1x16xi32> to vector<16xi32>
    %swap3A_2235 = vector.shape_cast %add3A_2227 : vector<16xi32> to vector<1x1x16xi32>
    tpu.vector_store %arg5[%swap3A_2230, %swap3A_2231, %swap3A_2232], %swap3A_2235 {strides = array<i32>} : memref<8x1x128xi32, #tpu.memory_space<vmem>>, vector<1x1x16xi32>,
    %get3A_2236 = arith.constant 1 : i32
    %get3A_2237 = arith.constant 0 : i32
    %get3A_2238 = arith.index_cast %get3A_2236 : i32 to index
    %get3A_2239 = arith.index_cast %get3A_2237 : i32 to index
    %get3A_2240 = arith.constant 32 : index
    %get3A_2241 = tpu.vector_load %arg5[%get3A_2238, %get3A_2239, %get3A_2240] {strides = array<i32>} : memref<8x1x128xi32, #tpu.memory_space<vmem>>, vector<1x1x16xi32>,
    %get3A_2242 = vector.shape_cast %get3A_2241 : vector<1x1x16xi32> to vector<16xi32>
    %add3A_2243 = vector.broadcast %mul3A_2201 : i32 to vector<16xi32>
    %add3A_2244 = arith.addi %get3A_2242, %add3A_2243 : vector<16xi32>
    %swap3A_2245 = arith.constant 1 : i32
    %swap3A_2246 = arith.constant 0 : i32
    %swap3A_2247 = arith.index_cast %swap3A_2245 : i32 to index
    %swap3A_2248 = arith.index_cast %swap3A_2246 : i32 to index
    %swap3A_2249 = arith.constant 32 : index
    %swap3A_2250 = tpu.vector_load %arg5[%swap3A_2247, %swap3A_2248, %swap3A_2249] {strides = array<i32>} : memref<8x1x128xi32, #tpu.memory_space<vmem>>, vector<1x1x16xi32>,
    %swap3A_2251 = vector.shape_cast %swap3A_2250 : vector<1x1x16xi32> to vector<16xi32>
    %swap3A_2252 = vector.shape_cast %add3A_2244 : vector<16xi32> to vector<1x1x16xi32>
    tpu.vector_store %arg5[%swap3A_2247, %swap3A_2248, %swap3A_2249], %swap3A_2252 {strides = array<i32>} : memref<8x1x128xi32, #tpu.memory_space<vmem>>, vector<1x1x16xi32>,
    %get3A_2253 = arith.constant 1 : i32
    %get3A_2254 = arith.constant 0 : i32
    %get3A_2255 = arith.index_cast %get3A_2253 : i32 to index
    %get3A_2256 = arith.index_cast %get3A_2254 : i32 to index
    %get3A_2257 = arith.constant 48 : index
    %get3A_2258 = tpu.vector_load %arg5[%get3A_2255, %get3A_2256, %get3A_2257] {strides = array<i32>} : memref<8x1x128xi32, #tpu.memory_space<vmem>>, vector<1x1x16xi32>,
    %get3A_2259 = vector.shape_cast %get3A_2258 : vector<1x1x16xi32> to vector<16xi32>
    %add3A_2260 = vector.broadcast %mul3A_2201 : i32 to vector<16xi32>
    %add3A_2261 = arith.addi %get3A_2259, %add3A_2260 : vector<16xi32>
    %swap3A_2262 = arith.constant 1 : i32
    %swap3A_2263 = arith.constant 0 : i32
    %swap3A_2264 = arith.index_cast %swap3A_2262 : i32 to index
    %swap3A_2265 = arith.index_cast %swap3A_2263 : i32 to index
    %swap3A_2266 = arith.constant 48 : index
    %swap3A_2267 = tpu.vector_load %arg5[%swap3A_2264, %swap3A_2265, %swap3A_2266] {strides = array<i32>} : memref<8x1x128xi32, #tpu.memory_space<vmem>>, vector<1x1x16xi32>,
    %swap3A_2268 = vector.shape_cast %swap3A_2267 : vector<1x1x16xi32> to vector<16xi32>
    %swap3A_2269 = vector.shape_cast %add3A_2261 : vector<16xi32> to vector<1x1x16xi32>
    tpu.vector_store %arg5[%swap3A_2264, %swap3A_2265, %swap3A_2266], %swap3A_2269 {strides = array<i32>} : memref<8x1x128xi32, #tpu.memory_space<vmem>>, vector<1x1x16xi32>,
    %get3A_2270 = arith.constant 1 : i32
    %get3A_2271 = arith.constant 0 : i32
    %get3A_2272 = arith.index_cast %get3A_2270 : i32 to index
    %get3A_2273 = arith.index_cast %get3A_2271 : i32 to index
    %get3A_2274 = arith.constant 64 : index
    %get3A_2275 = tpu.vector_load %arg5[%get3A_2272, %get3A_2273, %get3A_2274] {strides = array<i32>} : memref<8x1x128xi32, #tpu.memory_space<vmem>>, vector<1x1x16xi32>,
    %get3A_2276 = vector.shape_cast %get3A_2275 : vector<1x1x16xi32> to vector<16xi32>
    %add3A_2277 = vector.broadcast %mul3A_2201 : i32 to vector<16xi32>
    %add3A_2278 = arith.addi %get3A_2276, %add3A_2277 : vector<16xi32>
    %swap3A_2279 = arith.constant 1 : i32
    %swap3A_2280 = arith.constant 0 : i32
    %swap3A_2281 = arith.index_cast %swap3A_2279 : i32 to index
    %swap3A_2282 = arith.index_cast %swap3A_2280 : i32 to index
    %swap3A_2283 = arith.constant 64 : index
    %swap3A_2284 = tpu.vector_load %arg5[%swap3A_2281, %swap3A_2282, %swap3A_2283] {strides = array<i32>} : memref<8x1x128xi32, #tpu.memory_space<vmem>>, vector<1x1x16xi32>,
    %swap3A_2285 = vector.shape_cast %swap3A_2284 : vector<1x1x16xi32> to vector<16xi32>
    %swap3A_2286 = vector.shape_cast %add3A_2278 : vector<16xi32> to vector<1x1x16xi32>
    tpu.vector_store %arg5[%swap3A_2281, %swap3A_2282, %swap3A_2283], %swap3A_2286 {strides = array<i32>} : memref<8x1x128xi32, #tpu.memory_space<vmem>>, vector<1x1x16xi32>,
    %get3A_2287 = arith.constant 1 : i32
    %get3A_2288 = arith.constant 0 : i32
    %get3A_2289 = arith.index_cast %get3A_2287 : i32 to index
    %get3A_2290 = arith.index_cast %get3A_2288 : i32 to index
    %get3A_2291 = arith.constant 80 : index
    %get3A_2292 = tpu.vector_load %arg5[%get3A_2289, %get3A_2290, %get3A_2291] {strides = array<i32>} : memref<8x1x128xi32, #tpu.memory_space<vmem>>, vector<1x1x16xi32>,
    %get3A_2293 = vector.shape_cast %get3A_2292 : vector<1x1x16xi32> to vector<16xi32>
    %add3A_2294 = vector.broadcast %mul3A_2201 : i32 to vector<16xi32>
    %add3A_2295 = arith.addi %get3A_2293, %add3A_2294 : vector<16xi32>
    %swap3A_2296 = arith.constant 1 : i32
    %swap3A_2297 = arith.constant 0 : i32
    %swap3A_2298 = arith.index_cast %swap3A_2296 : i32 to index
    %swap3A_2299 = arith.index_cast %swap3A_2297 : i32 to index
    %swap3A_2300 = arith.constant 80 : index
    %swap3A_2301 = tpu.vector_load %arg5[%swap3A_2298, %swap3A_2299, %swap3A_2300] {strides = array<i32>} : memref<8x1x128xi32, #tpu.memory_space<vmem>>, vector<1x1x16xi32>,
    %swap3A_2302 = vector.shape_cast %swap3A_2301 : vector<1x1x16xi32> to vector<16xi32>
    %swap3A_2303 = vector.shape_cast %add3A_2295 : vector<16xi32> to vector<1x1x16xi32>
    tpu.vector_store %arg5[%swap3A_2298, %swap3A_2299, %swap3A_2300], %swap3A_2303 {strides = array<i32>} : memref<8x1x128xi32, #tpu.memory_space<vmem>>, vector<1x1x16xi32>,
    %get3A_2304 = arith.constant 1 : i32
    %get3A_2305 = arith.constant 0 : i32
    %get3A_2306 = arith.index_cast %get3A_2304 : i32 to index
    %get3A_2307 = arith.index_cast %get3A_2305 : i32 to index
    %get3A_2308 = arith.constant 96 : index
    %get3A_2309 = tpu.vector_load %arg5[%get3A_2306, %get3A_2307, %get3A_2308] {strides = array<i32>} : memref<8x1x128xi32, #tpu.memory_space<vmem>>, vector<1x1x16xi32>,
    %get3A_2310 = vector.shape_cast %get3A_2309 : vector<1x1x16xi32> to vector<16xi32>
    %add3A_2311 = vector.broadcast %mul3A_2201 : i32 to vector<16xi32>
    %add3A_2312 = arith.addi %get3A_2310, %add3A_2311 : vector<16xi32>
    %swap3A_2313 = arith.constant 1 : i32
    %swap3A_2314 = arith.constant 0 : i32
    %swap3A_2315 = arith.index_cast %swap3A_2313 : i32 to index
    %swap3A_2316 = arith.index_cast %swap3A_2314 : i32 to index
    %swap3A_2317 = arith.constant 96 : index
    %swap3A_2318 = tpu.vector_load %arg5[%swap3A_2315, %swap3A_2316, %swap3A_2317] {strides = array<i32>} : memref<8x1x128xi32, #tpu.memory_space<vmem>>, vector<1x1x16xi32>,
    %swap3A_2319 = vector.shape_cast %swap3A_2318 : vector<1x1x16xi32> to vector<16xi32>
    %swap3A_2320 = vector.shape_cast %add3A_2312 : vector<16xi32> to vector<1x1x16xi32>
    tpu.vector_store %arg5[%swap3A_2315, %swap3A_2316, %swap3A_2317], %swap3A_2320 {strides = array<i32>} : memref<8x1x128xi32, #tpu.memory_space<vmem>>, vector<1x1x16xi32>,
    %get3A_2321 = arith.constant 1 : i32
    %get3A_2322 = arith.constant 0 : i32
    %get3A_2323 = arith.index_cast %get3A_2321 : i32 to index
    %get3A_2324 = arith.index_cast %get3A_2322 : i32 to index
    %get3A_2325 = arith.constant 112 : index
    %get3A_2326 = tpu.vector_load %arg5[%get3A_2323, %get3A_2324, %get3A_2325] {strides = array<i32>} : memref<8x1x128xi32, #tpu.memory_space<vmem>>, vector<1x1x16xi32>,
    %get3A_2327 = vector.shape_cast %get3A_2326 : vector<1x1x16xi32> to vector<16xi32>
    %add3A_2328 = vector.broadcast %mul3A_2201 : i32 to vector<16xi32>
    %add3A_2329 = arith.addi %get3A_2327, %add3A_2328 : vector<16xi32>
    %swap3A_2330 = arith.constant 1 : i32
    %swap3A_2331 = arith.constant 0 : i32
    %swap3A_2332 = arith.index_cast %swap3A_2330 : i32 to index
    %swap3A_2333 = arith.index_cast %swap3A_2331 : i32 to index
    %swap3A_2334 = arith.constant 112 : index
    %swap3A_2335 = tpu.vector_load %arg5[%swap3A_2332, %swap3A_2333, %swap3A_2334] {strides = array<i32>} : memref<8x1x128xi32, #tpu.memory_space<vmem>>, vector<1x1x16xi32>,
    %swap3A_2336 = vector.shape_cast %swap3A_2335 : vector<1x1x16xi32> to vector<16xi32>
    %swap3A_2337 = vector.shape_cast %add3A_2329 : vector<16xi32> to vector<1x1x16xi32>
    tpu.vector_store %arg5[%swap3A_2332, %swap3A_2333, %swap3A_2334], %swap3A_2337 {strides = array<i32>} : memref<8x1x128xi32, #tpu.memory_space<vmem>>, vector<1x1x16xi32>,
    %add3A_2338 = arith.constant 256 : i32
    %add3A_2339 = arith.addi %add3A, %add3A_2338 : i32
    %jit3A_2340 = arith.constant 4096 : i32
    %div3A_2341 = arith.divsi %add3A_2339, %jit3A_2340 : i32
    %sign3A_2342 = arith.constant 0 : i32
    %sign3A_2343 = arith.cmpi sgt, %add3A_2339, %sign3A_2342 : i32
    %sign3A_2344 = arith.extui %sign3A_2343 : i1 to i32
    %sign3A_2345 = arith.constant 0 : i32
    %sign3A_2346 = arith.cmpi slt, %add3A_2339, %sign3A_2345 : i32
    %sign3A_2347 = arith.extui %sign3A_2346 : i1 to i32
    %sign3A_2348 = arith.subi %sign3A_2344, %sign3A_2347 : i32
    %sign3A_2349 = arith.constant 0 : i32
    %sign3A_2350 = arith.cmpi sgt, %jit3A_2340, %sign3A_2349 : i32
    %sign3A_2351 = arith.extui %sign3A_2350 : i1 to i32
    %sign3A_2352 = arith.constant 0 : i32
    %sign3A_2353 = arith.cmpi slt, %jit3A_2340, %sign3A_2352 : i32
    %sign3A_2354 = arith.extui %sign3A_2353 : i1 to i32
    %sign3A_2355 = arith.subi %sign3A_2351, %sign3A_2354 : i32
    %ne3A_2356 = arith.cmpi ne, %sign3A_2348, %sign3A_2355 : i32
    %rem3A_2357 = arith.remsi %add3A_2339, %jit3A_2340 : i32
    %ne3A_2358 = arith.constant 0 : i32
    %ne3A_2359 = arith.cmpi ne, %rem3A_2357, %ne3A_2358 : i32
    %and3A_2360 = arith.andi %ne3A_2356, %ne3A_2359 : i1
    %sub3A_2361 = arith.constant 1 : i32
    %sub3A_2362 = arith.subi %div3A_2341, %sub3A_2361 : i32
    %select_n3A_2363 = arith.select %and3A_2360, %sub3A_2362, %div3A_2341 : i32
    %mul3A_2364 = arith.constant 4 : i32
    %mul3A_2365 = arith.muli %arg0, %mul3A_2364 : i32
    %sub3A_2366 = arith.subi %select_n3A_2363, %mul3A_2365 : i32
    %mul3A_2367 = arith.constant 512 : i32
    %mul3A_2368 = arith.muli %sub3A_2366, %mul3A_2367 : i32
    %get3A_2369 = arith.constant 2 : i32
    %get3A_2370 = arith.constant 0 : i32
    %get3A_2371 = arith.index_cast %get3A_2369 : i32 to index
    %get3A_2372 = arith.index_cast %get3A_2370 : i32 to index
    %get3A_2373 = arith.constant 0 : index
    %get3A_2374 = tpu.vector_load %arg5[%get3A_2371, %get3A_2372, %get3A_2373] {strides = array<i32>} : memref<8x1x128xi32, #tpu.memory_space<vmem>>, vector<1x1x16xi32>,
    %get3A_2375 = vector.shape_cast %get3A_2374 : vector<1x1x16xi32> to vector<16xi32>
    %add3A_2376 = vector.broadcast %mul3A_2368 : i32 to vector<16xi32>
    %add3A_2377 = arith.addi %get3A_2375, %add3A_2376 : vector<16xi32>
    %swap3A_2378 = arith.constant 2 : i32
    %swap3A_2379 = arith.constant 0 : i32
    %swap3A_2380 = arith.index_cast %swap3A_2378 : i32 to index
    %swap3A_2381 = arith.index_cast %swap3A_2379 : i32 to index
    %swap3A_2382 = arith.constant 0 : index
    %swap3A_2383 = tpu.vector_load %arg5[%swap3A_2380, %swap3A_2381, %swap3A_2382] {strides = array<i32>} : memref<8x1x128xi32, #tpu.memory_space<vmem>>, vector<1x1x16xi32>,
    %swap3A_2384 = vector.shape_cast %swap3A_2383 : vector<1x1x16xi32> to vector<16xi32>
    %swap3A_2385 = vector.shape_cast %add3A_2377 : vector<16xi32> to vector<1x1x16xi32>
    tpu.vector_store %arg5[%swap3A_2380, %swap3A_2381, %swap3A_2382], %swap3A_2385 {strides = array<i32>} : memref<8x1x128xi32, #tpu.memory_space<vmem>>, vector<1x1x16xi32>,
    %get3A_2386 = arith.constant 2 : i32
    %get3A_2387 = arith.constant 0 : i32
    %get3A_2388 = arith.index_cast %get3A_2386 : i32 to index
    %get3A_2389 = arith.index_cast %get3A_2387 : i32 to index
    %get3A_2390 = arith.constant 16 : index
    %get3A_2391 = tpu.vector_load %arg5[%get3A_2388, %get3A_2389, %get3A_2390] {strides = array<i32>} : memref<8x1x128xi32, #tpu.memory_space<vmem>>, vector<1x1x16xi32>,
    %get3A_2392 = vector.shape_cast %get3A_2391 : vector<1x1x16xi32> to vector<16xi32>
    %add3A_2393 = vector.broadcast %mul3A_2368 : i32 to vector<16xi32>
    %add3A_2394 = arith.addi %get3A_2392, %add3A_2393 : vector<16xi32>
    %swap3A_2395 = arith.constant 2 : i32
    %swap3A_2396 = arith.constant 0 : i32
    %swap3A_2397 = arith.index_cast %swap3A_2395 : i32 to index
    %swap3A_2398 = arith.index_cast %swap3A_2396 : i32 to index
    %swap3A_2399 = arith.constant 16 : index
    %swap3A_2400 = tpu.vector_load %arg5[%swap3A_2397, %swap3A_2398, %swap3A_2399] {strides = array<i32>} : memref<8x1x128xi32, #tpu.memory_space<vmem>>, vector<1x1x16xi32>,
    %swap3A_2401 = vector.shape_cast %swap3A_2400 : vector<1x1x16xi32> to vector<16xi32>
    %swap3A_2402 = vector.shape_cast %add3A_2394 : vector<16xi32> to vector<1x1x16xi32>
    tpu.vector_store %arg5[%swap3A_2397, %swap3A_2398, %swap3A_2399], %swap3A_2402 {strides = array<i32>} : memref<8x1x128xi32, #tpu.memory_space<vmem>>, vector<1x1x16xi32>,
    %get3A_2403 = arith.constant 2 : i32
    %get3A_2404 = arith.constant 0 : i32
    %get3A_2405 = arith.index_cast %get3A_2403 : i32 to index
    %get3A_2406 = arith.index_cast %get3A_2404 : i32 to index
    %get3A_2407 = arith.constant 32 : index
    %get3A_2408 = tpu.vector_load %arg5[%get3A_2405, %get3A_2406, %get3A_2407] {strides = array<i32>} : memref<8x1x128xi32, #tpu.memory_space<vmem>>, vector<1x1x16xi32>,
    %get3A_2409 = vector.shape_cast %get3A_2408 : vector<1x1x16xi32> to vector<16xi32>
    %add3A_2410 = vector.broadcast %mul3A_2368 : i32 to vector<16xi32>
    %add3A_2411 = arith.addi %get3A_2409, %add3A_2410 : vector<16xi32>
    %swap3A_2412 = arith.constant 2 : i32
    %swap3A_2413 = arith.constant 0 : i32
    %swap3A_2414 = arith.index_cast %swap3A_2412 : i32 to index
    %swap3A_2415 = arith.index_cast %swap3A_2413 : i32 to index
    %swap3A_2416 = arith.constant 32 : index
    %swap3A_2417 = tpu.vector_load %arg5[%swap3A_2414, %swap3A_2415, %swap3A_2416] {strides = array<i32>} : memref<8x1x128xi32, #tpu.memory_space<vmem>>, vector<1x1x16xi32>,
    %swap3A_2418 = vector.shape_cast %swap3A_2417 : vector<1x1x16xi32> to vector<16xi32>
    %swap3A_2419 = vector.shape_cast %add3A_2411 : vector<16xi32> to vector<1x1x16xi32>
    tpu.vector_store %arg5[%swap3A_2414, %swap3A_2415, %swap3A_2416], %swap3A_2419 {strides = array<i32>} : memref<8x1x128xi32, #tpu.memory_space<vmem>>, vector<1x1x16xi32>,
    %get3A_2420 = arith.constant 2 : i32
    %get3A_2421 = arith.constant 0 : i32
    %get3A_2422 = arith.index_cast %get3A_2420 : i32 to index
    %get3A_2423 = arith.index_cast %get3A_2421 : i32 to index
    %get3A_2424 = arith.constant 48 : index
    %get3A_2425 = tpu.vector_load %arg5[%get3A_2422, %get3A_2423, %get3A_2424] {strides = array<i32>} : memref<8x1x128xi32, #tpu.memory_space<vmem>>, vector<1x1x16xi32>,
    %get3A_2426 = vector.shape_cast %get3A_2425 : vector<1x1x16xi32> to vector<16xi32>
    %add3A_2427 = vector.broadcast %mul3A_2368 : i32 to vector<16xi32>
    %add3A_2428 = arith.addi %get3A_2426, %add3A_2427 : vector<16xi32>
    %swap3A_2429 = arith.constant 2 : i32
    %swap3A_2430 = arith.constant 0 : i32
    %swap3A_2431 = arith.index_cast %swap3A_2429 : i32 to index
    %swap3A_2432 = arith.index_cast %swap3A_2430 : i32 to index
    %swap3A_2433 = arith.constant 48 : index
    %swap3A_2434 = tpu.vector_load %arg5[%swap3A_2431, %swap3A_2432, %swap3A_2433] {strides = array<i32>} : memref<8x1x128xi32, #tpu.memory_space<vmem>>, vector<1x1x16xi32>,
    %swap3A_2435 = vector.shape_cast %swap3A_2434 : vector<1x1x16xi32> to vector<16xi32>
    %swap3A_2436 = vector.shape_cast %add3A_2428 : vector<16xi32> to vector<1x1x16xi32>
    tpu.vector_store %arg5[%swap3A_2431, %swap3A_2432, %swap3A_2433], %swap3A_2436 {strides = array<i32>} : memref<8x1x128xi32, #tpu.memory_space<vmem>>, vector<1x1x16xi32>,
    %get3A_2437 = arith.constant 2 : i32
    %get3A_2438 = arith.constant 0 : i32
    %get3A_2439 = arith.index_cast %get3A_2437 : i32 to index
    %get3A_2440 = arith.index_cast %get3A_2438 : i32 to index
    %get3A_2441 = arith.constant 64 : index
    %get3A_2442 = tpu.vector_load %arg5[%get3A_2439, %get3A_2440, %get3A_2441] {strides = array<i32>} : memref<8x1x128xi32, #tpu.memory_space<vmem>>, vector<1x1x16xi32>,
    %get3A_2443 = vector.shape_cast %get3A_2442 : vector<1x1x16xi32> to vector<16xi32>
    %add3A_2444 = vector.broadcast %mul3A_2368 : i32 to vector<16xi32>
    %add3A_2445 = arith.addi %get3A_2443, %add3A_2444 : vector<16xi32>
    %swap3A_2446 = arith.constant 2 : i32
    %swap3A_2447 = arith.constant 0 : i32
    %swap3A_2448 = arith.index_cast %swap3A_2446 : i32 to index
    %swap3A_2449 = arith.index_cast %swap3A_2447 : i32 to index
    %swap3A_2450 = arith.constant 64 : index
    %swap3A_2451 = tpu.vector_load %arg5[%swap3A_2448, %swap3A_2449, %swap3A_2450] {strides = array<i32>} : memref<8x1x128xi32, #tpu.memory_space<vmem>>, vector<1x1x16xi32>,
    %swap3A_2452 = vector.shape_cast %swap3A_2451 : vector<1x1x16xi32> to vector<16xi32>
    %swap3A_2453 = vector.shape_cast %add3A_2445 : vector<16xi32> to vector<1x1x16xi32>
    tpu.vector_store %arg5[%swap3A_2448, %swap3A_2449, %swap3A_2450], %swap3A_2453 {strides = array<i32>} : memref<8x1x128xi32, #tpu.memory_space<vmem>>, vector<1x1x16xi32>,
    %get3A_2454 = arith.constant 2 : i32
    %get3A_2455 = arith.constant 0 : i32
    %get3A_2456 = arith.index_cast %get3A_2454 : i32 to index
    %get3A_2457 = arith.index_cast %get3A_2455 : i32 to index
    %get3A_2458 = arith.constant 80 : index
    %get3A_2459 = tpu.vector_load %arg5[%get3A_2456, %get3A_2457, %get3A_2458] {strides = array<i32>} : memref<8x1x128xi32, #tpu.memory_space<vmem>>, vector<1x1x16xi32>,
    %get3A_2460 = vector.shape_cast %get3A_2459 : vector<1x1x16xi32> to vector<16xi32>
    %add3A_2461 = vector.broadcast %mul3A_2368 : i32 to vector<16xi32>
    %add3A_2462 = arith.addi %get3A_2460, %add3A_2461 : vector<16xi32>
    %swap3A_2463 = arith.constant 2 : i32
    %swap3A_2464 = arith.constant 0 : i32
    %swap3A_2465 = arith.index_cast %swap3A_2463 : i32 to index
    %swap3A_2466 = arith.index_cast %swap3A_2464 : i32 to index
    %swap3A_2467 = arith.constant 80 : index
    %swap3A_2468 = tpu.vector_load %arg5[%swap3A_2465, %swap3A_2466, %swap3A_2467] {strides = array<i32>} : memref<8x1x128xi32, #tpu.memory_space<vmem>>, vector<1x1x16xi32>,
    %swap3A_2469 = vector.shape_cast %swap3A_2468 : vector<1x1x16xi32> to vector<16xi32>
    %swap3A_2470 = vector.shape_cast %add3A_2462 : vector<16xi32> to vector<1x1x16xi32>
    tpu.vector_store %arg5[%swap3A_2465, %swap3A_2466, %swap3A_2467], %swap3A_2470 {strides = array<i32>} : memref<8x1x128xi32, #tpu.memory_space<vmem>>, vector<1x1x16xi32>,
    %get3A_2471 = arith.constant 2 : i32
    %get3A_2472 = arith.constant 0 : i32
    %get3A_2473 = arith.index_cast %get3A_2471 : i32 to index
    %get3A_2474 = arith.index_cast %get3A_2472 : i32 to index
    %get3A_2475 = arith.constant 96 : index
    %get3A_2476 = tpu.vector_load %arg5[%get3A_2473, %get3A_2474, %get3A_2475] {strides = array<i32>} : memref<8x1x128xi32, #tpu.memory_space<vmem>>, vector<1x1x16xi32>,
    %get3A_2477 = vector.shape_cast %get3A_2476 : vector<1x1x16xi32> to vector<16xi32>
    %add3A_2478 = vector.broadcast %mul3A_2368 : i32 to vector<16xi32>
    %add3A_2479 = arith.addi %get3A_2477, %add3A_2478 : vector<16xi32>
    %swap3A_2480 = arith.constant 2 : i32
    %swap3A_2481 = arith.constant 0 : i32
    %swap3A_2482 = arith.index_cast %swap3A_2480 : i32 to index
    %swap3A_2483 = arith.index_cast %swap3A_2481 : i32 to index
    %swap3A_2484 = arith.constant 96 : index
    %swap3A_2485 = tpu.vector_load %arg5[%swap3A_2482, %swap3A_2483, %swap3A_2484] {strides = array<i32>} : memref<8x1x128xi32, #tpu.memory_space<vmem>>, vector<1x1x16xi32>,
    %swap3A_2486 = vector.shape_cast %swap3A_2485 : vector<1x1x16xi32> to vector<16xi32>
    %swap3A_2487 = vector.shape_cast %add3A_2479 : vector<16xi32> to vector<1x1x16xi32>
    tpu.vector_store %arg5[%swap3A_2482, %swap3A_2483, %swap3A_2484], %swap3A_2487 {strides = array<i32>} : memref<8x1x128xi32, #tpu.memory_space<vmem>>, vector<1x1x16xi32>,
    %get3A_2488 = arith.constant 2 : i32
    %get3A_2489 = arith.constant 0 : i32
    %get3A_2490 = arith.index_cast %get3A_2488 : i32 to index
    %get3A_2491 = arith.index_cast %get3A_2489 : i32 to index
    %get3A_2492 = arith.constant 112 : index
    %get3A_2493 = tpu.vector_load %arg5[%get3A_2490, %get3A_2491, %get3A_2492] {strides = array<i32>} : memref<8x1x128xi32, #tpu.memory_space<vmem>>, vector<1x1x16xi32>,
    %get3A_2494 = vector.shape_cast %get3A_2493 : vector<1x1x16xi32> to vector<16xi32>
    %add3A_2495 = vector.broadcast %mul3A_2368 : i32 to vector<16xi32>
    %add3A_2496 = arith.addi %get3A_2494, %add3A_2495 : vector<16xi32>
    %swap3A_2497 = arith.constant 2 : i32
    %swap3A_2498 = arith.constant 0 : i32
    %swap3A_2499 = arith.index_cast %swap3A_2497 : i32 to index
    %swap3A_2500 = arith.index_cast %swap3A_2498 : i32 to index
    %swap3A_2501 = arith.constant 112 : index
    %swap3A_2502 = tpu.vector_load %arg5[%swap3A_2499, %swap3A_2500, %swap3A_2501] {strides = array<i32>} : memref<8x1x128xi32, #tpu.memory_space<vmem>>, vector<1x1x16xi32>,
    %swap3A_2503 = vector.shape_cast %swap3A_2502 : vector<1x1x16xi32> to vector<16xi32>
    %swap3A_2504 = vector.shape_cast %add3A_2496 : vector<16xi32> to vector<1x1x16xi32>
    tpu.vector_store %arg5[%swap3A_2499, %swap3A_2500, %swap3A_2501], %swap3A_2504 {strides = array<i32>} : memref<8x1x128xi32, #tpu.memory_space<vmem>>, vector<1x1x16xi32>,
    %add3A_2505 = arith.constant 384 : i32
    %add3A_2506 = arith.addi %add3A, %add3A_2505 : i32
    %jit3A_2507 = arith.constant 4096 : i32
    %div3A_2508 = arith.divsi %add3A_2506, %jit3A_2507 : i32
    %sign3A_2509 = arith.constant 0 : i32
    %sign3A_2510 = arith.cmpi sgt, %add3A_2506, %sign3A_2509 : i32
    %sign3A_2511 = arith.extui %sign3A_2510 : i1 to i32
    %sign3A_2512 = arith.constant 0 : i32
    %sign3A_2513 = arith.cmpi slt, %add3A_2506, %sign3A_2512 : i32
    %sign3A_2514 = arith.extui %sign3A_2513 : i1 to i32
    %sign3A_2515 = arith.subi %sign3A_2511, %sign3A_2514 : i32
    %sign3A_2516 = arith.constant 0 : i32
    %sign3A_2517 = arith.cmpi sgt, %jit3A_2507, %sign3A_2516 : i32
    %sign3A_2518 = arith.extui %sign3A_2517 : i1 to i32
    %sign3A_2519 = arith.constant 0 : i32
    %sign3A_2520 = arith.cmpi slt, %jit3A_2507, %sign3A_2519 : i32
    %sign3A_2521 = arith.extui %sign3A_2520 : i1 to i32
    %sign3A_2522 = arith.subi %sign3A_2518, %sign3A_2521 : i32
    %ne3A_2523 = arith.cmpi ne, %sign3A_2515, %sign3A_2522 : i32
    %rem3A_2524 = arith.remsi %add3A_2506, %jit3A_2507 : i32
    %ne3A_2525 = arith.constant 0 : i32
    %ne3A_2526 = arith.cmpi ne, %rem3A_2524, %ne3A_2525 : i32
    %and3A_2527 = arith.andi %ne3A_2523, %ne3A_2526 : i1
    %sub3A_2528 = arith.constant 1 : i32
    %sub3A_2529 = arith.subi %div3A_2508, %sub3A_2528 : i32
    %select_n3A_2530 = arith.select %and3A_2527, %sub3A_2529, %div3A_2508 : i32
    %mul3A_2531 = arith.constant 4 : i32
    %mul3A_2532 = arith.muli %arg0, %mul3A_2531 : i32
    %sub3A_2533 = arith.subi %select_n3A_2530, %mul3A_2532 : i32
    %mul3A_2534 = arith.constant 512 : i32
    %mul3A_2535 = arith.muli %sub3A_2533, %mul3A_2534 : i32
    %get3A_2536 = arith.constant 3 : i32
    %get3A_2537 = arith.constant 0 : i32
    %get3A_2538 = arith.index_cast %get3A_2536 : i32 to index
    %get3A_2539 = arith.index_cast %get3A_2537 : i32 to index
    %get3A_2540 = arith.constant 0 : index
    %get3A_2541 = tpu.vector_load %arg5[%get3A_2538, %get3A_2539, %get3A_2540] {strides = array<i32>} : memref<8x1x128xi32, #tpu.memory_space<vmem>>, vector<1x1x16xi32>,
    %get3A_2542 = vector.shape_cast %get3A_2541 : vector<1x1x16xi32> to vector<16xi32>
    %add3A_2543 = vector.broadcast %mul3A_2535 : i32 to vector<16xi32>
    %add3A_2544 = arith.addi %get3A_2542, %add3A_2543 : vector<16xi32>
    %swap3A_2545 = arith.constant 3 : i32
    %swap3A_2546 = arith.constant 0 : i32
    %swap3A_2547 = arith.index_cast %swap3A_2545 : i32 to index
    %swap3A_2548 = arith.index_cast %swap3A_2546 : i32 to index
    %swap3A_2549 = arith.constant 0 : index
    %swap3A_2550 = tpu.vector_load %arg5[%swap3A_2547, %swap3A_2548, %swap3A_2549] {strides = array<i32>} : memref<8x1x128xi32, #tpu.memory_space<vmem>>, vector<1x1x16xi32>,
    %swap3A_2551 = vector.shape_cast %swap3A_2550 : vector<1x1x16xi32> to vector<16xi32>
    %swap3A_2552 = vector.shape_cast %add3A_2544 : vector<16xi32> to vector<1x1x16xi32>
    tpu.vector_store %arg5[%swap3A_2547, %swap3A_2548, %swap3A_2549], %swap3A_2552 {strides = array<i32>} : memref<8x1x128xi32, #tpu.memory_space<vmem>>, vector<1x1x16xi32>,
    %get3A_2553 = arith.constant 3 : i32
    %get3A_2554 = arith.constant 0 : i32
    %get3A_2555 = arith.index_cast %get3A_2553 : i32 to index
    %get3A_2556 = arith.index_cast %get3A_2554 : i32 to index
    %get3A_2557 = arith.constant 16 : index
    %get3A_2558 = tpu.vector_load %arg5[%get3A_2555, %get3A_2556, %get3A_2557] {strides = array<i32>} : memref<8x1x128xi32, #tpu.memory_space<vmem>>, vector<1x1x16xi32>,
    %get3A_2559 = vector.shape_cast %get3A_2558 : vector<1x1x16xi32> to vector<16xi32>
    %add3A_2560 = vector.broadcast %mul3A_2535 : i32 to vector<16xi32>
    %add3A_2561 = arith.addi %get3A_2559, %add3A_2560 : vector<16xi32>
    %swap3A_2562 = arith.constant 3 : i32
    %swap3A_2563 = arith.constant 0 : i32
    %swap3A_2564 = arith.index_cast %swap3A_2562 : i32 to index
    %swap3A_2565 = arith.index_cast %swap3A_2563 : i32 to index
    %swap3A_2566 = arith.constant 16 : index
    %swap3A_2567 = tpu.vector_load %arg5[%swap3A_2564, %swap3A_2565, %swap3A_2566] {strides = array<i32>} : memref<8x1x128xi32, #tpu.memory_space<vmem>>, vector<1x1x16xi32>,
    %swap3A_2568 = vector.shape_cast %swap3A_2567 : vector<1x1x16xi32> to vector<16xi32>
    %swap3A_2569 = vector.shape_cast %add3A_2561 : vector<16xi32> to vector<1x1x16xi32>
    tpu.vector_store %arg5[%swap3A_2564, %swap3A_2565, %swap3A_2566], %swap3A_2569 {strides = array<i32>} : memref<8x1x128xi32, #tpu.memory_space<vmem>>, vector<1x1x16xi32>,
    %get3A_2570 = arith.constant 3 : i32
    %get3A_2571 = arith.constant 0 : i32
    %get3A_2572 = arith.index_cast %get3A_2570 : i32 to index
    %get3A_2573 = arith.index_cast %get3A_2571 : i32 to index
    %get3A_2574 = arith.constant 32 : index
    %get3A_2575 = tpu.vector_load %arg5[%get3A_2572, %get3A_2573, %get3A_2574] {strides = array<i32>} : memref<8x1x128xi32, #tpu.memory_space<vmem>>, vector<1x1x16xi32>,
    %get3A_2576 = vector.shape_cast %get3A_2575 : vector<1x1x16xi32> to vector<16xi32>
    %add3A_2577 = vector.broadcast %mul3A_2535 : i32 to vector<16xi32>
    %add3A_2578 = arith.addi %get3A_2576, %add3A_2577 : vector<16xi32>
    %swap3A_2579 = arith.constant 3 : i32
    %swap3A_2580 = arith.constant 0 : i32
    %swap3A_2581 = arith.index_cast %swap3A_2579 : i32 to index
    %swap3A_2582 = arith.index_cast %swap3A_2580 : i32 to index
    %swap3A_2583 = arith.constant 32 : index
    %swap3A_2584 = tpu.vector_load %arg5[%swap3A_2581, %swap3A_2582, %swap3A_2583] {strides = array<i32>} : memref<8x1x128xi32, #tpu.memory_space<vmem>>, vector<1x1x16xi32>,
    %swap3A_2585 = vector.shape_cast %swap3A_2584 : vector<1x1x16xi32> to vector<16xi32>
    %swap3A_2586 = vector.shape_cast %add3A_2578 : vector<16xi32> to vector<1x1x16xi32>
    tpu.vector_store %arg5[%swap3A_2581, %swap3A_2582, %swap3A_2583], %swap3A_2586 {strides = array<i32>} : memref<8x1x128xi32, #tpu.memory_space<vmem>>, vector<1x1x16xi32>,
    %get3A_2587 = arith.constant 3 : i32
    %get3A_2588 = arith.constant 0 : i32
    %get3A_2589 = arith.index_cast %get3A_2587 : i32 to index
    %get3A_2590 = arith.index_cast %get3A_2588 : i32 to index
    %get3A_2591 = arith.constant 48 : index
    %get3A_2592 = tpu.vector_load %arg5[%get3A_2589, %get3A_2590, %get3A_2591] {strides = array<i32>} : memref<8x1x128xi32, #tpu.memory_space<vmem>>, vector<1x1x16xi32>,
    %get3A_2593 = vector.shape_cast %get3A_2592 : vector<1x1x16xi32> to vector<16xi32>
    %add3A_2594 = vector.broadcast %mul3A_2535 : i32 to vector<16xi32>
    %add3A_2595 = arith.addi %get3A_2593, %add3A_2594 : vector<16xi32>
    %swap3A_2596 = arith.constant 3 : i32
    %swap3A_2597 = arith.constant 0 : i32
    %swap3A_2598 = arith.index_cast %swap3A_2596 : i32 to index
    %swap3A_2599 = arith.index_cast %swap3A_2597 : i32 to index
    %swap3A_2600 = arith.constant 48 : index
    %swap3A_2601 = tpu.vector_load %arg5[%swap3A_2598, %swap3A_2599, %swap3A_2600] {strides = array<i32>} : memref<8x1x128xi32, #tpu.memory_space<vmem>>, vector<1x1x16xi32>,
    %swap3A_2602 = vector.shape_cast %swap3A_2601 : vector<1x1x16xi32> to vector<16xi32>
    %swap3A_2603 = vector.shape_cast %add3A_2595 : vector<16xi32> to vector<1x1x16xi32>
    tpu.vector_store %arg5[%swap3A_2598, %swap3A_2599, %swap3A_2600], %swap3A_2603 {strides = array<i32>} : memref<8x1x128xi32, #tpu.memory_space<vmem>>, vector<1x1x16xi32>,
    %get3A_2604 = arith.constant 3 : i32
    %get3A_2605 = arith.constant 0 : i32
    %get3A_2606 = arith.index_cast %get3A_2604 : i32 to index
    %get3A_2607 = arith.index_cast %get3A_2605 : i32 to index
    %get3A_2608 = arith.constant 64 : index
    %get3A_2609 = tpu.vector_load %arg5[%get3A_2606, %get3A_2607, %get3A_2608] {strides = array<i32>} : memref<8x1x128xi32, #tpu.memory_space<vmem>>, vector<1x1x16xi32>,
    %get3A_2610 = vector.shape_cast %get3A_2609 : vector<1x1x16xi32> to vector<16xi32>
    %add3A_2611 = vector.broadcast %mul3A_2535 : i32 to vector<16xi32>
    %add3A_2612 = arith.addi %get3A_2610, %add3A_2611 : vector<16xi32>
    %swap3A_2613 = arith.constant 3 : i32
    %swap3A_2614 = arith.constant 0 : i32
    %swap3A_2615 = arith.index_cast %swap3A_2613 : i32 to index
    %swap3A_2616 = arith.index_cast %swap3A_2614 : i32 to index
    %swap3A_2617 = arith.constant 64 : index
    %swap3A_2618 = tpu.vector_load %arg5[%swap3A_2615, %swap3A_2616, %swap3A_2617] {strides = array<i32>} : memref<8x1x128xi32, #tpu.memory_space<vmem>>, vector<1x1x16xi32>,
    %swap3A_2619 = vector.shape_cast %swap3A_2618 : vector<1x1x16xi32> to vector<16xi32>
    %swap3A_2620 = vector.shape_cast %add3A_2612 : vector<16xi32> to vector<1x1x16xi32>
    tpu.vector_store %arg5[%swap3A_2615, %swap3A_2616, %swap3A_2617], %swap3A_2620 {strides = array<i32>} : memref<8x1x128xi32, #tpu.memory_space<vmem>>, vector<1x1x16xi32>,
    %get3A_2621 = arith.constant 3 : i32
    %get3A_2622 = arith.constant 0 : i32
    %get3A_2623 = arith.index_cast %get3A_2621 : i32 to index
    %get3A_2624 = arith.index_cast %get3A_2622 : i32 to index
    %get3A_2625 = arith.constant 80 : index
    %get3A_2626 = tpu.vector_load %arg5[%get3A_2623, %get3A_2624, %get3A_2625] {strides = array<i32>} : memref<8x1x128xi32, #tpu.memory_space<vmem>>, vector<1x1x16xi32>,
    %get3A_2627 = vector.shape_cast %get3A_2626 : vector<1x1x16xi32> to vector<16xi32>
    %add3A_2628 = vector.broadcast %mul3A_2535 : i32 to vector<16xi32>
    %add3A_2629 = arith.addi %get3A_2627, %add3A_2628 : vector<16xi32>
    %swap3A_2630 = arith.constant 3 : i32
    %swap3A_2631 = arith.constant 0 : i32
    %swap3A_2632 = arith.index_cast %swap3A_2630 : i32 to index
    %swap3A_2633 = arith.index_cast %swap3A_2631 : i32 to index
    %swap3A_2634 = arith.constant 80 : index
    %swap3A_2635 = tpu.vector_load %arg5[%swap3A_2632, %swap3A_2633, %swap3A_2634] {strides = array<i32>} : memref<8x1x128xi32, #tpu.memory_space<vmem>>, vector<1x1x16xi32>,
    %swap3A_2636 = vector.shape_cast %swap3A_2635 : vector<1x1x16xi32> to vector<16xi32>
    %swap3A_2637 = vector.shape_cast %add3A_2629 : vector<16xi32> to vector<1x1x16xi32>
    tpu.vector_store %arg5[%swap3A_2632, %swap3A_2633, %swap3A_2634], %swap3A_2637 {strides = array<i32>} : memref<8x1x128xi32, #tpu.memory_space<vmem>>, vector<1x1x16xi32>,
    %get3A_2638 = arith.constant 3 : i32
    %get3A_2639 = arith.constant 0 : i32
    %get3A_2640 = arith.index_cast %get3A_2638 : i32 to index
    %get3A_2641 = arith.index_cast %get3A_2639 : i32 to index
    %get3A_2642 = arith.constant 96 : index
    %get3A_2643 = tpu.vector_load %arg5[%get3A_2640, %get3A_2641, %get3A_2642] {strides = array<i32>} : memref<8x1x128xi32, #tpu.memory_space<vmem>>, vector<1x1x16xi32>,
    %get3A_2644 = vector.shape_cast %get3A_2643 : vector<1x1x16xi32> to vector<16xi32>
    %add3A_2645 = vector.broadcast %mul3A_2535 : i32 to vector<16xi32>
    %add3A_2646 = arith.addi %get3A_2644, %add3A_2645 : vector<16xi32>
    %swap3A_2647 = arith.constant 3 : i32
    %swap3A_2648 = arith.constant 0 : i32
    %swap3A_2649 = arith.index_cast %swap3A_2647 : i32 to index
    %swap3A_2650 = arith.index_cast %swap3A_2648 : i32 to index
    %swap3A_2651 = arith.constant 96 : index
    %swap3A_2652 = tpu.vector_load %arg5[%swap3A_2649, %swap3A_2650, %swap3A_2651] {strides = array<i32>} : memref<8x1x128xi32, #tpu.memory_space<vmem>>, vector<1x1x16xi32>,
    %swap3A_2653 = vector.shape_cast %swap3A_2652 : vector<1x1x16xi32> to vector<16xi32>
    %swap3A_2654 = vector.shape_cast %add3A_2646 : vector<16xi32> to vector<1x1x16xi32>
    tpu.vector_store %arg5[%swap3A_2649, %swap3A_2650, %swap3A_2651], %swap3A_2654 {strides = array<i32>} : memref<8x1x128xi32, #tpu.memory_space<vmem>>, vector<1x1x16xi32>,
    %get3A_2655 = arith.constant 3 : i32
    %get3A_2656 = arith.constant 0 : i32
    %get3A_2657 = arith.index_cast %get3A_2655 : i32 to index
    %get3A_2658 = arith.index_cast %get3A_2656 : i32 to index
    %get3A_2659 = arith.constant 112 : index
    %get3A_2660 = tpu.vector_load %arg5[%get3A_2657, %get3A_2658, %get3A_2659] {strides = array<i32>} : memref<8x1x128xi32, #tpu.memory_space<vmem>>, vector<1x1x16xi32>,
    %get3A_2661 = vector.shape_cast %get3A_2660 : vector<1x1x16xi32> to vector<16xi32>
    %add3A_2662 = vector.broadcast %mul3A_2535 : i32 to vector<16xi32>
    %add3A_2663 = arith.addi %get3A_2661, %add3A_2662 : vector<16xi32>
    %swap3A_2664 = arith.constant 3 : i32
    %swap3A_2665 = arith.constant 0 : i32
    %swap3A_2666 = arith.index_cast %swap3A_2664 : i32 to index
    %swap3A_2667 = arith.index_cast %swap3A_2665 : i32 to index
    %swap3A_2668 = arith.constant 112 : index
    %swap3A_2669 = tpu.vector_load %arg5[%swap3A_2666, %swap3A_2667, %swap3A_2668] {strides = array<i32>} : memref<8x1x128xi32, #tpu.memory_space<vmem>>, vector<1x1x16xi32>,
    %swap3A_2670 = vector.shape_cast %swap3A_2669 : vector<1x1x16xi32> to vector<16xi32>
    %swap3A_2671 = vector.shape_cast %add3A_2663 : vector<16xi32> to vector<1x1x16xi32>
    tpu.vector_store %arg5[%swap3A_2666, %swap3A_2667, %swap3A_2668], %swap3A_2671 {strides = array<i32>} : memref<8x1x128xi32, #tpu.memory_space<vmem>>, vector<1x1x16xi32>,
    %add3A_2672 = arith.constant 512 : i32
    %add3A_2673 = arith.addi %add3A, %add3A_2672 : i32
    %jit3A_2674 = arith.constant 4096 : i32
    %div3A_2675 = arith.divsi %add3A_2673, %jit3A_2674 : i32
    %sign3A_2676 = arith.constant 0 : i32
    %sign3A_2677 = arith.cmpi sgt, %add3A_2673, %sign3A_2676 : i32
    %sign3A_2678 = arith.extui %sign3A_2677 : i1 to i32
    %sign3A_2679 = arith.constant 0 : i32
    %sign3A_2680 = arith.cmpi slt, %add3A_2673, %sign3A_2679 : i32
    %sign3A_2681 = arith.extui %sign3A_2680 : i1 to i32
    %sign3A_2682 = arith.subi %sign3A_2678, %sign3A_2681 : i32
    %sign3A_2683 = arith.constant 0 : i32
    %sign3A_2684 = arith.cmpi sgt, %jit3A_2674, %sign3A_2683 : i32
    %sign3A_2685 = arith.extui %sign3A_2684 : i1 to i32
    %sign3A_2686 = arith.constant 0 : i32
    %sign3A_2687 = arith.cmpi slt, %jit3A_2674, %sign3A_2686 : i32
    %sign3A_2688 = arith.extui %sign3A_2687 : i1 to i32
    %sign3A_2689 = arith.subi %sign3A_2685, %sign3A_2688 : i32
    %ne3A_2690 = arith.cmpi ne, %sign3A_2682, %sign3A_2689 : i32
    %rem3A_2691 = arith.remsi %add3A_2673, %jit3A_2674 : i32
    %ne3A_2692 = arith.constant 0 : i32
    %ne3A_2693 = arith.cmpi ne, %rem3A_2691, %ne3A_2692 : i32
    %and3A_2694 = arith.andi %ne3A_2690, %ne3A_2693 : i1
    %sub3A_2695 = arith.constant 1 : i32
    %sub3A_2696 = arith.subi %div3A_2675, %sub3A_2695 : i32
    %select_n3A_2697 = arith.select %and3A_2694, %sub3A_2696, %div3A_2675 : i32
    %mul3A_2698 = arith.constant 4 : i32
    %mul3A_2699 = arith.muli %arg0, %mul3A_2698 : i32
    %sub3A_2700 = arith.subi %select_n3A_2697, %mul3A_2699 : i32
    %mul3A_2701 = arith.constant 512 : i32
    %mul3A_2702 = arith.muli %sub3A_2700, %mul3A_2701 : i32
    %get3A_2703 = arith.constant 4 : i32
    %get3A_2704 = arith.constant 0 : i32
    %get3A_2705 = arith.index_cast %get3A_2703 : i32 to index
    %get3A_2706 = arith.index_cast %get3A_2704 : i32 to index
    %get3A_2707 = arith.constant 0 : index
    %get3A_2708 = tpu.vector_load %arg5[%get3A_2705, %get3A_2706, %get3A_2707] {strides = array<i32>} : memref<8x1x128xi32, #tpu.memory_space<vmem>>, vector<1x1x16xi32>,
    %get3A_2709 = vector.shape_cast %get3A_2708 : vector<1x1x16xi32> to vector<16xi32>
    %add3A_2710 = vector.broadcast %mul3A_2702 : i32 to vector<16xi32>
    %add3A_2711 = arith.addi %get3A_2709, %add3A_2710 : vector<16xi32>
    %swap3A_2712 = arith.constant 4 : i32
    %swap3A_2713 = arith.constant 0 : i32
    %swap3A_2714 = arith.index_cast %swap3A_2712 : i32 to index
    %swap3A_2715 = arith.index_cast %swap3A_2713 : i32 to index
    %swap3A_2716 = arith.constant 0 : index
    %swap3A_2717 = tpu.vector_load %arg5[%swap3A_2714, %swap3A_2715, %swap3A_2716] {strides = array<i32>} : memref<8x1x128xi32, #tpu.memory_space<vmem>>, vector<1x1x16xi32>,
    %swap3A_2718 = vector.shape_cast %swap3A_2717 : vector<1x1x16xi32> to vector<16xi32>
    %swap3A_2719 = vector.shape_cast %add3A_2711 : vector<16xi32> to vector<1x1x16xi32>
    tpu.vector_store %arg5[%swap3A_2714, %swap3A_2715, %swap3A_2716], %swap3A_2719 {strides = array<i32>} : memref<8x1x128xi32, #tpu.memory_space<vmem>>, vector<1x1x16xi32>,
    %get3A_2720 = arith.constant 4 : i32
    %get3A_2721 = arith.constant 0 : i32
    %get3A_2722 = arith.index_cast %get3A_2720 : i32 to index
    %get3A_2723 = arith.index_cast %get3A_2721 : i32 to index
    %get3A_2724 = arith.constant 16 : index
    %get3A_2725 = tpu.vector_load %arg5[%get3A_2722, %get3A_2723, %get3A_2724] {strides = array<i32>} : memref<8x1x128xi32, #tpu.memory_space<vmem>>, vector<1x1x16xi32>,
    %get3A_2726 = vector.shape_cast %get3A_2725 : vector<1x1x16xi32> to vector<16xi32>
    %add3A_2727 = vector.broadcast %mul3A_2702 : i32 to vector<16xi32>
    %add3A_2728 = arith.addi %get3A_2726, %add3A_2727 : vector<16xi32>
    %swap3A_2729 = arith.constant 4 : i32
    %swap3A_2730 = arith.constant 0 : i32
    %swap3A_2731 = arith.index_cast %swap3A_2729 : i32 to index
    %swap3A_2732 = arith.index_cast %swap3A_2730 : i32 to index
    %swap3A_2733 = arith.constant 16 : index
    %swap3A_2734 = tpu.vector_load %arg5[%swap3A_2731, %swap3A_2732, %swap3A_2733] {strides = array<i32>} : memref<8x1x128xi32, #tpu.memory_space<vmem>>, vector<1x1x16xi32>,
    %swap3A_2735 = vector.shape_cast %swap3A_2734 : vector<1x1x16xi32> to vector<16xi32>
    %swap3A_2736 = vector.shape_cast %add3A_2728 : vector<16xi32> to vector<1x1x16xi32>
    tpu.vector_store %arg5[%swap3A_2731, %swap3A_2732, %swap3A_2733], %swap3A_2736 {strides = array<i32>} : memref<8x1x128xi32, #tpu.memory_space<vmem>>, vector<1x1x16xi32>,
    %get3A_2737 = arith.constant 4 : i32
    %get3A_2738 = arith.constant 0 : i32
    %get3A_2739 = arith.index_cast %get3A_2737 : i32 to index
    %get3A_2740 = arith.index_cast %get3A_2738 : i32 to index
    %get3A_2741 = arith.constant 32 : index
    %get3A_2742 = tpu.vector_load %arg5[%get3A_2739, %get3A_2740, %get3A_2741] {strides = array<i32>} : memref<8x1x128xi32, #tpu.memory_space<vmem>>, vector<1x1x16xi32>,
    %get3A_2743 = vector.shape_cast %get3A_2742 : vector<1x1x16xi32> to vector<16xi32>
    %add3A_2744 = vector.broadcast %mul3A_2702 : i32 to vector<16xi32>
    %add3A_2745 = arith.addi %get3A_2743, %add3A_2744 : vector<16xi32>
    %swap3A_2746 = arith.constant 4 : i32
    %swap3A_2747 = arith.constant 0 : i32
    %swap3A_2748 = arith.index_cast %swap3A_2746 : i32 to index
    %swap3A_2749 = arith.index_cast %swap3A_2747 : i32 to index
    %swap3A_2750 = arith.constant 32 : index
    %swap3A_2751 = tpu.vector_load %arg5[%swap3A_2748, %swap3A_2749, %swap3A_2750] {strides = array<i32>} : memref<8x1x128xi32, #tpu.memory_space<vmem>>, vector<1x1x16xi32>,
    %swap3A_2752 = vector.shape_cast %swap3A_2751 : vector<1x1x16xi32> to vector<16xi32>
    %swap3A_2753 = vector.shape_cast %add3A_2745 : vector<16xi32> to vector<1x1x16xi32>
    tpu.vector_store %arg5[%swap3A_2748, %swap3A_2749, %swap3A_2750], %swap3A_2753 {strides = array<i32>} : memref<8x1x128xi32, #tpu.memory_space<vmem>>, vector<1x1x16xi32>,
    %get3A_2754 = arith.constant 4 : i32
    %get3A_2755 = arith.constant 0 : i32
    %get3A_2756 = arith.index_cast %get3A_2754 : i32 to index
    %get3A_2757 = arith.index_cast %get3A_2755 : i32 to index
    %get3A_2758 = arith.constant 48 : index
    %get3A_2759 = tpu.vector_load %arg5[%get3A_2756, %get3A_2757, %get3A_2758] {strides = array<i32>} : memref<8x1x128xi32, #tpu.memory_space<vmem>>, vector<1x1x16xi32>,
    %get3A_2760 = vector.shape_cast %get3A_2759 : vector<1x1x16xi32> to vector<16xi32>
    %add3A_2761 = vector.broadcast %mul3A_2702 : i32 to vector<16xi32>
    %add3A_2762 = arith.addi %get3A_2760, %add3A_2761 : vector<16xi32>
    %swap3A_2763 = arith.constant 4 : i32
    %swap3A_2764 = arith.constant 0 : i32
    %swap3A_2765 = arith.index_cast %swap3A_2763 : i32 to index
    %swap3A_2766 = arith.index_cast %swap3A_2764 : i32 to index
    %swap3A_2767 = arith.constant 48 : index
    %swap3A_2768 = tpu.vector_load %arg5[%swap3A_2765, %swap3A_2766, %swap3A_2767] {strides = array<i32>} : memref<8x1x128xi32, #tpu.memory_space<vmem>>, vector<1x1x16xi32>,
    %swap3A_2769 = vector.shape_cast %swap3A_2768 : vector<1x1x16xi32> to vector<16xi32>
    %swap3A_2770 = vector.shape_cast %add3A_2762 : vector<16xi32> to vector<1x1x16xi32>
    tpu.vector_store %arg5[%swap3A_2765, %swap3A_2766, %swap3A_2767], %swap3A_2770 {strides = array<i32>} : memref<8x1x128xi32, #tpu.memory_space<vmem>>, vector<1x1x16xi32>,
    %get3A_2771 = arith.constant 4 : i32
    %get3A_2772 = arith.constant 0 : i32
    %get3A_2773 = arith.index_cast %get3A_2771 : i32 to index
    %get3A_2774 = arith.index_cast %get3A_2772 : i32 to index
    %get3A_2775 = arith.constant 64 : index
    %get3A_2776 = tpu.vector_load %arg5[%get3A_2773, %get3A_2774, %get3A_2775] {strides = array<i32>} : memref<8x1x128xi32, #tpu.memory_space<vmem>>, vector<1x1x16xi32>,
    %get3A_2777 = vector.shape_cast %get3A_2776 : vector<1x1x16xi32> to vector<16xi32>
    %add3A_2778 = vector.broadcast %mul3A_2702 : i32 to vector<16xi32>
    %add3A_2779 = arith.addi %get3A_2777, %add3A_2778 : vector<16xi32>
    %swap3A_2780 = arith.constant 4 : i32
    %swap3A_2781 = arith.constant 0 : i32
    %swap3A_2782 = arith.index_cast %swap3A_2780 : i32 to index
    %swap3A_2783 = arith.index_cast %swap3A_2781 : i32 to index
    %swap3A_2784 = arith.constant 64 : index
    %swap3A_2785 = tpu.vector_load %arg5[%swap3A_2782, %swap3A_2783, %swap3A_2784] {strides = array<i32>} : memref<8x1x128xi32, #tpu.memory_space<vmem>>, vector<1x1x16xi32>,
    %swap3A_2786 = vector.shape_cast %swap3A_2785 : vector<1x1x16xi32> to vector<16xi32>
    %swap3A_2787 = vector.shape_cast %add3A_2779 : vector<16xi32> to vector<1x1x16xi32>
    tpu.vector_store %arg5[%swap3A_2782, %swap3A_2783, %swap3A_2784], %swap3A_2787 {strides = array<i32>} : memref<8x1x128xi32, #tpu.memory_space<vmem>>, vector<1x1x16xi32>,
    %get3A_2788 = arith.constant 4 : i32
    %get3A_2789 = arith.constant 0 : i32
    %get3A_2790 = arith.index_cast %get3A_2788 : i32 to index
    %get3A_2791 = arith.index_cast %get3A_2789 : i32 to index
    %get3A_2792 = arith.constant 80 : index
    %get3A_2793 = tpu.vector_load %arg5[%get3A_2790, %get3A_2791, %get3A_2792] {strides = array<i32>} : memref<8x1x128xi32, #tpu.memory_space<vmem>>, vector<1x1x16xi32>,
    %get3A_2794 = vector.shape_cast %get3A_2793 : vector<1x1x16xi32> to vector<16xi32>
    %add3A_2795 = vector.broadcast %mul3A_2702 : i32 to vector<16xi32>
    %add3A_2796 = arith.addi %get3A_2794, %add3A_2795 : vector<16xi32>
    %swap3A_2797 = arith.constant 4 : i32
    %swap3A_2798 = arith.constant 0 : i32
    %swap3A_2799 = arith.index_cast %swap3A_2797 : i32 to index
    %swap3A_2800 = arith.index_cast %swap3A_2798 : i32 to index
    %swap3A_2801 = arith.constant 80 : index
    %swap3A_2802 = tpu.vector_load %arg5[%swap3A_2799, %swap3A_2800, %swap3A_2801] {strides = array<i32>} : memref<8x1x128xi32, #tpu.memory_space<vmem>>, vector<1x1x16xi32>,
    %swap3A_2803 = vector.shape_cast %swap3A_2802 : vector<1x1x16xi32> to vector<16xi32>
    %swap3A_2804 = vector.shape_cast %add3A_2796 : vector<16xi32> to vector<1x1x16xi32>
    tpu.vector_store %arg5[%swap3A_2799, %swap3A_2800, %swap3A_2801], %swap3A_2804 {strides = array<i32>} : memref<8x1x128xi32, #tpu.memory_space<vmem>>, vector<1x1x16xi32>,
    %get3A_2805 = arith.constant 4 : i32
    %get3A_2806 = arith.constant 0 : i32
    %get3A_2807 = arith.index_cast %get3A_2805 : i32 to index
    %get3A_2808 = arith.index_cast %get3A_2806 : i32 to index
    %get3A_2809 = arith.constant 96 : index
    %get3A_2810 = tpu.vector_load %arg5[%get3A_2807, %get3A_2808, %get3A_2809] {strides = array<i32>} : memref<8x1x128xi32, #tpu.memory_space<vmem>>, vector<1x1x16xi32>,
    %get3A_2811 = vector.shape_cast %get3A_2810 : vector<1x1x16xi32> to vector<16xi32>
    %add3A_2812 = vector.broadcast %mul3A_2702 : i32 to vector<16xi32>
    %add3A_2813 = arith.addi %get3A_2811, %add3A_2812 : vector<16xi32>
    %swap3A_2814 = arith.constant 4 : i32
    %swap3A_2815 = arith.constant 0 : i32
    %swap3A_2816 = arith.index_cast %swap3A_2814 : i32 to index
    %swap3A_2817 = arith.index_cast %swap3A_2815 : i32 to index
    %swap3A_2818 = arith.constant 96 : index
    %swap3A_2819 = tpu.vector_load %arg5[%swap3A_2816, %swap3A_2817, %swap3A_2818] {strides = array<i32>} : memref<8x1x128xi32, #tpu.memory_space<vmem>>, vector<1x1x16xi32>,
    %swap3A_2820 = vector.shape_cast %swap3A_2819 : vector<1x1x16xi32> to vector<16xi32>
    %swap3A_2821 = vector.shape_cast %add3A_2813 : vector<16xi32> to vector<1x1x16xi32>
    tpu.vector_store %arg5[%swap3A_2816, %swap3A_2817, %swap3A_2818], %swap3A_2821 {strides = array<i32>} : memref<8x1x128xi32, #tpu.memory_space<vmem>>, vector<1x1x16xi32>,
    %get3A_2822 = arith.constant 4 : i32
    %get3A_2823 = arith.constant 0 : i32
    %get3A_2824 = arith.index_cast %get3A_2822 : i32 to index
    %get3A_2825 = arith.index_cast %get3A_2823 : i32 to index
    %get3A_2826 = arith.constant 112 : index
    %get3A_2827 = tpu.vector_load %arg5[%get3A_2824, %get3A_2825, %get3A_2826] {strides = array<i32>} : memref<8x1x128xi32, #tpu.memory_space<vmem>>, vector<1x1x16xi32>,
    %get3A_2828 = vector.shape_cast %get3A_2827 : vector<1x1x16xi32> to vector<16xi32>
    %add3A_2829 = vector.broadcast %mul3A_2702 : i32 to vector<16xi32>
    %add3A_2830 = arith.addi %get3A_2828, %add3A_2829 : vector<16xi32>
    %swap3A_2831 = arith.constant 4 : i32
    %swap3A_2832 = arith.constant 0 : i32
    %swap3A_2833 = arith.index_cast %swap3A_2831 : i32 to index
    %swap3A_2834 = arith.index_cast %swap3A_2832 : i32 to index
    %swap3A_2835 = arith.constant 112 : index
    %swap3A_2836 = tpu.vector_load %arg5[%swap3A_2833, %swap3A_2834, %swap3A_2835] {strides = array<i32>} : memref<8x1x128xi32, #tpu.memory_space<vmem>>, vector<1x1x16xi32>,
    %swap3A_2837 = vector.shape_cast %swap3A_2836 : vector<1x1x16xi32> to vector<16xi32>
    %swap3A_2838 = vector.shape_cast %add3A_2830 : vector<16xi32> to vector<1x1x16xi32>
    tpu.vector_store %arg5[%swap3A_2833, %swap3A_2834, %swap3A_2835], %swap3A_2838 {strides = array<i32>} : memref<8x1x128xi32, #tpu.memory_space<vmem>>, vector<1x1x16xi32>,
    %add3A_2839 = arith.constant 640 : i32
    %add3A_2840 = arith.addi %add3A, %add3A_2839 : i32
    %jit3A_2841 = arith.constant 4096 : i32
    %div3A_2842 = arith.divsi %add3A_2840, %jit3A_2841 : i32
    %sign3A_2843 = arith.constant 0 : i32
    %sign3A_2844 = arith.cmpi sgt, %add3A_2840, %sign3A_2843 : i32
    %sign3A_2845 = arith.extui %sign3A_2844 : i1 to i32
    %sign3A_2846 = arith.constant 0 : i32
    %sign3A_2847 = arith.cmpi slt, %add3A_2840, %sign3A_2846 : i32
    %sign3A_2848 = arith.extui %sign3A_2847 : i1 to i32
    %sign3A_2849 = arith.subi %sign3A_2845, %sign3A_2848 : i32
    %sign3A_2850 = arith.constant 0 : i32
    %sign3A_2851 = arith.cmpi sgt, %jit3A_2841, %sign3A_2850 : i32
    %sign3A_2852 = arith.extui %sign3A_2851 : i1 to i32
    %sign3A_2853 = arith.constant 0 : i32
    %sign3A_2854 = arith.cmpi slt, %jit3A_2841, %sign3A_2853 : i32
    %sign3A_2855 = arith.extui %sign3A_2854 : i1 to i32
    %sign3A_2856 = arith.subi %sign3A_2852, %sign3A_2855 : i32
    %ne3A_2857 = arith.cmpi ne, %sign3A_2849, %sign3A_2856 : i32
    %rem3A_2858 = arith.remsi %add3A_2840, %jit3A_2841 : i32
    %ne3A_2859 = arith.constant 0 : i32
    %ne3A_2860 = arith.cmpi ne, %rem3A_2858, %ne3A_2859 : i32
    %and3A_2861 = arith.andi %ne3A_2857, %ne3A_2860 : i1
    %sub3A_2862 = arith.constant 1 : i32
    %sub3A_2863 = arith.subi %div3A_2842, %sub3A_2862 : i32
    %select_n3A_2864 = arith.select %and3A_2861, %sub3A_2863, %div3A_2842 : i32
    %mul3A_2865 = arith.constant 4 : i32
    %mul3A_2866 = arith.muli %arg0, %mul3A_2865 : i32
    %sub3A_2867 = arith.subi %select_n3A_2864, %mul3A_2866 : i32
    %mul3A_2868 = arith.constant 512 : i32
    %mul3A_2869 = arith.muli %sub3A_2867, %mul3A_2868 : i32
    %get3A_2870 = arith.constant 5 : i32
    %get3A_2871 = arith.constant 0 : i32
    %get3A_2872 = arith.index_cast %get3A_2870 : i32 to index
    %get3A_2873 = arith.index_cast %get3A_2871 : i32 to index
    %get3A_2874 = arith.constant 0 : index
    %get3A_2875 = tpu.vector_load %arg5[%get3A_2872, %get3A_2873, %get3A_2874] {strides = array<i32>} : memref<8x1x128xi32, #tpu.memory_space<vmem>>, vector<1x1x16xi32>,
    %get3A_2876 = vector.shape_cast %get3A_2875 : vector<1x1x16xi32> to vector<16xi32>
    %add3A_2877 = vector.broadcast %mul3A_2869 : i32 to vector<16xi32>
    %add3A_2878 = arith.addi %get3A_2876, %add3A_2877 : vector<16xi32>
    %swap3A_2879 = arith.constant 5 : i32
    %swap3A_2880 = arith.constant 0 : i32
    %swap3A_2881 = arith.index_cast %swap3A_2879 : i32 to index
    %swap3A_2882 = arith.index_cast %swap3A_2880 : i32 to index
    %swap3A_2883 = arith.constant 0 : index
    %swap3A_2884 = tpu.vector_load %arg5[%swap3A_2881, %swap3A_2882, %swap3A_2883] {strides = array<i32>} : memref<8x1x128xi32, #tpu.memory_space<vmem>>, vector<1x1x16xi32>,
    %swap3A_2885 = vector.shape_cast %swap3A_2884 : vector<1x1x16xi32> to vector<16xi32>
    %swap3A_2886 = vector.shape_cast %add3A_2878 : vector<16xi32> to vector<1x1x16xi32>
    tpu.vector_store %arg5[%swap3A_2881, %swap3A_2882, %swap3A_2883], %swap3A_2886 {strides = array<i32>} : memref<8x1x128xi32, #tpu.memory_space<vmem>>, vector<1x1x16xi32>,
    %get3A_2887 = arith.constant 5 : i32
    %get3A_2888 = arith.constant 0 : i32
    %get3A_2889 = arith.index_cast %get3A_2887 : i32 to index
    %get3A_2890 = arith.index_cast %get3A_2888 : i32 to index
    %get3A_2891 = arith.constant 16 : index
    %get3A_2892 = tpu.vector_load %arg5[%get3A_2889, %get3A_2890, %get3A_2891] {strides = array<i32>} : memref<8x1x128xi32, #tpu.memory_space<vmem>>, vector<1x1x16xi32>,
    %get3A_2893 = vector.shape_cast %get3A_2892 : vector<1x1x16xi32> to vector<16xi32>
    %add3A_2894 = vector.broadcast %mul3A_2869 : i32 to vector<16xi32>
    %add3A_2895 = arith.addi %get3A_2893, %add3A_2894 : vector<16xi32>
    %swap3A_2896 = arith.constant 5 : i32
    %swap3A_2897 = arith.constant 0 : i32
    %swap3A_2898 = arith.index_cast %swap3A_2896 : i32 to index
    %swap3A_2899 = arith.index_cast %swap3A_2897 : i32 to index
    %swap3A_2900 = arith.constant 16 : index
    %swap3A_2901 = tpu.vector_load %arg5[%swap3A_2898, %swap3A_2899, %swap3A_2900] {strides = array<i32>} : memref<8x1x128xi32, #tpu.memory_space<vmem>>, vector<1x1x16xi32>,
    %swap3A_2902 = vector.shape_cast %swap3A_2901 : vector<1x1x16xi32> to vector<16xi32>
    %swap3A_2903 = vector.shape_cast %add3A_2895 : vector<16xi32> to vector<1x1x16xi32>
    tpu.vector_store %arg5[%swap3A_2898, %swap3A_2899, %swap3A_2900], %swap3A_2903 {strides = array<i32>} : memref<8x1x128xi32, #tpu.memory_space<vmem>>, vector<1x1x16xi32>,
    %get3A_2904 = arith.constant 5 : i32
    %get3A_2905 = arith.constant 0 : i32
    %get3A_2906 = arith.index_cast %get3A_2904 : i32 to index
    %get3A_2907 = arith.index_cast %get3A_2905 : i32 to index
    %get3A_2908 = arith.constant 32 : index
    %get3A_2909 = tpu.vector_load %arg5[%get3A_2906, %get3A_2907, %get3A_2908] {strides = array<i32>} : memref<8x1x128xi32, #tpu.memory_space<vmem>>, vector<1x1x16xi32>,
    %get3A_2910 = vector.shape_cast %get3A_2909 : vector<1x1x16xi32> to vector<16xi32>
    %add3A_2911 = vector.broadcast %mul3A_2869 : i32 to vector<16xi32>
    %add3A_2912 = arith.addi %get3A_2910, %add3A_2911 : vector<16xi32>
    %swap3A_2913 = arith.constant 5 : i32
    %swap3A_2914 = arith.constant 0 : i32
    %swap3A_2915 = arith.index_cast %swap3A_2913 : i32 to index
    %swap3A_2916 = arith.index_cast %swap3A_2914 : i32 to index
    %swap3A_2917 = arith.constant 32 : index
    %swap3A_2918 = tpu.vector_load %arg5[%swap3A_2915, %swap3A_2916, %swap3A_2917] {strides = array<i32>} : memref<8x1x128xi32, #tpu.memory_space<vmem>>, vector<1x1x16xi32>,
    %swap3A_2919 = vector.shape_cast %swap3A_2918 : vector<1x1x16xi32> to vector<16xi32>
    %swap3A_2920 = vector.shape_cast %add3A_2912 : vector<16xi32> to vector<1x1x16xi32>
    tpu.vector_store %arg5[%swap3A_2915, %swap3A_2916, %swap3A_2917], %swap3A_2920 {strides = array<i32>} : memref<8x1x128xi32, #tpu.memory_space<vmem>>, vector<1x1x16xi32>,
    %get3A_2921 = arith.constant 5 : i32
    %get3A_2922 = arith.constant 0 : i32
    %get3A_2923 = arith.index_cast %get3A_2921 : i32 to index
    %get3A_2924 = arith.index_cast %get3A_2922 : i32 to index
    %get3A_2925 = arith.constant 48 : index
    %get3A_2926 = tpu.vector_load %arg5[%get3A_2923, %get3A_2924, %get3A_2925] {strides = array<i32>} : memref<8x1x128xi32, #tpu.memory_space<vmem>>, vector<1x1x16xi32>,
    %get3A_2927 = vector.shape_cast %get3A_2926 : vector<1x1x16xi32> to vector<16xi32>
    %add3A_2928 = vector.broadcast %mul3A_2869 : i32 to vector<16xi32>
    %add3A_2929 = arith.addi %get3A_2927, %add3A_2928 : vector<16xi32>
    %swap3A_2930 = arith.constant 5 : i32
    %swap3A_2931 = arith.constant 0 : i32
    %swap3A_2932 = arith.index_cast %swap3A_2930 : i32 to index
    %swap3A_2933 = arith.index_cast %swap3A_2931 : i32 to index
    %swap3A_2934 = arith.constant 48 : index
    %swap3A_2935 = tpu.vector_load %arg5[%swap3A_2932, %swap3A_2933, %swap3A_2934] {strides = array<i32>} : memref<8x1x128xi32, #tpu.memory_space<vmem>>, vector<1x1x16xi32>,
    %swap3A_2936 = vector.shape_cast %swap3A_2935 : vector<1x1x16xi32> to vector<16xi32>
    %swap3A_2937 = vector.shape_cast %add3A_2929 : vector<16xi32> to vector<1x1x16xi32>
    tpu.vector_store %arg5[%swap3A_2932, %swap3A_2933, %swap3A_2934], %swap3A_2937 {strides = array<i32>} : memref<8x1x128xi32, #tpu.memory_space<vmem>>, vector<1x1x16xi32>,
    %get3A_2938 = arith.constant 5 : i32
    %get3A_2939 = arith.constant 0 : i32
    %get3A_2940 = arith.index_cast %get3A_2938 : i32 to index
    %get3A_2941 = arith.index_cast %get3A_2939 : i32 to index
    %get3A_2942 = arith.constant 64 : index
    %get3A_2943 = tpu.vector_load %arg5[%get3A_2940, %get3A_2941, %get3A_2942] {strides = array<i32>} : memref<8x1x128xi32, #tpu.memory_space<vmem>>, vector<1x1x16xi32>,
    %get3A_2944 = vector.shape_cast %get3A_2943 : vector<1x1x16xi32> to vector<16xi32>
    %add3A_2945 = vector.broadcast %mul3A_2869 : i32 to vector<16xi32>
    %add3A_2946 = arith.addi %get3A_2944, %add3A_2945 : vector<16xi32>
    %swap3A_2947 = arith.constant 5 : i32
    %swap3A_2948 = arith.constant 0 : i32
    %swap3A_2949 = arith.index_cast %swap3A_2947 : i32 to index
    %swap3A_2950 = arith.index_cast %swap3A_2948 : i32 to index
    %swap3A_2951 = arith.constant 64 : index
    %swap3A_2952 = tpu.vector_load %arg5[%swap3A_2949, %swap3A_2950, %swap3A_2951] {strides = array<i32>} : memref<8x1x128xi32, #tpu.memory_space<vmem>>, vector<1x1x16xi32>,
    %swap3A_2953 = vector.shape_cast %swap3A_2952 : vector<1x1x16xi32> to vector<16xi32>
    %swap3A_2954 = vector.shape_cast %add3A_2946 : vector<16xi32> to vector<1x1x16xi32>
    tpu.vector_store %arg5[%swap3A_2949, %swap3A_2950, %swap3A_2951], %swap3A_2954 {strides = array<i32>} : memref<8x1x128xi32, #tpu.memory_space<vmem>>, vector<1x1x16xi32>,
    %get3A_2955 = arith.constant 5 : i32
    %get3A_2956 = arith.constant 0 : i32
    %get3A_2957 = arith.index_cast %get3A_2955 : i32 to index
    %get3A_2958 = arith.index_cast %get3A_2956 : i32 to index
    %get3A_2959 = arith.constant 80 : index
    %get3A_2960 = tpu.vector_load %arg5[%get3A_2957, %get3A_2958, %get3A_2959] {strides = array<i32>} : memref<8x1x128xi32, #tpu.memory_space<vmem>>, vector<1x1x16xi32>,
    %get3A_2961 = vector.shape_cast %get3A_2960 : vector<1x1x16xi32> to vector<16xi32>
    %add3A_2962 = vector.broadcast %mul3A_2869 : i32 to vector<16xi32>
    %add3A_2963 = arith.addi %get3A_2961, %add3A_2962 : vector<16xi32>
    %swap3A_2964 = arith.constant 5 : i32
    %swap3A_2965 = arith.constant 0 : i32
    %swap3A_2966 = arith.index_cast %swap3A_2964 : i32 to index
    %swap3A_2967 = arith.index_cast %swap3A_2965 : i32 to index
    %swap3A_2968 = arith.constant 80 : index
    %swap3A_2969 = tpu.vector_load %arg5[%swap3A_2966, %swap3A_2967, %swap3A_2968] {strides = array<i32>} : memref<8x1x128xi32, #tpu.memory_space<vmem>>, vector<1x1x16xi32>,
    %swap3A_2970 = vector.shape_cast %swap3A_2969 : vector<1x1x16xi32> to vector<16xi32>
    %swap3A_2971 = vector.shape_cast %add3A_2963 : vector<16xi32> to vector<1x1x16xi32>
    tpu.vector_store %arg5[%swap3A_2966, %swap3A_2967, %swap3A_2968], %swap3A_2971 {strides = array<i32>} : memref<8x1x128xi32, #tpu.memory_space<vmem>>, vector<1x1x16xi32>,
    %get3A_2972 = arith.constant 5 : i32
    %get3A_2973 = arith.constant 0 : i32
    %get3A_2974 = arith.index_cast %get3A_2972 : i32 to index
    %get3A_2975 = arith.index_cast %get3A_2973 : i32 to index
    %get3A_2976 = arith.constant 96 : index
    %get3A_2977 = tpu.vector_load %arg5[%get3A_2974, %get3A_2975, %get3A_2976] {strides = array<i32>} : memref<8x1x128xi32, #tpu.memory_space<vmem>>, vector<1x1x16xi32>,
    %get3A_2978 = vector.shape_cast %get3A_2977 : vector<1x1x16xi32> to vector<16xi32>
    %add3A_2979 = vector.broadcast %mul3A_2869 : i32 to vector<16xi32>
    %add3A_2980 = arith.addi %get3A_2978, %add3A_2979 : vector<16xi32>
    %swap3A_2981 = arith.constant 5 : i32
    %swap3A_2982 = arith.constant 0 : i32
    %swap3A_2983 = arith.index_cast %swap3A_2981 : i32 to index
    %swap3A_2984 = arith.index_cast %swap3A_2982 : i32 to index
    %swap3A_2985 = arith.constant 96 : index
    %swap3A_2986 = tpu.vector_load %arg5[%swap3A_2983, %swap3A_2984, %swap3A_2985] {strides = array<i32>} : memref<8x1x128xi32, #tpu.memory_space<vmem>>, vector<1x1x16xi32>,
    %swap3A_2987 = vector.shape_cast %swap3A_2986 : vector<1x1x16xi32> to vector<16xi32>
    %swap3A_2988 = vector.shape_cast %add3A_2980 : vector<16xi32> to vector<1x1x16xi32>
    tpu.vector_store %arg5[%swap3A_2983, %swap3A_2984, %swap3A_2985], %swap3A_2988 {strides = array<i32>} : memref<8x1x128xi32, #tpu.memory_space<vmem>>, vector<1x1x16xi32>,
    %get3A_2989 = arith.constant 5 : i32
    %get3A_2990 = arith.constant 0 : i32
    %get3A_2991 = arith.index_cast %get3A_2989 : i32 to index
    %get3A_2992 = arith.index_cast %get3A_2990 : i32 to index
    %get3A_2993 = arith.constant 112 : index
    %get3A_2994 = tpu.vector_load %arg5[%get3A_2991, %get3A_2992, %get3A_2993] {strides = array<i32>} : memref<8x1x128xi32, #tpu.memory_space<vmem>>, vector<1x1x16xi32>,
    %get3A_2995 = vector.shape_cast %get3A_2994 : vector<1x1x16xi32> to vector<16xi32>
    %add3A_2996 = vector.broadcast %mul3A_2869 : i32 to vector<16xi32>
    %add3A_2997 = arith.addi %get3A_2995, %add3A_2996 : vector<16xi32>
    %swap3A_2998 = arith.constant 5 : i32
    %swap3A_2999 = arith.constant 0 : i32
    %swap3A_3000 = arith.index_cast %swap3A_2998 : i32 to index
    %swap3A_3001 = arith.index_cast %swap3A_2999 : i32 to index
    %swap3A_3002 = arith.constant 112 : index
    %swap3A_3003 = tpu.vector_load %arg5[%swap3A_3000, %swap3A_3001, %swap3A_3002] {strides = array<i32>} : memref<8x1x128xi32, #tpu.memory_space<vmem>>, vector<1x1x16xi32>,
    %swap3A_3004 = vector.shape_cast %swap3A_3003 : vector<1x1x16xi32> to vector<16xi32>
    %swap3A_3005 = vector.shape_cast %add3A_2997 : vector<16xi32> to vector<1x1x16xi32>
    tpu.vector_store %arg5[%swap3A_3000, %swap3A_3001, %swap3A_3002], %swap3A_3005 {strides = array<i32>} : memref<8x1x128xi32, #tpu.memory_space<vmem>>, vector<1x1x16xi32>,
    %add3A_3006 = arith.constant 768 : i32
    %add3A_3007 = arith.addi %add3A, %add3A_3006 : i32
    %jit3A_3008 = arith.constant 4096 : i32
    %div3A_3009 = arith.divsi %add3A_3007, %jit3A_3008 : i32
    %sign3A_3010 = arith.constant 0 : i32
    %sign3A_3011 = arith.cmpi sgt, %add3A_3007, %sign3A_3010 : i32
    %sign3A_3012 = arith.extui %sign3A_3011 : i1 to i32
    %sign3A_3013 = arith.constant 0 : i32
    %sign3A_3014 = arith.cmpi slt, %add3A_3007, %sign3A_3013 : i32
    %sign3A_3015 = arith.extui %sign3A_3014 : i1 to i32
    %sign3A_3016 = arith.subi %sign3A_3012, %sign3A_3015 : i32
    %sign3A_3017 = arith.constant 0 : i32
    %sign3A_3018 = arith.cmpi sgt, %jit3A_3008, %sign3A_3017 : i32
    %sign3A_3019 = arith.extui %sign3A_3018 : i1 to i32
    %sign3A_3020 = arith.constant 0 : i32
    %sign3A_3021 = arith.cmpi slt, %jit3A_3008, %sign3A_3020 : i32
    %sign3A_3022 = arith.extui %sign3A_3021 : i1 to i32
    %sign3A_3023 = arith.subi %sign3A_3019, %sign3A_3022 : i32
    %ne3A_3024 = arith.cmpi ne, %sign3A_3016, %sign3A_3023 : i32
    %rem3A_3025 = arith.remsi %add3A_3007, %jit3A_3008 : i32
    %ne3A_3026 = arith.constant 0 : i32
    %ne3A_3027 = arith.cmpi ne, %rem3A_3025, %ne3A_3026 : i32
    %and3A_3028 = arith.andi %ne3A_3024, %ne3A_3027 : i1
    %sub3A_3029 = arith.constant 1 : i32
    %sub3A_3030 = arith.subi %div3A_3009, %sub3A_3029 : i32
    %select_n3A_3031 = arith.select %and3A_3028, %sub3A_3030, %div3A_3009 : i32
    %mul3A_3032 = arith.constant 4 : i32
    %mul3A_3033 = arith.muli %arg0, %mul3A_3032 : i32
    %sub3A_3034 = arith.subi %select_n3A_3031, %mul3A_3033 : i32
    %mul3A_3035 = arith.constant 512 : i32
    %mul3A_3036 = arith.muli %sub3A_3034, %mul3A_3035 : i32
    %get3A_3037 = arith.constant 6 : i32
    %get3A_3038 = arith.constant 0 : i32
    %get3A_3039 = arith.index_cast %get3A_3037 : i32 to index
    %get3A_3040 = arith.index_cast %get3A_3038 : i32 to index
    %get3A_3041 = arith.constant 0 : index
    %get3A_3042 = tpu.vector_load %arg5[%get3A_3039, %get3A_3040, %get3A_3041] {strides = array<i32>} : memref<8x1x128xi32, #tpu.memory_space<vmem>>, vector<1x1x16xi32>,
    %get3A_3043 = vector.shape_cast %get3A_3042 : vector<1x1x16xi32> to vector<16xi32>
    %add3A_3044 = vector.broadcast %mul3A_3036 : i32 to vector<16xi32>
    %add3A_3045 = arith.addi %get3A_3043, %add3A_3044 : vector<16xi32>
    %swap3A_3046 = arith.constant 6 : i32
    %swap3A_3047 = arith.constant 0 : i32
    %swap3A_3048 = arith.index_cast %swap3A_3046 : i32 to index
    %swap3A_3049 = arith.index_cast %swap3A_3047 : i32 to index
    %swap3A_3050 = arith.constant 0 : index
    %swap3A_3051 = tpu.vector_load %arg5[%swap3A_3048, %swap3A_3049, %swap3A_3050] {strides = array<i32>} : memref<8x1x128xi32, #tpu.memory_space<vmem>>, vector<1x1x16xi32>,
    %swap3A_3052 = vector.shape_cast %swap3A_3051 : vector<1x1x16xi32> to vector<16xi32>
    %swap3A_3053 = vector.shape_cast %add3A_3045 : vector<16xi32> to vector<1x1x16xi32>
    tpu.vector_store %arg5[%swap3A_3048, %swap3A_3049, %swap3A_3050], %swap3A_3053 {strides = array<i32>} : memref<8x1x128xi32, #tpu.memory_space<vmem>>, vector<1x1x16xi32>,
    %get3A_3054 = arith.constant 6 : i32
    %get3A_3055 = arith.constant 0 : i32
    %get3A_3056 = arith.index_cast %get3A_3054 : i32 to index
    %get3A_3057 = arith.index_cast %get3A_3055 : i32 to index
    %get3A_3058 = arith.constant 16 : index
    %get3A_3059 = tpu.vector_load %arg5[%get3A_3056, %get3A_3057, %get3A_3058] {strides = array<i32>} : memref<8x1x128xi32, #tpu.memory_space<vmem>>, vector<1x1x16xi32>,
    %get3A_3060 = vector.shape_cast %get3A_3059 : vector<1x1x16xi32> to vector<16xi32>
    %add3A_3061 = vector.broadcast %mul3A_3036 : i32 to vector<16xi32>
    %add3A_3062 = arith.addi %get3A_3060, %add3A_3061 : vector<16xi32>
    %swap3A_3063 = arith.constant 6 : i32
    %swap3A_3064 = arith.constant 0 : i32
    %swap3A_3065 = arith.index_cast %swap3A_3063 : i32 to index
    %swap3A_3066 = arith.index_cast %swap3A_3064 : i32 to index
    %swap3A_3067 = arith.constant 16 : index
    %swap3A_3068 = tpu.vector_load %arg5[%swap3A_3065, %swap3A_3066, %swap3A_3067] {strides = array<i32>} : memref<8x1x128xi32, #tpu.memory_space<vmem>>, vector<1x1x16xi32>,
    %swap3A_3069 = vector.shape_cast %swap3A_3068 : vector<1x1x16xi32> to vector<16xi32>
    %swap3A_3070 = vector.shape_cast %add3A_3062 : vector<16xi32> to vector<1x1x16xi32>
    tpu.vector_store %arg5[%swap3A_3065, %swap3A_3066, %swap3A_3067], %swap3A_3070 {strides = array<i32>} : memref<8x1x128xi32, #tpu.memory_space<vmem>>, vector<1x1x16xi32>,
    %get3A_3071 = arith.constant 6 : i32
    %get3A_3072 = arith.constant 0 : i32
    %get3A_3073 = arith.index_cast %get3A_3071 : i32 to index
    %get3A_3074 = arith.index_cast %get3A_3072 : i32 to index
    %get3A_3075 = arith.constant 32 : index
    %get3A_3076 = tpu.vector_load %arg5[%get3A_3073, %get3A_3074, %get3A_3075] {strides = array<i32>} : memref<8x1x128xi32, #tpu.memory_space<vmem>>, vector<1x1x16xi32>,
    %get3A_3077 = vector.shape_cast %get3A_3076 : vector<1x1x16xi32> to vector<16xi32>
    %add3A_3078 = vector.broadcast %mul3A_3036 : i32 to vector<16xi32>
    %add3A_3079 = arith.addi %get3A_3077, %add3A_3078 : vector<16xi32>
    %swap3A_3080 = arith.constant 6 : i32
    %swap3A_3081 = arith.constant 0 : i32
    %swap3A_3082 = arith.index_cast %swap3A_3080 : i32 to index
    %swap3A_3083 = arith.index_cast %swap3A_3081 : i32 to index
    %swap3A_3084 = arith.constant 32 : index
    %swap3A_3085 = tpu.vector_load %arg5[%swap3A_3082, %swap3A_3083, %swap3A_3084] {strides = array<i32>} : memref<8x1x128xi32, #tpu.memory_space<vmem>>, vector<1x1x16xi32>,
    %swap3A_3086 = vector.shape_cast %swap3A_3085 : vector<1x1x16xi32> to vector<16xi32>
    %swap3A_3087 = vector.shape_cast %add3A_3079 : vector<16xi32> to vector<1x1x16xi32>
    tpu.vector_store %arg5[%swap3A_3082, %swap3A_3083, %swap3A_3084], %swap3A_3087 {strides = array<i32>} : memref<8x1x128xi32, #tpu.memory_space<vmem>>, vector<1x1x16xi32>,
    %get3A_3088 = arith.constant 6 : i32
    %get3A_3089 = arith.constant 0 : i32
    %get3A_3090 = arith.index_cast %get3A_3088 : i32 to index
    %get3A_3091 = arith.index_cast %get3A_3089 : i32 to index
    %get3A_3092 = arith.constant 48 : index
    %get3A_3093 = tpu.vector_load %arg5[%get3A_3090, %get3A_3091, %get3A_3092] {strides = array<i32>} : memref<8x1x128xi32, #tpu.memory_space<vmem>>, vector<1x1x16xi32>,
    %get3A_3094 = vector.shape_cast %get3A_3093 : vector<1x1x16xi32> to vector<16xi32>
    %add3A_3095 = vector.broadcast %mul3A_3036 : i32 to vector<16xi32>
    %add3A_3096 = arith.addi %get3A_3094, %add3A_3095 : vector<16xi32>
    %swap3A_3097 = arith.constant 6 : i32
    %swap3A_3098 = arith.constant 0 : i32
    %swap3A_3099 = arith.index_cast %swap3A_3097 : i32 to index
    %swap3A_3100 = arith.index_cast %swap3A_3098 : i32 to index
    %swap3A_3101 = arith.constant 48 : index
    %swap3A_3102 = tpu.vector_load %arg5[%swap3A_3099, %swap3A_3100, %swap3A_3101] {strides = array<i32>} : memref<8x1x128xi32, #tpu.memory_space<vmem>>, vector<1x1x16xi32>,
    %swap3A_3103 = vector.shape_cast %swap3A_3102 : vector<1x1x16xi32> to vector<16xi32>
    %swap3A_3104 = vector.shape_cast %add3A_3096 : vector<16xi32> to vector<1x1x16xi32>
    tpu.vector_store %arg5[%swap3A_3099, %swap3A_3100, %swap3A_3101], %swap3A_3104 {strides = array<i32>} : memref<8x1x128xi32, #tpu.memory_space<vmem>>, vector<1x1x16xi32>,
    %get3A_3105 = arith.constant 6 : i32
    %get3A_3106 = arith.constant 0 : i32
    %get3A_3107 = arith.index_cast %get3A_3105 : i32 to index
    %get3A_3108 = arith.index_cast %get3A_3106 : i32 to index
    %get3A_3109 = arith.constant 64 : index
    %get3A_3110 = tpu.vector_load %arg5[%get3A_3107, %get3A_3108, %get3A_3109] {strides = array<i32>} : memref<8x1x128xi32, #tpu.memory_space<vmem>>, vector<1x1x16xi32>,
    %get3A_3111 = vector.shape_cast %get3A_3110 : vector<1x1x16xi32> to vector<16xi32>
    %add3A_3112 = vector.broadcast %mul3A_3036 : i32 to vector<16xi32>
    %add3A_3113 = arith.addi %get3A_3111, %add3A_3112 : vector<16xi32>
    %swap3A_3114 = arith.constant 6 : i32
    %swap3A_3115 = arith.constant 0 : i32
    %swap3A_3116 = arith.index_cast %swap3A_3114 : i32 to index
    %swap3A_3117 = arith.index_cast %swap3A_3115 : i32 to index
    %swap3A_3118 = arith.constant 64 : index
    %swap3A_3119 = tpu.vector_load %arg5[%swap3A_3116, %swap3A_3117, %swap3A_3118] {strides = array<i32>} : memref<8x1x128xi32, #tpu.memory_space<vmem>>, vector<1x1x16xi32>,
    %swap3A_3120 = vector.shape_cast %swap3A_3119 : vector<1x1x16xi32> to vector<16xi32>
    %swap3A_3121 = vector.shape_cast %add3A_3113 : vector<16xi32> to vector<1x1x16xi32>
    tpu.vector_store %arg5[%swap3A_3116, %swap3A_3117, %swap3A_3118], %swap3A_3121 {strides = array<i32>} : memref<8x1x128xi32, #tpu.memory_space<vmem>>, vector<1x1x16xi32>,
    %get3A_3122 = arith.constant 6 : i32
    %get3A_3123 = arith.constant 0 : i32
    %get3A_3124 = arith.index_cast %get3A_3122 : i32 to index
    %get3A_3125 = arith.index_cast %get3A_3123 : i32 to index
    %get3A_3126 = arith.constant 80 : index
    %get3A_3127 = tpu.vector_load %arg5[%get3A_3124, %get3A_3125, %get3A_3126] {strides = array<i32>} : memref<8x1x128xi32, #tpu.memory_space<vmem>>, vector<1x1x16xi32>,
    %get3A_3128 = vector.shape_cast %get3A_3127 : vector<1x1x16xi32> to vector<16xi32>
    %add3A_3129 = vector.broadcast %mul3A_3036 : i32 to vector<16xi32>
    %add3A_3130 = arith.addi %get3A_3128, %add3A_3129 : vector<16xi32>
    %swap3A_3131 = arith.constant 6 : i32
    %swap3A_3132 = arith.constant 0 : i32
    %swap3A_3133 = arith.index_cast %swap3A_3131 : i32 to index
    %swap3A_3134 = arith.index_cast %swap3A_3132 : i32 to index
    %swap3A_3135 = arith.constant 80 : index
    %swap3A_3136 = tpu.vector_load %arg5[%swap3A_3133, %swap3A_3134, %swap3A_3135] {strides = array<i32>} : memref<8x1x128xi32, #tpu.memory_space<vmem>>, vector<1x1x16xi32>,
    %swap3A_3137 = vector.shape_cast %swap3A_3136 : vector<1x1x16xi32> to vector<16xi32>
    %swap3A_3138 = vector.shape_cast %add3A_3130 : vector<16xi32> to vector<1x1x16xi32>
    tpu.vector_store %arg5[%swap3A_3133, %swap3A_3134, %swap3A_3135], %swap3A_3138 {strides = array<i32>} : memref<8x1x128xi32, #tpu.memory_space<vmem>>, vector<1x1x16xi32>,
    %get3A_3139 = arith.constant 6 : i32
    %get3A_3140 = arith.constant 0 : i32
    %get3A_3141 = arith.index_cast %get3A_3139 : i32 to index
    %get3A_3142 = arith.index_cast %get3A_3140 : i32 to index
    %get3A_3143 = arith.constant 96 : index
    %get3A_3144 = tpu.vector_load %arg5[%get3A_3141, %get3A_3142, %get3A_3143] {strides = array<i32>} : memref<8x1x128xi32, #tpu.memory_space<vmem>>, vector<1x1x16xi32>,
    %get3A_3145 = vector.shape_cast %get3A_3144 : vector<1x1x16xi32> to vector<16xi32>
    %add3A_3146 = vector.broadcast %mul3A_3036 : i32 to vector<16xi32>
    %add3A_3147 = arith.addi %get3A_3145, %add3A_3146 : vector<16xi32>
    %swap3A_3148 = arith.constant 6 : i32
    %swap3A_3149 = arith.constant 0 : i32
    %swap3A_3150 = arith.index_cast %swap3A_3148 : i32 to index
    %swap3A_3151 = arith.index_cast %swap3A_3149 : i32 to index
    %swap3A_3152 = arith.constant 96 : index
    %swap3A_3153 = tpu.vector_load %arg5[%swap3A_3150, %swap3A_3151, %swap3A_3152] {strides = array<i32>} : memref<8x1x128xi32, #tpu.memory_space<vmem>>, vector<1x1x16xi32>,
    %swap3A_3154 = vector.shape_cast %swap3A_3153 : vector<1x1x16xi32> to vector<16xi32>
    %swap3A_3155 = vector.shape_cast %add3A_3147 : vector<16xi32> to vector<1x1x16xi32>
    tpu.vector_store %arg5[%swap3A_3150, %swap3A_3151, %swap3A_3152], %swap3A_3155 {strides = array<i32>} : memref<8x1x128xi32, #tpu.memory_space<vmem>>, vector<1x1x16xi32>,
    %get3A_3156 = arith.constant 6 : i32
    %get3A_3157 = arith.constant 0 : i32
    %get3A_3158 = arith.index_cast %get3A_3156 : i32 to index
    %get3A_3159 = arith.index_cast %get3A_3157 : i32 to index
    %get3A_3160 = arith.constant 112 : index
    %get3A_3161 = tpu.vector_load %arg5[%get3A_3158, %get3A_3159, %get3A_3160] {strides = array<i32>} : memref<8x1x128xi32, #tpu.memory_space<vmem>>, vector<1x1x16xi32>,
    %get3A_3162 = vector.shape_cast %get3A_3161 : vector<1x1x16xi32> to vector<16xi32>
    %add3A_3163 = vector.broadcast %mul3A_3036 : i32 to vector<16xi32>
    %add3A_3164 = arith.addi %get3A_3162, %add3A_3163 : vector<16xi32>
    %swap3A_3165 = arith.constant 6 : i32
    %swap3A_3166 = arith.constant 0 : i32
    %swap3A_3167 = arith.index_cast %swap3A_3165 : i32 to index
    %swap3A_3168 = arith.index_cast %swap3A_3166 : i32 to index
    %swap3A_3169 = arith.constant 112 : index
    %swap3A_3170 = tpu.vector_load %arg5[%swap3A_3167, %swap3A_3168, %swap3A_3169] {strides = array<i32>} : memref<8x1x128xi32, #tpu.memory_space<vmem>>, vector<1x1x16xi32>,
    %swap3A_3171 = vector.shape_cast %swap3A_3170 : vector<1x1x16xi32> to vector<16xi32>
    %swap3A_3172 = vector.shape_cast %add3A_3164 : vector<16xi32> to vector<1x1x16xi32>
    tpu.vector_store %arg5[%swap3A_3167, %swap3A_3168, %swap3A_3169], %swap3A_3172 {strides = array<i32>} : memref<8x1x128xi32, #tpu.memory_space<vmem>>, vector<1x1x16xi32>,
    %add3A_3173 = arith.constant 896 : i32
    %add3A_3174 = arith.addi %add3A, %add3A_3173 : i32
    %jit3A_3175 = arith.constant 4096 : i32
    %div3A_3176 = arith.divsi %add3A_3174, %jit3A_3175 : i32
    %sign3A_3177 = arith.constant 0 : i32
    %sign3A_3178 = arith.cmpi sgt, %add3A_3174, %sign3A_3177 : i32
    %sign3A_3179 = arith.extui %sign3A_3178 : i1 to i32
    %sign3A_3180 = arith.constant 0 : i32
    %sign3A_3181 = arith.cmpi slt, %add3A_3174, %sign3A_3180 : i32
    %sign3A_3182 = arith.extui %sign3A_3181 : i1 to i32
    %sign3A_3183 = arith.subi %sign3A_3179, %sign3A_3182 : i32
    %sign3A_3184 = arith.constant 0 : i32
    %sign3A_3185 = arith.cmpi sgt, %jit3A_3175, %sign3A_3184 : i32
    %sign3A_3186 = arith.extui %sign3A_3185 : i1 to i32
    %sign3A_3187 = arith.constant 0 : i32
    %sign3A_3188 = arith.cmpi slt, %jit3A_3175, %sign3A_3187 : i32
    %sign3A_3189 = arith.extui %sign3A_3188 : i1 to i32
    %sign3A_3190 = arith.subi %sign3A_3186, %sign3A_3189 : i32
    %ne3A_3191 = arith.cmpi ne, %sign3A_3183, %sign3A_3190 : i32
    %rem3A_3192 = arith.remsi %add3A_3174, %jit3A_3175 : i32
    %ne3A_3193 = arith.constant 0 : i32
    %ne3A_3194 = arith.cmpi ne, %rem3A_3192, %ne3A_3193 : i32
    %and3A_3195 = arith.andi %ne3A_3191, %ne3A_3194 : i1
    %sub3A_3196 = arith.constant 1 : i32
    %sub3A_3197 = arith.subi %div3A_3176, %sub3A_3196 : i32
    %select_n3A_3198 = arith.select %and3A_3195, %sub3A_3197, %div3A_3176 : i32
    %mul3A_3199 = arith.constant 4 : i32
    %mul3A_3200 = arith.muli %arg0, %mul3A_3199 : i32
    %sub3A_3201 = arith.subi %select_n3A_3198, %mul3A_3200 : i32
    %mul3A_3202 = arith.constant 512 : i32
    %mul3A_3203 = arith.muli %sub3A_3201, %mul3A_3202 : i32
    %get3A_3204 = arith.constant 7 : i32
    %get3A_3205 = arith.constant 0 : i32
    %get3A_3206 = arith.index_cast %get3A_3204 : i32 to index
    %get3A_3207 = arith.index_cast %get3A_3205 : i32 to index
    %get3A_3208 = arith.constant 0 : index
    %get3A_3209 = tpu.vector_load %arg5[%get3A_3206, %get3A_3207, %get3A_3208] {strides = array<i32>} : memref<8x1x128xi32, #tpu.memory_space<vmem>>, vector<1x1x16xi32>,
    %get3A_3210 = vector.shape_cast %get3A_3209 : vector<1x1x16xi32> to vector<16xi32>
    %add3A_3211 = vector.broadcast %mul3A_3203 : i32 to vector<16xi32>
    %add3A_3212 = arith.addi %get3A_3210, %add3A_3211 : vector<16xi32>
    %swap3A_3213 = arith.constant 7 : i32
    %swap3A_3214 = arith.constant 0 : i32
    %swap3A_3215 = arith.index_cast %swap3A_3213 : i32 to index
    %swap3A_3216 = arith.index_cast %swap3A_3214 : i32 to index
    %swap3A_3217 = arith.constant 0 : index
    %swap3A_3218 = tpu.vector_load %arg5[%swap3A_3215, %swap3A_3216, %swap3A_3217] {strides = array<i32>} : memref<8x1x128xi32, #tpu.memory_space<vmem>>, vector<1x1x16xi32>,
    %swap3A_3219 = vector.shape_cast %swap3A_3218 : vector<1x1x16xi32> to vector<16xi32>
    %swap3A_3220 = vector.shape_cast %add3A_3212 : vector<16xi32> to vector<1x1x16xi32>
    tpu.vector_store %arg5[%swap3A_3215, %swap3A_3216, %swap3A_3217], %swap3A_3220 {strides = array<i32>} : memref<8x1x128xi32, #tpu.memory_space<vmem>>, vector<1x1x16xi32>,
    %get3A_3221 = arith.constant 7 : i32
    %get3A_3222 = arith.constant 0 : i32
    %get3A_3223 = arith.index_cast %get3A_3221 : i32 to index
    %get3A_3224 = arith.index_cast %get3A_3222 : i32 to index
    %get3A_3225 = arith.constant 16 : index
    %get3A_3226 = tpu.vector_load %arg5[%get3A_3223, %get3A_3224, %get3A_3225] {strides = array<i32>} : memref<8x1x128xi32, #tpu.memory_space<vmem>>, vector<1x1x16xi32>,
    %get3A_3227 = vector.shape_cast %get3A_3226 : vector<1x1x16xi32> to vector<16xi32>
    %add3A_3228 = vector.broadcast %mul3A_3203 : i32 to vector<16xi32>
    %add3A_3229 = arith.addi %get3A_3227, %add3A_3228 : vector<16xi32>
    %swap3A_3230 = arith.constant 7 : i32
    %swap3A_3231 = arith.constant 0 : i32
    %swap3A_3232 = arith.index_cast %swap3A_3230 : i32 to index
    %swap3A_3233 = arith.index_cast %swap3A_3231 : i32 to index
    %swap3A_3234 = arith.constant 16 : index
    %swap3A_3235 = tpu.vector_load %arg5[%swap3A_3232, %swap3A_3233, %swap3A_3234] {strides = array<i32>} : memref<8x1x128xi32, #tpu.memory_space<vmem>>, vector<1x1x16xi32>,
    %swap3A_3236 = vector.shape_cast %swap3A_3235 : vector<1x1x16xi32> to vector<16xi32>
    %swap3A_3237 = vector.shape_cast %add3A_3229 : vector<16xi32> to vector<1x1x16xi32>
    tpu.vector_store %arg5[%swap3A_3232, %swap3A_3233, %swap3A_3234], %swap3A_3237 {strides = array<i32>} : memref<8x1x128xi32, #tpu.memory_space<vmem>>, vector<1x1x16xi32>,
    %get3A_3238 = arith.constant 7 : i32
    %get3A_3239 = arith.constant 0 : i32
    %get3A_3240 = arith.index_cast %get3A_3238 : i32 to index
    %get3A_3241 = arith.index_cast %get3A_3239 : i32 to index
    %get3A_3242 = arith.constant 32 : index
    %get3A_3243 = tpu.vector_load %arg5[%get3A_3240, %get3A_3241, %get3A_3242] {strides = array<i32>} : memref<8x1x128xi32, #tpu.memory_space<vmem>>, vector<1x1x16xi32>,
    %get3A_3244 = vector.shape_cast %get3A_3243 : vector<1x1x16xi32> to vector<16xi32>
    %add3A_3245 = vector.broadcast %mul3A_3203 : i32 to vector<16xi32>
    %add3A_3246 = arith.addi %get3A_3244, %add3A_3245 : vector<16xi32>
    %swap3A_3247 = arith.constant 7 : i32
    %swap3A_3248 = arith.constant 0 : i32
    %swap3A_3249 = arith.index_cast %swap3A_3247 : i32 to index
    %swap3A_3250 = arith.index_cast %swap3A_3248 : i32 to index
    %swap3A_3251 = arith.constant 32 : index
    %swap3A_3252 = tpu.vector_load %arg5[%swap3A_3249, %swap3A_3250, %swap3A_3251] {strides = array<i32>} : memref<8x1x128xi32, #tpu.memory_space<vmem>>, vector<1x1x16xi32>,
    %swap3A_3253 = vector.shape_cast %swap3A_3252 : vector<1x1x16xi32> to vector<16xi32>
    %swap3A_3254 = vector.shape_cast %add3A_3246 : vector<16xi32> to vector<1x1x16xi32>
    tpu.vector_store %arg5[%swap3A_3249, %swap3A_3250, %swap3A_3251], %swap3A_3254 {strides = array<i32>} : memref<8x1x128xi32, #tpu.memory_space<vmem>>, vector<1x1x16xi32>,
    %get3A_3255 = arith.constant 7 : i32
    %get3A_3256 = arith.constant 0 : i32
    %get3A_3257 = arith.index_cast %get3A_3255 : i32 to index
    %get3A_3258 = arith.index_cast %get3A_3256 : i32 to index
    %get3A_3259 = arith.constant 48 : index
    %get3A_3260 = tpu.vector_load %arg5[%get3A_3257, %get3A_3258, %get3A_3259] {strides = array<i32>} : memref<8x1x128xi32, #tpu.memory_space<vmem>>, vector<1x1x16xi32>,
    %get3A_3261 = vector.shape_cast %get3A_3260 : vector<1x1x16xi32> to vector<16xi32>
    %add3A_3262 = vector.broadcast %mul3A_3203 : i32 to vector<16xi32>
    %add3A_3263 = arith.addi %get3A_3261, %add3A_3262 : vector<16xi32>
    %swap3A_3264 = arith.constant 7 : i32
    %swap3A_3265 = arith.constant 0 : i32
    %swap3A_3266 = arith.index_cast %swap3A_3264 : i32 to index
    %swap3A_3267 = arith.index_cast %swap3A_3265 : i32 to index
    %swap3A_3268 = arith.constant 48 : index
    %swap3A_3269 = tpu.vector_load %arg5[%swap3A_3266, %swap3A_3267, %swap3A_3268] {strides = array<i32>} : memref<8x1x128xi32, #tpu.memory_space<vmem>>, vector<1x1x16xi32>,
    %swap3A_3270 = vector.shape_cast %swap3A_3269 : vector<1x1x16xi32> to vector<16xi32>
    %swap3A_3271 = vector.shape_cast %add3A_3263 : vector<16xi32> to vector<1x1x16xi32>
    tpu.vector_store %arg5[%swap3A_3266, %swap3A_3267, %swap3A_3268], %swap3A_3271 {strides = array<i32>} : memref<8x1x128xi32, #tpu.memory_space<vmem>>, vector<1x1x16xi32>,
    %get3A_3272 = arith.constant 7 : i32
    %get3A_3273 = arith.constant 0 : i32
    %get3A_3274 = arith.index_cast %get3A_3272 : i32 to index
    %get3A_3275 = arith.index_cast %get3A_3273 : i32 to index
    %get3A_3276 = arith.constant 64 : index
    %get3A_3277 = tpu.vector_load %arg5[%get3A_3274, %get3A_3275, %get3A_3276] {strides = array<i32>} : memref<8x1x128xi32, #tpu.memory_space<vmem>>, vector<1x1x16xi32>,
    %get3A_3278 = vector.shape_cast %get3A_3277 : vector<1x1x16xi32> to vector<16xi32>
    %add3A_3279 = vector.broadcast %mul3A_3203 : i32 to vector<16xi32>
    %add3A_3280 = arith.addi %get3A_3278, %add3A_3279 : vector<16xi32>
    %swap3A_3281 = arith.constant 7 : i32
    %swap3A_3282 = arith.constant 0 : i32
    %swap3A_3283 = arith.index_cast %swap3A_3281 : i32 to index
    %swap3A_3284 = arith.index_cast %swap3A_3282 : i32 to index
    %swap3A_3285 = arith.constant 64 : index
    %swap3A_3286 = tpu.vector_load %arg5[%swap3A_3283, %swap3A_3284, %swap3A_3285] {strides = array<i32>} : memref<8x1x128xi32, #tpu.memory_space<vmem>>, vector<1x1x16xi32>,
    %swap3A_3287 = vector.shape_cast %swap3A_3286 : vector<1x1x16xi32> to vector<16xi32>
    %swap3A_3288 = vector.shape_cast %add3A_3280 : vector<16xi32> to vector<1x1x16xi32>
    tpu.vector_store %arg5[%swap3A_3283, %swap3A_3284, %swap3A_3285], %swap3A_3288 {strides = array<i32>} : memref<8x1x128xi32, #tpu.memory_space<vmem>>, vector<1x1x16xi32>,
    %get3A_3289 = arith.constant 7 : i32
    %get3A_3290 = arith.constant 0 : i32
    %get3A_3291 = arith.index_cast %get3A_3289 : i32 to index
    %get3A_3292 = arith.index_cast %get3A_3290 : i32 to index
    %get3A_3293 = arith.constant 80 : index
    %get3A_3294 = tpu.vector_load %arg5[%get3A_3291, %get3A_3292, %get3A_3293] {strides = array<i32>} : memref<8x1x128xi32, #tpu.memory_space<vmem>>, vector<1x1x16xi32>,
    %get3A_3295 = vector.shape_cast %get3A_3294 : vector<1x1x16xi32> to vector<16xi32>
    %add3A_3296 = vector.broadcast %mul3A_3203 : i32 to vector<16xi32>
    %add3A_3297 = arith.addi %get3A_3295, %add3A_3296 : vector<16xi32>
    %swap3A_3298 = arith.constant 7 : i32
    %swap3A_3299 = arith.constant 0 : i32
    %swap3A_3300 = arith.index_cast %swap3A_3298 : i32 to index
    %swap3A_3301 = arith.index_cast %swap3A_3299 : i32 to index
    %swap3A_3302 = arith.constant 80 : index
    %swap3A_3303 = tpu.vector_load %arg5[%swap3A_3300, %swap3A_3301, %swap3A_3302] {strides = array<i32>} : memref<8x1x128xi32, #tpu.memory_space<vmem>>, vector<1x1x16xi32>,
    %swap3A_3304 = vector.shape_cast %swap3A_3303 : vector<1x1x16xi32> to vector<16xi32>
    %swap3A_3305 = vector.shape_cast %add3A_3297 : vector<16xi32> to vector<1x1x16xi32>
    tpu.vector_store %arg5[%swap3A_3300, %swap3A_3301, %swap3A_3302], %swap3A_3305 {strides = array<i32>} : memref<8x1x128xi32, #tpu.memory_space<vmem>>, vector<1x1x16xi32>,
    %get3A_3306 = arith.constant 7 : i32
    %get3A_3307 = arith.constant 0 : i32
    %get3A_3308 = arith.index_cast %get3A_3306 : i32 to index
    %get3A_3309 = arith.index_cast %get3A_3307 : i32 to index
    %get3A_3310 = arith.constant 96 : index
    %get3A_3311 = tpu.vector_load %arg5[%get3A_3308, %get3A_3309, %get3A_3310] {strides = array<i32>} : memref<8x1x128xi32, #tpu.memory_space<vmem>>, vector<1x1x16xi32>,
    %get3A_3312 = vector.shape_cast %get3A_3311 : vector<1x1x16xi32> to vector<16xi32>
    %add3A_3313 = vector.broadcast %mul3A_3203 : i32 to vector<16xi32>
    %add3A_3314 = arith.addi %get3A_3312, %add3A_3313 : vector<16xi32>
    %swap3A_3315 = arith.constant 7 : i32
    %swap3A_3316 = arith.constant 0 : i32
    %swap3A_3317 = arith.index_cast %swap3A_3315 : i32 to index
    %swap3A_3318 = arith.index_cast %swap3A_3316 : i32 to index
    %swap3A_3319 = arith.constant 96 : index
    %swap3A_3320 = tpu.vector_load %arg5[%swap3A_3317, %swap3A_3318, %swap3A_3319] {strides = array<i32>} : memref<8x1x128xi32, #tpu.memory_space<vmem>>, vector<1x1x16xi32>,
    %swap3A_3321 = vector.shape_cast %swap3A_3320 : vector<1x1x16xi32> to vector<16xi32>
    %swap3A_3322 = vector.shape_cast %add3A_3314 : vector<16xi32> to vector<1x1x16xi32>
    tpu.vector_store %arg5[%swap3A_3317, %swap3A_3318, %swap3A_3319], %swap3A_3322 {strides = array<i32>} : memref<8x1x128xi32, #tpu.memory_space<vmem>>, vector<1x1x16xi32>,
    %get3A_3323 = arith.constant 7 : i32
    %get3A_3324 = arith.constant 0 : i32
    %get3A_3325 = arith.index_cast %get3A_3323 : i32 to index
    %get3A_3326 = arith.index_cast %get3A_3324 : i32 to index
    %get3A_3327 = arith.constant 112 : index
    %get3A_3328 = tpu.vector_load %arg5[%get3A_3325, %get3A_3326, %get3A_3327] {strides = array<i32>} : memref<8x1x128xi32, #tpu.memory_space<vmem>>, vector<1x1x16xi32>,
    %get3A_3329 = vector.shape_cast %get3A_3328 : vector<1x1x16xi32> to vector<16xi32>
    %add3A_3330 = vector.broadcast %mul3A_3203 : i32 to vector<16xi32>
    %add3A_3331 = arith.addi %get3A_3329, %add3A_3330 : vector<16xi32>
    %swap3A_3332 = arith.constant 7 : i32
    %swap3A_3333 = arith.constant 0 : i32
    %swap3A_3334 = arith.index_cast %swap3A_3332 : i32 to index
    %swap3A_3335 = arith.index_cast %swap3A_3333 : i32 to index
    %swap3A_3336 = arith.constant 112 : index
    %swap3A_3337 = tpu.vector_load %arg5[%swap3A_3334, %swap3A_3335, %swap3A_3336] {strides = array<i32>} : memref<8x1x128xi32, #tpu.memory_space<vmem>>, vector<1x1x16xi32>,
    %swap3A_3338 = vector.shape_cast %swap3A_3337 : vector<1x1x16xi32> to vector<16xi32>
    %swap3A_3339 = vector.shape_cast %add3A_3331 : vector<16xi32> to vector<1x1x16xi32>
    tpu.vector_store %arg5[%swap3A_3334, %swap3A_3335, %swap3A_3336], %swap3A_3339 {strides = array<i32>} : memref<8x1x128xi32, #tpu.memory_space<vmem>>, vector<1x1x16xi32>,
    %dma_wait3A_3340 = arith.constant 0 : i32
    %dma_wait3A_3341 = tpu.memref_slice %arg12[%add3A_1544, %dma_wait3A_3340] : memref<2048x128xf32, #tpu.memory_space<vmem_shared>> -> memref<32x128xf32, #tpu.memory_space<vmem_shared>>
    %dma_wait3A_3342 = arith.constant 0 : i32
    %dma_wait3A_3343 = tpu.memref_slice %arg12[%add3A_1544, %dma_wait3A_3342] : memref<2048x128xf32, #tpu.memory_space<vmem_shared>> -> memref<32x128xf32, #tpu.memory_space<vmem_shared>>
    tpu.wait_dma2 semaphore(%arg23 : memref<!tpu.dma_semaphore, #tpu.memory_space<semaphore_mem>>) src(%arg11 : memref<32x128xf32, #tpu.memory_space<vmem>>) dst(%dma_wait3A_3343 : memref<32x128xf32, #tpu.memory_space<vmem_shared>>)
    %dma_wait3A_3344 = arith.constant 0 : i32
    %dma_wait3A_3345 = tpu.memref_slice %arg12[%add3A_1551, %dma_wait3A_3344] : memref<2048x128xf32, #tpu.memory_space<vmem_shared>> -> memref<32x128xf32, #tpu.memory_space<vmem_shared>>
    %dma_wait3A_3346 = arith.constant 0 : i32
    %dma_wait3A_3347 = tpu.memref_slice %arg12[%add3A_1551, %dma_wait3A_3346] : memref<2048x128xf32, #tpu.memory_space<vmem_shared>> -> memref<32x128xf32, #tpu.memory_space<vmem_shared>>
    tpu.wait_dma2 semaphore(%arg23 : memref<!tpu.dma_semaphore, #tpu.memory_space<semaphore_mem>>) src(%arg11 : memref<32x128xf32, #tpu.memory_space<vmem>>) dst(%dma_wait3A_3347 : memref<32x128xf32, #tpu.memory_space<vmem_shared>>)
    %dma_wait3A_3348 = arith.constant 0 : i32
    %dma_wait3A_3349 = tpu.memref_slice %arg12[%add3A_1559, %dma_wait3A_3348] : memref<2048x128xf32, #tpu.memory_space<vmem_shared>> -> memref<32x128xf32, #tpu.memory_space<vmem_shared>>
    %dma_wait3A_3350 = arith.constant 0 : i32
    %dma_wait3A_3351 = tpu.memref_slice %arg12[%add3A_1559, %dma_wait3A_3350] : memref<2048x128xf32, #tpu.memory_space<vmem_shared>> -> memref<32x128xf32, #tpu.memory_space<vmem_shared>>
    tpu.wait_dma2 semaphore(%arg23 : memref<!tpu.dma_semaphore, #tpu.memory_space<semaphore_mem>>) src(%arg11 : memref<32x128xf32, #tpu.memory_space<vmem>>) dst(%dma_wait3A_3351 : memref<32x128xf32, #tpu.memory_space<vmem_shared>>)
    %dma_wait3A_3352 = arith.constant 0 : i32
    %dma_wait3A_3353 = tpu.memref_slice %arg12[%add3A_1567, %dma_wait3A_3352] : memref<2048x128xf32, #tpu.memory_space<vmem_shared>> -> memref<32x128xf32, #tpu.memory_space<vmem_shared>>
    %dma_wait3A_3354 = arith.constant 0 : i32
    %dma_wait3A_3355 = tpu.memref_slice %arg12[%add3A_1567, %dma_wait3A_3354] : memref<2048x128xf32, #tpu.memory_space<vmem_shared>> -> memref<32x128xf32, #tpu.memory_space<vmem_shared>>
    tpu.wait_dma2 semaphore(%arg23 : memref<!tpu.dma_semaphore, #tpu.memory_space<semaphore_mem>>) src(%arg11 : memref<32x128xf32, #tpu.memory_space<vmem>>) dst(%dma_wait3A_3355 : memref<32x128xf32, #tpu.memory_space<vmem_shared>>)
    %barrier3A = arith.constant 0 : index
    tpu.barrier barrier_id(%barrier3A)
    %add3A_3356 = arith.constant 384 : i32
    %add3A_3357 = arith.addi %add3A, %add3A_3356 : i32
    %dma_start3A_3358 = arith.constant 0 : i32
    %dma_start3A_3359 = tpu.memref_slice %arg2[%add3A_3357, %dma_start3A_3358] : memref<65536x128xf32, #tpu.memory_space<hbm>> -> memref<128x128xf32, #tpu.memory_space<hbm>>
    %dma_start3A_3360 = arith.constant 0 : i32
    %dma_start3A_3361 = tpu.memref_slice %arg2[%add3A_3357, %dma_start3A_3360] : memref<65536x128xf32, #tpu.memory_space<hbm>> -> memref<128x128xf32, #tpu.memory_space<hbm>>
    tpu.enqueue_dma source(%dma_start3A_3361 : memref<128x128xf32, #tpu.memory_space<hbm>>) target(%arg9 : memref<128x128xf32, #tpu.memory_space<vmem>>) target_semaphore(%arg16 : memref<!tpu.dma_semaphore, #tpu.memory_space<semaphore_mem>>)
    %dma_wait3A_3362 = arith.constant 0 : i32
    %dma_wait3A_3363 = tpu.memref_slice %arg2[%add3A_1573, %dma_wait3A_3362] : memref<65536x128xf32, #tpu.memory_space<hbm>> -> memref<128x128xf32, #tpu.memory_space<hbm>>
    %dma_wait3A_3364 = arith.constant 0 : i32
    %dma_wait3A_3365 = tpu.memref_slice %arg2[%add3A_1573, %dma_wait3A_3364] : memref<65536x128xf32, #tpu.memory_space<hbm>> -> memref<128x128xf32, #tpu.memory_space<hbm>>
    tpu.wait_dma2 semaphore(%arg13 : memref<!tpu.dma_semaphore, #tpu.memory_space<semaphore_mem>>) src(%dma_wait3A_3365 : memref<128x128xf32, #tpu.memory_space<hbm>>) dst(%arg6 : memref<128x128xf32, #tpu.memory_space<vmem>>)
    %dma_start3A_3366 = arith.constant 0 : i32
    %dma_start3A_3367 = arith.constant 0 : i32
    %dma_start3A_3368 = arith.constant 0 : i32
    %dma_start3A_3369 = tpu.memref_slice %arg5[%dma_start3A_3366, %dma_start3A_3367, %dma_start3A_3368] : memref<8x1x128xi32, #tpu.memory_space<vmem>> -> memref<1x1x128xi32, #tpu.memory_space<vmem>>
    %dma_start3A_3370 = tpu.memref_squeeze %dma_start3A_3369 : memref<1x1x128xi32, #tpu.memory_space<vmem>> -> memref<128xi32, #tpu.memory_space<vmem>>
    %dma_start3A_3371 = arith.constant 0 : i32
    %dma_start3A_3372 = arith.constant 0 : i32
    %dma_start3A_3373 = tpu.memref_slice %arg12[%dma_start3A_3371, %dma_start3A_3372] : memref<2048x128xf32, #tpu.memory_space<vmem_shared>> -> memref<2048x128xf32, #tpu.memory_space<vmem_shared>>
    tpu.enqueue_indirect_dma source(%arg6 : memref<128x128xf32, #tpu.memory_space<vmem>>) target(%dma_start3A_3373 : memref<2048x128xf32, #tpu.memory_space<vmem_shared>>) offsets(%dma_start3A_3370 : memref<128xi32, #tpu.memory_space<vmem>>) semaphore(%arg18 : memref<!tpu.dma_semaphore, #tpu.memory_space<semaphore_mem>>) {add = true}
    %add3A_3374 = arith.constant 512 : i32
    %add3A_3375 = arith.addi %add3A, %add3A_3374 : i32
    %dma_start3A_3376 = arith.constant 0 : i32
    %dma_start3A_3377 = tpu.memref_slice %arg2[%add3A_3375, %dma_start3A_3376] : memref<65536x128xf32, #tpu.memory_space<hbm>> -> memref<128x128xf32, #tpu.memory_space<hbm>>
    %dma_start3A_3378 = arith.constant 0 : i32
    %dma_start3A_3379 = tpu.memref_slice %arg2[%add3A_3375, %dma_start3A_3378] : memref<65536x128xf32, #tpu.memory_space<hbm>> -> memref<128x128xf32, #tpu.memory_space<hbm>>
    tpu.enqueue_dma source(%dma_start3A_3379 : memref<128x128xf32, #tpu.memory_space<hbm>>) target(%arg10 : memref<128x128xf32, #tpu.memory_space<vmem>>) target_semaphore(%arg17 : memref<!tpu.dma_semaphore, #tpu.memory_space<semaphore_mem>>)
    %dma_wait3A_3380 = arith.constant 0 : i32
    %dma_wait3A_3381 = tpu.memref_slice %arg2[%add3A_1579, %dma_wait3A_3380] : memref<65536x128xf32, #tpu.memory_space<hbm>> -> memref<128x128xf32, #tpu.memory_space<hbm>>
    %dma_wait3A_3382 = arith.constant 0 : i32
    %dma_wait3A_3383 = tpu.memref_slice %arg2[%add3A_1579, %dma_wait3A_3382] : memref<65536x128xf32, #tpu.memory_space<hbm>> -> memref<128x128xf32, #tpu.memory_space<hbm>>
    tpu.wait_dma2 semaphore(%arg14 : memref<!tpu.dma_semaphore, #tpu.memory_space<semaphore_mem>>) src(%dma_wait3A_3383 : memref<128x128xf32, #tpu.memory_space<hbm>>) dst(%arg7 : memref<128x128xf32, #tpu.memory_space<vmem>>)
    %dma_start3A_3384 = arith.constant 1 : i32
    %dma_start3A_3385 = arith.constant 0 : i32
    %dma_start3A_3386 = arith.constant 0 : i32
    %dma_start3A_3387 = tpu.memref_slice %arg5[%dma_start3A_3384, %dma_start3A_3385, %dma_start3A_3386] : memref<8x1x128xi32, #tpu.memory_space<vmem>> -> memref<1x1x128xi32, #tpu.memory_space<vmem>>
    %dma_start3A_3388 = tpu.memref_squeeze %dma_start3A_3387 : memref<1x1x128xi32, #tpu.memory_space<vmem>> -> memref<128xi32, #tpu.memory_space<vmem>>
    %dma_start3A_3389 = arith.constant 0 : i32
    %dma_start3A_3390 = arith.constant 0 : i32
    %dma_start3A_3391 = tpu.memref_slice %arg12[%dma_start3A_3389, %dma_start3A_3390] : memref<2048x128xf32, #tpu.memory_space<vmem_shared>> -> memref<2048x128xf32, #tpu.memory_space<vmem_shared>>
    tpu.enqueue_indirect_dma source(%arg7 : memref<128x128xf32, #tpu.memory_space<vmem>>) target(%dma_start3A_3391 : memref<2048x128xf32, #tpu.memory_space<vmem_shared>>) offsets(%dma_start3A_3388 : memref<128xi32, #tpu.memory_space<vmem>>) semaphore(%arg19 : memref<!tpu.dma_semaphore, #tpu.memory_space<semaphore_mem>>) {add = true}
    %dma_wait3A_3392 = arith.constant 0 : i32
    %dma_wait3A_3393 = arith.constant 0 : i32
    %dma_wait3A_3394 = arith.constant 0 : i32
    %dma_wait3A_3395 = tpu.memref_slice %arg5[%dma_wait3A_3392, %dma_wait3A_3393, %dma_wait3A_3394] : memref<8x1x128xi32, #tpu.memory_space<vmem>> -> memref<1x1x128xi32, #tpu.memory_space<vmem>>
    %dma_wait3A_3396 = tpu.memref_squeeze %dma_wait3A_3395 : memref<1x1x128xi32, #tpu.memory_space<vmem>> -> memref<128xi32, #tpu.memory_space<vmem>>
    %dma_wait3A_3397 = arith.constant 0 : i32
    %dma_wait3A_3398 = arith.constant 0 : i32
    %dma_wait3A_3399 = tpu.memref_slice %arg12[%dma_wait3A_3397, %dma_wait3A_3398] : memref<2048x128xf32, #tpu.memory_space<vmem_shared>> -> memref<2048x128xf32, #tpu.memory_space<vmem_shared>>
    tpu.wait_indirect_dma semaphore(%arg18 : memref<!tpu.dma_semaphore, #tpu.memory_space<semaphore_mem>>) src(%arg6 : memref<128x128xf32, #tpu.memory_space<vmem>>) dst(%dma_wait3A_3399 : memref<2048x128xf32, #tpu.memory_space<vmem_shared>>)
    %add3A_3400 = arith.constant 640 : i32
    %add3A_3401 = arith.addi %add3A, %add3A_3400 : i32
    %dma_start3A_3402 = arith.constant 0 : i32
    %dma_start3A_3403 = tpu.memref_slice %arg2[%add3A_3401, %dma_start3A_3402] : memref<65536x128xf32, #tpu.memory_space<hbm>> -> memref<128x128xf32, #tpu.memory_space<hbm>>
    %dma_start3A_3404 = arith.constant 0 : i32
    %dma_start3A_3405 = tpu.memref_slice %arg2[%add3A_3401, %dma_start3A_3404] : memref<65536x128xf32, #tpu.memory_space<hbm>> -> memref<128x128xf32, #tpu.memory_space<hbm>>
    tpu.enqueue_dma source(%dma_start3A_3405 : memref<128x128xf32, #tpu.memory_space<hbm>>) target(%arg6 : memref<128x128xf32, #tpu.memory_space<vmem>>) target_semaphore(%arg13 : memref<!tpu.dma_semaphore, #tpu.memory_space<semaphore_mem>>)
    %dma_wait3A_3406 = arith.constant 0 : i32
    %dma_wait3A_3407 = tpu.memref_slice %arg2[%add3A_1585, %dma_wait3A_3406] : memref<65536x128xf32, #tpu.memory_space<hbm>> -> memref<128x128xf32, #tpu.memory_space<hbm>>
    %dma_wait3A_3408 = arith.constant 0 : i32
    %dma_wait3A_3409 = tpu.memref_slice %arg2[%add3A_1585, %dma_wait3A_3408] : memref<65536x128xf32, #tpu.memory_space<hbm>> -> memref<128x128xf32, #tpu.memory_space<hbm>>
    tpu.wait_dma2 semaphore(%arg15 : memref<!tpu.dma_semaphore, #tpu.memory_space<semaphore_mem>>) src(%dma_wait3A_3409 : memref<128x128xf32, #tpu.memory_space<hbm>>) dst(%arg8 : memref<128x128xf32, #tpu.memory_space<vmem>>)
    %dma_start3A_3410 = arith.constant 2 : i32
    %dma_start3A_3411 = arith.constant 0 : i32
    %dma_start3A_3412 = arith.constant 0 : i32
    %dma_start3A_3413 = tpu.memref_slice %arg5[%dma_start3A_3410, %dma_start3A_3411, %dma_start3A_3412] : memref<8x1x128xi32, #tpu.memory_space<vmem>> -> memref<1x1x128xi32, #tpu.memory_space<vmem>>
    %dma_start3A_3414 = tpu.memref_squeeze %dma_start3A_3413 : memref<1x1x128xi32, #tpu.memory_space<vmem>> -> memref<128xi32, #tpu.memory_space<vmem>>
    %dma_start3A_3415 = arith.constant 0 : i32
    %dma_start3A_3416 = arith.constant 0 : i32
    %dma_start3A_3417 = tpu.memref_slice %arg12[%dma_start3A_3415, %dma_start3A_3416] : memref<2048x128xf32, #tpu.memory_space<vmem_shared>> -> memref<2048x128xf32, #tpu.memory_space<vmem_shared>>
    tpu.enqueue_indirect_dma source(%arg8 : memref<128x128xf32, #tpu.memory_space<vmem>>) target(%dma_start3A_3417 : memref<2048x128xf32, #tpu.memory_space<vmem_shared>>) offsets(%dma_start3A_3414 : memref<128xi32, #tpu.memory_space<vmem>>) semaphore(%arg20 : memref<!tpu.dma_semaphore, #tpu.memory_space<semaphore_mem>>) {add = true}
    %dma_wait3A_3418 = arith.constant 1 : i32
    %dma_wait3A_3419 = arith.constant 0 : i32
    %dma_wait3A_3420 = arith.constant 0 : i32
    %dma_wait3A_3421 = tpu.memref_slice %arg5[%dma_wait3A_3418, %dma_wait3A_3419, %dma_wait3A_3420] : memref<8x1x128xi32, #tpu.memory_space<vmem>> -> memref<1x1x128xi32, #tpu.memory_space<vmem>>
    %dma_wait3A_3422 = tpu.memref_squeeze %dma_wait3A_3421 : memref<1x1x128xi32, #tpu.memory_space<vmem>> -> memref<128xi32, #tpu.memory_space<vmem>>
    %dma_wait3A_3423 = arith.constant 0 : i32
    %dma_wait3A_3424 = arith.constant 0 : i32
    %dma_wait3A_3425 = tpu.memref_slice %arg12[%dma_wait3A_3423, %dma_wait3A_3424] : memref<2048x128xf32, #tpu.memory_space<vmem_shared>> -> memref<2048x128xf32, #tpu.memory_space<vmem_shared>>
    tpu.wait_indirect_dma semaphore(%arg19 : memref<!tpu.dma_semaphore, #tpu.memory_space<semaphore_mem>>) src(%arg7 : memref<128x128xf32, #tpu.memory_space<vmem>>) dst(%dma_wait3A_3425 : memref<2048x128xf32, #tpu.memory_space<vmem_shared>>)
    %add3A_3426 = arith.constant 768 : i32
    %add3A_3427 = arith.addi %add3A, %add3A_3426 : i32
    %dma_start3A_3428 = arith.constant 0 : i32
    %dma_start3A_3429 = tpu.memref_slice %arg2[%add3A_3427, %dma_start3A_3428] : memref<65536x128xf32, #tpu.memory_space<hbm>> -> memref<128x128xf32, #tpu.memory_space<hbm>>
    %dma_start3A_3430 = arith.constant 0 : i32
    %dma_start3A_3431 = tpu.memref_slice %arg2[%add3A_3427, %dma_start3A_3430] : memref<65536x128xf32, #tpu.memory_space<hbm>> -> memref<128x128xf32, #tpu.memory_space<hbm>>
    tpu.enqueue_dma source(%dma_start3A_3431 : memref<128x128xf32, #tpu.memory_space<hbm>>) target(%arg7 : memref<128x128xf32, #tpu.memory_space<vmem>>) target_semaphore(%arg14 : memref<!tpu.dma_semaphore, #tpu.memory_space<semaphore_mem>>)
    %dma_wait3A_3432 = arith.constant 0 : i32
    %dma_wait3A_3433 = tpu.memref_slice %arg2[%add3A_3357, %dma_wait3A_3432] : memref<65536x128xf32, #tpu.memory_space<hbm>> -> memref<128x128xf32, #tpu.memory_space<hbm>>
    %dma_wait3A_3434 = arith.constant 0 : i32
    %dma_wait3A_3435 = tpu.memref_slice %arg2[%add3A_3357, %dma_wait3A_3434] : memref<65536x128xf32, #tpu.memory_space<hbm>> -> memref<128x128xf32, #tpu.memory_space<hbm>>
    tpu.wait_dma2 semaphore(%arg16 : memref<!tpu.dma_semaphore, #tpu.memory_space<semaphore_mem>>) src(%dma_wait3A_3435 : memref<128x128xf32, #tpu.memory_space<hbm>>) dst(%arg9 : memref<128x128xf32, #tpu.memory_space<vmem>>)
    %dma_start3A_3436 = arith.constant 3 : i32
    %dma_start3A_3437 = arith.constant 0 : i32
    %dma_start3A_3438 = arith.constant 0 : i32
    %dma_start3A_3439 = tpu.memref_slice %arg5[%dma_start3A_3436, %dma_start3A_3437, %dma_start3A_3438] : memref<8x1x128xi32, #tpu.memory_space<vmem>> -> memref<1x1x128xi32, #tpu.memory_space<vmem>>
    %dma_start3A_3440 = tpu.memref_squeeze %dma_start3A_3439 : memref<1x1x128xi32, #tpu.memory_space<vmem>> -> memref<128xi32, #tpu.memory_space<vmem>>
    %dma_start3A_3441 = arith.constant 0 : i32
    %dma_start3A_3442 = arith.constant 0 : i32
    %dma_start3A_3443 = tpu.memref_slice %arg12[%dma_start3A_3441, %dma_start3A_3442] : memref<2048x128xf32, #tpu.memory_space<vmem_shared>> -> memref<2048x128xf32, #tpu.memory_space<vmem_shared>>
    tpu.enqueue_indirect_dma source(%arg9 : memref<128x128xf32, #tpu.memory_space<vmem>>) target(%dma_start3A_3443 : memref<2048x128xf32, #tpu.memory_space<vmem_shared>>) offsets(%dma_start3A_3440 : memref<128xi32, #tpu.memory_space<vmem>>) semaphore(%arg21 : memref<!tpu.dma_semaphore, #tpu.memory_space<semaphore_mem>>) {add = true}
    %dma_wait3A_3444 = arith.constant 2 : i32
    %dma_wait3A_3445 = arith.constant 0 : i32
    %dma_wait3A_3446 = arith.constant 0 : i32
    %dma_wait3A_3447 = tpu.memref_slice %arg5[%dma_wait3A_3444, %dma_wait3A_3445, %dma_wait3A_3446] : memref<8x1x128xi32, #tpu.memory_space<vmem>> -> memref<1x1x128xi32, #tpu.memory_space<vmem>>
    %dma_wait3A_3448 = tpu.memref_squeeze %dma_wait3A_3447 : memref<1x1x128xi32, #tpu.memory_space<vmem>> -> memref<128xi32, #tpu.memory_space<vmem>>
    %dma_wait3A_3449 = arith.constant 0 : i32
    %dma_wait3A_3450 = arith.constant 0 : i32
    %dma_wait3A_3451 = tpu.memref_slice %arg12[%dma_wait3A_3449, %dma_wait3A_3450] : memref<2048x128xf32, #tpu.memory_space<vmem_shared>> -> memref<2048x128xf32, #tpu.memory_space<vmem_shared>>
    tpu.wait_indirect_dma semaphore(%arg20 : memref<!tpu.dma_semaphore, #tpu.memory_space<semaphore_mem>>) src(%arg8 : memref<128x128xf32, #tpu.memory_space<vmem>>) dst(%dma_wait3A_3451 : memref<2048x128xf32, #tpu.memory_space<vmem_shared>>)
    %add3A_3452 = arith.constant 896 : i32
    %add3A_3453 = arith.addi %add3A, %add3A_3452 : i32
    %dma_start3A_3454 = arith.constant 0 : i32
    %dma_start3A_3455 = tpu.memref_slice %arg2[%add3A_3453, %dma_start3A_3454] : memref<65536x128xf32, #tpu.memory_space<hbm>> -> memref<128x128xf32, #tpu.memory_space<hbm>>
    %dma_start3A_3456 = arith.constant 0 : i32
    %dma_start3A_3457 = tpu.memref_slice %arg2[%add3A_3453, %dma_start3A_3456] : memref<65536x128xf32, #tpu.memory_space<hbm>> -> memref<128x128xf32, #tpu.memory_space<hbm>>
    tpu.enqueue_dma source(%dma_start3A_3457 : memref<128x128xf32, #tpu.memory_space<hbm>>) target(%arg8 : memref<128x128xf32, #tpu.memory_space<vmem>>) target_semaphore(%arg15 : memref<!tpu.dma_semaphore, #tpu.memory_space<semaphore_mem>>)
    %dma_wait3A_3458 = arith.constant 0 : i32
    %dma_wait3A_3459 = tpu.memref_slice %arg2[%add3A_3375, %dma_wait3A_3458] : memref<65536x128xf32, #tpu.memory_space<hbm>> -> memref<128x128xf32, #tpu.memory_space<hbm>>
    %dma_wait3A_3460 = arith.constant 0 : i32
    %dma_wait3A_3461 = tpu.memref_slice %arg2[%add3A_3375, %dma_wait3A_3460] : memref<65536x128xf32, #tpu.memory_space<hbm>> -> memref<128x128xf32, #tpu.memory_space<hbm>>
    tpu.wait_dma2 semaphore(%arg17 : memref<!tpu.dma_semaphore, #tpu.memory_space<semaphore_mem>>) src(%dma_wait3A_3461 : memref<128x128xf32, #tpu.memory_space<hbm>>) dst(%arg10 : memref<128x128xf32, #tpu.memory_space<vmem>>)
    %dma_start3A_3462 = arith.constant 4 : i32
    %dma_start3A_3463 = arith.constant 0 : i32
    %dma_start3A_3464 = arith.constant 0 : i32
    %dma_start3A_3465 = tpu.memref_slice %arg5[%dma_start3A_3462, %dma_start3A_3463, %dma_start3A_3464] : memref<8x1x128xi32, #tpu.memory_space<vmem>> -> memref<1x1x128xi32, #tpu.memory_space<vmem>>
    %dma_start3A_3466 = tpu.memref_squeeze %dma_start3A_3465 : memref<1x1x128xi32, #tpu.memory_space<vmem>> -> memref<128xi32, #tpu.memory_space<vmem>>
    %dma_start3A_3467 = arith.constant 0 : i32
    %dma_start3A_3468 = arith.constant 0 : i32
    %dma_start3A_3469 = tpu.memref_slice %arg12[%dma_start3A_3467, %dma_start3A_3468] : memref<2048x128xf32, #tpu.memory_space<vmem_shared>> -> memref<2048x128xf32, #tpu.memory_space<vmem_shared>>
    tpu.enqueue_indirect_dma source(%arg10 : memref<128x128xf32, #tpu.memory_space<vmem>>) target(%dma_start3A_3469 : memref<2048x128xf32, #tpu.memory_space<vmem_shared>>) offsets(%dma_start3A_3466 : memref<128xi32, #tpu.memory_space<vmem>>) semaphore(%arg22 : memref<!tpu.dma_semaphore, #tpu.memory_space<semaphore_mem>>) {add = true}
    %dma_wait3A_3470 = arith.constant 0 : i32
    %dma_wait3A_3471 = tpu.memref_slice %arg2[%add3A_3401, %dma_wait3A_3470] : memref<65536x128xf32, #tpu.memory_space<hbm>> -> memref<128x128xf32, #tpu.memory_space<hbm>>
    %dma_wait3A_3472 = arith.constant 0 : i32
    %dma_wait3A_3473 = tpu.memref_slice %arg2[%add3A_3401, %dma_wait3A_3472] : memref<65536x128xf32, #tpu.memory_space<hbm>> -> memref<128x128xf32, #tpu.memory_space<hbm>>
    tpu.wait_dma2 semaphore(%arg13 : memref<!tpu.dma_semaphore, #tpu.memory_space<semaphore_mem>>) src(%dma_wait3A_3473 : memref<128x128xf32, #tpu.memory_space<hbm>>) dst(%arg6 : memref<128x128xf32, #tpu.memory_space<vmem>>)
    %dma_start3A_3474 = arith.constant 5 : i32
    %dma_start3A_3475 = arith.constant 0 : i32
    %dma_start3A_3476 = arith.constant 0 : i32
    %dma_start3A_3477 = tpu.memref_slice %arg5[%dma_start3A_3474, %dma_start3A_3475, %dma_start3A_3476] : memref<8x1x128xi32, #tpu.memory_space<vmem>> -> memref<1x1x128xi32, #tpu.memory_space<vmem>>
    %dma_start3A_3478 = tpu.memref_squeeze %dma_start3A_3477 : memref<1x1x128xi32, #tpu.memory_space<vmem>> -> memref<128xi32, #tpu.memory_space<vmem>>
    %dma_start3A_3479 = arith.constant 0 : i32
    %dma_start3A_3480 = arith.constant 0 : i32
    %dma_start3A_3481 = tpu.memref_slice %arg12[%dma_start3A_3479, %dma_start3A_3480] : memref<2048x128xf32, #tpu.memory_space<vmem_shared>> -> memref<2048x128xf32, #tpu.memory_space<vmem_shared>>
    tpu.enqueue_indirect_dma source(%arg6 : memref<128x128xf32, #tpu.memory_space<vmem>>) target(%dma_start3A_3481 : memref<2048x128xf32, #tpu.memory_space<vmem_shared>>) offsets(%dma_start3A_3478 : memref<128xi32, #tpu.memory_space<vmem>>) semaphore(%arg18 : memref<!tpu.dma_semaphore, #tpu.memory_space<semaphore_mem>>) {add = true}
    %dma_wait3A_3482 = arith.constant 0 : i32
    %dma_wait3A_3483 = tpu.memref_slice %arg2[%add3A_3427, %dma_wait3A_3482] : memref<65536x128xf32, #tpu.memory_space<hbm>> -> memref<128x128xf32, #tpu.memory_space<hbm>>
    %dma_wait3A_3484 = arith.constant 0 : i32
    %dma_wait3A_3485 = tpu.memref_slice %arg2[%add3A_3427, %dma_wait3A_3484] : memref<65536x128xf32, #tpu.memory_space<hbm>> -> memref<128x128xf32, #tpu.memory_space<hbm>>
    tpu.wait_dma2 semaphore(%arg14 : memref<!tpu.dma_semaphore, #tpu.memory_space<semaphore_mem>>) src(%dma_wait3A_3485 : memref<128x128xf32, #tpu.memory_space<hbm>>) dst(%arg7 : memref<128x128xf32, #tpu.memory_space<vmem>>)
    %dma_start3A_3486 = arith.constant 6 : i32
    %dma_start3A_3487 = arith.constant 0 : i32
    %dma_start3A_3488 = arith.constant 0 : i32
    %dma_start3A_3489 = tpu.memref_slice %arg5[%dma_start3A_3486, %dma_start3A_3487, %dma_start3A_3488] : memref<8x1x128xi32, #tpu.memory_space<vmem>> -> memref<1x1x128xi32, #tpu.memory_space<vmem>>
    %dma_start3A_3490 = tpu.memref_squeeze %dma_start3A_3489 : memref<1x1x128xi32, #tpu.memory_space<vmem>> -> memref<128xi32, #tpu.memory_space<vmem>>
    %dma_start3A_3491 = arith.constant 0 : i32
    %dma_start3A_3492 = arith.constant 0 : i32
    %dma_start3A_3493 = tpu.memref_slice %arg12[%dma_start3A_3491, %dma_start3A_3492] : memref<2048x128xf32, #tpu.memory_space<vmem_shared>> -> memref<2048x128xf32, #tpu.memory_space<vmem_shared>>
    tpu.enqueue_indirect_dma source(%arg7 : memref<128x128xf32, #tpu.memory_space<vmem>>) target(%dma_start3A_3493 : memref<2048x128xf32, #tpu.memory_space<vmem_shared>>) offsets(%dma_start3A_3490 : memref<128xi32, #tpu.memory_space<vmem>>) semaphore(%arg19 : memref<!tpu.dma_semaphore, #tpu.memory_space<semaphore_mem>>) {add = true}
    %dma_wait3A_3494 = arith.constant 0 : i32
    %dma_wait3A_3495 = tpu.memref_slice %arg2[%add3A_3453, %dma_wait3A_3494] : memref<65536x128xf32, #tpu.memory_space<hbm>> -> memref<128x128xf32, #tpu.memory_space<hbm>>
    %dma_wait3A_3496 = arith.constant 0 : i32
    %dma_wait3A_3497 = tpu.memref_slice %arg2[%add3A_3453, %dma_wait3A_3496] : memref<65536x128xf32, #tpu.memory_space<hbm>> -> memref<128x128xf32, #tpu.memory_space<hbm>>
    tpu.wait_dma2 semaphore(%arg15 : memref<!tpu.dma_semaphore, #tpu.memory_space<semaphore_mem>>) src(%dma_wait3A_3497 : memref<128x128xf32, #tpu.memory_space<hbm>>) dst(%arg8 : memref<128x128xf32, #tpu.memory_space<vmem>>)
    %dma_start3A_3498 = arith.constant 7 : i32
    %dma_start3A_3499 = arith.constant 0 : i32
    %dma_start3A_3500 = arith.constant 0 : i32
    %dma_start3A_3501 = tpu.memref_slice %arg5[%dma_start3A_3498, %dma_start3A_3499, %dma_start3A_3500] : memref<8x1x128xi32, #tpu.memory_space<vmem>> -> memref<1x1x128xi32, #tpu.memory_space<vmem>>
    %dma_start3A_3502 = tpu.memref_squeeze %dma_start3A_3501 : memref<1x1x128xi32, #tpu.memory_space<vmem>> -> memref<128xi32, #tpu.memory_space<vmem>>
    %dma_start3A_3503 = arith.constant 0 : i32
    %dma_start3A_3504 = arith.constant 0 : i32
    %dma_start3A_3505 = tpu.memref_slice %arg12[%dma_start3A_3503, %dma_start3A_3504] : memref<2048x128xf32, #tpu.memory_space<vmem_shared>> -> memref<2048x128xf32, #tpu.memory_space<vmem_shared>>
    tpu.enqueue_indirect_dma source(%arg8 : memref<128x128xf32, #tpu.memory_space<vmem>>) target(%dma_start3A_3505 : memref<2048x128xf32, #tpu.memory_space<vmem_shared>>) offsets(%dma_start3A_3502 : memref<128xi32, #tpu.memory_space<vmem>>) semaphore(%arg20 : memref<!tpu.dma_semaphore, #tpu.memory_space<semaphore_mem>>) {add = true}
    %dma_wait3A_3506 = arith.constant 5 : i32
    %dma_wait3A_3507 = arith.constant 0 : i32
    %dma_wait3A_3508 = arith.constant 0 : i32
    %dma_wait3A_3509 = tpu.memref_slice %arg5[%dma_wait3A_3506, %dma_wait3A_3507, %dma_wait3A_3508] : memref<8x1x128xi32, #tpu.memory_space<vmem>> -> memref<1x1x128xi32, #tpu.memory_space<vmem>>
    %dma_wait3A_3510 = tpu.memref_squeeze %dma_wait3A_3509 : memref<1x1x128xi32, #tpu.memory_space<vmem>> -> memref<128xi32, #tpu.memory_space<vmem>>
    %dma_wait3A_3511 = arith.constant 0 : i32
    %dma_wait3A_3512 = arith.constant 0 : i32
    %dma_wait3A_3513 = tpu.memref_slice %arg12[%dma_wait3A_3511, %dma_wait3A_3512] : memref<2048x128xf32, #tpu.memory_space<vmem_shared>> -> memref<2048x128xf32, #tpu.memory_space<vmem_shared>>
    tpu.wait_indirect_dma semaphore(%arg18 : memref<!tpu.dma_semaphore, #tpu.memory_space<semaphore_mem>>) src(%arg6 : memref<128x128xf32, #tpu.memory_space<vmem>>) dst(%dma_wait3A_3513 : memref<2048x128xf32, #tpu.memory_space<vmem_shared>>)
    %dma_wait3A_3514 = arith.constant 6 : i32
    %dma_wait3A_3515 = arith.constant 0 : i32
    %dma_wait3A_3516 = arith.constant 0 : i32
    %dma_wait3A_3517 = tpu.memref_slice %arg5[%dma_wait3A_3514, %dma_wait3A_3515, %dma_wait3A_3516] : memref<8x1x128xi32, #tpu.memory_space<vmem>> -> memref<1x1x128xi32, #tpu.memory_space<vmem>>
    %dma_wait3A_3518 = tpu.memref_squeeze %dma_wait3A_3517 : memref<1x1x128xi32, #tpu.memory_space<vmem>> -> memref<128xi32, #tpu.memory_space<vmem>>
    %dma_wait3A_3519 = arith.constant 0 : i32
    %dma_wait3A_3520 = arith.constant 0 : i32
    %dma_wait3A_3521 = tpu.memref_slice %arg12[%dma_wait3A_3519, %dma_wait3A_3520] : memref<2048x128xf32, #tpu.memory_space<vmem_shared>> -> memref<2048x128xf32, #tpu.memory_space<vmem_shared>>
    tpu.wait_indirect_dma semaphore(%arg19 : memref<!tpu.dma_semaphore, #tpu.memory_space<semaphore_mem>>) src(%arg7 : memref<128x128xf32, #tpu.memory_space<vmem>>) dst(%dma_wait3A_3521 : memref<2048x128xf32, #tpu.memory_space<vmem_shared>>)
    %dma_wait3A_3522 = arith.constant 7 : i32
    %dma_wait3A_3523 = arith.constant 0 : i32
    %dma_wait3A_3524 = arith.constant 0 : i32
    %dma_wait3A_3525 = tpu.memref_slice %arg5[%dma_wait3A_3522, %dma_wait3A_3523, %dma_wait3A_3524] : memref<8x1x128xi32, #tpu.memory_space<vmem>> -> memref<1x1x128xi32, #tpu.memory_space<vmem>>
    %dma_wait3A_3526 = tpu.memref_squeeze %dma_wait3A_3525 : memref<1x1x128xi32, #tpu.memory_space<vmem>> -> memref<128xi32, #tpu.memory_space<vmem>>
    %dma_wait3A_3527 = arith.constant 0 : i32
    %dma_wait3A_3528 = arith.constant 0 : i32
    %dma_wait3A_3529 = tpu.memref_slice %arg12[%dma_wait3A_3527, %dma_wait3A_3528] : memref<2048x128xf32, #tpu.memory_space<vmem_shared>> -> memref<2048x128xf32, #tpu.memory_space<vmem_shared>>
    tpu.wait_indirect_dma semaphore(%arg20 : memref<!tpu.dma_semaphore, #tpu.memory_space<semaphore_mem>>) src(%arg8 : memref<128x128xf32, #tpu.memory_space<vmem>>) dst(%dma_wait3A_3529 : memref<2048x128xf32, #tpu.memory_space<vmem_shared>>)
    %dma_wait3A_3530 = arith.constant 3 : i32
    %dma_wait3A_3531 = arith.constant 0 : i32
    %dma_wait3A_3532 = arith.constant 0 : i32
    %dma_wait3A_3533 = tpu.memref_slice %arg5[%dma_wait3A_3530, %dma_wait3A_3531, %dma_wait3A_3532] : memref<8x1x128xi32, #tpu.memory_space<vmem>> -> memref<1x1x128xi32, #tpu.memory_space<vmem>>
    %dma_wait3A_3534 = tpu.memref_squeeze %dma_wait3A_3533 : memref<1x1x128xi32, #tpu.memory_space<vmem>> -> memref<128xi32, #tpu.memory_space<vmem>>
    %dma_wait3A_3535 = arith.constant 0 : i32
    %dma_wait3A_3536 = arith.constant 0 : i32
    %dma_wait3A_3537 = tpu.memref_slice %arg12[%dma_wait3A_3535, %dma_wait3A_3536] : memref<2048x128xf32, #tpu.memory_space<vmem_shared>> -> memref<2048x128xf32, #tpu.memory_space<vmem_shared>>
    tpu.wait_indirect_dma semaphore(%arg21 : memref<!tpu.dma_semaphore, #tpu.memory_space<semaphore_mem>>) src(%arg9 : memref<128x128xf32, #tpu.memory_space<vmem>>) dst(%dma_wait3A_3537 : memref<2048x128xf32, #tpu.memory_space<vmem_shared>>)
    %dma_wait3A_3538 = arith.constant 4 : i32
    %dma_wait3A_3539 = arith.constant 0 : i32
    %dma_wait3A_3540 = arith.constant 0 : i32
    %dma_wait3A_3541 = tpu.memref_slice %arg5[%dma_wait3A_3538, %dma_wait3A_3539, %dma_wait3A_3540] : memref<8x1x128xi32, #tpu.memory_space<vmem>> -> memref<1x1x128xi32, #tpu.memory_space<vmem>>
    %dma_wait3A_3542 = tpu.memref_squeeze %dma_wait3A_3541 : memref<1x1x128xi32, #tpu.memory_space<vmem>> -> memref<128xi32, #tpu.memory_space<vmem>>
    %dma_wait3A_3543 = arith.constant 0 : i32
    %dma_wait3A_3544 = arith.constant 0 : i32
    %dma_wait3A_3545 = tpu.memref_slice %arg12[%dma_wait3A_3543, %dma_wait3A_3544] : memref<2048x128xf32, #tpu.memory_space<vmem_shared>> -> memref<2048x128xf32, #tpu.memory_space<vmem_shared>>
    tpu.wait_indirect_dma semaphore(%arg22 : memref<!tpu.dma_semaphore, #tpu.memory_space<semaphore_mem>>) src(%arg10 : memref<128x128xf32, #tpu.memory_space<vmem>>) dst(%dma_wait3A_3545 : memref<2048x128xf32, #tpu.memory_space<vmem_shared>>)
    %barrier3A_3546 = arith.constant 0 : index
    tpu.barrier barrier_id(%barrier3A_3546)
    %mul3A_3547 = arith.constant 128 : i32
    %mul3A_3548 = arith.muli %arg1, %mul3A_3547 : i32
    %mul3A_3549 = arith.constant 2048 : i32
    %mul3A_3550 = arith.muli %arg0, %mul3A_3549 : i32
    %mul3A_3551 = arith.constant 128 : i32
    %mul3A_3552 = arith.muli %arg1, %mul3A_3551 : i32
    %add3A_3553 = arith.addi %mul3A_3550, %mul3A_3552 : i32
    "tpu.region"() ({
      %run_scoped3A = tpu.sem_alloc : memref<!tpu.dma_semaphore, #tpu.memory_space<semaphore_mem>>
      %dma_start3A_3554 = arith.constant 0 : i32
      %dma_start3A_3555 = tpu.memref_slice %arg4[%add3A_3553, %dma_start3A_3554] : memref<8192x128xf32, #tpu.memory_space<hbm>> -> memref<128x128xf32, #tpu.memory_space<hbm>>
      %dma_start3A_3556 = arith.constant 0 : i32
      %dma_start3A_3557 = tpu.memref_slice %arg12[%mul3A_3548, %dma_start3A_3556] : memref<2048x128xf32, #tpu.memory_space<vmem_shared>> -> memref<128x128xf32, #tpu.memory_space<vmem_shared>>
      tpu.enqueue_dma source(%dma_start3A_3557 : memref<128x128xf32, #tpu.memory_space<vmem_shared>>) target(%dma_start3A_3555 : memref<128x128xf32, #tpu.memory_space<hbm>>) target_semaphore(%run_scoped3A : memref<!tpu.dma_semaphore, #tpu.memory_space<semaphore_mem>>)
      %dma_wait3A_3558 = arith.constant 0 : i32
      %dma_wait3A_3559 = tpu.memref_slice %arg4[%add3A_3553, %dma_wait3A_3558] : memref<8192x128xf32, #tpu.memory_space<hbm>> -> memref<128x128xf32, #tpu.memory_space<hbm>>
      %dma_wait3A_3560 = arith.constant 0 : i32
      %dma_wait3A_3561 = tpu.memref_slice %arg12[%mul3A_3548, %dma_wait3A_3560] : memref<2048x128xf32, #tpu.memory_space<vmem_shared>> -> memref<128x128xf32, #tpu.memory_space<vmem_shared>>
      tpu.wait_dma2 semaphore(%run_scoped3A : memref<!tpu.dma_semaphore, #tpu.memory_space<semaphore_mem>>) src(%dma_wait3A_3561 : memref<128x128xf32, #tpu.memory_space<vmem_shared>>) dst(%dma_wait3A_3559 : memref<128x128xf32, #tpu.memory_space<hbm>>)
      tpu.yield
    }) : () -> ()
    return
  }
}

module attributes {stable_mosaic.version = 14 : i64} {
  func.func @_segsum_tc(%arg0: i32, %arg1: memref<1x4096x128xf32, #tpu.memory_space<vmem>>, %arg2: memref<8x4096xi32, #tpu.memory_space<vmem>>, %arg3: memref<1x512x128xf32, #tpu.memory_space<vmem>>) attributes {dimension_semantics = [#tpu.dimension_semantics<arbitrary>], iteration_bounds = array<i64: 8>, scalar_prefetch = 0 : i64, scratch_operands = 0 : i64, tpu.core_type = #tpu.core_type<tc>, window_params = [{transform_indices = @transform_0, window_bounds = array<i64: 1, 4096, 128>}, {transform_indices = @transform_1, window_bounds = array<i64: 8, 4096>}, {transform_indices = @transform_2, window_bounds = array<i64: 1, 512, 128>}]} {
    %add3A = arith.constant 8 : i32
    %add3A_0 = arith.addi %arg0, %add3A : i32
    %sub3A = arith.constant 8 : i32
    %sub3A_1 = arith.subi %add3A_0, %sub3A : i32
    %get3A = arith.index_cast %sub3A_1 : i32 to index
    %get3A_2 = arith.constant 0 : index
    %get3A_3 = vector.load %arg2[%get3A, %get3A_2] : memref<8x4096xi32, #tpu.memory_space<vmem>>, vector<1x4096xi32>
    %get3A_4 = vector.shape_cast %get3A_3 : vector<1x4096xi32> to vector<4096xi32>
    %iota3A = tpu.iota {dimensions = array<i32: 0>} : vector<512x4096xi32>
    %broadcast_in_dim3A = vector.shape_cast %get3A_4 : vector<4096xi32> to vector<1x4096xi32>
    %eq3A = vector.broadcast %broadcast_in_dim3A : vector<1x4096xi32> to vector<512x4096xi32>
    %eq3A_5 = arith.cmpi eq, %iota3A, %eq3A : vector<512x4096xi32>
    %convert_element_type3A = arith.extui %eq3A_5 : vector<512x4096xi1> to vector<512x4096xi32>
    %convert_element_type3A_6 = arith.sitofp %convert_element_type3A : vector<512x4096xi32> to vector<512x4096xf32>
    %convert_element_type3A_7 = arith.truncf %convert_element_type3A_6 : vector<512x4096xf32> to vector<512x4096xbf16>
    %get3A_8 = arith.constant 0 : index
    %get3A_9 = arith.constant 0 : index
    %get3A_10 = arith.constant 0 : index
    %get3A_11 = vector.load %arg1[%get3A_8, %get3A_9, %get3A_10] : memref<1x4096x128xf32, #tpu.memory_space<vmem>>, vector<1x4096x128xf32>
    %get3A_12 = vector.shape_cast %get3A_11 : vector<1x4096x128xf32> to vector<4096x128xf32>
    %convert_element_type3A_13 = arith.truncf %get3A_12 : vector<4096x128xf32> to vector<4096x128xbf16>
    %dot_general3A = arith.constant dense<0.000000e+00> : vector<512x128xf32>
    %dot_general3A_14 = tpu.matmul %convert_element_type3A_7, %convert_element_type3A_13, %dot_general3A {dimension_numbers = #tpu.dot_dimension_numbers<[1], [0], [0], [1], [0, 0, 1, 1], [], []>, transpose_lhs_hint = false} : vector<512x4096xbf16>, vector<4096x128xbf16>, vector<512x128xf32> -> vector<512x128xf32>
    %swap3A = arith.constant 0 : index
    %swap3A_15 = arith.constant 0 : index
    %swap3A_16 = arith.constant 0 : index
    %swap3A_17 = vector.load %arg3[%swap3A, %swap3A_15, %swap3A_16] : memref<1x512x128xf32, #tpu.memory_space<vmem>>, vector<1x512x128xf32>
    %swap3A_18 = vector.shape_cast %swap3A_17 : vector<1x512x128xf32> to vector<512x128xf32>
    %swap3A_19 = vector.shape_cast %dot_general3A_14 : vector<512x128xf32> to vector<1x512x128xf32>
    tpu.vector_store %arg3[%swap3A, %swap3A_15, %swap3A_16], %swap3A_19 {strides = array<i32>} : memref<1x512x128xf32, #tpu.memory_space<vmem>>, vector<1x512x128xf32>,
    return
  }
  func.func @transform_0(%arg0: i32) -> (i32, i32, i32) {
    %add3A = arith.constant 8 : i32
    %add3A_0 = arith.addi %arg0, %add3A : i32
    %c0_i32 = arith.constant 0 : i32
    %c0_i32_1 = arith.constant 0 : i32
    %c0_i32_2 = arith.constant 0 : i32
    return %add3A_0, %c0_i32, %c0_i32_1 : i32, i32, i32
  }
  func.func @transform_1(%arg0: i32) -> (i32, i32) {
    %c1_i32 = arith.constant 1 : i32
    %c0_i32 = arith.constant 0 : i32
    %c0_i32_0 = arith.constant 0 : i32
    return %c1_i32, %c0_i32 : i32, i32
  }
  func.func @transform_2(%arg0: i32) -> (i32, i32, i32) {
    %c0_i32 = arith.constant 0 : i32
    %c0_i32_0 = arith.constant 0 : i32
    %c0_i32_1 = arith.constant 0 : i32
    return %arg0, %c0_i32, %c0_i32_0 : i32, i32, i32
  }
}

</mosaic_0001>

<sc_bundles>
// kernel: kernel.4.cloned.1.call-start
scs
__scs_entry_jumppad:
0x0: {  	(pc) =	sbr.rel $0x88, $3  }
0x1: {  	(tag) =	ssettag $0x0;
	lr =	simm.s32 $0x1  }
0x2: {  	[smem:$0x3F9F] =	sst lr;
	_ =	strace $0xD0000000  }
0x3: {  	_ = 	snop  }
0x4: {  	_ = 	snop  }
0x5: {  	_ = 	snop  }
0x6: {  	_ = 	snop  }
0x7: {  	_ = 	snop  }
__scs_overlays_trampoline_lowered:
0x8: {  	[smem:$0x3FAE] =	sst s0  }
0x9: {  	[smem:$0x3FAF] =	sst s1  }
0xa: {  	[smem:$0x3FB0] =	sst s2  }
0xb: {  	[smem:$0x3FB1] =	sst s3  }
0xc: {  	[smem:$0x3FB2] =	sst s4  }
0xd: {  	[smem:$0x3FB3] =	sst s5  }
0xe: {  	[smem:$0x3FB4] =	sst s6  }
0xf: {  	[smem:$0x3FB5] =	sst s7  }
0x10: {  	[smem:$0x3FB6] =	sst s8  }
0x11: {  	[smem:$0x3FB7] =	sst s9;
	s0 =	simm.s32 @!p0 $0x0  }
0x12: {  	s1 =	sld [smem:$0x3F9D];
	s0 =	simm.s32 @p0 $0x1  }
0x13: {  	[smem:$0x3FB8] =	sst s0;
	s0 =	simm.s32 @!p1 $0x0  }
0x14: {  	s2 =	sld [smem:$0x3F9C];
	s0 =	simm.s32 @p1 $0x1  }
0x15: {  	[smem:$0x3FB9] =	sst s0;
	s0 =	simm.s32 @!p2 $0x0  }
0x16: {  	s3 =	sld [smem:$0x3FDB];
	s0 =	simm.s32 @p2 $0x1  }
0x17: {  	s4 =	simm.s32 $0x1BF5;
	[smem:$0x3FBB] =	sst s0  }
0x18: {  	s0 =	sld [smem:$0x3F9E];
	_ =	swait.ge [sflag:s4], $0x0  }
0x19: {  	s7 =	sld [smem:$0x3F9F]  }
0x1a: {  	s8 =	sadd.s32 $0xFFFFE003, lr  }
0x1b: {  	s9 =	sadd.s32 $0xFFFFFEF7, lr;
	s5 =	simm.s32 $0xFFFFFFFF;
	p2 =	slt.u32 s8, $0xFFFFF086  }
0x1c: {  	p1 =	slt.u32 s9, $0xF7A;
	s5 =	simm.s32 @!p2 $0x0  }
0x1d: {  	s5 =	simm.s32 @p1 $0x1;
	p0 =	seq.s32 s7, s2  }
0x1e: {  	s7 =	smul.u32 @!p0 $0xF7A, s2;
	p2 =	seq.s32 @!p0 s5, $0x0  }
0x1f: {  	s9 =	smul.u32 $0xF7A, s1;
	s8 =	simm.s32 @!p0 $0x1BF5;
	p2 =	por !p2, p0  }
0x20: {  	[sflag:s8] =	ssyncset.s32 @!p0 $0xFFFFF086;
	s6 =	sadd.s32 @!p0 s3, s7;
	s7 =	simm.s32 @!p0 $0x108  }
0x21: {  	s3 =	sadd.s32 s3, s9;
	s6 =	sadd.s32 @!p0 $0x88, s6;
	s7 =	simm.s32 @p2 $0x1082  }
0x22: {  	[simem:s7], [sflag:s8] =	dma.local @!p0 [hbm:s6], $0xF7A  }
0x23: {  	s9 =	sor.u32 $0xD0000000, s2;
	s6 =	simm.s32 $0x108;
	_ =	swait.ge @!p0 [sflag:s8], $0x0  }
0x24: {  	s3 =	sadd.s32 $0x88, s3;
	s6 =	simm.s32 @!p1 $0x1082;
	[sflag:s4] =	ssyncset.s32 $0xFFFFF086  }
0x25: {  	[simem:s6], [sflag:s4] =	dma.local [hbm:s3], $0xF7A  }
0x26: {  	[smem:$0x3F9F] =	sst s1;
	(tag) =	ssettag s2;
	_ =	strace s9  }
0x27: {  	s1 =	sld [smem:$0x3FAF]  }
0x28: {  	s2 =	sld [smem:$0x3FB0]  }
0x29: {  	s4 =	sld [smem:$0x3FB2]  }
0x2a: {  	p0 =	seq.s32 s5, $0x0;
	s5 =	sld [smem:$0x3FB3]  }
0x2b: {  	s6 =	sld [smem:$0x3FB4]  }
0x2c: {  	s7 =	sld [smem:$0x3FB5]  }
0x2d: {  	s3 =	simm.s32 $0x108;
	s8 =	sld [smem:$0x3FB6]  }
0x2e: {  	s3 =	simm.s32 @!p0 $0x1082;
	s9 =	sld [smem:$0x3FB7]  }
0x2f: {  	lr =	sadd.s32 s0, s3;
	s0 =	sld [smem:$0x3FAE]  }
0x30: {  	s3 =	sld [smem:$0x3FB1]  }
0x31: {  	[smem:$0x3FBA] =	sst s10  }
0x32: {  	s10 =	sld [smem:$0x3FB8];
	_ =	sdelay $0x3  }
0x33: {  	p0 =	seq.s32 s10, $0x1;
	s10 =	sld [smem:$0x3FBA];
	_ =	sdelay $0x3  }
0x34: {  	[smem:$0x3FBA] =	sst s10  }
0x35: {  	s10 =	sld [smem:$0x3FB9];
	_ =	sdelay $0x3  }
0x36: {  	p1 =	seq.s32 s10, $0x1;
	s10 =	sld [smem:$0x3FBA];
	_ =	sdelay $0x3  }
0x37: {  	[smem:$0x3FBA] =	sst s10  }
0x38: {  	s10 =	sld [smem:$0x3FBB]  }
0x39: {  	_ = 	snop;
	(pc) =	sbr.ind lr, $3  }
0x3a: {  	_ = 	snop  }
0x3b: {  	_ = 	snop  }
0x3c: {  	p2 =	seq.s32 s10, $0x1;
	s10 =	sld [smem:$0x3FBA]  }
0x3d: {  	_ =	shalt  }
0x3e: {  	_ =	shalt  }
0x3f: {  	_ =	shalt  }
0x40: {  	_ =	shalt  }
0x41: {  	_ =	shalt  }
0x42: {  	_ =	shalt  }
0x43: {  	_ =	shalt  }
0x44: {  	_ =	shalt  }
0x45: {  	_ =	shalt  }
0x46: {  	_ =	shalt  }
0x47: {  	_ =	shalt  }
0x48: {  	_ =	shalt  }
0x49: {  	_ =	shalt  }
0x4a: {  	_ =	shalt  }
0x4b: {  	_ =	shalt  }
0x4c: {  	_ =	shalt  }
0x4d: {  	_ =	shalt  }
0x4e: {  	_ =	shalt  }
0x4f: {  	_ =	shalt  }
0x50: {  	_ =	shalt  }
0x51: {  	_ =	shalt  }
0x52: {  	_ =	shalt  }
0x53: {  	_ =	shalt  }
0x54: {  	_ =	shalt  }
0x55: {  	_ =	shalt  }
0x56: {  	_ =	shalt  }
0x57: {  	_ =	shalt  }
0x58: {  	_ =	shalt  }
0x59: {  	_ =	shalt  }
0x5a: {  	_ =	shalt  }
0x5b: {  	_ =	shalt  }
0x5c: {  	_ =	shalt  }
0x5d: {  	_ =	shalt  }
0x5e: {  	_ =	shalt  }
0x5f: {  	_ =	shalt  }
0x60: {  	_ =	shalt  }
0x61: {  	_ =	shalt  }
0x62: {  	_ =	shalt  }
0x63: {  	_ =	shalt  }
0x64: {  	_ =	shalt  }
0x65: {  	_ =	shalt  }
0x66: {  	_ =	shalt  }
0x67: {  	_ =	shalt  }
0x68: {  	_ =	shalt  }
0x69: {  	_ =	shalt  }
0x6a: {  	_ =	shalt  }
0x6b: {  	_ =	shalt  }
0x6c: {  	_ =	shalt  }
0x6d: {  	_ =	shalt  }
0x6e: {  	_ =	shalt  }
0x6f: {  	_ =	shalt  }
0x70: {  	_ =	shalt  }
0x71: {  	_ =	shalt  }
0x72: {  	_ =	shalt  }
0x73: {  	_ =	shalt  }
0x74: {  	_ =	shalt  }
0x75: {  	_ =	shalt  }
0x76: {  	_ =	shalt  }
0x77: {  	_ =	shalt  }
0x78: {  	_ =	shalt  }
0x79: {  	_ =	shalt  }
0x7a: {  	_ =	shalt  }
0x7b: {  	_ =	shalt  }
0x7c: {  	_ =	shalt  }
0x7d: {  	_ =	shalt  }
0x7e: {  	_ =	shalt  }
0x7f: {  	_ =	shalt  }
0x80: {  	_ =	shalt  }
0x81: {  	_ =	shalt  }
0x82: {  	_ =	shalt  }
0x83: {  	_ =	shalt  }
0x84: {  	_ =	shalt  }
0x85: {  	_ =	shalt  }
0x86: {  	_ =	shalt  }
0x87: {  	_ =	shalt  }
.Lfunc_end0:
.L_simem_size_0:
called_computation_lowered:
.L_overlay_start_0:
0x88: {  	s2 =	sld [smem:$0x3FD9]  }
0x89: {  	s3 =	sld [smem:$0x3FFE];
	_ =	sdelay $0x1  }
0x8a: {  	s1 =	srdreg.scid  }
0x8b: {  	s0 =	sand.u32 $0x1, s1  }
0x8c: {  	s18 =	sshll.u32 s0, $0xA;
	s2 =	sadd.s32 s3, s2  }
0x8d: {  	s2 =	sadd.s32 s2, s18  }
0x8e: {  	[smem:$0x3FC6] =	sst s2  }
0x8f: {  	_ = 	snop  }
0x90: {  	s2 =	sld [smem:$0x3FC9]  }
0x91: {  	s19 =	sld [smem:$0x3FC8]  }
0x92: {  	s4 =	sld [smem:$0x3FD0];
	(tm) =	ssettm $0x1  }
0x93: {  	s5 =	sld [smem:$0x3FFB];
	_ =	sdelay $0x3  }
0x94: {  	_ =	strace s5  }
0x95: {  	s5 =	sld [smem:$0x3FFC];
	_ =	sdelay $0x3  }
0x96: {  	_ =	strace s5  }
0x97: {  	s5 =	sld [smem:$0x3FFD];
	_ =	sdelay $0x3  }
0x98: {  	_ =	strace s5  }
0x99: {  	_ =	strace $0x8FFFFFFF  }
0x9a: {  	s20 =	sld [smem:$0x3FDB];
	_ =	sdelay $0x1  }
0x9b: {  	s6 =	simm.s32 $_scs_section_size  }
0x9c: {  	s7 =	simm.s32 $_size__tile_overlayer_lowered;
	s8 =	simm.s32 $_tile_overlayer_lowered  }
0x9d: {  	s23 =	simm.s32 $0x1BFF;
	s22 =	sshll.u32 s8, $0x1;
	s5 =	sadd.s32 s6, s20  }
0x9e: {  	s9 =	simm.s32 $0x0;
	s21 =	sshll.u32 s7, $0x1;
	s7 =	sadd.s32 s22, s5  }
0x9f: {  	[timem:s9], [sflag:s23] =	dma.local [hbm:s7], s21  }
0xa0: {  	_ =	swait.ge [sflag:s23], s21  }
0xa1: {  	s6 =	ssub.s32 $0x0, s21;
	[sflag:s23] =	ssyncset.done $0x0  }
0xa2: {  	[sflag:s23] =	ssyncadd.s32 s6;
	_ =	sdelay $0x1  }
0xa3: {  	s24 =	simm.s32 $0x1B8B  }
0xa4: {  	_ =	swait.ge [sflag:s24], $0x1  }
0xa5: {  	[sflag:s24] =	ssyncset.done $0x0  }
0xa6: {  	s25 =	simm.s32 $0x1B8E;
	[sflag:s24] =	ssyncadd.s32 $0xFFFFFFFF  }
0xa7: {  	s26 =	simm.s32 $execute0_lowered;
	[smem:$0x3FD2] =	sst s25  }
0xa8: {  	s6 =	sshll.u32 s26, $0x1;
	_ =	strace $0x80000046;
	[dreg:$0x1] =	wrdreg $0xFFFFFFFF  }
0xa9: {  	s28 =	simm.s32 $_size_execute0_lowered;
	s5 =	sadd.s32 s5, s6;
	[dreg:$0x0] =	wrdreg $0x0  }
0xaa: {  	s6 =	sshll.u32 s28, $0x1;
	[dreg:$0x2] =	wrdreg s5  }
0xab: {  	[dreg:$0x3] =	wrdreg s6  }
0xac: {  	[dreg:$0x4] =	wrdreg $0xC0  }
0xad: {  	_ =	task [dreg:s9], $0x5FFFF  }
0xae: {  	[dreg:$0x1] =	wrdreg $0xFFFFFFFF  }
0xaf: {  	[dreg:$0x0] =	wrdreg $0x60  }
0xb0: {  	[dreg:$0x2] =	wrdreg s2  }
0xb1: {  	[dreg:$0x3] =	wrdreg s19  }
0xb2: {  	[dreg:$0x4] =	wrdreg s4  }
0xb3: {  	[dreg:$0x5] =	wrdreg $0x154000  }
0xb4: {  	[dreg:$0x6] =	wrdreg $0x9  }
0xb5: {  	_ =	task.clear_ibuf [dreg:s9], $0x7FFFF;
	_ =	strace $0x90000046  }
0xb6: {  	s29 =	simm.s32 $0x9;
	_ =	strace $0x80000048  }
0xb7: {  	_ =	swait.ge [sflag:s29], $0x1  }
0xb8: {  	[sflag:s29] =	ssyncadd.s32 $0xFFFFFFFF  }
0xb9: {  	_ =	strace $0x90000048  }
0xba: {  	_ =	sfence  }
0xbb: {  	s30 =	sld [smem:$0x0];
	_ =	sdelay $0x2  }
0xbc: {  	s31 =	sshll.u32 s1, $0xD;
	s1 =	sshrl.u32 s1, $0x2  }
0xbd: {  	s3 =	sand.u32 $0x4000, s31;
	s1 =	sadd.s32 s1, s30  }
0xbe: {  	s0 =	sor.u32 s3, s0;
	s1 =	sshll.u32 s1, $0x11  }
0xbf: {  	s0 =	sor.u32 s1, s0  }
0xc0: {  	s0 =	sadd.s32 $0x8F2B, s0  }
0xc1: {  	[sflag:s0] =	ssyncadd.remote.s32 $0x1  }
0xc2: {  	_ =	sfence.sel $0xFFFF  }
0xc3: {  	[dreg:$0x0] =	wrdreg $0xFFFFFFFF;
	(pc) =	sbr.abs _section_cstart, $3  }
0xc4: {  	[dreg:$0x1] =	wrdreg $0xFFFFFFFF  }
0xc5: {  	_ =	task.clear_ibuf [dreg:s9], $0x2FFFF;
	_ =	strace $0x9FFFFFFF  }
0xc6: {  	(tm) =	ssettm $0x7FFFFFFF  }
0xc7: {  	_ =	shalt  }
tec
execute0_lowered:
.L_overlay_start_1:
0x0: {  	(tag) =	ssettag $0x1  }
0x1: {  	s0 =	rddreg [dreg:$0x0]  }
0x2: {  	s8 =	rddreg [dreg:$0x1]  }
0x3: {  	s6 =	rddreg [dreg:$0x2]  }
0x4: {  	s2 =	rddreg [dreg:$0x3];
	s3 =	simm.s32 $0x0  }
0x5: {  	s4 =	srdreg.scid;
	s1 =	stileid.u32;
	s28 =	simm.s32 $0x8  }
0x6: {  	s29 =	simm.s32 $0x5;
	[smem:$0x7FF] =	sst s3;
	s7 =	sand.u32 $0x1, s4  }
0x7: {  	s12 =	sshll.u32 s1, $0xE;
	s16 =	sand.u32 $0x3, s1;
	_ =	strace $0x80000047  }
0x8: {  	s9 =	ssub.s32 $0x2, s7;
	s4 =	sadd.s32 s12, s2;
	s5 =	sshll.u32 s7, $0xE  }
0x9: {  	s12 =	sshll.u32 s1, $0xA;
	p1 =	sne.s32 s16, $0x0;
	s10 =	sadd.s32 $0x1000, s4  }
0xa: {  	s11 =	sshrl.u32 s9, $0x1;
	s13 =	sadd.s32 $0x2000, s4;
	[dreg:$0x5] =	wrdreg s10  }
0xb: {  	s5 =	sor.u32 s12, s5;
	s14 =	sadd.s32 $0x3000, s4;
	[dreg:$0x6] =	wrdreg s13  }
0xc: {  	[dreg:$0x7] =	wrdreg s14;
	s15 =	sshll.u32 s5, $0x4;
	p0 =	seq.s32 s5, $0x0  }
0xd: {  	s17 =	sor.u32 $0x80, s5;
	s13 =	simm.s32 $0x1;
	s9 =	ssub.s32 s9, s11  }
0xe: {  	s19 =	sshll.u32 s5, $0x3;
	s16 =	sor.u32 $0x100, s5;
	s10 =	sadd.s32 s0, s15  }
0xf: {  	p0 =	por !p1, !p0;
	s18 =	sshll.u32 s17, $0x4;
	s20 =	sshll.u32 s16, $0x4  }
0x10: {  	s12 =	sshll.u32 s17, $0x3;
	s24 =	sshll.u32 s16, $0x3;
	[dreg:$0x8] =	wrdreg s10  }
0x11: {  	p0 =	por !p0, !p0;
	s14 =	sadd.s32 s0, s18;
	s10 =	sshrl.u32 s5, $0xC  }
0x12: {  	s18 =	sor.u32 $0x200, s5;
	s13 =	simm.s32 @!p0 $0x0;
	s17 =	sshll.u32 s10, $0xF  }
0x13: {  	[dreg:$0x9] =	wrdreg s14;
	s11 =	ssub.s32 s10, s13;
	s12 =	ssub.s32 s12, s17  }
0x14: {  	s13 =	sshll.u32 s11, $0xC;
	s15 =	sshll.u32 s11, $0xF;
	s21 =	sshll.u32 s11, $0x7  }
0x15: {  	s13 =	sand.u32 $0xFFFF8000, s13;
	s14 =	ssub.s32 s19, s15;
	s15 =	sadd.s32 s0, s20  }
0x16: {  	s19 =	sshll.u32 s18, $0x3;
	s13 =	sadd.s32 s13, s14;
	s14 =	sand.u32 $0x380, s21  }
0x17: {  	[dreg:$0xa] =	wrdreg s15;
	s15 =	sor.u32 $0x180, s5;
	s19 =	ssub.s32 s19, s17  }
0x18: {  	s21 =	sor.u32 $0x380, s5;
	s13 =	sor.u32 s14, s13;
	s14 =	sshll.u32 s10, $0x7  }
0x19: {  	s25 =	sshll.u32 s15, $0x3;
	s15 =	sshll.u32 s15, $0x4;
	s13 =	sshrl.u32 s13, $0x3  }
0x1a: {  	s12 =	sor.u32 s14, s12;
	s16 =	ssub.s32 s25, s17;
	s19 =	sor.u32 s14, s19  }
0x1b: {  	s13 =	sadd.s32 s8, s13;
	s22 =	sshrl.u32 s12, $0x3;
	s12 =	sshll.u32 s1, $0xB  }
0x1c: {  	s16 =	sor.u32 s14, s16;
	s1 =	sshrl.u32 s19, $0x3;
	s19 =	sor.u32 $0x280, s5  }
0x1d: {  	[dreg:$0xb] =	wrdreg s13;
	s23 =	sadd.s32 s8, s22;
	s13 =	ssub.s32 s24, s17  }
0x1e: {  	s16 =	sshrl.u32 s16, $0x3;
	s22 =	sshll.u32 s19, $0x3;
	s6 =	sadd.s32 s6, s12  }
0x1f: {  	[dreg:$0xc] =	wrdreg s23;
	s13 =	sor.u32 s14, s13;
	s26 =	sadd.s32 s8, s16  }
0x20: {  	s16 =	sadd.s32 s8, s1;
	s23 =	sor.u32 $0x300, s5;
	s1 =	sshll.u32 s7, $0x2  }
0x21: {  	s7 =	sshll.u32 s7, $0xF;
	s13 =	sshrl.u32 s13, $0x3;
	[dreg:$0xe] =	wrdreg s26  }
0x22: {  	[dreg:$0xf] =	wrdreg s16;
	s20 =	sshll.u32 s23, $0x3;
	s26 =	sshll.u32 s21, $0x3  }
0x23: {  	s11 =	ssub.s32 s11, s1;
	s23 =	sshll.u32 s23, $0x4;
	s16 =	simm.s32 $0x280  }
0x24: {  	s13 =	sadd.s32 s8, s13;
	s25 =	ssub.s32 s20, s17;
	s20 =	sshll.u32 s19, $0x4  }
0x25: {  	s30 =	sshll.u32 s11, $0x9;
	s11 =	simm.s32 $0x80;
	s19 =	simm.s32 $0xB  }
0x26: {  	[dreg:$0xd] =	wrdreg s13;
	s13 =	ssub.s32 s22, s17;
	s17 =	ssub.s32 s26, s17  }
0x27: {  	s22 =	sadd.s32 s0, s20;
	s26 =	sadd.s32 s7, s6;
	s6 =	smax.u32 s9, $0x1  }
0x28: {  	s7 =	simm.s32 $0x14400;
	s9 =	simm.s32 $0x4400;
	v0 =	vmov s30;
	s30 =	simm.s32 $0x9  }
0x29: {  	s20 =	simm.s32 $0x380;
	s24 =	sor.u32 s14, s13;
	s13 =	sor.u32 s14, s25  }
0x2a: {  	s14 =	sor.u32 s14, s17;
	s17 =	sshll.u32 s18, $0x4;
	[dreg:$0x15] =	wrdreg s22  }
0x2b: {  	s25 =	sshll.u32 s21, $0x4;
	[dreg:$0x18] =	wrdreg s26;
	s21 =	simm.s32 $0x10400  }
0x2c: {  	s22 =	simm.s32 $0x2;
	s26 =	simm.s32 $0x4;
	s5 =	sshrl.u32 s24, $0x3  }
0x2d: {  	s13 =	sshrl.u32 s13, $0x3;
	s14 =	sshrl.u32 s14, $0x3;
	s18 =	sadd.s32 s0, s17  }
0x2e: {  	s24 =	sadd.s32 s0, s23;
	s23 =	simm.s32 $0x6;
	[dreg:$0x14] =	wrdreg s18  }
0x2f: {  	s17 =	simm.s32 $0x300;
	s5 =	sadd.s32 s8, s5;
	[dreg:$0x16] =	wrdreg s24  }
0x30: {  	s13 =	sadd.s32 s8, s13;
	s8 =	sadd.s32 s8, s14;
	[dreg:$0x10] =	wrdreg s5  }
0x31: {  	s18 =	simm.s32 $0xC;
	s24 =	simm.s32 $0x3;
	[dreg:$0x11] =	wrdreg s13  }
0x32: {  	s14 =	simm.s32 $0x180;
	s5 =	simm.s32 $0x1;
	[dreg:$0x12] =	wrdreg s8  }
0x33: {  	s13 =	sadd.s32 s0, s15;
	s8 =	ssub.s32 s10, s1;
	s0 =	sadd.s32 s0, s25  }
0x34: {  	s10 =	simm.s32 $0x8400;
	s25 =	simm.s32 $0x7;
	[dreg:$0x13] =	wrdreg s13  }
0x35: {  	s15 =	simm.s32 $0x200;
	s31 =	sshll.u32 s8, $0x9;
	[dreg:$0x17] =	wrdreg s0  }
0x36: {  	v2 =	vimm.f32 $0.0e+00;
	s8 =	simm.s32 $0x400;
	s0 =	simm.s32 $0xD;
	v1 =	vmov s31;
	s31 =	simm.s32 $0xA  }
.LBB2_1:
0x37: {  	[tilespmem:$0x14400] =	vst v2  }
0x38: {  	[tilespmem:$0x14410] =	vst v2  }
0x39: {  	[tilespmem:$0x14420] =	vst v2  }
0x3a: {  	[tilespmem:$0x14430] =	vst v2  }
0x3b: {  	[tilespmem:$0x14440] =	vst v2  }
0x3c: {  	[tilespmem:$0x14450] =	vst v2  }
0x3d: {  	[tilespmem:$0x14460] =	vst v2  }
0x3e: {  	[tilespmem:$0x14470] =	vst v2  }
0x3f: {  	[tilespmem:$0x14480] =	vst v2  }
0x40: {  	[tilespmem:$0x14490] =	vst v2  }
0x41: {  	[tilespmem:$0x144A0] =	vst v2  }
0x42: {  	[tilespmem:$0x144B0] =	vst v2  }
0x43: {  	[tilespmem:$0x144C0] =	vst v2  }
0x44: {  	[tilespmem:$0x144D0] =	vst v2  }
0x45: {  	[tilespmem:$0x144E0] =	vst v2  }
0x46: {  	[tilespmem:$0x144F0] =	vst v2  }
0x47: {  	[tilespmem:$0x14500] =	vst v2  }
0x48: {  	[tilespmem:$0x14510] =	vst v2  }
0x49: {  	[tilespmem:$0x14520] =	vst v2  }
0x4a: {  	[tilespmem:$0x14530] =	vst v2  }
0x4b: {  	[tilespmem:$0x14540] =	vst v2  }
0x4c: {  	[tilespmem:$0x14550] =	vst v2  }
0x4d: {  	[tilespmem:$0x14560] =	vst v2  }
0x4e: {  	[tilespmem:$0x14570] =	vst v2  }
0x4f: {  	[tilespmem:$0x14580] =	vst v2  }
0x50: {  	[tilespmem:$0x14590] =	vst v2  }
0x51: {  	[tilespmem:$0x145A0] =	vst v2  }
0x52: {  	[tilespmem:$0x145B0] =	vst v2  }
0x53: {  	[tilespmem:$0x145C0] =	vst v2  }
0x54: {  	[tilespmem:$0x145D0] =	vst v2  }
0x55: {  	[tilespmem:$0x145E0] =	vst v2  }
0x56: {  	[tilespmem:$0x145F0] =	vst v2  }
0x57: {  	[tilespmem:$0x14600] =	vst v2  }
0x58: {  	[tilespmem:$0x14610] =	vst v2  }
0x59: {  	[tilespmem:$0x14620] =	vst v2  }
0x5a: {  	[tilespmem:$0x14630] =	vst v2  }
0x5b: {  	[tilespmem:$0x14640] =	vst v2  }
0x5c: {  	[tilespmem:$0x14650] =	vst v2  }
0x5d: {  	[tilespmem:$0x14660] =	vst v2  }
0x5e: {  	[tilespmem:$0x14670] =	vst v2  }
0x5f: {  	[tilespmem:$0x14680] =	vst v2  }
0x60: {  	[tilespmem:$0x14690] =	vst v2  }
0x61: {  	[tilespmem:$0x146A0] =	vst v2  }
0x62: {  	[tilespmem:$0x146B0] =	vst v2  }
0x63: {  	[tilespmem:$0x146C0] =	vst v2  }
0x64: {  	[tilespmem:$0x146D0] =	vst v2  }
0x65: {  	[tilespmem:$0x146E0] =	vst v2  }
0x66: {  	[tilespmem:$0x146F0] =	vst v2  }
0x67: {  	[tilespmem:$0x14700] =	vst v2  }
0x68: {  	[tilespmem:$0x14710] =	vst v2  }
0x69: {  	[tilespmem:$0x14720] =	vst v2  }
0x6a: {  	[tilespmem:$0x14730] =	vst v2  }
0x6b: {  	[tilespmem:$0x14740] =	vst v2  }
0x6c: {  	[tilespmem:$0x14750] =	vst v2  }
0x6d: {  	[tilespmem:$0x14760] =	vst v2  }
0x6e: {  	[tilespmem:$0x14770] =	vst v2  }
0x6f: {  	[tilespmem:$0x14780] =	vst v2  }
0x70: {  	[tilespmem:$0x14790] =	vst v2  }
0x71: {  	[tilespmem:$0x147A0] =	vst v2  }
0x72: {  	[tilespmem:$0x147B0] =	vst v2  }
0x73: {  	[tilespmem:$0x147C0] =	vst v2  }
0x74: {  	[tilespmem:$0x147D0] =	vst v2  }
0x75: {  	[tilespmem:$0x147E0] =	vst v2  }
0x76: {  	[tilespmem:$0x147F0] =	vst v2  }
0x77: {  	[tilespmem:$0x14800] =	vst v2  }
0x78: {  	[tilespmem:$0x14810] =	vst v2  }
0x79: {  	[tilespmem:$0x14820] =	vst v2  }
0x7a: {  	[tilespmem:$0x14830] =	vst v2  }
0x7b: {  	[tilespmem:$0x14840] =	vst v2  }
0x7c: {  	[tilespmem:$0x14850] =	vst v2  }
0x7d: {  	[tilespmem:$0x14860] =	vst v2  }
0x7e: {  	[tilespmem:$0x14870] =	vst v2  }
0x7f: {  	[tilespmem:$0x14880] =	vst v2  }
0x80: {  	[tilespmem:$0x14890] =	vst v2  }
0x81: {  	[tilespmem:$0x148A0] =	vst v2  }
0x82: {  	[tilespmem:$0x148B0] =	vst v2  }
0x83: {  	[tilespmem:$0x148C0] =	vst v2  }
0x84: {  	[tilespmem:$0x148D0] =	vst v2  }
0x85: {  	[tilespmem:$0x148E0] =	vst v2  }
0x86: {  	[tilespmem:$0x148F0] =	vst v2  }
0x87: {  	[tilespmem:$0x14900] =	vst v2  }
0x88: {  	[tilespmem:$0x14910] =	vst v2  }
0x89: {  	[tilespmem:$0x14920] =	vst v2  }
0x8a: {  	[tilespmem:$0x14930] =	vst v2  }
0x8b: {  	[tilespmem:$0x14940] =	vst v2  }
0x8c: {  	[tilespmem:$0x14950] =	vst v2  }
0x8d: {  	[tilespmem:$0x14960] =	vst v2  }
0x8e: {  	[tilespmem:$0x14970] =	vst v2  }
0x8f: {  	[tilespmem:$0x14980] =	vst v2  }
0x90: {  	[tilespmem:$0x14990] =	vst v2  }
0x91: {  	[tilespmem:$0x149A0] =	vst v2  }
0x92: {  	[tilespmem:$0x149B0] =	vst v2  }
0x93: {  	[tilespmem:$0x149C0] =	vst v2  }
0x94: {  	[tilespmem:$0x149D0] =	vst v2  }
0x95: {  	[tilespmem:$0x149E0] =	vst v2  }
0x96: {  	[tilespmem:$0x149F0] =	vst v2  }
0x97: {  	[tilespmem:$0x14A00] =	vst v2  }
0x98: {  	[tilespmem:$0x14A10] =	vst v2  }
0x99: {  	[tilespmem:$0x14A20] =	vst v2  }
0x9a: {  	[tilespmem:$0x14A30] =	vst v2  }
0x9b: {  	[tilespmem:$0x14A40] =	vst v2  }
0x9c: {  	[tilespmem:$0x14A50] =	vst v2  }
0x9d: {  	[tilespmem:$0x14A60] =	vst v2  }
0x9e: {  	[tilespmem:$0x14A70] =	vst v2  }
0x9f: {  	[tilespmem:$0x14A80] =	vst v2  }
0xa0: {  	[tilespmem:$0x14A90] =	vst v2  }
0xa1: {  	[tilespmem:$0x14AA0] =	vst v2  }
0xa2: {  	[tilespmem:$0x14AB0] =	vst v2  }
0xa3: {  	[tilespmem:$0x14AC0] =	vst v2  }
0xa4: {  	[tilespmem:$0x14AD0] =	vst v2  }
0xa5: {  	[tilespmem:$0x14AE0] =	vst v2  }
0xa6: {  	[tilespmem:$0x14AF0] =	vst v2  }
0xa7: {  	[tilespmem:$0x14B00] =	vst v2  }
0xa8: {  	[tilespmem:$0x14B10] =	vst v2  }
0xa9: {  	[tilespmem:$0x14B20] =	vst v2  }
0xaa: {  	[tilespmem:$0x14B30] =	vst v2  }
0xab: {  	[tilespmem:$0x14B40] =	vst v2  }
0xac: {  	[tilespmem:$0x14B50] =	vst v2  }
0xad: {  	[tilespmem:$0x14B60] =	vst v2  }
0xae: {  	[tilespmem:$0x14B70] =	vst v2  }
0xaf: {  	[tilespmem:$0x14B80] =	vst v2  }
0xb0: {  	[tilespmem:$0x14B90] =	vst v2  }
0xb1: {  	[tilespmem:$0x14BA0] =	vst v2  }
0xb2: {  	[tilespmem:$0x14BB0] =	vst v2  }
0xb3: {  	[tilespmem:$0x14BC0] =	vst v2  }
0xb4: {  	[tilespmem:$0x14BD0] =	vst v2  }
0xb5: {  	[tilespmem:$0x14BE0] =	vst v2  }
0xb6: {  	[tilespmem:$0x14BF0] =	vst v2  }
0xb7: {  	[tilespmem:$0x14C00] =	vst v2  }
0xb8: {  	[tilespmem:$0x14C10] =	vst v2  }
0xb9: {  	[tilespmem:$0x14C20] =	vst v2  }
0xba: {  	[tilespmem:$0x14C30] =	vst v2  }
0xbb: {  	[tilespmem:$0x14C40] =	vst v2  }
0xbc: {  	[tilespmem:$0x14C50] =	vst v2  }
0xbd: {  	[tilespmem:$0x14C60] =	vst v2  }
0xbe: {  	[tilespmem:$0x14C70] =	vst v2  }
0xbf: {  	[tilespmem:$0x14C80] =	vst v2  }
0xc0: {  	[tilespmem:$0x14C90] =	vst v2  }
0xc1: {  	[tilespmem:$0x14CA0] =	vst v2  }
0xc2: {  	[tilespmem:$0x14CB0] =	vst v2  }
0xc3: {  	[tilespmem:$0x14CC0] =	vst v2  }
0xc4: {  	[tilespmem:$0x14CD0] =	vst v2  }
0xc5: {  	[tilespmem:$0x14CE0] =	vst v2  }
0xc6: {  	[tilespmem:$0x14CF0] =	vst v2  }
0xc7: {  	[tilespmem:$0x14D00] =	vst v2  }
0xc8: {  	[tilespmem:$0x14D10] =	vst v2  }
0xc9: {  	[tilespmem:$0x14D20] =	vst v2  }
0xca: {  	[tilespmem:$0x14D30] =	vst v2  }
0xcb: {  	[tilespmem:$0x14D40] =	vst v2  }
0xcc: {  	[tilespmem:$0x14D50] =	vst v2  }
0xcd: {  	[tilespmem:$0x14D60] =	vst v2  }
0xce: {  	[tilespmem:$0x14D70] =	vst v2  }
0xcf: {  	[tilespmem:$0x14D80] =	vst v2  }
0xd0: {  	[tilespmem:$0x14D90] =	vst v2  }
0xd1: {  	[tilespmem:$0x14DA0] =	vst v2  }
0xd2: {  	[tilespmem:$0x14DB0] =	vst v2  }
0xd3: {  	[tilespmem:$0x14DC0] =	vst v2  }
0xd4: {  	[tilespmem:$0x14DD0] =	vst v2  }
0xd5: {  	[tilespmem:$0x14DE0] =	vst v2  }
0xd6: {  	[tilespmem:$0x14DF0] =	vst v2  }
0xd7: {  	[tilespmem:$0x14E00] =	vst v2  }
0xd8: {  	[tilespmem:$0x14E10] =	vst v2  }
0xd9: {  	[tilespmem:$0x14E20] =	vst v2  }
0xda: {  	[tilespmem:$0x14E30] =	vst v2  }
0xdb: {  	[tilespmem:$0x14E40] =	vst v2  }
0xdc: {  	[tilespmem:$0x14E50] =	vst v2  }
0xdd: {  	[tilespmem:$0x14E60] =	vst v2  }
0xde: {  	[tilespmem:$0x14E70] =	vst v2  }
0xdf: {  	[tilespmem:$0x14E80] =	vst v2  }
0xe0: {  	[tilespmem:$0x14E90] =	vst v2  }
0xe1: {  	[tilespmem:$0x14EA0] =	vst v2  }
0xe2: {  	[tilespmem:$0x14EB0] =	vst v2  }
0xe3: {  	[tilespmem:$0x14EC0] =	vst v2  }
0xe4: {  	[tilespmem:$0x14ED0] =	vst v2  }
0xe5: {  	[tilespmem:$0x14EE0] =	vst v2  }
0xe6: {  	[tilespmem:$0x14EF0] =	vst v2  }
0xe7: {  	[tilespmem:$0x14F00] =	vst v2  }
0xe8: {  	[tilespmem:$0x14F10] =	vst v2  }
0xe9: {  	[tilespmem:$0x14F20] =	vst v2  }
0xea: {  	[tilespmem:$0x14F30] =	vst v2  }
0xeb: {  	[tilespmem:$0x14F40] =	vst v2  }
0xec: {  	[tilespmem:$0x14F50] =	vst v2  }
0xed: {  	[tilespmem:$0x14F60] =	vst v2  }
0xee: {  	[tilespmem:$0x14F70] =	vst v2  }
0xef: {  	[tilespmem:$0x14F80] =	vst v2  }
0xf0: {  	[tilespmem:$0x14F90] =	vst v2  }
0xf1: {  	[tilespmem:$0x14FA0] =	vst v2  }
0xf2: {  	[tilespmem:$0x14FB0] =	vst v2  }
0xf3: {  	[tilespmem:$0x14FC0] =	vst v2  }
0xf4: {  	[tilespmem:$0x14FD0] =	vst v2  }
0xf5: {  	[tilespmem:$0x14FE0] =	vst v2  }
0xf6: {  	[tilespmem:$0x14FF0] =	vst v2  }
0xf7: {  	[tilespmem:$0x15000] =	vst v2  }
0xf8: {  	[tilespmem:$0x15010] =	vst v2  }
0xf9: {  	[tilespmem:$0x15020] =	vst v2  }
0xfa: {  	[tilespmem:$0x15030] =	vst v2  }
0xfb: {  	[tilespmem:$0x15040] =	vst v2  }
0xfc: {  	[tilespmem:$0x15050] =	vst v2  }
0xfd: {  	[tilespmem:$0x15060] =	vst v2  }
0xfe: {  	[tilespmem:$0x15070] =	vst v2  }
0xff: {  	[tilespmem:$0x15080] =	vst v2  }
0x100: {  	[tilespmem:$0x15090] =	vst v2  }
0x101: {  	[tilespmem:$0x150A0] =	vst v2  }
0x102: {  	[tilespmem:$0x150B0] =	vst v2  }
0x103: {  	[tilespmem:$0x150C0] =	vst v2  }
0x104: {  	[tilespmem:$0x150D0] =	vst v2  }
0x105: {  	[tilespmem:$0x150E0] =	vst v2  }
0x106: {  	[tilespmem:$0x150F0] =	vst v2  }
0x107: {  	[tilespmem:$0x15100] =	vst v2  }
0x108: {  	[tilespmem:$0x15110] =	vst v2  }
0x109: {  	[tilespmem:$0x15120] =	vst v2  }
0x10a: {  	[tilespmem:$0x15130] =	vst v2  }
0x10b: {  	[tilespmem:$0x15140] =	vst v2  }
0x10c: {  	[tilespmem:$0x15150] =	vst v2  }
0x10d: {  	[tilespmem:$0x15160] =	vst v2  }
0x10e: {  	[tilespmem:$0x15170] =	vst v2  }
0x10f: {  	[tilespmem:$0x15180] =	vst v2  }
0x110: {  	[tilespmem:$0x15190] =	vst v2  }
0x111: {  	[tilespmem:$0x151A0] =	vst v2  }
0x112: {  	[tilespmem:$0x151B0] =	vst v2  }
0x113: {  	[tilespmem:$0x151C0] =	vst v2  }
0x114: {  	[tilespmem:$0x151D0] =	vst v2  }
0x115: {  	[tilespmem:$0x151E0] =	vst v2  }
0x116: {  	[tilespmem:$0x151F0] =	vst v2  }
0x117: {  	[tilespmem:$0x15200] =	vst v2  }
0x118: {  	[tilespmem:$0x15210] =	vst v2  }
0x119: {  	[tilespmem:$0x15220] =	vst v2  }
0x11a: {  	[tilespmem:$0x15230] =	vst v2  }
0x11b: {  	[tilespmem:$0x15240] =	vst v2  }
0x11c: {  	[tilespmem:$0x15250] =	vst v2  }
0x11d: {  	[tilespmem:$0x15260] =	vst v2  }
0x11e: {  	[tilespmem:$0x15270] =	vst v2  }
0x11f: {  	[tilespmem:$0x15280] =	vst v2  }
0x120: {  	[tilespmem:$0x15290] =	vst v2  }
0x121: {  	[tilespmem:$0x152A0] =	vst v2  }
0x122: {  	[tilespmem:$0x152B0] =	vst v2  }
0x123: {  	[tilespmem:$0x152C0] =	vst v2  }
0x124: {  	[tilespmem:$0x152D0] =	vst v2  }
0x125: {  	[tilespmem:$0x152E0] =	vst v2  }
0x126: {  	[tilespmem:$0x152F0] =	vst v2  }
0x127: {  	[tilespmem:$0x15300] =	vst v2  }
0x128: {  	[tilespmem:$0x15310] =	vst v2  }
0x129: {  	[tilespmem:$0x15320] =	vst v2  }
0x12a: {  	[tilespmem:$0x15330] =	vst v2  }
0x12b: {  	[tilespmem:$0x15340] =	vst v2  }
0x12c: {  	[tilespmem:$0x15350] =	vst v2  }
0x12d: {  	[tilespmem:$0x15360] =	vst v2  }
0x12e: {  	[tilespmem:$0x15370] =	vst v2  }
0x12f: {  	[tilespmem:$0x15380] =	vst v2  }
0x130: {  	[tilespmem:$0x15390] =	vst v2  }
0x131: {  	[tilespmem:$0x153A0] =	vst v2  }
0x132: {  	[tilespmem:$0x153B0] =	vst v2  }
0x133: {  	[tilespmem:$0x153C0] =	vst v2  }
0x134: {  	[tilespmem:$0x153D0] =	vst v2  }
0x135: {  	[tilespmem:$0x153E0] =	vst v2  }
0x136: {  	[tilespmem:$0x153F0] =	vst v2  }
0x137: {  	[spmem:s4] =	stream.linear.scatter [tilespmem:s7], [sflag:$0xB], $0x1000, $0x38;
	[tilespmem:$0x19400] =	vst v63  }
0x138: {  	s1 =	rddreg [dreg:$0x5]  }
0x139: {  	[spmem:s1] =	stream.linear.scatter [tilespmem:s7], [sflag:$0xB], $0x1000, $0x38;
	[tilespmem:$0x19400] =	vst v63  }
0x13a: {  	s12 =	rddreg [dreg:$0x6]  }
0x13b: {  	[spmem:s12] =	stream.linear.scatter [tilespmem:s7], [sflag:$0xB], $0x1000, $0x38;
	[tilespmem:$0x19400] =	vst v63  }
0x13c: {  	s1 =	rddreg [dreg:$0x7]  }
0x13d: {  	[spmem:s1] =	stream.linear.scatter [tilespmem:s7], [sflag:$0xB], $0x1000, $0x38;
	[tilespmem:$0x19400] =	vst v63  }
0x13e: {  	s13 =	rddreg [dreg:$0x8]  }
0x13f: {  	[tilespmem:s8], [sflag:$0x1] =	stream.linear.gather [hbm4b:s13+s3], $0x4000, $0x38;
	[tilespmem:$0x19400] =	vst v63  }
0x140: {  	s1 =	rddreg [dreg:$0x9]  }
0x141: {  	[tilespmem:s9], [sflag:$0x2] =	stream.linear.gather [hbm4b:s1+s3], $0x4000, $0x38;
	[tilespmem:$0x19400] =	vst v63  }
0x142: {  	s13 =	rddreg [dreg:$0xa]  }
0x143: {  	[tilespmem:s10], [sflag:$0x3] =	stream.linear.gather [hbm4b:s13+s3], $0x4000, $0x38;
	[tilespmem:$0x19400] =	vst v63  }
0x144: {  	s1 =	rddreg [dreg:$0xb]  }
0x145: {  	[tilespmem:s3], [sflag:$0xC] =	stream.linear.gather [hbm4b:s1+s3], $0x80, $0x38;
	[tilespmem:$0x19400] =	vst v63  }
0x146: {  	s13 =	rddreg [dreg:$0xc]  }
0x147: {  	[tilespmem:s11], [sflag:$0xC] =	stream.linear.gather [hbm4b:s13+s3], $0x80, $0x38;
	[tilespmem:$0x19400] =	vst v63  }
0x148: {  	s1 =	rddreg [dreg:$0xd];
	s13 =	simm.s32 $0x100  }
0x149: {  	[tilespmem:s13], [sflag:$0xC] =	stream.linear.gather [hbm4b:s1+s3], $0x80, $0x38;
	[tilespmem:$0x19400] =	vst v63  }
0x14a: {  	s12 =	rddreg [dreg:$0xe]  }
0x14b: {  	[tilespmem:s14], [sflag:$0xC] =	stream.linear.gather [hbm4b:s12+s3], $0x80, $0x38;
	[tilespmem:$0x19400] =	vst v63  }
0x14c: {  	s1 =	rddreg [dreg:$0xf]  }
0x14d: {  	[tilespmem:s15], [sflag:$0xC] =	stream.linear.gather [hbm4b:s1+s3], $0x80, $0x38;
	[tilespmem:$0x19400] =	vst v63  }
0x14e: {  	s12 =	rddreg [dreg:$0x10]  }
0x14f: {  	[tilespmem:s16], [sflag:$0xC] =	stream.linear.gather [hbm4b:s12+s3], $0x80, $0x38;
	[tilespmem:$0x19400] =	vst v63  }
0x150: {  	s1 =	rddreg [dreg:$0x11]  }
0x151: {  	[tilespmem:s17], [sflag:$0xC] =	stream.linear.gather [hbm4b:s1+s3], $0x80, $0x38;
	[tilespmem:$0x19400] =	vst v63  }
0x152: {  	s12 =	rddreg [dreg:$0x12]  }
0x153: {  	[tilespmem:s20], [sflag:$0xC] =	stream.linear.gather [hbm4b:s12+s3], $0x80, $0x38;
	[tilespmem:$0x19400] =	vst v63  }
0x154: {  	_ =	swait.ge [sflag:s18], $0x80  }
0x155: {  	[sflag:s18] =	ssyncset.done $0x0  }
0x156: {  	[sflag:s18] =	ssyncadd.s32 $0xFFFFFF80  }
0x157: {  	_ =	swait.ge [sflag:s18], $0x80  }
0x158: {  	[sflag:s18] =	ssyncset.done $0x0  }
0x159: {  	[sflag:s18] =	ssyncadd.s32 $0xFFFFFF80  }
0x15a: {  	_ =	swait.ge [sflag:s18], $0x80  }
0x15b: {  	[sflag:s18] =	ssyncset.done $0x0  }
0x15c: {  	[sflag:s18] =	ssyncadd.s32 $0xFFFFFF80  }
0x15d: {  	_ =	swait.ge [sflag:s18], $0x80  }
0x15e: {  	[sflag:s18] =	ssyncset.done $0x0  }
0x15f: {  	[sflag:s18] =	ssyncadd.s32 $0xFFFFFF80  }
0x160: {  	_ =	swait.ge [sflag:s18], $0x80  }
0x161: {  	[sflag:s18] =	ssyncset.done $0x0  }
0x162: {  	[sflag:s18] =	ssyncadd.s32 $0xFFFFFF80  }
0x163: {  	_ =	swait.ge [sflag:s18], $0x80  }
0x164: {  	[sflag:s18] =	ssyncset.done $0x0  }
0x165: {  	[sflag:s18] =	ssyncadd.s32 $0xFFFFFF80  }
0x166: {  	_ =	swait.ge [sflag:s18], $0x80  }
0x167: {  	[sflag:s18] =	ssyncset.done $0x0  }
0x168: {  	[sflag:s18] =	ssyncadd.s32 $0xFFFFFF80  }
0x169: {  	_ =	swait.ge [sflag:s18], $0x80  }
0x16a: {  	[sflag:s18] =	ssyncset.done $0x0  }
0x16b: {  	[sflag:s18] =	ssyncadd.s32 $0xFFFFFF80  }
0x16c: {  	v3 =	vld [tilespmem:$0x0]  }
0x16d: {  	v4 =	vld [tilespmem:$0x10]  }
0x16e: {  	v5 =	vld [tilespmem:$0x20]  }
0x16f: {  	v6 =	vld [tilespmem:$0x30]  }
0x170: {  	v7 =	vld [tilespmem:$0x40]  }
0x171: {  	v8 =	vld [tilespmem:$0x50];
	v3 =	vadd.s32 v0, v3  }
0x172: {  	v58 =	vld [tilespmem:$0x60];
	[tilespmem:$0x0] =	vst v3;
	v3 =	vadd.s32 v0, v4  }
0x173: {  	v59 =	vld [tilespmem:$0x70];
	[tilespmem:$0x10] =	vst v3;
	v3 =	vadd.s32 v0, v5  }
0x174: {  	v60 =	vld [tilespmem:$0x80];
	[tilespmem:$0x20] =	vst v3;
	v3 =	vadd.s32 v0, v6  }
0x175: {  	v61 =	vld [tilespmem:$0x90];
	[tilespmem:$0x30] =	vst v3;
	v3 =	vadd.s32 v0, v7  }
0x176: {  	v62 =	vld [tilespmem:$0xA0];
	[tilespmem:$0x40] =	vst v3;
	v3 =	vadd.s32 v0, v8  }
0x177: {  	v63 =	vld [tilespmem:$0xB0];
	[tilespmem:$0x50] =	vst v3;
	v3 =	vadd.s32 v0, v58  }
0x178: {  	v12 =	vld [tilespmem:$0xC0];
	[tilespmem:$0x60] =	vst v3;
	v3 =	vadd.s32 v0, v59  }
0x179: {  	v13 =	vld [tilespmem:$0xD0];
	[tilespmem:$0x70] =	vst v3;
	v3 =	vadd.s32 v1, v60  }
0x17a: {  	v14 =	vld [tilespmem:$0xE0];
	[tilespmem:$0x80] =	vst v3;
	v3 =	vadd.s32 v1, v61  }
0x17b: {  	v15 =	vld [tilespmem:$0xF0];
	[tilespmem:$0x90] =	vst v3;
	v3 =	vadd.s32 v1, v62  }
0x17c: {  	v16 =	vld [tilespmem:$0x100];
	[tilespmem:$0xA0] =	vst v3;
	v3 =	vadd.s32 v1, v63  }
0x17d: {  	v17 =	vld [tilespmem:$0x110];
	[tilespmem:$0xB0] =	vst v3;
	v3 =	vadd.s32 v1, v12  }
0x17e: {  	v18 =	vld [tilespmem:$0x120];
	[tilespmem:$0xC0] =	vst v3;
	v3 =	vadd.s32 v1, v13  }
0x17f: {  	v19 =	vld [tilespmem:$0x130];
	[tilespmem:$0xD0] =	vst v3;
	v3 =	vadd.s32 v1, v14  }
0x180: {  	v20 =	vld [tilespmem:$0x140];
	[tilespmem:$0xE0] =	vst v3;
	v3 =	vadd.s32 v1, v15  }
0x181: {  	v21 =	vld [tilespmem:$0x150];
	[tilespmem:$0xF0] =	vst v3;
	v3 =	vadd.s32 v1, v16  }
0x182: {  	v22 =	vld [tilespmem:$0x160];
	[tilespmem:$0x100] =	vst v3;
	v3 =	vadd.s32 v1, v17  }
0x183: {  	v23 =	vld [tilespmem:$0x170];
	[tilespmem:$0x110] =	vst v3;
	v3 =	vadd.s32 v1, v18  }
0x184: {  	v24 =	vld [tilespmem:$0x180];
	[tilespmem:$0x120] =	vst v3;
	v3 =	vadd.s32 v1, v19  }
0x185: {  	v25 =	vld [tilespmem:$0x190];
	[tilespmem:$0x130] =	vst v3;
	v3 =	vadd.s32 v1, v20  }
0x186: {  	v26 =	vld [tilespmem:$0x1A0];
	[tilespmem:$0x140] =	vst v3;
	v3 =	vadd.s32 v1, v21  }
0x187: {  	v27 =	vld [tilespmem:$0x1B0];
	[tilespmem:$0x150] =	vst v3;
	v3 =	vadd.s32 v1, v22  }
0x188: {  	v28 =	vld [tilespmem:$0x1C0];
	[tilespmem:$0x160] =	vst v3;
	v3 =	vadd.s32 v1, v23  }
0x189: {  	v29 =	vld [tilespmem:$0x1D0];
	[tilespmem:$0x170] =	vst v3;
	v3 =	vadd.s32 v1, v24  }
0x18a: {  	v30 =	vld [tilespmem:$0x1E0];
	[tilespmem:$0x180] =	vst v3;
	v3 =	vadd.s32 v1, v25  }
0x18b: {  	v31 =	vld [tilespmem:$0x1F0];
	[tilespmem:$0x190] =	vst v3;
	v3 =	vadd.s32 v1, v26  }
0x18c: {  	v32 =	vld [tilespmem:$0x200];
	[tilespmem:$0x1A0] =	vst v3;
	v3 =	vadd.s32 v1, v27  }
0x18d: {  	v33 =	vld [tilespmem:$0x210];
	[tilespmem:$0x1B0] =	vst v3;
	v3 =	vadd.s32 v1, v28  }
0x18e: {  	v34 =	vld [tilespmem:$0x220];
	[tilespmem:$0x1C0] =	vst v3;
	v3 =	vadd.s32 v1, v29  }
0x18f: {  	v35 =	vld [tilespmem:$0x230];
	[tilespmem:$0x1D0] =	vst v3;
	v3 =	vadd.s32 v1, v30  }
0x190: {  	v36 =	vld [tilespmem:$0x240];
	[tilespmem:$0x1E0] =	vst v3;
	v3 =	vadd.s32 v1, v31  }
0x191: {  	v37 =	vld [tilespmem:$0x250];
	[tilespmem:$0x1F0] =	vst v3;
	v3 =	vadd.s32 v1, v32  }
0x192: {  	v38 =	vld [tilespmem:$0x260];
	[tilespmem:$0x200] =	vst v3;
	v3 =	vadd.s32 v1, v33  }
0x193: {  	v39 =	vld [tilespmem:$0x270];
	[tilespmem:$0x210] =	vst v3;
	v3 =	vadd.s32 v1, v34  }
0x194: {  	v40 =	vld [tilespmem:$0x280];
	[tilespmem:$0x220] =	vst v3;
	v3 =	vadd.s32 v1, v35  }
0x195: {  	v41 =	vld [tilespmem:$0x290];
	[tilespmem:$0x230] =	vst v3;
	v3 =	vadd.s32 v1, v36  }
0x196: {  	v42 =	vld [tilespmem:$0x2A0];
	[tilespmem:$0x240] =	vst v3;
	v3 =	vadd.s32 v1, v37  }
0x197: {  	v43 =	vld [tilespmem:$0x2B0];
	[tilespmem:$0x250] =	vst v3;
	v3 =	vadd.s32 v1, v38  }
0x198: {  	v44 =	vld [tilespmem:$0x2C0];
	[tilespmem:$0x260] =	vst v3;
	v3 =	vadd.s32 v1, v39  }
0x199: {  	v45 =	vld [tilespmem:$0x2D0];
	[tilespmem:$0x270] =	vst v3;
	v3 =	vadd.s32 v1, v40  }
0x19a: {  	v46 =	vld [tilespmem:$0x2E0];
	[tilespmem:$0x280] =	vst v3;
	v3 =	vadd.s32 v1, v41  }
0x19b: {  	v47 =	vld [tilespmem:$0x2F0];
	[tilespmem:$0x290] =	vst v3;
	v3 =	vadd.s32 v1, v42  }
0x19c: {  	v48 =	vld [tilespmem:$0x300];
	[tilespmem:$0x2A0] =	vst v3;
	v3 =	vadd.s32 v1, v43  }
0x19d: {  	v49 =	vld [tilespmem:$0x310];
	[tilespmem:$0x2B0] =	vst v3;
	v3 =	vadd.s32 v1, v44  }
0x19e: {  	v50 =	vld [tilespmem:$0x320];
	[tilespmem:$0x2C0] =	vst v3;
	v3 =	vadd.s32 v1, v45  }
0x19f: {  	v51 =	vld [tilespmem:$0x330];
	[tilespmem:$0x2D0] =	vst v3;
	v3 =	vadd.s32 v1, v46  }
0x1a0: {  	v52 =	vld [tilespmem:$0x340];
	[tilespmem:$0x2E0] =	vst v3;
	v3 =	vadd.s32 v1, v47  }
0x1a1: {  	v53 =	vld [tilespmem:$0x350];
	[tilespmem:$0x2F0] =	vst v3;
	v3 =	vadd.s32 v1, v48  }
0x1a2: {  	v54 =	vld [tilespmem:$0x360];
	[tilespmem:$0x300] =	vst v3;
	v3 =	vadd.s32 v1, v49  }
0x1a3: {  	v55 =	vld [tilespmem:$0x370];
	[tilespmem:$0x310] =	vst v3;
	v3 =	vadd.s32 v1, v50  }
0x1a4: {  	v56 =	vld [tilespmem:$0x380];
	[tilespmem:$0x320] =	vst v3;
	v3 =	vadd.s32 v1, v51  }
0x1a5: {  	v57 =	vld [tilespmem:$0x390];
	[tilespmem:$0x330] =	vst v3;
	v3 =	vadd.s32 v1, v52  }
0x1a6: {  	v58 =	vld [tilespmem:$0x3A0];
	[tilespmem:$0x340] =	vst v3;
	v3 =	vadd.s32 v1, v53  }
0x1a7: {  	v59 =	vld [tilespmem:$0x3B0];
	[tilespmem:$0x350] =	vst v3;
	v3 =	vadd.s32 v1, v54  }
0x1a8: {  	v60 =	vld [tilespmem:$0x3C0];
	[tilespmem:$0x360] =	vst v3;
	v3 =	vadd.s32 v1, v55  }
0x1a9: {  	v61 =	vld [tilespmem:$0x3D0];
	[tilespmem:$0x370] =	vst v3;
	v3 =	vadd.s32 v1, v56  }
0x1aa: {  	v62 =	vld [tilespmem:$0x3E0];
	[tilespmem:$0x380] =	vst v3;
	v3 =	vadd.s32 v1, v57  }
0x1ab: {  	v63 =	vld [tilespmem:$0x3F0];
	[tilespmem:$0x390] =	vst v3;
	v3 =	vadd.s32 v1, v58  }
0x1ac: {  	[tilespmem:$0x3A0] =	vst v3;
	v3 =	vadd.s32 v1, v59  }
0x1ad: {  	[tilespmem:$0x3B0] =	vst v3;
	v3 =	vadd.s32 v1, v60  }
0x1ae: {  	[tilespmem:$0x3C0] =	vst v3;
	v3 =	vadd.s32 v1, v61  }
0x1af: {  	[tilespmem:$0x3D0] =	vst v3;
	v3 =	vadd.s32 v1, v62  }
0x1b0: {  	[tilespmem:$0x3E0] =	vst v3;
	v3 =	vadd.s32 v1, v63  }
0x1b1: {  	[tilespmem:$0x3F0] =	vst v3  }
0x1b2: {  	_ =	swait.ge [sflag:s19], $0x1000  }
0x1b3: {  	[sflag:s19] =	ssyncset.done $0x0  }
0x1b4: {  	[sflag:s19] =	ssyncadd.s32 $0xFFFFF000  }
0x1b5: {  	_ =	swait.ge [sflag:s19], $0x1000  }
0x1b6: {  	[sflag:s19] =	ssyncset.done $0x0  }
0x1b7: {  	[sflag:s19] =	ssyncadd.s32 $0xFFFFF000  }
0x1b8: {  	_ =	swait.ge [sflag:s19], $0x1000  }
0x1b9: {  	[sflag:s19] =	ssyncset.done $0x0  }
0x1ba: {  	[sflag:s19] =	ssyncadd.s32 $0xFFFFF000  }
0x1bb: {  	_ =	swait.ge [sflag:s19], $0x1000  }
0x1bc: {  	[sflag:s19] =	ssyncset.done $0x0  }
0x1bd: {  	[sflag:s19] =	ssyncadd.s32 $0xFFFFF000  }
0x1be: {  	[bflag:$0x0] =	sbarrier.arrive $0xFFFF  }
0x1bf: {  	s12 =	simm.s32 $0xC400;
	s1 =	rddreg [dreg:$0x13]  }
0x1c0: {  	[tilespmem:s12], [sflag:$0x4] =	stream.linear.gather [hbm4b:s1+s3], $0x4000, $0x38;
	[tilespmem:$0x19400] =	vst v63  }
0x1c1: {  	_ =	swait.ge [sflag:s5], $0x4000  }
0x1c2: {  	[sflag:s5] =	ssyncset.done $0x0  }
0x1c3: {  	[sflag:s5] =	ssyncadd.s32 $0xFFFFC000  }
0x1c4: {  	[spmem:s2] =	stream.indirect.scatter.add.f32 [tilespmem:s8], [sflag:$0x6], $0x80, s3, s11, $0xb8;
	[tilespmem:$0x19400] =	vst v63  }
0x1c5: {  	s1 =	rddreg [dreg:$0x14]  }
0x1c6: {  	[tilespmem:s21], [sflag:$0x5] =	stream.linear.gather [hbm4b:s1+s3], $0x4000, $0x38;
	[tilespmem:$0x19400] =	vst v63  }
0x1c7: {  	_ =	swait.ge [sflag:s22], $0x4000  }
0x1c8: {  	[sflag:s22] =	ssyncset.done $0x0  }
0x1c9: {  	[sflag:s22] =	ssyncadd.s32 $0xFFFFC000  }
0x1ca: {  	[spmem:s2] =	stream.indirect.scatter.add.f32 [tilespmem:s9], [sflag:$0x7], $0x80, s11, s11, $0xb8;
	[tilespmem:$0x19400] =	vst v63  }
0x1cb: {  	_ =	swait.ge [sflag:s23], $0x4000  }
0x1cc: {  	[sflag:s23] =	ssyncset.done $0x0  }
0x1cd: {  	s1 =	rddreg [dreg:$0x15];
	[sflag:s23] =	ssyncadd.s32 $0xFFFFC000  }
0x1ce: {  	[tilespmem:s8], [sflag:$0x1] =	stream.linear.gather [hbm4b:s1+s3], $0x4000, $0x38;
	[tilespmem:$0x19400] =	vst v63  }
0x1cf: {  	_ =	swait.ge [sflag:s24], $0x4000  }
0x1d0: {  	[sflag:s24] =	ssyncset.done $0x0  }
0x1d1: {  	[sflag:s24] =	ssyncadd.s32 $0xFFFFC000  }
0x1d2: {  	[spmem:s2] =	stream.indirect.scatter.add.f32 [tilespmem:s10], [sflag:$0x8], $0x80, s13, s11, $0xb8;
	[tilespmem:$0x19400] =	vst v63  }
0x1d3: {  	_ =	swait.ge [sflag:s25], $0x4000  }
0x1d4: {  	[sflag:s25] =	ssyncset.done $0x0  }
0x1d5: {  	s13 =	rddreg [dreg:$0x16];
	[sflag:s25] =	ssyncadd.s32 $0xFFFFC000  }
0x1d6: {  	[tilespmem:s9], [sflag:$0x2] =	stream.linear.gather [hbm4b:s13+s3], $0x4000, $0x38;
	[tilespmem:$0x19400] =	vst v63  }
0x1d7: {  	_ =	swait.ge [sflag:s26], $0x4000  }
0x1d8: {  	[sflag:s26] =	ssyncset.done $0x0  }
0x1d9: {  	[sflag:s26] =	ssyncadd.s32 $0xFFFFC000  }
0x1da: {  	[spmem:s2] =	stream.indirect.scatter.add.f32 [tilespmem:s12], [sflag:$0x9], $0x80, s14, s11, $0xb8;
	[tilespmem:$0x19400] =	vst v63  }
0x1db: {  	_ =	swait.ge [sflag:s28], $0x4000  }
0x1dc: {  	[sflag:s28] =	ssyncset.done $0x0  }
0x1dd: {  	s12 =	rddreg [dreg:$0x17];
	[sflag:s28] =	ssyncadd.s32 $0xFFFFC000  }
0x1de: {  	[tilespmem:s10], [sflag:$0x3] =	stream.linear.gather [hbm4b:s12+s3], $0x4000, $0x38;
	[tilespmem:$0x19400] =	vst v63  }
0x1df: {  	_ =	swait.ge [sflag:s29], $0x4000  }
0x1e0: {  	[sflag:s29] =	ssyncset.done $0x0  }
0x1e1: {  	[sflag:s29] =	ssyncadd.s32 $0xFFFFC000  }
0x1e2: {  	[spmem:s2] =	stream.indirect.scatter.add.f32 [tilespmem:s21], [sflag:$0xA], $0x80, s15, s11, $0xb8;
	[tilespmem:$0x19400] =	vst v63  }
0x1e3: {  	_ =	swait.ge [sflag:s5], $0x4000  }
0x1e4: {  	[sflag:s5] =	ssyncset.done $0x0  }
0x1e5: {  	[sflag:s5] =	ssyncadd.s32 $0xFFFFC000  }
0x1e6: {  	[spmem:s2] =	stream.indirect.scatter.add.f32 [tilespmem:s8], [sflag:$0x6], $0x80, s16, s11, $0xb8;
	[tilespmem:$0x19400] =	vst v63  }
0x1e7: {  	_ =	swait.ge [sflag:s22], $0x4000  }
0x1e8: {  	[sflag:s22] =	ssyncset.done $0x0  }
0x1e9: {  	[sflag:s22] =	ssyncadd.s32 $0xFFFFC000  }
0x1ea: {  	[spmem:s2] =	stream.indirect.scatter.add.f32 [tilespmem:s9], [sflag:$0x7], $0x80, s17, s11, $0xb8;
	[tilespmem:$0x19400] =	vst v63  }
0x1eb: {  	_ =	swait.ge [sflag:s24], $0x4000  }
0x1ec: {  	[sflag:s24] =	ssyncset.done $0x0  }
0x1ed: {  	[sflag:s24] =	ssyncadd.s32 $0xFFFFC000  }
0x1ee: {  	[spmem:s2] =	stream.indirect.scatter.add.f32 [tilespmem:s10], [sflag:$0x8], $0x80, s20, s11, $0xb8;
	[tilespmem:$0x19400] =	vst v63  }
0x1ef: {  	_ =	swait.ge [sflag:s23], $0x4000  }
0x1f0: {  	[sflag:s23] =	ssyncset.done $0x0  }
0x1f1: {  	[sflag:s23] =	ssyncadd.s32 $0xFFFFC000  }
0x1f2: {  	_ =	swait.ge [sflag:s25], $0x4000  }
0x1f3: {  	[sflag:s25] =	ssyncset.done $0x0  }
0x1f4: {  	[sflag:s25] =	ssyncadd.s32 $0xFFFFC000  }
0x1f5: {  	_ =	swait.ge [sflag:s28], $0x4000  }
0x1f6: {  	[sflag:s28] =	ssyncset.done $0x0  }
0x1f7: {  	[sflag:s28] =	ssyncadd.s32 $0xFFFFC000  }
0x1f8: {  	_ =	swait.ge [sflag:s30], $0x4000  }
0x1f9: {  	[sflag:s30] =	ssyncset.done $0x0  }
0x1fa: {  	[sflag:s30] =	ssyncadd.s32 $0xFFFFC000  }
0x1fb: {  	_ =	swait.ge [sflag:s31], $0x4000  }
0x1fc: {  	[sflag:s31] =	ssyncset.done $0x0  }
0x1fd: {  	p0 =	sne.s32 s6, $0x1;
	s13 =	stileid.u32;
	[sflag:s31] =	ssyncadd.s32 $0xFFFFC000  }
0x1fe: {  	s12 =	sshll.u32 s13, $0x6;
	s13 =	sshrl.u32 s4, $0x3;
	[bflag:$0x0] =	sbarrier.arrive $0xFFFF  }
.Ltmp0:
0x1ff: {  	s12 =	sor.u32 $0x1C0D, s12;
	s1 =	rddreg [dreg:$0x18];
	(pc) =	sbr.rel @p0 .LBB2_1-.Ltmp0, $4  }
0x200: {  	[hbm:s1], [sflag:s12] =	dma.local [spmem:s13], $0x800  }
0x201: {  	_ =	swait.ge [sflag:s0], $0x800  }
0x202: {  	[sflag:s0] =	ssyncset.done $0x0  }
0x203: {  	s6 =	sadd.s32 $0xFFFFFFFF, s6;
	[sflag:s0] =	ssyncadd.s32 $0xFFFFF800  }
0x204: {  	_ =	sfence.sel $0x180000  }
0x205: {  	[bflag:$0x0] =	sbarrier.arrive $0xFFFF  }
0x206: {  	_ =	strace $0x90000047  }
0x207: {  	s0 =	stileid.u32;
	[bflag:$0x2] =	sbarrier.arrive $0xFFFF  }
0x208: {  	p0 =	sne.s32 s0, $0x0;
	s0 =	rddreg [dreg:$0x4]  }
0x209: {  	s0 =	sadd.s32 @!p0 $0x100000, s0  }
0x20a: {  	[sflag:s0] =	ssyncadd.tile.s32 @!p0 $0x1;
	_ =	shalt  }
.Lfunc_end2:
_tile_overlayer_lowered:
.L_overlay_start_2:
0x20b: {  	(tag) =	ssettag $0x2  }
0x20c: {  	s0 =	rddreg [dreg:$0x0];
	s2 =	stileid.u32  }
0x20d: {  	s1 =	rddreg [dreg:$0x1];
	p0 =	sne.s32 s2, $0x0  }
0x20e: {  	s3 =	rddreg [dreg:$0x2];
	[bflag:$0x3] =	sbarrier.arrive $0xFFFF;
	s2 =	simm.s32 @!p0 $0x1C0D  }
0x20f: {  	[timem:s3], [sflag:s2] =	dma.local @!p0 [hbm:s0], s1  }
0x210: {  	s0 =	simm.s32 @!p0 $0xD  }
0x211: {  	_ =	swait.ge @!p0 [sflag:s0], s1  }
0x212: {  	s1 =	ssub.s32 @!p0 $0x0, s1;
	[sflag:s0] =	ssyncset.done @!p0 $0x0  }
0x213: {  	[sflag:s0] =	ssyncadd.s32 @!p0 s1  }
0x214: {  	[bflag:$0x3] =	sbarrier.arrive $0xFFFF  }
0x215: {  	_ =	shalt  }

</sc_bundles>
